<compile_context>
chip_gen: v7x
topology: tpu7x:2x2x1
jax: 0.10.2.dev20260603
libtpu: 0.0.44.dev20260713+nightly
codegen_flags: <defaults>
</compile_context>

<pallas_src>
import functools

import jax
import jax.numpy as jnp
from jax import lax
from jax.experimental import pallas as pl
from jax.experimental.pallas import tpu as pltpu
from jax.experimental.pallas import tpu_sc as plsc

D = 64
SCALE = 8.0
NC, NS = 2, 16
NW = NC * NS
CHUNK = 128
NBUF = 2
LANES = 16
DT = D // 8


PAD = D + 1


def _emb_kernel(n_chunks, n_cols, x_hbm, lut_hbm, out_hbm, idx_v, gbufs,
                tbufs, pbuf, gsems, ssems):
    wid = lax.axis_index("s") * NC + lax.axis_index("c")
    c0 = wid * n_chunks

    pltpu.sync_copy(x_hbm.at[wid], idx_v)

    lane65 = lax.iota(jnp.int32, LANES) * PAD

    def gather_start(j, b):
        pltpu.make_async_copy(lut_hbm.at[idx_v.at[j]], gbufs[b],
                              gsems[b]).start()

    def gather_wait(b):
        pltpu.make_async_copy(lut_hbm.at[idx_v.at[0]], gbufs[b],
                              gsems[b]).wait()

    def out_start(j, b):
        c = c0 + j
        b1 = c // n_cols
        b0t = c % n_cols
        pltpu.make_async_copy(tbufs[b], out_hbm.at[b1, :, b0t],
                              ssems[b]).start()

    def out_wait(b):
        pltpu.make_async_copy(tbufs[b], out_hbm.at[0, :, 0],
                              ssems[b]).wait()

    def transpose_scale(b):
        src, dst = gbufs[b], tbufs[b]

        @plsc.parallel_loop(0, CHUNK, unroll=8)
        def _(j):
            for k in range(D // LANES):
                pbuf[pl.ds(j * PAD + k * LANES, LANES)] = (
                    src[j, pl.ds(k * LANES, LANES)] * SCALE)

        @plsc.parallel_loop(0, CHUNK // LANES)
        def _(q):
            rows = lane65 + q * (LANES * PAD)
            rp = [rows + r for r in range(8)]
            for d in range(D):
                base = (d // 8) * 8
                v = plsc.load_gather(
                    pbuf.at[pl.ds(base, CHUNK * PAD - (DT - 1) * 8)],
                    [rp[d % 8]])
                dst[d // 8, d % 8, pl.ds(q * LANES, LANES)] = v

    for b in range(NBUF):
        gather_start(b, b)

    def step(g, carry):
        for b in range(NBUF):
            j = g * NBUF + b
            gather_wait(b)

            @pl.when(g > 0)
            def _():
                out_wait(b)

            transpose_scale(b)
            out_start(j, b)

            @pl.when(j + NBUF < n_chunks)
            def _():
                gather_start(j + NBUF, b)

        return carry

    lax.fori_loop(0, n_chunks // NBUF, step, 0)

    for b in range(NBUF):
        out_wait(b)


def kernel(x, lut):
    b0, b1 = x.shape
    n_cols = b0 // CHUNK
    n_total = b1 * n_cols
    n_chunks = n_total // NW
    x_t = jnp.swapaxes(x, 0, 1).astype(jnp.int32).reshape(NW, n_chunks, CHUNK)

    mesh = plsc.VectorSubcoreMesh(core_axis_name="c", subcore_axis_name="s",
                                  num_cores=NC, num_subcores=NS)
    run = functools.partial(
        pl.kernel,
        out_type=jax.ShapeDtypeStruct((b1, DT, n_cols, 8, CHUNK),
                                      jnp.float32),
        mesh=mesh,
        compiler_params=pltpu.CompilerParams(use_tc_tiling_on_sc=False,
                                             needs_layout_passes=False,
                                             disable_bounds_checks=True),
        scratch_types=[
            pltpu.VMEM((n_chunks, CHUNK), jnp.int32),
            [pltpu.VMEM((CHUNK, D), jnp.float32) for _ in range(NBUF)],
            [pltpu.VMEM((DT, 8, CHUNK), jnp.float32) for _ in range(NBUF)],
            pltpu.VMEM((CHUNK * PAD,), jnp.float32),
            [pltpu.SemaphoreType.DMA for _ in range(NBUF)],
            [pltpu.SemaphoreType.DMA for _ in range(NBUF)],
        ],
    )(functools.partial(_emb_kernel, n_chunks, n_cols))
    buf = run(x_t, lut)
    return buf.transpose(2, 4, 0, 1, 3).reshape(b0, b1, D)

# --- scband reference (transcript-rebuilt; emitter-appended) ---
"""Pipeline reference for scband-embeddings-21595095564884 (READ-ONLY COPY).

The authoritative reference and input builder live on the scoring server;
editing this copy changes nothing except your own understanding.
"""

import math
import jax, jax.numpy as jnp
import numpy as np

VOCAB = 1000000
D_MODEL = 64

def setup_inputs(seed: int = 0) -> dict:
    key = jax.random.key(seed)
    k1, k2 = jax.random.split(key)
    x = jax.random.randint(k1, (4096, 200), 0, VOCAB, dtype=jnp.int64 if jax.config.jax_enable_x64 else jnp.int32)
    lut = jax.random.normal(k2, (VOCAB, D_MODEL), dtype=jnp.float32)
    return {"x": x, "lut": lut}

def reference(x, lut):
    # Faithful translation of Embeddings.forward: self.lut(x) * sqrt(d_model)
    emb = jnp.take(lut, x, axis=0)
    return emb * math.sqrt(D_MODEL)

if __name__ == "__main__":
    import jax
    _d = setup_inputs()
    print(jax.jit(kernel)(*tuple(_d.values())))

</pallas_src>

<mosaic_0001>
#map = affine_map<(d0, d1) -> (0, 0, 0)>
#map1 = affine_map<(d0, d1) -> (0, 0)>
#map2 = affine_map<(d0, d1) -> (0, 0, 0, 0, 0)>
module attributes {stable_mosaic.version = 14 : i64} {
  func.func @_emb_kernel(%arg0: i32, %arg1: i32, %arg2: memref<32x200x128xi32, #tpu.memory_space<hbm>>, %arg3: memref<1000000x64xf32, #tpu.memory_space<hbm>>, %arg4: memref<200x8x32x8x128xf32, #tpu.memory_space<hbm>>, %arg5: memref<200x128xi32, #tpu.memory_space<vmem>>, %arg6: memref<128x64xf32, #tpu.memory_space<vmem>>, %arg7: memref<128x64xf32, #tpu.memory_space<vmem>>, %arg8: memref<8x8x128xf32, #tpu.memory_space<vmem>>, %arg9: memref<8x8x128xf32, #tpu.memory_space<vmem>>, %arg10: memref<8320xf32, #tpu.memory_space<vmem>>, %arg11: memref<!tpu.dma_semaphore, #tpu.memory_space<semaphore_mem>>, %arg12: memref<!tpu.dma_semaphore, #tpu.memory_space<semaphore_mem>>, %arg13: memref<!tpu.dma_semaphore, #tpu.memory_space<semaphore_mem>>, %arg14: memref<!tpu.dma_semaphore, #tpu.memory_space<semaphore_mem>>) attributes {dimension_semantics = [#tpu.dimension_semantics<core_parallel>, #tpu.dimension_semantics<subcore_parallel>], iteration_bounds = array<i64: 2, 16>, scalar_prefetch = 0 : i64, scratch_operands = 10 : i64, tpu.core_type = #tpu.core_type<sc_vector_subcore>, window_params = [{transform_indices = #map}, {transform_indices = #map1}, {transform_indices = #map2}]} {
    %mul3A = arith.constant 2 : i32
    %mul3A_0 = arith.muli %arg1, %mul3A : i32
    %add3A = arith.addi %mul3A_0, %arg0 : i32
    %mul3A_1 = arith.constant 200 : i32
    %mul3A_2 = arith.muli %add3A, %mul3A_1 : i32
    "tpu.region"() ({
      %run_scoped3A = tpu.sem_alloc : memref<!tpu.dma_semaphore, #tpu.memory_space<semaphore_mem>>
      %dma_start3A_47 = arith.constant 0 : i32
      %dma_start3A_48 = arith.constant 0 : i32
      %dma_start3A_49 = tpu.memref_slice %arg2[%add3A, %dma_start3A_47, %dma_start3A_48] : memref<32x200x128xi32, #tpu.memory_space<hbm>> -> memref<1x200x128xi32, #tpu.memory_space<hbm>>
      %dma_start3A_50 = tpu.memref_squeeze %dma_start3A_49 : memref<1x200x128xi32, #tpu.memory_space<hbm>> -> memref<200x128xi32, #tpu.memory_space<hbm>>
      %dma_start3A_51 = arith.constant 0 : i32
      %dma_start3A_52 = arith.constant 0 : i32
      %dma_start3A_53 = tpu.memref_slice %arg2[%add3A, %dma_start3A_51, %dma_start3A_52] : memref<32x200x128xi32, #tpu.memory_space<hbm>> -> memref<1x200x128xi32, #tpu.memory_space<hbm>>
      %dma_start3A_54 = tpu.memref_squeeze %dma_start3A_53 : memref<1x200x128xi32, #tpu.memory_space<hbm>> -> memref<200x128xi32, #tpu.memory_space<hbm>>
      tpu.enqueue_dma source(%dma_start3A_54 : memref<200x128xi32, #tpu.memory_space<hbm>>) target(%arg5 : memref<200x128xi32, #tpu.memory_space<vmem>>) target_semaphore(%run_scoped3A : memref<!tpu.dma_semaphore, #tpu.memory_space<semaphore_mem>>)
      %dma_wait3A_55 = arith.constant 0 : i32
      %dma_wait3A_56 = arith.constant 0 : i32
      %dma_wait3A_57 = tpu.memref_slice %arg2[%add3A, %dma_wait3A_55, %dma_wait3A_56] : memref<32x200x128xi32, #tpu.memory_space<hbm>> -> memref<1x200x128xi32, #tpu.memory_space<hbm>>
      %dma_wait3A_58 = tpu.memref_squeeze %dma_wait3A_57 : memref<1x200x128xi32, #tpu.memory_space<hbm>> -> memref<200x128xi32, #tpu.memory_space<hbm>>
      %dma_wait3A_59 = arith.constant 0 : i32
      %dma_wait3A_60 = arith.constant 0 : i32
      %dma_wait3A_61 = tpu.memref_slice %arg2[%add3A, %dma_wait3A_59, %dma_wait3A_60] : memref<32x200x128xi32, #tpu.memory_space<hbm>> -> memref<1x200x128xi32, #tpu.memory_space<hbm>>
      %dma_wait3A_62 = tpu.memref_squeeze %dma_wait3A_61 : memref<1x200x128xi32, #tpu.memory_space<hbm>> -> memref<200x128xi32, #tpu.memory_space<hbm>>
      tpu.wait_dma2 semaphore(%run_scoped3A : memref<!tpu.dma_semaphore, #tpu.memory_space<semaphore_mem>>) src(%dma_wait3A_62 : memref<200x128xi32, #tpu.memory_space<hbm>>) dst(%arg5 : memref<200x128xi32, #tpu.memory_space<vmem>>)
      tpu.yield
    }) : () -> ()
    %iota3A = tpu.iota {dimensions = array<i32: 0>} : vector<16xi32>
    %mul3A_3 = arith.constant 65 : i32
    %mul3A_4 = vector.broadcast %mul3A_3 : i32 to vector<16xi32>
    %mul3A_5 = arith.muli %iota3A, %mul3A_4 : vector<16xi32>
    %dma_start3A = arith.constant 0 : i32
    %dma_start3A_6 = arith.constant 0 : i32
    %dma_start3A_7 = tpu.memref_slice %arg5[%dma_start3A, %dma_start3A_6] : memref<200x128xi32, #tpu.memory_space<vmem>> -> memref<1x128xi32, #tpu.memory_space<vmem>>
    %dma_start3A_8 = tpu.memref_squeeze %dma_start3A_7 : memref<1x128xi32, #tpu.memory_space<vmem>> -> memref<128xi32, #tpu.memory_space<vmem>>
    %dma_start3A_9 = arith.constant 0 : i32
    %dma_start3A_10 = arith.constant 0 : i32
    %dma_start3A_11 = tpu.memref_slice %arg3[%dma_start3A_9, %dma_start3A_10] : memref<1000000x64xf32, #tpu.memory_space<hbm>> -> memref<1000000x64xf32, #tpu.memory_space<hbm>>
    tpu.enqueue_indirect_dma source(%dma_start3A_11 : memref<1000000x64xf32, #tpu.memory_space<hbm>>) target(%arg6 : memref<128x64xf32, #tpu.memory_space<vmem>>) offsets(%dma_start3A_8 : memref<128xi32, #tpu.memory_space<vmem>>) semaphore(%arg11 : memref<!tpu.dma_semaphore, #tpu.memory_space<semaphore_mem>>)
    %dma_start3A_12 = arith.constant 1 : i32
    %dma_start3A_13 = arith.constant 0 : i32
    %dma_start3A_14 = tpu.memref_slice %arg5[%dma_start3A_12, %dma_start3A_13] : memref<200x128xi32, #tpu.memory_space<vmem>> -> memref<1x128xi32, #tpu.memory_space<vmem>>
    %dma_start3A_15 = tpu.memref_squeeze %dma_start3A_14 : memref<1x128xi32, #tpu.memory_space<vmem>> -> memref<128xi32, #tpu.memory_space<vmem>>
    %dma_start3A_16 = arith.constant 0 : i32
    %dma_start3A_17 = arith.constant 0 : i32
    %dma_start3A_18 = tpu.memref_slice %arg3[%dma_start3A_16, %dma_start3A_17] : memref<1000000x64xf32, #tpu.memory_space<hbm>> -> memref<1000000x64xf32, #tpu.memory_space<hbm>>
    tpu.enqueue_indirect_dma source(%dma_start3A_18 : memref<1000000x64xf32, #tpu.memory_space<hbm>>) target(%arg7 : memref<128x64xf32, #tpu.memory_space<vmem>>) offsets(%dma_start3A_15 : memref<128xi32, #tpu.memory_space<vmem>>) semaphore(%arg12 : memref<!tpu.dma_semaphore, #tpu.memory_space<semaphore_mem>>)
    %scan3A = arith.constant 0 : i32
    %scan3A_19 = arith.constant 0 : i32
    %scan3A_20 = arith.constant 100 : i32
    %scan3A_21 = arith.addi %scan3A_19, %scan3A_20 : i32
    %scan3A_22 = arith.constant 1 : i32
    scf.for %scan3A_47 = %scan3A_19 to %scan3A_21 step %scan3A_22  : i32 {
      %mul3A_48 = arith.constant 2 : i32
      %mul3A_49 = arith.muli %scan3A_47, %mul3A_48 : i32
      %add3A_50 = arith.constant 0 : i32
      %add3A_51 = arith.addi %mul3A_49, %add3A_50 : i32
      %dma_wait3A_52 = arith.constant 0 : i32
      %dma_wait3A_53 = arith.constant 0 : i32
      %dma_wait3A_54 = tpu.memref_slice %arg5[%dma_wait3A_52, %dma_wait3A_53] : memref<200x128xi32, #tpu.memory_space<vmem>> -> memref<1x128xi32, #tpu.memory_space<vmem>>
      %dma_wait3A_55 = tpu.memref_squeeze %dma_wait3A_54 : memref<1x128xi32, #tpu.memory_space<vmem>> -> memref<128xi32, #tpu.memory_space<vmem>>
      %dma_wait3A_56 = arith.constant 0 : i32
      %dma_wait3A_57 = arith.constant 0 : i32
      %dma_wait3A_58 = tpu.memref_slice %arg3[%dma_wait3A_56, %dma_wait3A_57] : memref<1000000x64xf32, #tpu.memory_space<hbm>> -> memref<1000000x64xf32, #tpu.memory_space<hbm>>
      tpu.wait_indirect_dma semaphore(%arg11 : memref<!tpu.dma_semaphore, #tpu.memory_space<semaphore_mem>>) src(%dma_wait3A_58 : memref<1000000x64xf32, #tpu.memory_space<hbm>>) dst(%arg6 : memref<128x64xf32, #tpu.memory_space<vmem>>)
      %gt3A = arith.constant 0 : i32
      %gt3A_59 = arith.cmpi sgt, %scan3A_47, %gt3A : i32
      %convert_element_type3A = arith.extui %gt3A_59 : i1 to i32
      %cond3A = arith.constant 0 : i32
      %cond3A_60 = arith.cmpi ne, %convert_element_type3A, %cond3A : i32
      scf.if %cond3A_60 {
        %dma_wait3A_194 = arith.constant 0 : i32
        %dma_wait3A_195 = arith.constant 0 : i32
        %dma_wait3A_196 = arith.constant 0 : i32
        %dma_wait3A_197 = arith.constant 0 : i32
        %dma_wait3A_198 = arith.constant 0 : i32
        %dma_wait3A_199 = tpu.memref_slice %arg4[%dma_wait3A_194, %dma_wait3A_196, %dma_wait3A_195, %dma_wait3A_197, %dma_wait3A_198] : memref<200x8x32x8x128xf32, #tpu.memory_space<hbm>> -> memref<1x8x1x8x128xf32, #tpu.memory_space<hbm>>
        %dma_wait3A_200 = tpu.memref_squeeze %dma_wait3A_199 : memref<1x8x1x8x128xf32, #tpu.memory_space<hbm>> -> memref<8x8x128xf32, #tpu.memory_space<hbm>>
        %dma_wait3A_201 = arith.constant 0 : i32
        %dma_wait3A_202 = arith.constant 0 : i32
        %dma_wait3A_203 = arith.constant 0 : i32
        %dma_wait3A_204 = tpu.memref_slice %arg4[%dma_wait3A_194, %dma_wait3A_201, %dma_wait3A_195, %dma_wait3A_202, %dma_wait3A_203] : memref<200x8x32x8x128xf32, #tpu.memory_space<hbm>> -> memref<1x8x1x8x128xf32, #tpu.memory_space<hbm>>
        %dma_wait3A_205 = tpu.memref_squeeze %dma_wait3A_204 : memref<1x8x1x8x128xf32, #tpu.memory_space<hbm>> -> memref<8x8x128xf32, #tpu.memory_space<hbm>>
        tpu.wait_dma2 semaphore(%arg13 : memref<!tpu.dma_semaphore, #tpu.memory_space<semaphore_mem>>) src(%arg8 : memref<8x8x128xf32, #tpu.memory_space<vmem>>) dst(%dma_wait3A_205 : memref<8x8x128xf32, #tpu.memory_space<hbm>>)
      } else {
      }
      %parallel_loop3A = arith.constant 0 : i32
      %parallel_loop3A_61 = arith.constant 128 : i32
      %parallel_loop3A_62 = arith.constant 1 : i32
      scf.for %parallel_loop3A_194 = %parallel_loop3A to %parallel_loop3A_61 step %parallel_loop3A_62  : i32 {
        %parallel_loop3A_195 = arith.index_cast %parallel_loop3A_194 : i32 to index
        %parallel_loop3A_196 = arith.constant 0 : index
        %parallel_loop3A_197 = tpu.vector_load %arg6[%parallel_loop3A_195, %parallel_loop3A_196] {strides = array<i32>} : memref<128x64xf32, #tpu.memory_space<vmem>>, vector<16xf32>,
        %parallel_loop3A_198 = arith.constant 8.000000e+00 : f32
        %parallel_loop3A_199 = vector.broadcast %parallel_loop3A_198 : f32 to vector<16xf32>
        %parallel_loop3A_200 = arith.mulf %parallel_loop3A_197, %parallel_loop3A_199 : vector<16xf32>
        %parallel_loop3A_201 = arith.constant 65 : i32
        %parallel_loop3A_202 = arith.muli %parallel_loop3A_194, %parallel_loop3A_201 : i32
        %parallel_loop3A_203 = arith.constant 0 : i32
        %parallel_loop3A_204 = arith.addi %parallel_loop3A_202, %parallel_loop3A_203 : i32
        %parallel_loop3A_205 = arith.index_cast %parallel_loop3A_204 : i32 to index
        %parallel_loop3A_206 = tpu.vector_load %arg10[%parallel_loop3A_205] {strides = array<i32>} : memref<8320xf32, #tpu.memory_space<vmem>>, vector<16xf32>,
        tpu.vector_store %arg10[%parallel_loop3A_205], %parallel_loop3A_200 {strides = array<i32>} : memref<8320xf32, #tpu.memory_space<vmem>>, vector<16xf32>,
        %parallel_loop3A_207 = arith.index_cast %parallel_loop3A_194 : i32 to index
        %parallel_loop3A_208 = arith.constant 16 : index
        %parallel_loop3A_209 = tpu.vector_load %arg6[%parallel_loop3A_207, %parallel_loop3A_208] {strides = array<i32>} : memref<128x64xf32, #tpu.memory_space<vmem>>, vector<16xf32>,
        %parallel_loop3A_210 = arith.constant 8.000000e+00 : f32
        %parallel_loop3A_211 = vector.broadcast %parallel_loop3A_210 : f32 to vector<16xf32>
        %parallel_loop3A_212 = arith.mulf %parallel_loop3A_209, %parallel_loop3A_211 : vector<16xf32>
        %parallel_loop3A_213 = arith.constant 65 : i32
        %parallel_loop3A_214 = arith.muli %parallel_loop3A_194, %parallel_loop3A_213 : i32
        %parallel_loop3A_215 = arith.constant 16 : i32
        %parallel_loop3A_216 = arith.addi %parallel_loop3A_214, %parallel_loop3A_215 : i32
        %parallel_loop3A_217 = arith.index_cast %parallel_loop3A_216 : i32 to index
        %parallel_loop3A_218 = tpu.vector_load %arg10[%parallel_loop3A_217] {strides = array<i32>} : memref<8320xf32, #tpu.memory_space<vmem>>, vector<16xf32>,
        tpu.vector_store %arg10[%parallel_loop3A_217], %parallel_loop3A_212 {strides = array<i32>} : memref<8320xf32, #tpu.memory_space<vmem>>, vector<16xf32>,
        %parallel_loop3A_219 = arith.index_cast %parallel_loop3A_194 : i32 to index
        %parallel_loop3A_220 = arith.constant 32 : index
        %parallel_loop3A_221 = tpu.vector_load %arg6[%parallel_loop3A_219, %parallel_loop3A_220] {strides = array<i32>} : memref<128x64xf32, #tpu.memory_space<vmem>>, vector<16xf32>,
        %parallel_loop3A_222 = arith.constant 8.000000e+00 : f32
        %parallel_loop3A_223 = vector.broadcast %parallel_loop3A_222 : f32 to vector<16xf32>
        %parallel_loop3A_224 = arith.mulf %parallel_loop3A_221, %parallel_loop3A_223 : vector<16xf32>
        %parallel_loop3A_225 = arith.constant 65 : i32
        %parallel_loop3A_226 = arith.muli %parallel_loop3A_194, %parallel_loop3A_225 : i32
        %parallel_loop3A_227 = arith.constant 32 : i32
        %parallel_loop3A_228 = arith.addi %parallel_loop3A_226, %parallel_loop3A_227 : i32
        %parallel_loop3A_229 = arith.index_cast %parallel_loop3A_228 : i32 to index
        %parallel_loop3A_230 = tpu.vector_load %arg10[%parallel_loop3A_229] {strides = array<i32>} : memref<8320xf32, #tpu.memory_space<vmem>>, vector<16xf32>,
        tpu.vector_store %arg10[%parallel_loop3A_229], %parallel_loop3A_224 {strides = array<i32>} : memref<8320xf32, #tpu.memory_space<vmem>>, vector<16xf32>,
        %parallel_loop3A_231 = arith.index_cast %parallel_loop3A_194 : i32 to index
        %parallel_loop3A_232 = arith.constant 48 : index
        %parallel_loop3A_233 = tpu.vector_load %arg6[%parallel_loop3A_231, %parallel_loop3A_232] {strides = array<i32>} : memref<128x64xf32, #tpu.memory_space<vmem>>, vector<16xf32>,
        %parallel_loop3A_234 = arith.constant 8.000000e+00 : f32
        %parallel_loop3A_235 = vector.broadcast %parallel_loop3A_234 : f32 to vector<16xf32>
        %parallel_loop3A_236 = arith.mulf %parallel_loop3A_233, %parallel_loop3A_235 : vector<16xf32>
        %parallel_loop3A_237 = arith.constant 65 : i32
        %parallel_loop3A_238 = arith.muli %parallel_loop3A_194, %parallel_loop3A_237 : i32
        %parallel_loop3A_239 = arith.constant 48 : i32
        %parallel_loop3A_240 = arith.addi %parallel_loop3A_238, %parallel_loop3A_239 : i32
        %parallel_loop3A_241 = arith.index_cast %parallel_loop3A_240 : i32 to index
        %parallel_loop3A_242 = tpu.vector_load %arg10[%parallel_loop3A_241] {strides = array<i32>} : memref<8320xf32, #tpu.memory_space<vmem>>, vector<16xf32>,
        tpu.vector_store %arg10[%parallel_loop3A_241], %parallel_loop3A_236 {strides = array<i32>} : memref<8320xf32, #tpu.memory_space<vmem>>, vector<16xf32>,
      } {sc.loop_unroll_factor = 8 : i64, sc.parallel_access}
      %parallel_loop3A_63 = arith.constant 0 : i32
      %parallel_loop3A_64 = arith.constant 8 : i32
      %parallel_loop3A_65 = arith.constant 1 : i32
      scf.for %parallel_loop3A_194 = %parallel_loop3A_63 to %parallel_loop3A_64 step %parallel_loop3A_65  : i32 {
        %parallel_loop3A_195 = arith.constant 1040 : i32
        %parallel_loop3A_196 = arith.muli %parallel_loop3A_194, %parallel_loop3A_195 : i32
        %parallel_loop3A_197 = vector.broadcast %parallel_loop3A_196 : i32 to vector<16xi32>
        %parallel_loop3A_198 = arith.addi %mul3A_5, %parallel_loop3A_197 : vector<16xi32>
        %parallel_loop3A_199 = arith.constant 0 : i32
        %parallel_loop3A_200 = vector.broadcast %parallel_loop3A_199 : i32 to vector<16xi32>
        %parallel_loop3A_201 = arith.addi %parallel_loop3A_198, %parallel_loop3A_200 : vector<16xi32>
        %parallel_loop3A_202 = arith.constant 1 : i32
        %parallel_loop3A_203 = vector.broadcast %parallel_loop3A_202 : i32 to vector<16xi32>
        %parallel_loop3A_204 = arith.addi %parallel_loop3A_198, %parallel_loop3A_203 : vector<16xi32>
        %parallel_loop3A_205 = arith.constant 2 : i32
        %parallel_loop3A_206 = vector.broadcast %parallel_loop3A_205 : i32 to vector<16xi32>
        %parallel_loop3A_207 = arith.addi %parallel_loop3A_198, %parallel_loop3A_206 : vector<16xi32>
        %parallel_loop3A_208 = arith.constant 3 : i32
        %parallel_loop3A_209 = vector.broadcast %parallel_loop3A_208 : i32 to vector<16xi32>
        %parallel_loop3A_210 = arith.addi %parallel_loop3A_198, %parallel_loop3A_209 : vector<16xi32>
        %parallel_loop3A_211 = arith.constant 4 : i32
        %parallel_loop3A_212 = vector.broadcast %parallel_loop3A_211 : i32 to vector<16xi32>
        %parallel_loop3A_213 = arith.addi %parallel_loop3A_198, %parallel_loop3A_212 : vector<16xi32>
        %parallel_loop3A_214 = arith.constant 5 : i32
        %parallel_loop3A_215 = vector.broadcast %parallel_loop3A_214 : i32 to vector<16xi32>
        %parallel_loop3A_216 = arith.addi %parallel_loop3A_198, %parallel_loop3A_215 : vector<16xi32>
        %parallel_loop3A_217 = arith.constant 6 : i32
        %parallel_loop3A_218 = vector.broadcast %parallel_loop3A_217 : i32 to vector<16xi32>
        %parallel_loop3A_219 = arith.addi %parallel_loop3A_198, %parallel_loop3A_218 : vector<16xi32>
        %parallel_loop3A_220 = arith.constant 7 : i32
        %parallel_loop3A_221 = vector.broadcast %parallel_loop3A_220 : i32 to vector<16xi32>
        %parallel_loop3A_222 = arith.addi %parallel_loop3A_198, %parallel_loop3A_221 : vector<16xi32>
        %parallel_loop3A_223 = arith.constant 0 : i32
        %parallel_loop3A_224 = tpu.memref_slice %arg10[%parallel_loop3A_223] : memref<8320xf32, #tpu.memory_space<vmem>> -> memref<8264xf32, #tpu.memory_space<vmem>>
        %parallel_loop3A_225 = tpu.vector_load_idx %parallel_loop3A_224[%parallel_loop3A_201] : memref<8264xf32, #tpu.memory_space<vmem>>[vector<16xi32>], vector<16xf32>,
        %parallel_loop3A_226 = arith.constant 16 : i32
        %parallel_loop3A_227 = arith.muli %parallel_loop3A_194, %parallel_loop3A_226 : i32
        %parallel_loop3A_228 = arith.constant 0 : i32
        %parallel_loop3A_229 = arith.constant 0 : i32
        %parallel_loop3A_230 = arith.index_cast %parallel_loop3A_228 : i32 to index
        %parallel_loop3A_231 = arith.index_cast %parallel_loop3A_229 : i32 to index
        %parallel_loop3A_232 = arith.index_cast %parallel_loop3A_227 : i32 to index
        %parallel_loop3A_233 = tpu.vector_load %arg8[%parallel_loop3A_230, %parallel_loop3A_231, %parallel_loop3A_232] {strides = array<i32>} : memref<8x8x128xf32, #tpu.memory_space<vmem>>, vector<16xf32>,
        tpu.vector_store %arg8[%parallel_loop3A_230, %parallel_loop3A_231, %parallel_loop3A_232], %parallel_loop3A_225 {strides = array<i32>} : memref<8x8x128xf32, #tpu.memory_space<vmem>>, vector<16xf32>,
        %parallel_loop3A_234 = arith.constant 0 : i32
        %parallel_loop3A_235 = tpu.memref_slice %arg10[%parallel_loop3A_234] : memref<8320xf32, #tpu.memory_space<vmem>> -> memref<8264xf32, #tpu.memory_space<vmem>>
        %parallel_loop3A_236 = tpu.vector_load_idx %parallel_loop3A_235[%parallel_loop3A_204] : memref<8264xf32, #tpu.memory_space<vmem>>[vector<16xi32>], vector<16xf32>,
        %parallel_loop3A_237 = arith.constant 16 : i32
        %parallel_loop3A_238 = arith.muli %parallel_loop3A_194, %parallel_loop3A_237 : i32
        %parallel_loop3A_239 = arith.constant 0 : i32
        %parallel_loop3A_240 = arith.constant 1 : i32
        %parallel_loop3A_241 = arith.index_cast %parallel_loop3A_239 : i32 to index
        %parallel_loop3A_242 = arith.index_cast %parallel_loop3A_240 : i32 to index
        %parallel_loop3A_243 = arith.index_cast %parallel_loop3A_238 : i32 to index
        %parallel_loop3A_244 = tpu.vector_load %arg8[%parallel_loop3A_241, %parallel_loop3A_242, %parallel_loop3A_243] {strides = array<i32>} : memref<8x8x128xf32, #tpu.memory_space<vmem>>, vector<16xf32>,
        tpu.vector_store %arg8[%parallel_loop3A_241, %parallel_loop3A_242, %parallel_loop3A_243], %parallel_loop3A_236 {strides = array<i32>} : memref<8x8x128xf32, #tpu.memory_space<vmem>>, vector<16xf32>,
        %parallel_loop3A_245 = arith.constant 0 : i32
        %parallel_loop3A_246 = tpu.memref_slice %arg10[%parallel_loop3A_245] : memref<8320xf32, #tpu.memory_space<vmem>> -> memref<8264xf32, #tpu.memory_space<vmem>>
        %parallel_loop3A_247 = tpu.vector_load_idx %parallel_loop3A_246[%parallel_loop3A_207] : memref<8264xf32, #tpu.memory_space<vmem>>[vector<16xi32>], vector<16xf32>,
        %parallel_loop3A_248 = arith.constant 16 : i32
        %parallel_loop3A_249 = arith.muli %parallel_loop3A_194, %parallel_loop3A_248 : i32
        %parallel_loop3A_250 = arith.constant 0 : i32
        %parallel_loop3A_251 = arith.constant 2 : i32
        %parallel_loop3A_252 = arith.index_cast %parallel_loop3A_250 : i32 to index
        %parallel_loop3A_253 = arith.index_cast %parallel_loop3A_251 : i32 to index
        %parallel_loop3A_254 = arith.index_cast %parallel_loop3A_249 : i32 to index
        %parallel_loop3A_255 = tpu.vector_load %arg8[%parallel_loop3A_252, %parallel_loop3A_253, %parallel_loop3A_254] {strides = array<i32>} : memref<8x8x128xf32, #tpu.memory_space<vmem>>, vector<16xf32>,
        tpu.vector_store %arg8[%parallel_loop3A_252, %parallel_loop3A_253, %parallel_loop3A_254], %parallel_loop3A_247 {strides = array<i32>} : memref<8x8x128xf32, #tpu.memory_space<vmem>>, vector<16xf32>,
        %parallel_loop3A_256 = arith.constant 0 : i32
        %parallel_loop3A_257 = tpu.memref_slice %arg10[%parallel_loop3A_256] : memref<8320xf32, #tpu.memory_space<vmem>> -> memref<8264xf32, #tpu.memory_space<vmem>>
        %parallel_loop3A_258 = tpu.vector_load_idx %parallel_loop3A_257[%parallel_loop3A_210] : memref<8264xf32, #tpu.memory_space<vmem>>[vector<16xi32>], vector<16xf32>,
        %parallel_loop3A_259 = arith.constant 16 : i32
        %parallel_loop3A_260 = arith.muli %parallel_loop3A_194, %parallel_loop3A_259 : i32
        %parallel_loop3A_261 = arith.constant 0 : i32
        %parallel_loop3A_262 = arith.constant 3 : i32
        %parallel_loop3A_263 = arith.index_cast %parallel_loop3A_261 : i32 to index
        %parallel_loop3A_264 = arith.index_cast %parallel_loop3A_262 : i32 to index
        %parallel_loop3A_265 = arith.index_cast %parallel_loop3A_260 : i32 to index
        %parallel_loop3A_266 = tpu.vector_load %arg8[%parallel_loop3A_263, %parallel_loop3A_264, %parallel_loop3A_265] {strides = array<i32>} : memref<8x8x128xf32, #tpu.memory_space<vmem>>, vector<16xf32>,
        tpu.vector_store %arg8[%parallel_loop3A_263, %parallel_loop3A_264, %parallel_loop3A_265], %parallel_loop3A_258 {strides = array<i32>} : memref<8x8x128xf32, #tpu.memory_space<vmem>>, vector<16xf32>,
        %parallel_loop3A_267 = arith.constant 0 : i32
        %parallel_loop3A_268 = tpu.memref_slice %arg10[%parallel_loop3A_267] : memref<8320xf32, #tpu.memory_space<vmem>> -> memref<8264xf32, #tpu.memory_space<vmem>>
        %parallel_loop3A_269 = tpu.vector_load_idx %parallel_loop3A_268[%parallel_loop3A_213] : memref<8264xf32, #tpu.memory_space<vmem>>[vector<16xi32>], vector<16xf32>,
        %parallel_loop3A_270 = arith.constant 16 : i32
        %parallel_loop3A_271 = arith.muli %parallel_loop3A_194, %parallel_loop3A_270 : i32
        %parallel_loop3A_272 = arith.constant 0 : i32
        %parallel_loop3A_273 = arith.constant 4 : i32
        %parallel_loop3A_274 = arith.index_cast %parallel_loop3A_272 : i32 to index
        %parallel_loop3A_275 = arith.index_cast %parallel_loop3A_273 : i32 to index
        %parallel_loop3A_276 = arith.index_cast %parallel_loop3A_271 : i32 to index
        %parallel_loop3A_277 = tpu.vector_load %arg8[%parallel_loop3A_274, %parallel_loop3A_275, %parallel_loop3A_276] {strides = array<i32>} : memref<8x8x128xf32, #tpu.memory_space<vmem>>, vector<16xf32>,
        tpu.vector_store %arg8[%parallel_loop3A_274, %parallel_loop3A_275, %parallel_loop3A_276], %parallel_loop3A_269 {strides = array<i32>} : memref<8x8x128xf32, #tpu.memory_space<vmem>>, vector<16xf32>,
        %parallel_loop3A_278 = arith.constant 0 : i32
        %parallel_loop3A_279 = tpu.memref_slice %arg10[%parallel_loop3A_278] : memref<8320xf32, #tpu.memory_space<vmem>> -> memref<8264xf32, #tpu.memory_space<vmem>>
        %parallel_loop3A_280 = tpu.vector_load_idx %parallel_loop3A_279[%parallel_loop3A_216] : memref<8264xf32, #tpu.memory_space<vmem>>[vector<16xi32>], vector<16xf32>,
        %parallel_loop3A_281 = arith.constant 16 : i32
        %parallel_loop3A_282 = arith.muli %parallel_loop3A_194, %parallel_loop3A_281 : i32
        %parallel_loop3A_283 = arith.constant 0 : i32
        %parallel_loop3A_284 = arith.constant 5 : i32
        %parallel_loop3A_285 = arith.index_cast %parallel_loop3A_283 : i32 to index
        %parallel_loop3A_286 = arith.index_cast %parallel_loop3A_284 : i32 to index
        %parallel_loop3A_287 = arith.index_cast %parallel_loop3A_282 : i32 to index
        %parallel_loop3A_288 = tpu.vector_load %arg8[%parallel_loop3A_285, %parallel_loop3A_286, %parallel_loop3A_287] {strides = array<i32>} : memref<8x8x128xf32, #tpu.memory_space<vmem>>, vector<16xf32>,
        tpu.vector_store %arg8[%parallel_loop3A_285, %parallel_loop3A_286, %parallel_loop3A_287], %parallel_loop3A_280 {strides = array<i32>} : memref<8x8x128xf32, #tpu.memory_space<vmem>>, vector<16xf32>,
        %parallel_loop3A_289 = arith.constant 0 : i32
        %parallel_loop3A_290 = tpu.memref_slice %arg10[%parallel_loop3A_289] : memref<8320xf32, #tpu.memory_space<vmem>> -> memref<8264xf32, #tpu.memory_space<vmem>>
        %parallel_loop3A_291 = tpu.vector_load_idx %parallel_loop3A_290[%parallel_loop3A_219] : memref<8264xf32, #tpu.memory_space<vmem>>[vector<16xi32>], vector<16xf32>,
        %parallel_loop3A_292 = arith.constant 16 : i32
        %parallel_loop3A_293 = arith.muli %parallel_loop3A_194, %parallel_loop3A_292 : i32
        %parallel_loop3A_294 = arith.constant 0 : i32
        %parallel_loop3A_295 = arith.constant 6 : i32
        %parallel_loop3A_296 = arith.index_cast %parallel_loop3A_294 : i32 to index
        %parallel_loop3A_297 = arith.index_cast %parallel_loop3A_295 : i32 to index
        %parallel_loop3A_298 = arith.index_cast %parallel_loop3A_293 : i32 to index
        %parallel_loop3A_299 = tpu.vector_load %arg8[%parallel_loop3A_296, %parallel_loop3A_297, %parallel_loop3A_298] {strides = array<i32>} : memref<8x8x128xf32, #tpu.memory_space<vmem>>, vector<16xf32>,
        tpu.vector_store %arg8[%parallel_loop3A_296, %parallel_loop3A_297, %parallel_loop3A_298], %parallel_loop3A_291 {strides = array<i32>} : memref<8x8x128xf32, #tpu.memory_space<vmem>>, vector<16xf32>,
        %parallel_loop3A_300 = arith.constant 0 : i32
        %parallel_loop3A_301 = tpu.memref_slice %arg10[%parallel_loop3A_300] : memref<8320xf32, #tpu.memory_space<vmem>> -> memref<8264xf32, #tpu.memory_space<vmem>>
        %parallel_loop3A_302 = tpu.vector_load_idx %parallel_loop3A_301[%parallel_loop3A_222] : memref<8264xf32, #tpu.memory_space<vmem>>[vector<16xi32>], vector<16xf32>,
        %parallel_loop3A_303 = arith.constant 16 : i32
        %parallel_loop3A_304 = arith.muli %parallel_loop3A_194, %parallel_loop3A_303 : i32
        %parallel_loop3A_305 = arith.constant 0 : i32
        %parallel_loop3A_306 = arith.constant 7 : i32
        %parallel_loop3A_307 = arith.index_cast %parallel_loop3A_305 : i32 to index
        %parallel_loop3A_308 = arith.index_cast %parallel_loop3A_306 : i32 to index
        %parallel_loop3A_309 = arith.index_cast %parallel_loop3A_304 : i32 to index
        %parallel_loop3A_310 = tpu.vector_load %arg8[%parallel_loop3A_307, %parallel_loop3A_308, %parallel_loop3A_309] {strides = array<i32>} : memref<8x8x128xf32, #tpu.memory_space<vmem>>, vector<16xf32>,
        tpu.vector_store %arg8[%parallel_loop3A_307, %parallel_loop3A_308, %parallel_loop3A_309], %parallel_loop3A_302 {strides = array<i32>} : memref<8x8x128xf32, #tpu.memory_space<vmem>>, vector<16xf32>,
        %parallel_loop3A_311 = arith.constant 8 : i32
        %parallel_loop3A_312 = tpu.memref_slice %arg10[%parallel_loop3A_311] : memref<8320xf32, #tpu.memory_space<vmem>> -> memref<8264xf32, #tpu.memory_space<vmem>>
        %parallel_loop3A_313 = tpu.vector_load_idx %parallel_loop3A_312[%parallel_loop3A_201] : memref<8264xf32, #tpu.memory_space<vmem>>[vector<16xi32>], vector<16xf32>,
        %parallel_loop3A_314 = arith.constant 16 : i32
        %parallel_loop3A_315 = arith.muli %parallel_loop3A_194, %parallel_loop3A_314 : i32
        %parallel_loop3A_316 = arith.constant 1 : i32
        %parallel_loop3A_317 = arith.constant 0 : i32
        %parallel_loop3A_318 = arith.index_cast %parallel_loop3A_316 : i32 to index
        %parallel_loop3A_319 = arith.index_cast %parallel_loop3A_317 : i32 to index
        %parallel_loop3A_320 = arith.index_cast %parallel_loop3A_315 : i32 to index
        %parallel_loop3A_321 = tpu.vector_load %arg8[%parallel_loop3A_318, %parallel_loop3A_319, %parallel_loop3A_320] {strides = array<i32>} : memref<8x8x128xf32, #tpu.memory_space<vmem>>, vector<16xf32>,
        tpu.vector_store %arg8[%parallel_loop3A_318, %parallel_loop3A_319, %parallel_loop3A_320], %parallel_loop3A_313 {strides = array<i32>} : memref<8x8x128xf32, #tpu.memory_space<vmem>>, vector<16xf32>,
        %parallel_loop3A_322 = arith.constant 8 : i32
        %parallel_loop3A_323 = tpu.memref_slice %arg10[%parallel_loop3A_322] : memref<8320xf32, #tpu.memory_space<vmem>> -> memref<8264xf32, #tpu.memory_space<vmem>>
        %parallel_loop3A_324 = tpu.vector_load_idx %parallel_loop3A_323[%parallel_loop3A_204] : memref<8264xf32, #tpu.memory_space<vmem>>[vector<16xi32>], vector<16xf32>,
        %parallel_loop3A_325 = arith.constant 16 : i32
        %parallel_loop3A_326 = arith.muli %parallel_loop3A_194, %parallel_loop3A_325 : i32
        %parallel_loop3A_327 = arith.constant 1 : i32
        %parallel_loop3A_328 = arith.constant 1 : i32
        %parallel_loop3A_329 = arith.index_cast %parallel_loop3A_327 : i32 to index
        %parallel_loop3A_330 = arith.index_cast %parallel_loop3A_328 : i32 to index
        %parallel_loop3A_331 = arith.index_cast %parallel_loop3A_326 : i32 to index
        %parallel_loop3A_332 = tpu.vector_load %arg8[%parallel_loop3A_329, %parallel_loop3A_330, %parallel_loop3A_331] {strides = array<i32>} : memref<8x8x128xf32, #tpu.memory_space<vmem>>, vector<16xf32>,
        tpu.vector_store %arg8[%parallel_loop3A_329, %parallel_loop3A_330, %parallel_loop3A_331], %parallel_loop3A_324 {strides = array<i32>} : memref<8x8x128xf32, #tpu.memory_space<vmem>>, vector<16xf32>,
        %parallel_loop3A_333 = arith.constant 8 : i32
        %parallel_loop3A_334 = tpu.memref_slice %arg10[%parallel_loop3A_333] : memref<8320xf32, #tpu.memory_space<vmem>> -> memref<8264xf32, #tpu.memory_space<vmem>>
        %parallel_loop3A_335 = tpu.vector_load_idx %parallel_loop3A_334[%parallel_loop3A_207] : memref<8264xf32, #tpu.memory_space<vmem>>[vector<16xi32>], vector<16xf32>,
        %parallel_loop3A_336 = arith.constant 16 : i32
        %parallel_loop3A_337 = arith.muli %parallel_loop3A_194, %parallel_loop3A_336 : i32
        %parallel_loop3A_338 = arith.constant 1 : i32
        %parallel_loop3A_339 = arith.constant 2 : i32
        %parallel_loop3A_340 = arith.index_cast %parallel_loop3A_338 : i32 to index
        %parallel_loop3A_341 = arith.index_cast %parallel_loop3A_339 : i32 to index
        %parallel_loop3A_342 = arith.index_cast %parallel_loop3A_337 : i32 to index
        %parallel_loop3A_343 = tpu.vector_load %arg8[%parallel_loop3A_340, %parallel_loop3A_341, %parallel_loop3A_342] {strides = array<i32>} : memref<8x8x128xf32, #tpu.memory_space<vmem>>, vector<16xf32>,
        tpu.vector_store %arg8[%parallel_loop3A_340, %parallel_loop3A_341, %parallel_loop3A_342], %parallel_loop3A_335 {strides = array<i32>} : memref<8x8x128xf32, #tpu.memory_space<vmem>>, vector<16xf32>,
        %parallel_loop3A_344 = arith.constant 8 : i32
        %parallel_loop3A_345 = tpu.memref_slice %arg10[%parallel_loop3A_344] : memref<8320xf32, #tpu.memory_space<vmem>> -> memref<8264xf32, #tpu.memory_space<vmem>>
        %parallel_loop3A_346 = tpu.vector_load_idx %parallel_loop3A_345[%parallel_loop3A_210] : memref<8264xf32, #tpu.memory_space<vmem>>[vector<16xi32>], vector<16xf32>,
        %parallel_loop3A_347 = arith.constant 16 : i32
        %parallel_loop3A_348 = arith.muli %parallel_loop3A_194, %parallel_loop3A_347 : i32
        %parallel_loop3A_349 = arith.constant 1 : i32
        %parallel_loop3A_350 = arith.constant 3 : i32
        %parallel_loop3A_351 = arith.index_cast %parallel_loop3A_349 : i32 to index
        %parallel_loop3A_352 = arith.index_cast %parallel_loop3A_350 : i32 to index
        %parallel_loop3A_353 = arith.index_cast %parallel_loop3A_348 : i32 to index
        %parallel_loop3A_354 = tpu.vector_load %arg8[%parallel_loop3A_351, %parallel_loop3A_352, %parallel_loop3A_353] {strides = array<i32>} : memref<8x8x128xf32, #tpu.memory_space<vmem>>, vector<16xf32>,
        tpu.vector_store %arg8[%parallel_loop3A_351, %parallel_loop3A_352, %parallel_loop3A_353], %parallel_loop3A_346 {strides = array<i32>} : memref<8x8x128xf32, #tpu.memory_space<vmem>>, vector<16xf32>,
        %parallel_loop3A_355 = arith.constant 8 : i32
        %parallel_loop3A_356 = tpu.memref_slice %arg10[%parallel_loop3A_355] : memref<8320xf32, #tpu.memory_space<vmem>> -> memref<8264xf32, #tpu.memory_space<vmem>>
        %parallel_loop3A_357 = tpu.vector_load_idx %parallel_loop3A_356[%parallel_loop3A_213] : memref<8264xf32, #tpu.memory_space<vmem>>[vector<16xi32>], vector<16xf32>,
        %parallel_loop3A_358 = arith.constant 16 : i32
        %parallel_loop3A_359 = arith.muli %parallel_loop3A_194, %parallel_loop3A_358 : i32
        %parallel_loop3A_360 = arith.constant 1 : i32
        %parallel_loop3A_361 = arith.constant 4 : i32
        %parallel_loop3A_362 = arith.index_cast %parallel_loop3A_360 : i32 to index
        %parallel_loop3A_363 = arith.index_cast %parallel_loop3A_361 : i32 to index
        %parallel_loop3A_364 = arith.index_cast %parallel_loop3A_359 : i32 to index
        %parallel_loop3A_365 = tpu.vector_load %arg8[%parallel_loop3A_362, %parallel_loop3A_363, %parallel_loop3A_364] {strides = array<i32>} : memref<8x8x128xf32, #tpu.memory_space<vmem>>, vector<16xf32>,
        tpu.vector_store %arg8[%parallel_loop3A_362, %parallel_loop3A_363, %parallel_loop3A_364], %parallel_loop3A_357 {strides = array<i32>} : memref<8x8x128xf32, #tpu.memory_space<vmem>>, vector<16xf32>,
        %parallel_loop3A_366 = arith.constant 8 : i32
        %parallel_loop3A_367 = tpu.memref_slice %arg10[%parallel_loop3A_366] : memref<8320xf32, #tpu.memory_space<vmem>> -> memref<8264xf32, #tpu.memory_space<vmem>>
        %parallel_loop3A_368 = tpu.vector_load_idx %parallel_loop3A_367[%parallel_loop3A_216] : memref<8264xf32, #tpu.memory_space<vmem>>[vector<16xi32>], vector<16xf32>,
        %parallel_loop3A_369 = arith.constant 16 : i32
        %parallel_loop3A_370 = arith.muli %parallel_loop3A_194, %parallel_loop3A_369 : i32
        %parallel_loop3A_371 = arith.constant 1 : i32
        %parallel_loop3A_372 = arith.constant 5 : i32
        %parallel_loop3A_373 = arith.index_cast %parallel_loop3A_371 : i32 to index
        %parallel_loop3A_374 = arith.index_cast %parallel_loop3A_372 : i32 to index
        %parallel_loop3A_375 = arith.index_cast %parallel_loop3A_370 : i32 to index
        %parallel_loop3A_376 = tpu.vector_load %arg8[%parallel_loop3A_373, %parallel_loop3A_374, %parallel_loop3A_375] {strides = array<i32>} : memref<8x8x128xf32, #tpu.memory_space<vmem>>, vector<16xf32>,
        tpu.vector_store %arg8[%parallel_loop3A_373, %parallel_loop3A_374, %parallel_loop3A_375], %parallel_loop3A_368 {strides = array<i32>} : memref<8x8x128xf32, #tpu.memory_space<vmem>>, vector<16xf32>,
        %parallel_loop3A_377 = arith.constant 8 : i32
        %parallel_loop3A_378 = tpu.memref_slice %arg10[%parallel_loop3A_377] : memref<8320xf32, #tpu.memory_space<vmem>> -> memref<8264xf32, #tpu.memory_space<vmem>>
        %parallel_loop3A_379 = tpu.vector_load_idx %parallel_loop3A_378[%parallel_loop3A_219] : memref<8264xf32, #tpu.memory_space<vmem>>[vector<16xi32>], vector<16xf32>,
        %parallel_loop3A_380 = arith.constant 16 : i32
        %parallel_loop3A_381 = arith.muli %parallel_loop3A_194, %parallel_loop3A_380 : i32
        %parallel_loop3A_382 = arith.constant 1 : i32
        %parallel_loop3A_383 = arith.constant 6 : i32
        %parallel_loop3A_384 = arith.index_cast %parallel_loop3A_382 : i32 to index
        %parallel_loop3A_385 = arith.index_cast %parallel_loop3A_383 : i32 to index
        %parallel_loop3A_386 = arith.index_cast %parallel_loop3A_381 : i32 to index
        %parallel_loop3A_387 = tpu.vector_load %arg8[%parallel_loop3A_384, %parallel_loop3A_385, %parallel_loop3A_386] {strides = array<i32>} : memref<8x8x128xf32, #tpu.memory_space<vmem>>, vector<16xf32>,
        tpu.vector_store %arg8[%parallel_loop3A_384, %parallel_loop3A_385, %parallel_loop3A_386], %parallel_loop3A_379 {strides = array<i32>} : memref<8x8x128xf32, #tpu.memory_space<vmem>>, vector<16xf32>,
        %parallel_loop3A_388 = arith.constant 8 : i32
        %parallel_loop3A_389 = tpu.memref_slice %arg10[%parallel_loop3A_388] : memref<8320xf32, #tpu.memory_space<vmem>> -> memref<8264xf32, #tpu.memory_space<vmem>>
        %parallel_loop3A_390 = tpu.vector_load_idx %parallel_loop3A_389[%parallel_loop3A_222] : memref<8264xf32, #tpu.memory_space<vmem>>[vector<16xi32>], vector<16xf32>,
        %parallel_loop3A_391 = arith.constant 16 : i32
        %parallel_loop3A_392 = arith.muli %parallel_loop3A_194, %parallel_loop3A_391 : i32
        %parallel_loop3A_393 = arith.constant 1 : i32
        %parallel_loop3A_394 = arith.constant 7 : i32
        %parallel_loop3A_395 = arith.index_cast %parallel_loop3A_393 : i32 to index
        %parallel_loop3A_396 = arith.index_cast %parallel_loop3A_394 : i32 to index
        %parallel_loop3A_397 = arith.index_cast %parallel_loop3A_392 : i32 to index
        %parallel_loop3A_398 = tpu.vector_load %arg8[%parallel_loop3A_395, %parallel_loop3A_396, %parallel_loop3A_397] {strides = array<i32>} : memref<8x8x128xf32, #tpu.memory_space<vmem>>, vector<16xf32>,
        tpu.vector_store %arg8[%parallel_loop3A_395, %parallel_loop3A_396, %parallel_loop3A_397], %parallel_loop3A_390 {strides = array<i32>} : memref<8x8x128xf32, #tpu.memory_space<vmem>>, vector<16xf32>,
        %parallel_loop3A_399 = arith.constant 16 : i32
        %parallel_loop3A_400 = tpu.memref_slice %arg10[%parallel_loop3A_399] : memref<8320xf32, #tpu.memory_space<vmem>> -> memref<8264xf32, #tpu.memory_space<vmem>>
        %parallel_loop3A_401 = tpu.vector_load_idx %parallel_loop3A_400[%parallel_loop3A_201] : memref<8264xf32, #tpu.memory_space<vmem>>[vector<16xi32>], vector<16xf32>,
        %parallel_loop3A_402 = arith.constant 16 : i32
        %parallel_loop3A_403 = arith.muli %parallel_loop3A_194, %parallel_loop3A_402 : i32
        %parallel_loop3A_404 = arith.constant 2 : i32
        %parallel_loop3A_405 = arith.constant 0 : i32
        %parallel_loop3A_406 = arith.index_cast %parallel_loop3A_404 : i32 to index
        %parallel_loop3A_407 = arith.index_cast %parallel_loop3A_405 : i32 to index
        %parallel_loop3A_408 = arith.index_cast %parallel_loop3A_403 : i32 to index
        %parallel_loop3A_409 = tpu.vector_load %arg8[%parallel_loop3A_406, %parallel_loop3A_407, %parallel_loop3A_408] {strides = array<i32>} : memref<8x8x128xf32, #tpu.memory_space<vmem>>, vector<16xf32>,
        tpu.vector_store %arg8[%parallel_loop3A_406, %parallel_loop3A_407, %parallel_loop3A_408], %parallel_loop3A_401 {strides = array<i32>} : memref<8x8x128xf32, #tpu.memory_space<vmem>>, vector<16xf32>,
        %parallel_loop3A_410 = arith.constant 16 : i32
        %parallel_loop3A_411 = tpu.memref_slice %arg10[%parallel_loop3A_410] : memref<8320xf32, #tpu.memory_space<vmem>> -> memref<8264xf32, #tpu.memory_space<vmem>>
        %parallel_loop3A_412 = tpu.vector_load_idx %parallel_loop3A_411[%parallel_loop3A_204] : memref<8264xf32, #tpu.memory_space<vmem>>[vector<16xi32>], vector<16xf32>,
        %parallel_loop3A_413 = arith.constant 16 : i32
        %parallel_loop3A_414 = arith.muli %parallel_loop3A_194, %parallel_loop3A_413 : i32
        %parallel_loop3A_415 = arith.constant 2 : i32
        %parallel_loop3A_416 = arith.constant 1 : i32
        %parallel_loop3A_417 = arith.index_cast %parallel_loop3A_415 : i32 to index
        %parallel_loop3A_418 = arith.index_cast %parallel_loop3A_416 : i32 to index
        %parallel_loop3A_419 = arith.index_cast %parallel_loop3A_414 : i32 to index
        %parallel_loop3A_420 = tpu.vector_load %arg8[%parallel_loop3A_417, %parallel_loop3A_418, %parallel_loop3A_419] {strides = array<i32>} : memref<8x8x128xf32, #tpu.memory_space<vmem>>, vector<16xf32>,
        tpu.vector_store %arg8[%parallel_loop3A_417, %parallel_loop3A_418, %parallel_loop3A_419], %parallel_loop3A_412 {strides = array<i32>} : memref<8x8x128xf32, #tpu.memory_space<vmem>>, vector<16xf32>,
        %parallel_loop3A_421 = arith.constant 16 : i32
        %parallel_loop3A_422 = tpu.memref_slice %arg10[%parallel_loop3A_421] : memref<8320xf32, #tpu.memory_space<vmem>> -> memref<8264xf32, #tpu.memory_space<vmem>>
        %parallel_loop3A_423 = tpu.vector_load_idx %parallel_loop3A_422[%parallel_loop3A_207] : memref<8264xf32, #tpu.memory_space<vmem>>[vector<16xi32>], vector<16xf32>,
        %parallel_loop3A_424 = arith.constant 16 : i32
        %parallel_loop3A_425 = arith.muli %parallel_loop3A_194, %parallel_loop3A_424 : i32
        %parallel_loop3A_426 = arith.constant 2 : i32
        %parallel_loop3A_427 = arith.constant 2 : i32
        %parallel_loop3A_428 = arith.index_cast %parallel_loop3A_426 : i32 to index
        %parallel_loop3A_429 = arith.index_cast %parallel_loop3A_427 : i32 to index
        %parallel_loop3A_430 = arith.index_cast %parallel_loop3A_425 : i32 to index
        %parallel_loop3A_431 = tpu.vector_load %arg8[%parallel_loop3A_428, %parallel_loop3A_429, %parallel_loop3A_430] {strides = array<i32>} : memref<8x8x128xf32, #tpu.memory_space<vmem>>, vector<16xf32>,
        tpu.vector_store %arg8[%parallel_loop3A_428, %parallel_loop3A_429, %parallel_loop3A_430], %parallel_loop3A_423 {strides = array<i32>} : memref<8x8x128xf32, #tpu.memory_space<vmem>>, vector<16xf32>,
        %parallel_loop3A_432 = arith.constant 16 : i32
        %parallel_loop3A_433 = tpu.memref_slice %arg10[%parallel_loop3A_432] : memref<8320xf32, #tpu.memory_space<vmem>> -> memref<8264xf32, #tpu.memory_space<vmem>>
        %parallel_loop3A_434 = tpu.vector_load_idx %parallel_loop3A_433[%parallel_loop3A_210] : memref<8264xf32, #tpu.memory_space<vmem>>[vector<16xi32>], vector<16xf32>,
        %parallel_loop3A_435 = arith.constant 16 : i32
        %parallel_loop3A_436 = arith.muli %parallel_loop3A_194, %parallel_loop3A_435 : i32
        %parallel_loop3A_437 = arith.constant 2 : i32
        %parallel_loop3A_438 = arith.constant 3 : i32
        %parallel_loop3A_439 = arith.index_cast %parallel_loop3A_437 : i32 to index
        %parallel_loop3A_440 = arith.index_cast %parallel_loop3A_438 : i32 to index
        %parallel_loop3A_441 = arith.index_cast %parallel_loop3A_436 : i32 to index
        %parallel_loop3A_442 = tpu.vector_load %arg8[%parallel_loop3A_439, %parallel_loop3A_440, %parallel_loop3A_441] {strides = array<i32>} : memref<8x8x128xf32, #tpu.memory_space<vmem>>, vector<16xf32>,
        tpu.vector_store %arg8[%parallel_loop3A_439, %parallel_loop3A_440, %parallel_loop3A_441], %parallel_loop3A_434 {strides = array<i32>} : memref<8x8x128xf32, #tpu.memory_space<vmem>>, vector<16xf32>,
        %parallel_loop3A_443 = arith.constant 16 : i32
        %parallel_loop3A_444 = tpu.memref_slice %arg10[%parallel_loop3A_443] : memref<8320xf32, #tpu.memory_space<vmem>> -> memref<8264xf32, #tpu.memory_space<vmem>>
        %parallel_loop3A_445 = tpu.vector_load_idx %parallel_loop3A_444[%parallel_loop3A_213] : memref<8264xf32, #tpu.memory_space<vmem>>[vector<16xi32>], vector<16xf32>,
        %parallel_loop3A_446 = arith.constant 16 : i32
        %parallel_loop3A_447 = arith.muli %parallel_loop3A_194, %parallel_loop3A_446 : i32
        %parallel_loop3A_448 = arith.constant 2 : i32
        %parallel_loop3A_449 = arith.constant 4 : i32
        %parallel_loop3A_450 = arith.index_cast %parallel_loop3A_448 : i32 to index
        %parallel_loop3A_451 = arith.index_cast %parallel_loop3A_449 : i32 to index
        %parallel_loop3A_452 = arith.index_cast %parallel_loop3A_447 : i32 to index
        %parallel_loop3A_453 = tpu.vector_load %arg8[%parallel_loop3A_450, %parallel_loop3A_451, %parallel_loop3A_452] {strides = array<i32>} : memref<8x8x128xf32, #tpu.memory_space<vmem>>, vector<16xf32>,
        tpu.vector_store %arg8[%parallel_loop3A_450, %parallel_loop3A_451, %parallel_loop3A_452], %parallel_loop3A_445 {strides = array<i32>} : memref<8x8x128xf32, #tpu.memory_space<vmem>>, vector<16xf32>,
        %parallel_loop3A_454 = arith.constant 16 : i32
        %parallel_loop3A_455 = tpu.memref_slice %arg10[%parallel_loop3A_454] : memref<8320xf32, #tpu.memory_space<vmem>> -> memref<8264xf32, #tpu.memory_space<vmem>>
        %parallel_loop3A_456 = tpu.vector_load_idx %parallel_loop3A_455[%parallel_loop3A_216] : memref<8264xf32, #tpu.memory_space<vmem>>[vector<16xi32>], vector<16xf32>,
        %parallel_loop3A_457 = arith.constant 16 : i32
        %parallel_loop3A_458 = arith.muli %parallel_loop3A_194, %parallel_loop3A_457 : i32
        %parallel_loop3A_459 = arith.constant 2 : i32
        %parallel_loop3A_460 = arith.constant 5 : i32
        %parallel_loop3A_461 = arith.index_cast %parallel_loop3A_459 : i32 to index
        %parallel_loop3A_462 = arith.index_cast %parallel_loop3A_460 : i32 to index
        %parallel_loop3A_463 = arith.index_cast %parallel_loop3A_458 : i32 to index
        %parallel_loop3A_464 = tpu.vector_load %arg8[%parallel_loop3A_461, %parallel_loop3A_462, %parallel_loop3A_463] {strides = array<i32>} : memref<8x8x128xf32, #tpu.memory_space<vmem>>, vector<16xf32>,
        tpu.vector_store %arg8[%parallel_loop3A_461, %parallel_loop3A_462, %parallel_loop3A_463], %parallel_loop3A_456 {strides = array<i32>} : memref<8x8x128xf32, #tpu.memory_space<vmem>>, vector<16xf32>,
        %parallel_loop3A_465 = arith.constant 16 : i32
        %parallel_loop3A_466 = tpu.memref_slice %arg10[%parallel_loop3A_465] : memref<8320xf32, #tpu.memory_space<vmem>> -> memref<8264xf32, #tpu.memory_space<vmem>>
        %parallel_loop3A_467 = tpu.vector_load_idx %parallel_loop3A_466[%parallel_loop3A_219] : memref<8264xf32, #tpu.memory_space<vmem>>[vector<16xi32>], vector<16xf32>,
        %parallel_loop3A_468 = arith.constant 16 : i32
        %parallel_loop3A_469 = arith.muli %parallel_loop3A_194, %parallel_loop3A_468 : i32
        %parallel_loop3A_470 = arith.constant 2 : i32
        %parallel_loop3A_471 = arith.constant 6 : i32
        %parallel_loop3A_472 = arith.index_cast %parallel_loop3A_470 : i32 to index
        %parallel_loop3A_473 = arith.index_cast %parallel_loop3A_471 : i32 to index
        %parallel_loop3A_474 = arith.index_cast %parallel_loop3A_469 : i32 to index
        %parallel_loop3A_475 = tpu.vector_load %arg8[%parallel_loop3A_472, %parallel_loop3A_473, %parallel_loop3A_474] {strides = array<i32>} : memref<8x8x128xf32, #tpu.memory_space<vmem>>, vector<16xf32>,
        tpu.vector_store %arg8[%parallel_loop3A_472, %parallel_loop3A_473, %parallel_loop3A_474], %parallel_loop3A_467 {strides = array<i32>} : memref<8x8x128xf32, #tpu.memory_space<vmem>>, vector<16xf32>,
        %parallel_loop3A_476 = arith.constant 16 : i32
        %parallel_loop3A_477 = tpu.memref_slice %arg10[%parallel_loop3A_476] : memref<8320xf32, #tpu.memory_space<vmem>> -> memref<8264xf32, #tpu.memory_space<vmem>>
        %parallel_loop3A_478 = tpu.vector_load_idx %parallel_loop3A_477[%parallel_loop3A_222] : memref<8264xf32, #tpu.memory_space<vmem>>[vector<16xi32>], vector<16xf32>,
        %parallel_loop3A_479 = arith.constant 16 : i32
        %parallel_loop3A_480 = arith.muli %parallel_loop3A_194, %parallel_loop3A_479 : i32
        %parallel_loop3A_481 = arith.constant 2 : i32
        %parallel_loop3A_482 = arith.constant 7 : i32
        %parallel_loop3A_483 = arith.index_cast %parallel_loop3A_481 : i32 to index
        %parallel_loop3A_484 = arith.index_cast %parallel_loop3A_482 : i32 to index
        %parallel_loop3A_485 = arith.index_cast %parallel_loop3A_480 : i32 to index
        %parallel_loop3A_486 = tpu.vector_load %arg8[%parallel_loop3A_483, %parallel_loop3A_484, %parallel_loop3A_485] {strides = array<i32>} : memref<8x8x128xf32, #tpu.memory_space<vmem>>, vector<16xf32>,
        tpu.vector_store %arg8[%parallel_loop3A_483, %parallel_loop3A_484, %parallel_loop3A_485], %parallel_loop3A_478 {strides = array<i32>} : memref<8x8x128xf32, #tpu.memory_space<vmem>>, vector<16xf32>,
        %parallel_loop3A_487 = arith.constant 24 : i32
        %parallel_loop3A_488 = tpu.memref_slice %arg10[%parallel_loop3A_487] : memref<8320xf32, #tpu.memory_space<vmem>> -> memref<8264xf32, #tpu.memory_space<vmem>>
        %parallel_loop3A_489 = tpu.vector_load_idx %parallel_loop3A_488[%parallel_loop3A_201] : memref<8264xf32, #tpu.memory_space<vmem>>[vector<16xi32>], vector<16xf32>,
        %parallel_loop3A_490 = arith.constant 16 : i32
        %parallel_loop3A_491 = arith.muli %parallel_loop3A_194, %parallel_loop3A_490 : i32
        %parallel_loop3A_492 = arith.constant 3 : i32
        %parallel_loop3A_493 = arith.constant 0 : i32
        %parallel_loop3A_494 = arith.index_cast %parallel_loop3A_492 : i32 to index
        %parallel_loop3A_495 = arith.index_cast %parallel_loop3A_493 : i32 to index
        %parallel_loop3A_496 = arith.index_cast %parallel_loop3A_491 : i32 to index
        %parallel_loop3A_497 = tpu.vector_load %arg8[%parallel_loop3A_494, %parallel_loop3A_495, %parallel_loop3A_496] {strides = array<i32>} : memref<8x8x128xf32, #tpu.memory_space<vmem>>, vector<16xf32>,
        tpu.vector_store %arg8[%parallel_loop3A_494, %parallel_loop3A_495, %parallel_loop3A_496], %parallel_loop3A_489 {strides = array<i32>} : memref<8x8x128xf32, #tpu.memory_space<vmem>>, vector<16xf32>,
        %parallel_loop3A_498 = arith.constant 24 : i32
        %parallel_loop3A_499 = tpu.memref_slice %arg10[%parallel_loop3A_498] : memref<8320xf32, #tpu.memory_space<vmem>> -> memref<8264xf32, #tpu.memory_space<vmem>>
        %parallel_loop3A_500 = tpu.vector_load_idx %parallel_loop3A_499[%parallel_loop3A_204] : memref<8264xf32, #tpu.memory_space<vmem>>[vector<16xi32>], vector<16xf32>,
        %parallel_loop3A_501 = arith.constant 16 : i32
        %parallel_loop3A_502 = arith.muli %parallel_loop3A_194, %parallel_loop3A_501 : i32
        %parallel_loop3A_503 = arith.constant 3 : i32
        %parallel_loop3A_504 = arith.constant 1 : i32
        %parallel_loop3A_505 = arith.index_cast %parallel_loop3A_503 : i32 to index
        %parallel_loop3A_506 = arith.index_cast %parallel_loop3A_504 : i32 to index
        %parallel_loop3A_507 = arith.index_cast %parallel_loop3A_502 : i32 to index
        %parallel_loop3A_508 = tpu.vector_load %arg8[%parallel_loop3A_505, %parallel_loop3A_506, %parallel_loop3A_507] {strides = array<i32>} : memref<8x8x128xf32, #tpu.memory_space<vmem>>, vector<16xf32>,
        tpu.vector_store %arg8[%parallel_loop3A_505, %parallel_loop3A_506, %parallel_loop3A_507], %parallel_loop3A_500 {strides = array<i32>} : memref<8x8x128xf32, #tpu.memory_space<vmem>>, vector<16xf32>,
        %parallel_loop3A_509 = arith.constant 24 : i32
        %parallel_loop3A_510 = tpu.memref_slice %arg10[%parallel_loop3A_509] : memref<8320xf32, #tpu.memory_space<vmem>> -> memref<8264xf32, #tpu.memory_space<vmem>>
        %parallel_loop3A_511 = tpu.vector_load_idx %parallel_loop3A_510[%parallel_loop3A_207] : memref<8264xf32, #tpu.memory_space<vmem>>[vector<16xi32>], vector<16xf32>,
        %parallel_loop3A_512 = arith.constant 16 : i32
        %parallel_loop3A_513 = arith.muli %parallel_loop3A_194, %parallel_loop3A_512 : i32
        %parallel_loop3A_514 = arith.constant 3 : i32
        %parallel_loop3A_515 = arith.constant 2 : i32
        %parallel_loop3A_516 = arith.index_cast %parallel_loop3A_514 : i32 to index
        %parallel_loop3A_517 = arith.index_cast %parallel_loop3A_515 : i32 to index
        %parallel_loop3A_518 = arith.index_cast %parallel_loop3A_513 : i32 to index
        %parallel_loop3A_519 = tpu.vector_load %arg8[%parallel_loop3A_516, %parallel_loop3A_517, %parallel_loop3A_518] {strides = array<i32>} : memref<8x8x128xf32, #tpu.memory_space<vmem>>, vector<16xf32>,
        tpu.vector_store %arg8[%parallel_loop3A_516, %parallel_loop3A_517, %parallel_loop3A_518], %parallel_loop3A_511 {strides = array<i32>} : memref<8x8x128xf32, #tpu.memory_space<vmem>>, vector<16xf32>,
        %parallel_loop3A_520 = arith.constant 24 : i32
        %parallel_loop3A_521 = tpu.memref_slice %arg10[%parallel_loop3A_520] : memref<8320xf32, #tpu.memory_space<vmem>> -> memref<8264xf32, #tpu.memory_space<vmem>>
        %parallel_loop3A_522 = tpu.vector_load_idx %parallel_loop3A_521[%parallel_loop3A_210] : memref<8264xf32, #tpu.memory_space<vmem>>[vector<16xi32>], vector<16xf32>,
        %parallel_loop3A_523 = arith.constant 16 : i32
        %parallel_loop3A_524 = arith.muli %parallel_loop3A_194, %parallel_loop3A_523 : i32
        %parallel_loop3A_525 = arith.constant 3 : i32
        %parallel_loop3A_526 = arith.constant 3 : i32
        %parallel_loop3A_527 = arith.index_cast %parallel_loop3A_525 : i32 to index
        %parallel_loop3A_528 = arith.index_cast %parallel_loop3A_526 : i32 to index
        %parallel_loop3A_529 = arith.index_cast %parallel_loop3A_524 : i32 to index
        %parallel_loop3A_530 = tpu.vector_load %arg8[%parallel_loop3A_527, %parallel_loop3A_528, %parallel_loop3A_529] {strides = array<i32>} : memref<8x8x128xf32, #tpu.memory_space<vmem>>, vector<16xf32>,
        tpu.vector_store %arg8[%parallel_loop3A_527, %parallel_loop3A_528, %parallel_loop3A_529], %parallel_loop3A_522 {strides = array<i32>} : memref<8x8x128xf32, #tpu.memory_space<vmem>>, vector<16xf32>,
        %parallel_loop3A_531 = arith.constant 24 : i32
        %parallel_loop3A_532 = tpu.memref_slice %arg10[%parallel_loop3A_531] : memref<8320xf32, #tpu.memory_space<vmem>> -> memref<8264xf32, #tpu.memory_space<vmem>>
        %parallel_loop3A_533 = tpu.vector_load_idx %parallel_loop3A_532[%parallel_loop3A_213] : memref<8264xf32, #tpu.memory_space<vmem>>[vector<16xi32>], vector<16xf32>,
        %parallel_loop3A_534 = arith.constant 16 : i32
        %parallel_loop3A_535 = arith.muli %parallel_loop3A_194, %parallel_loop3A_534 : i32
        %parallel_loop3A_536 = arith.constant 3 : i32
        %parallel_loop3A_537 = arith.constant 4 : i32
        %parallel_loop3A_538 = arith.index_cast %parallel_loop3A_536 : i32 to index
        %parallel_loop3A_539 = arith.index_cast %parallel_loop3A_537 : i32 to index
        %parallel_loop3A_540 = arith.index_cast %parallel_loop3A_535 : i32 to index
        %parallel_loop3A_541 = tpu.vector_load %arg8[%parallel_loop3A_538, %parallel_loop3A_539, %parallel_loop3A_540] {strides = array<i32>} : memref<8x8x128xf32, #tpu.memory_space<vmem>>, vector<16xf32>,
        tpu.vector_store %arg8[%parallel_loop3A_538, %parallel_loop3A_539, %parallel_loop3A_540], %parallel_loop3A_533 {strides = array<i32>} : memref<8x8x128xf32, #tpu.memory_space<vmem>>, vector<16xf32>,
        %parallel_loop3A_542 = arith.constant 24 : i32
        %parallel_loop3A_543 = tpu.memref_slice %arg10[%parallel_loop3A_542] : memref<8320xf32, #tpu.memory_space<vmem>> -> memref<8264xf32, #tpu.memory_space<vmem>>
        %parallel_loop3A_544 = tpu.vector_load_idx %parallel_loop3A_543[%parallel_loop3A_216] : memref<8264xf32, #tpu.memory_space<vmem>>[vector<16xi32>], vector<16xf32>,
        %parallel_loop3A_545 = arith.constant 16 : i32
        %parallel_loop3A_546 = arith.muli %parallel_loop3A_194, %parallel_loop3A_545 : i32
        %parallel_loop3A_547 = arith.constant 3 : i32
        %parallel_loop3A_548 = arith.constant 5 : i32
        %parallel_loop3A_549 = arith.index_cast %parallel_loop3A_547 : i32 to index
        %parallel_loop3A_550 = arith.index_cast %parallel_loop3A_548 : i32 to index
        %parallel_loop3A_551 = arith.index_cast %parallel_loop3A_546 : i32 to index
        %parallel_loop3A_552 = tpu.vector_load %arg8[%parallel_loop3A_549, %parallel_loop3A_550, %parallel_loop3A_551] {strides = array<i32>} : memref<8x8x128xf32, #tpu.memory_space<vmem>>, vector<16xf32>,
        tpu.vector_store %arg8[%parallel_loop3A_549, %parallel_loop3A_550, %parallel_loop3A_551], %parallel_loop3A_544 {strides = array<i32>} : memref<8x8x128xf32, #tpu.memory_space<vmem>>, vector<16xf32>,
        %parallel_loop3A_553 = arith.constant 24 : i32
        %parallel_loop3A_554 = tpu.memref_slice %arg10[%parallel_loop3A_553] : memref<8320xf32, #tpu.memory_space<vmem>> -> memref<8264xf32, #tpu.memory_space<vmem>>
        %parallel_loop3A_555 = tpu.vector_load_idx %parallel_loop3A_554[%parallel_loop3A_219] : memref<8264xf32, #tpu.memory_space<vmem>>[vector<16xi32>], vector<16xf32>,
        %parallel_loop3A_556 = arith.constant 16 : i32
        %parallel_loop3A_557 = arith.muli %parallel_loop3A_194, %parallel_loop3A_556 : i32
        %parallel_loop3A_558 = arith.constant 3 : i32
        %parallel_loop3A_559 = arith.constant 6 : i32
        %parallel_loop3A_560 = arith.index_cast %parallel_loop3A_558 : i32 to index
        %parallel_loop3A_561 = arith.index_cast %parallel_loop3A_559 : i32 to index
        %parallel_loop3A_562 = arith.index_cast %parallel_loop3A_557 : i32 to index
        %parallel_loop3A_563 = tpu.vector_load %arg8[%parallel_loop3A_560, %parallel_loop3A_561, %parallel_loop3A_562] {strides = array<i32>} : memref<8x8x128xf32, #tpu.memory_space<vmem>>, vector<16xf32>,
        tpu.vector_store %arg8[%parallel_loop3A_560, %parallel_loop3A_561, %parallel_loop3A_562], %parallel_loop3A_555 {strides = array<i32>} : memref<8x8x128xf32, #tpu.memory_space<vmem>>, vector<16xf32>,
        %parallel_loop3A_564 = arith.constant 24 : i32
        %parallel_loop3A_565 = tpu.memref_slice %arg10[%parallel_loop3A_564] : memref<8320xf32, #tpu.memory_space<vmem>> -> memref<8264xf32, #tpu.memory_space<vmem>>
        %parallel_loop3A_566 = tpu.vector_load_idx %parallel_loop3A_565[%parallel_loop3A_222] : memref<8264xf32, #tpu.memory_space<vmem>>[vector<16xi32>], vector<16xf32>,
        %parallel_loop3A_567 = arith.constant 16 : i32
        %parallel_loop3A_568 = arith.muli %parallel_loop3A_194, %parallel_loop3A_567 : i32
        %parallel_loop3A_569 = arith.constant 3 : i32
        %parallel_loop3A_570 = arith.constant 7 : i32
        %parallel_loop3A_571 = arith.index_cast %parallel_loop3A_569 : i32 to index
        %parallel_loop3A_572 = arith.index_cast %parallel_loop3A_570 : i32 to index
        %parallel_loop3A_573 = arith.index_cast %parallel_loop3A_568 : i32 to index
        %parallel_loop3A_574 = tpu.vector_load %arg8[%parallel_loop3A_571, %parallel_loop3A_572, %parallel_loop3A_573] {strides = array<i32>} : memref<8x8x128xf32, #tpu.memory_space<vmem>>, vector<16xf32>,
        tpu.vector_store %arg8[%parallel_loop3A_571, %parallel_loop3A_572, %parallel_loop3A_573], %parallel_loop3A_566 {strides = array<i32>} : memref<8x8x128xf32, #tpu.memory_space<vmem>>, vector<16xf32>,
        %parallel_loop3A_575 = arith.constant 32 : i32
        %parallel_loop3A_576 = tpu.memref_slice %arg10[%parallel_loop3A_575] : memref<8320xf32, #tpu.memory_space<vmem>> -> memref<8264xf32, #tpu.memory_space<vmem>>
        %parallel_loop3A_577 = tpu.vector_load_idx %parallel_loop3A_576[%parallel_loop3A_201] : memref<8264xf32, #tpu.memory_space<vmem>>[vector<16xi32>], vector<16xf32>,
        %parallel_loop3A_578 = arith.constant 16 : i32
        %parallel_loop3A_579 = arith.muli %parallel_loop3A_194, %parallel_loop3A_578 : i32
        %parallel_loop3A_580 = arith.constant 4 : i32
        %parallel_loop3A_581 = arith.constant 0 : i32
        %parallel_loop3A_582 = arith.index_cast %parallel_loop3A_580 : i32 to index
        %parallel_loop3A_583 = arith.index_cast %parallel_loop3A_581 : i32 to index
        %parallel_loop3A_584 = arith.index_cast %parallel_loop3A_579 : i32 to index
        %parallel_loop3A_585 = tpu.vector_load %arg8[%parallel_loop3A_582, %parallel_loop3A_583, %parallel_loop3A_584] {strides = array<i32>} : memref<8x8x128xf32, #tpu.memory_space<vmem>>, vector<16xf32>,
        tpu.vector_store %arg8[%parallel_loop3A_582, %parallel_loop3A_583, %parallel_loop3A_584], %parallel_loop3A_577 {strides = array<i32>} : memref<8x8x128xf32, #tpu.memory_space<vmem>>, vector<16xf32>,
        %parallel_loop3A_586 = arith.constant 32 : i32
        %parallel_loop3A_587 = tpu.memref_slice %arg10[%parallel_loop3A_586] : memref<8320xf32, #tpu.memory_space<vmem>> -> memref<8264xf32, #tpu.memory_space<vmem>>
        %parallel_loop3A_588 = tpu.vector_load_idx %parallel_loop3A_587[%parallel_loop3A_204] : memref<8264xf32, #tpu.memory_space<vmem>>[vector<16xi32>], vector<16xf32>,
        %parallel_loop3A_589 = arith.constant 16 : i32
        %parallel_loop3A_590 = arith.muli %parallel_loop3A_194, %parallel_loop3A_589 : i32
        %parallel_loop3A_591 = arith.constant 4 : i32
        %parallel_loop3A_592 = arith.constant 1 : i32
        %parallel_loop3A_593 = arith.index_cast %parallel_loop3A_591 : i32 to index
        %parallel_loop3A_594 = arith.index_cast %parallel_loop3A_592 : i32 to index
        %parallel_loop3A_595 = arith.index_cast %parallel_loop3A_590 : i32 to index
        %parallel_loop3A_596 = tpu.vector_load %arg8[%parallel_loop3A_593, %parallel_loop3A_594, %parallel_loop3A_595] {strides = array<i32>} : memref<8x8x128xf32, #tpu.memory_space<vmem>>, vector<16xf32>,
        tpu.vector_store %arg8[%parallel_loop3A_593, %parallel_loop3A_594, %parallel_loop3A_595], %parallel_loop3A_588 {strides = array<i32>} : memref<8x8x128xf32, #tpu.memory_space<vmem>>, vector<16xf32>,
        %parallel_loop3A_597 = arith.constant 32 : i32
        %parallel_loop3A_598 = tpu.memref_slice %arg10[%parallel_loop3A_597] : memref<8320xf32, #tpu.memory_space<vmem>> -> memref<8264xf32, #tpu.memory_space<vmem>>
        %parallel_loop3A_599 = tpu.vector_load_idx %parallel_loop3A_598[%parallel_loop3A_207] : memref<8264xf32, #tpu.memory_space<vmem>>[vector<16xi32>], vector<16xf32>,
        %parallel_loop3A_600 = arith.constant 16 : i32
        %parallel_loop3A_601 = arith.muli %parallel_loop3A_194, %parallel_loop3A_600 : i32
        %parallel_loop3A_602 = arith.constant 4 : i32
        %parallel_loop3A_603 = arith.constant 2 : i32
        %parallel_loop3A_604 = arith.index_cast %parallel_loop3A_602 : i32 to index
        %parallel_loop3A_605 = arith.index_cast %parallel_loop3A_603 : i32 to index
        %parallel_loop3A_606 = arith.index_cast %parallel_loop3A_601 : i32 to index
        %parallel_loop3A_607 = tpu.vector_load %arg8[%parallel_loop3A_604, %parallel_loop3A_605, %parallel_loop3A_606] {strides = array<i32>} : memref<8x8x128xf32, #tpu.memory_space<vmem>>, vector<16xf32>,
        tpu.vector_store %arg8[%parallel_loop3A_604, %parallel_loop3A_605, %parallel_loop3A_606], %parallel_loop3A_599 {strides = array<i32>} : memref<8x8x128xf32, #tpu.memory_space<vmem>>, vector<16xf32>,
        %parallel_loop3A_608 = arith.constant 32 : i32
        %parallel_loop3A_609 = tpu.memref_slice %arg10[%parallel_loop3A_608] : memref<8320xf32, #tpu.memory_space<vmem>> -> memref<8264xf32, #tpu.memory_space<vmem>>
        %parallel_loop3A_610 = tpu.vector_load_idx %parallel_loop3A_609[%parallel_loop3A_210] : memref<8264xf32, #tpu.memory_space<vmem>>[vector<16xi32>], vector<16xf32>,
        %parallel_loop3A_611 = arith.constant 16 : i32
        %parallel_loop3A_612 = arith.muli %parallel_loop3A_194, %parallel_loop3A_611 : i32
        %parallel_loop3A_613 = arith.constant 4 : i32
        %parallel_loop3A_614 = arith.constant 3 : i32
        %parallel_loop3A_615 = arith.index_cast %parallel_loop3A_613 : i32 to index
        %parallel_loop3A_616 = arith.index_cast %parallel_loop3A_614 : i32 to index
        %parallel_loop3A_617 = arith.index_cast %parallel_loop3A_612 : i32 to index
        %parallel_loop3A_618 = tpu.vector_load %arg8[%parallel_loop3A_615, %parallel_loop3A_616, %parallel_loop3A_617] {strides = array<i32>} : memref<8x8x128xf32, #tpu.memory_space<vmem>>, vector<16xf32>,
        tpu.vector_store %arg8[%parallel_loop3A_615, %parallel_loop3A_616, %parallel_loop3A_617], %parallel_loop3A_610 {strides = array<i32>} : memref<8x8x128xf32, #tpu.memory_space<vmem>>, vector<16xf32>,
        %parallel_loop3A_619 = arith.constant 32 : i32
        %parallel_loop3A_620 = tpu.memref_slice %arg10[%parallel_loop3A_619] : memref<8320xf32, #tpu.memory_space<vmem>> -> memref<8264xf32, #tpu.memory_space<vmem>>
        %parallel_loop3A_621 = tpu.vector_load_idx %parallel_loop3A_620[%parallel_loop3A_213] : memref<8264xf32, #tpu.memory_space<vmem>>[vector<16xi32>], vector<16xf32>,
        %parallel_loop3A_622 = arith.constant 16 : i32
        %parallel_loop3A_623 = arith.muli %parallel_loop3A_194, %parallel_loop3A_622 : i32
        %parallel_loop3A_624 = arith.constant 4 : i32
        %parallel_loop3A_625 = arith.constant 4 : i32
        %parallel_loop3A_626 = arith.index_cast %parallel_loop3A_624 : i32 to index
        %parallel_loop3A_627 = arith.index_cast %parallel_loop3A_625 : i32 to index
        %parallel_loop3A_628 = arith.index_cast %parallel_loop3A_623 : i32 to index
        %parallel_loop3A_629 = tpu.vector_load %arg8[%parallel_loop3A_626, %parallel_loop3A_627, %parallel_loop3A_628] {strides = array<i32>} : memref<8x8x128xf32, #tpu.memory_space<vmem>>, vector<16xf32>,
        tpu.vector_store %arg8[%parallel_loop3A_626, %parallel_loop3A_627, %parallel_loop3A_628], %parallel_loop3A_621 {strides = array<i32>} : memref<8x8x128xf32, #tpu.memory_space<vmem>>, vector<16xf32>,
        %parallel_loop3A_630 = arith.constant 32 : i32
        %parallel_loop3A_631 = tpu.memref_slice %arg10[%parallel_loop3A_630] : memref<8320xf32, #tpu.memory_space<vmem>> -> memref<8264xf32, #tpu.memory_space<vmem>>
        %parallel_loop3A_632 = tpu.vector_load_idx %parallel_loop3A_631[%parallel_loop3A_216] : memref<8264xf32, #tpu.memory_space<vmem>>[vector<16xi32>], vector<16xf32>,
        %parallel_loop3A_633 = arith.constant 16 : i32
        %parallel_loop3A_634 = arith.muli %parallel_loop3A_194, %parallel_loop3A_633 : i32
        %parallel_loop3A_635 = arith.constant 4 : i32
        %parallel_loop3A_636 = arith.constant 5 : i32
        %parallel_loop3A_637 = arith.index_cast %parallel_loop3A_635 : i32 to index
        %parallel_loop3A_638 = arith.index_cast %parallel_loop3A_636 : i32 to index
        %parallel_loop3A_639 = arith.index_cast %parallel_loop3A_634 : i32 to index
        %parallel_loop3A_640 = tpu.vector_load %arg8[%parallel_loop3A_637, %parallel_loop3A_638, %parallel_loop3A_639] {strides = array<i32>} : memref<8x8x128xf32, #tpu.memory_space<vmem>>, vector<16xf32>,
        tpu.vector_store %arg8[%parallel_loop3A_637, %parallel_loop3A_638, %parallel_loop3A_639], %parallel_loop3A_632 {strides = array<i32>} : memref<8x8x128xf32, #tpu.memory_space<vmem>>, vector<16xf32>,
        %parallel_loop3A_641 = arith.constant 32 : i32
        %parallel_loop3A_642 = tpu.memref_slice %arg10[%parallel_loop3A_641] : memref<8320xf32, #tpu.memory_space<vmem>> -> memref<8264xf32, #tpu.memory_space<vmem>>
        %parallel_loop3A_643 = tpu.vector_load_idx %parallel_loop3A_642[%parallel_loop3A_219] : memref<8264xf32, #tpu.memory_space<vmem>>[vector<16xi32>], vector<16xf32>,
        %parallel_loop3A_644 = arith.constant 16 : i32
        %parallel_loop3A_645 = arith.muli %parallel_loop3A_194, %parallel_loop3A_644 : i32
        %parallel_loop3A_646 = arith.constant 4 : i32
        %parallel_loop3A_647 = arith.constant 6 : i32
        %parallel_loop3A_648 = arith.index_cast %parallel_loop3A_646 : i32 to index
        %parallel_loop3A_649 = arith.index_cast %parallel_loop3A_647 : i32 to index
        %parallel_loop3A_650 = arith.index_cast %parallel_loop3A_645 : i32 to index
        %parallel_loop3A_651 = tpu.vector_load %arg8[%parallel_loop3A_648, %parallel_loop3A_649, %parallel_loop3A_650] {strides = array<i32>} : memref<8x8x128xf32, #tpu.memory_space<vmem>>, vector<16xf32>,
        tpu.vector_store %arg8[%parallel_loop3A_648, %parallel_loop3A_649, %parallel_loop3A_650], %parallel_loop3A_643 {strides = array<i32>} : memref<8x8x128xf32, #tpu.memory_space<vmem>>, vector<16xf32>,
        %parallel_loop3A_652 = arith.constant 32 : i32
        %parallel_loop3A_653 = tpu.memref_slice %arg10[%parallel_loop3A_652] : memref<8320xf32, #tpu.memory_space<vmem>> -> memref<8264xf32, #tpu.memory_space<vmem>>
        %parallel_loop3A_654 = tpu.vector_load_idx %parallel_loop3A_653[%parallel_loop3A_222] : memref<8264xf32, #tpu.memory_space<vmem>>[vector<16xi32>], vector<16xf32>,
        %parallel_loop3A_655 = arith.constant 16 : i32
        %parallel_loop3A_656 = arith.muli %parallel_loop3A_194, %parallel_loop3A_655 : i32
        %parallel_loop3A_657 = arith.constant 4 : i32
        %parallel_loop3A_658 = arith.constant 7 : i32
        %parallel_loop3A_659 = arith.index_cast %parallel_loop3A_657 : i32 to index
        %parallel_loop3A_660 = arith.index_cast %parallel_loop3A_658 : i32 to index
        %parallel_loop3A_661 = arith.index_cast %parallel_loop3A_656 : i32 to index
        %parallel_loop3A_662 = tpu.vector_load %arg8[%parallel_loop3A_659, %parallel_loop3A_660, %parallel_loop3A_661] {strides = array<i32>} : memref<8x8x128xf32, #tpu.memory_space<vmem>>, vector<16xf32>,
        tpu.vector_store %arg8[%parallel_loop3A_659, %parallel_loop3A_660, %parallel_loop3A_661], %parallel_loop3A_654 {strides = array<i32>} : memref<8x8x128xf32, #tpu.memory_space<vmem>>, vector<16xf32>,
        %parallel_loop3A_663 = arith.constant 40 : i32
        %parallel_loop3A_664 = tpu.memref_slice %arg10[%parallel_loop3A_663] : memref<8320xf32, #tpu.memory_space<vmem>> -> memref<8264xf32, #tpu.memory_space<vmem>>
        %parallel_loop3A_665 = tpu.vector_load_idx %parallel_loop3A_664[%parallel_loop3A_201] : memref<8264xf32, #tpu.memory_space<vmem>>[vector<16xi32>], vector<16xf32>,
        %parallel_loop3A_666 = arith.constant 16 : i32
        %parallel_loop3A_667 = arith.muli %parallel_loop3A_194, %parallel_loop3A_666 : i32
        %parallel_loop3A_668 = arith.constant 5 : i32
        %parallel_loop3A_669 = arith.constant 0 : i32
        %parallel_loop3A_670 = arith.index_cast %parallel_loop3A_668 : i32 to index
        %parallel_loop3A_671 = arith.index_cast %parallel_loop3A_669 : i32 to index
        %parallel_loop3A_672 = arith.index_cast %parallel_loop3A_667 : i32 to index
        %parallel_loop3A_673 = tpu.vector_load %arg8[%parallel_loop3A_670, %parallel_loop3A_671, %parallel_loop3A_672] {strides = array<i32>} : memref<8x8x128xf32, #tpu.memory_space<vmem>>, vector<16xf32>,
        tpu.vector_store %arg8[%parallel_loop3A_670, %parallel_loop3A_671, %parallel_loop3A_672], %parallel_loop3A_665 {strides = array<i32>} : memref<8x8x128xf32, #tpu.memory_space<vmem>>, vector<16xf32>,
        %parallel_loop3A_674 = arith.constant 40 : i32
        %parallel_loop3A_675 = tpu.memref_slice %arg10[%parallel_loop3A_674] : memref<8320xf32, #tpu.memory_space<vmem>> -> memref<8264xf32, #tpu.memory_space<vmem>>
        %parallel_loop3A_676 = tpu.vector_load_idx %parallel_loop3A_675[%parallel_loop3A_204] : memref<8264xf32, #tpu.memory_space<vmem>>[vector<16xi32>], vector<16xf32>,
        %parallel_loop3A_677 = arith.constant 16 : i32
        %parallel_loop3A_678 = arith.muli %parallel_loop3A_194, %parallel_loop3A_677 : i32
        %parallel_loop3A_679 = arith.constant 5 : i32
        %parallel_loop3A_680 = arith.constant 1 : i32
        %parallel_loop3A_681 = arith.index_cast %parallel_loop3A_679 : i32 to index
        %parallel_loop3A_682 = arith.index_cast %parallel_loop3A_680 : i32 to index
        %parallel_loop3A_683 = arith.index_cast %parallel_loop3A_678 : i32 to index
        %parallel_loop3A_684 = tpu.vector_load %arg8[%parallel_loop3A_681, %parallel_loop3A_682, %parallel_loop3A_683] {strides = array<i32>} : memref<8x8x128xf32, #tpu.memory_space<vmem>>, vector<16xf32>,
        tpu.vector_store %arg8[%parallel_loop3A_681, %parallel_loop3A_682, %parallel_loop3A_683], %parallel_loop3A_676 {strides = array<i32>} : memref<8x8x128xf32, #tpu.memory_space<vmem>>, vector<16xf32>,
        %parallel_loop3A_685 = arith.constant 40 : i32
        %parallel_loop3A_686 = tpu.memref_slice %arg10[%parallel_loop3A_685] : memref<8320xf32, #tpu.memory_space<vmem>> -> memref<8264xf32, #tpu.memory_space<vmem>>
        %parallel_loop3A_687 = tpu.vector_load_idx %parallel_loop3A_686[%parallel_loop3A_207] : memref<8264xf32, #tpu.memory_space<vmem>>[vector<16xi32>], vector<16xf32>,
        %parallel_loop3A_688 = arith.constant 16 : i32
        %parallel_loop3A_689 = arith.muli %parallel_loop3A_194, %parallel_loop3A_688 : i32
        %parallel_loop3A_690 = arith.constant 5 : i32
        %parallel_loop3A_691 = arith.constant 2 : i32
        %parallel_loop3A_692 = arith.index_cast %parallel_loop3A_690 : i32 to index
        %parallel_loop3A_693 = arith.index_cast %parallel_loop3A_691 : i32 to index
        %parallel_loop3A_694 = arith.index_cast %parallel_loop3A_689 : i32 to index
        %parallel_loop3A_695 = tpu.vector_load %arg8[%parallel_loop3A_692, %parallel_loop3A_693, %parallel_loop3A_694] {strides = array<i32>} : memref<8x8x128xf32, #tpu.memory_space<vmem>>, vector<16xf32>,
        tpu.vector_store %arg8[%parallel_loop3A_692, %parallel_loop3A_693, %parallel_loop3A_694], %parallel_loop3A_687 {strides = array<i32>} : memref<8x8x128xf32, #tpu.memory_space<vmem>>, vector<16xf32>,
        %parallel_loop3A_696 = arith.constant 40 : i32
        %parallel_loop3A_697 = tpu.memref_slice %arg10[%parallel_loop3A_696] : memref<8320xf32, #tpu.memory_space<vmem>> -> memref<8264xf32, #tpu.memory_space<vmem>>
        %parallel_loop3A_698 = tpu.vector_load_idx %parallel_loop3A_697[%parallel_loop3A_210] : memref<8264xf32, #tpu.memory_space<vmem>>[vector<16xi32>], vector<16xf32>,
        %parallel_loop3A_699 = arith.constant 16 : i32
        %parallel_loop3A_700 = arith.muli %parallel_loop3A_194, %parallel_loop3A_699 : i32
        %parallel_loop3A_701 = arith.constant 5 : i32
        %parallel_loop3A_702 = arith.constant 3 : i32
        %parallel_loop3A_703 = arith.index_cast %parallel_loop3A_701 : i32 to index
        %parallel_loop3A_704 = arith.index_cast %parallel_loop3A_702 : i32 to index
        %parallel_loop3A_705 = arith.index_cast %parallel_loop3A_700 : i32 to index
        %parallel_loop3A_706 = tpu.vector_load %arg8[%parallel_loop3A_703, %parallel_loop3A_704, %parallel_loop3A_705] {strides = array<i32>} : memref<8x8x128xf32, #tpu.memory_space<vmem>>, vector<16xf32>,
        tpu.vector_store %arg8[%parallel_loop3A_703, %parallel_loop3A_704, %parallel_loop3A_705], %parallel_loop3A_698 {strides = array<i32>} : memref<8x8x128xf32, #tpu.memory_space<vmem>>, vector<16xf32>,
        %parallel_loop3A_707 = arith.constant 40 : i32
        %parallel_loop3A_708 = tpu.memref_slice %arg10[%parallel_loop3A_707] : memref<8320xf32, #tpu.memory_space<vmem>> -> memref<8264xf32, #tpu.memory_space<vmem>>
        %parallel_loop3A_709 = tpu.vector_load_idx %parallel_loop3A_708[%parallel_loop3A_213] : memref<8264xf32, #tpu.memory_space<vmem>>[vector<16xi32>], vector<16xf32>,
        %parallel_loop3A_710 = arith.constant 16 : i32
        %parallel_loop3A_711 = arith.muli %parallel_loop3A_194, %parallel_loop3A_710 : i32
        %parallel_loop3A_712 = arith.constant 5 : i32
        %parallel_loop3A_713 = arith.constant 4 : i32
        %parallel_loop3A_714 = arith.index_cast %parallel_loop3A_712 : i32 to index
        %parallel_loop3A_715 = arith.index_cast %parallel_loop3A_713 : i32 to index
        %parallel_loop3A_716 = arith.index_cast %parallel_loop3A_711 : i32 to index
        %parallel_loop3A_717 = tpu.vector_load %arg8[%parallel_loop3A_714, %parallel_loop3A_715, %parallel_loop3A_716] {strides = array<i32>} : memref<8x8x128xf32, #tpu.memory_space<vmem>>, vector<16xf32>,
        tpu.vector_store %arg8[%parallel_loop3A_714, %parallel_loop3A_715, %parallel_loop3A_716], %parallel_loop3A_709 {strides = array<i32>} : memref<8x8x128xf32, #tpu.memory_space<vmem>>, vector<16xf32>,
        %parallel_loop3A_718 = arith.constant 40 : i32
        %parallel_loop3A_719 = tpu.memref_slice %arg10[%parallel_loop3A_718] : memref<8320xf32, #tpu.memory_space<vmem>> -> memref<8264xf32, #tpu.memory_space<vmem>>
        %parallel_loop3A_720 = tpu.vector_load_idx %parallel_loop3A_719[%parallel_loop3A_216] : memref<8264xf32, #tpu.memory_space<vmem>>[vector<16xi32>], vector<16xf32>,
        %parallel_loop3A_721 = arith.constant 16 : i32
        %parallel_loop3A_722 = arith.muli %parallel_loop3A_194, %parallel_loop3A_721 : i32
        %parallel_loop3A_723 = arith.constant 5 : i32
        %parallel_loop3A_724 = arith.constant 5 : i32
        %parallel_loop3A_725 = arith.index_cast %parallel_loop3A_723 : i32 to index
        %parallel_loop3A_726 = arith.index_cast %parallel_loop3A_724 : i32 to index
        %parallel_loop3A_727 = arith.index_cast %parallel_loop3A_722 : i32 to index
        %parallel_loop3A_728 = tpu.vector_load %arg8[%parallel_loop3A_725, %parallel_loop3A_726, %parallel_loop3A_727] {strides = array<i32>} : memref<8x8x128xf32, #tpu.memory_space<vmem>>, vector<16xf32>,
        tpu.vector_store %arg8[%parallel_loop3A_725, %parallel_loop3A_726, %parallel_loop3A_727], %parallel_loop3A_720 {strides = array<i32>} : memref<8x8x128xf32, #tpu.memory_space<vmem>>, vector<16xf32>,
        %parallel_loop3A_729 = arith.constant 40 : i32
        %parallel_loop3A_730 = tpu.memref_slice %arg10[%parallel_loop3A_729] : memref<8320xf32, #tpu.memory_space<vmem>> -> memref<8264xf32, #tpu.memory_space<vmem>>
        %parallel_loop3A_731 = tpu.vector_load_idx %parallel_loop3A_730[%parallel_loop3A_219] : memref<8264xf32, #tpu.memory_space<vmem>>[vector<16xi32>], vector<16xf32>,
        %parallel_loop3A_732 = arith.constant 16 : i32
        %parallel_loop3A_733 = arith.muli %parallel_loop3A_194, %parallel_loop3A_732 : i32
        %parallel_loop3A_734 = arith.constant 5 : i32
        %parallel_loop3A_735 = arith.constant 6 : i32
        %parallel_loop3A_736 = arith.index_cast %parallel_loop3A_734 : i32 to index
        %parallel_loop3A_737 = arith.index_cast %parallel_loop3A_735 : i32 to index
        %parallel_loop3A_738 = arith.index_cast %parallel_loop3A_733 : i32 to index
        %parallel_loop3A_739 = tpu.vector_load %arg8[%parallel_loop3A_736, %parallel_loop3A_737, %parallel_loop3A_738] {strides = array<i32>} : memref<8x8x128xf32, #tpu.memory_space<vmem>>, vector<16xf32>,
        tpu.vector_store %arg8[%parallel_loop3A_736, %parallel_loop3A_737, %parallel_loop3A_738], %parallel_loop3A_731 {strides = array<i32>} : memref<8x8x128xf32, #tpu.memory_space<vmem>>, vector<16xf32>,
        %parallel_loop3A_740 = arith.constant 40 : i32
        %parallel_loop3A_741 = tpu.memref_slice %arg10[%parallel_loop3A_740] : memref<8320xf32, #tpu.memory_space<vmem>> -> memref<8264xf32, #tpu.memory_space<vmem>>
        %parallel_loop3A_742 = tpu.vector_load_idx %parallel_loop3A_741[%parallel_loop3A_222] : memref<8264xf32, #tpu.memory_space<vmem>>[vector<16xi32>], vector<16xf32>,
        %parallel_loop3A_743 = arith.constant 16 : i32
        %parallel_loop3A_744 = arith.muli %parallel_loop3A_194, %parallel_loop3A_743 : i32
        %parallel_loop3A_745 = arith.constant 5 : i32
        %parallel_loop3A_746 = arith.constant 7 : i32
        %parallel_loop3A_747 = arith.index_cast %parallel_loop3A_745 : i32 to index
        %parallel_loop3A_748 = arith.index_cast %parallel_loop3A_746 : i32 to index
        %parallel_loop3A_749 = arith.index_cast %parallel_loop3A_744 : i32 to index
        %parallel_loop3A_750 = tpu.vector_load %arg8[%parallel_loop3A_747, %parallel_loop3A_748, %parallel_loop3A_749] {strides = array<i32>} : memref<8x8x128xf32, #tpu.memory_space<vmem>>, vector<16xf32>,
        tpu.vector_store %arg8[%parallel_loop3A_747, %parallel_loop3A_748, %parallel_loop3A_749], %parallel_loop3A_742 {strides = array<i32>} : memref<8x8x128xf32, #tpu.memory_space<vmem>>, vector<16xf32>,
        %parallel_loop3A_751 = arith.constant 48 : i32
        %parallel_loop3A_752 = tpu.memref_slice %arg10[%parallel_loop3A_751] : memref<8320xf32, #tpu.memory_space<vmem>> -> memref<8264xf32, #tpu.memory_space<vmem>>
        %parallel_loop3A_753 = tpu.vector_load_idx %parallel_loop3A_752[%parallel_loop3A_201] : memref<8264xf32, #tpu.memory_space<vmem>>[vector<16xi32>], vector<16xf32>,
        %parallel_loop3A_754 = arith.constant 16 : i32
        %parallel_loop3A_755 = arith.muli %parallel_loop3A_194, %parallel_loop3A_754 : i32
        %parallel_loop3A_756 = arith.constant 6 : i32
        %parallel_loop3A_757 = arith.constant 0 : i32
        %parallel_loop3A_758 = arith.index_cast %parallel_loop3A_756 : i32 to index
        %parallel_loop3A_759 = arith.index_cast %parallel_loop3A_757 : i32 to index
        %parallel_loop3A_760 = arith.index_cast %parallel_loop3A_755 : i32 to index
        %parallel_loop3A_761 = tpu.vector_load %arg8[%parallel_loop3A_758, %parallel_loop3A_759, %parallel_loop3A_760] {strides = array<i32>} : memref<8x8x128xf32, #tpu.memory_space<vmem>>, vector<16xf32>,
        tpu.vector_store %arg8[%parallel_loop3A_758, %parallel_loop3A_759, %parallel_loop3A_760], %parallel_loop3A_753 {strides = array<i32>} : memref<8x8x128xf32, #tpu.memory_space<vmem>>, vector<16xf32>,
        %parallel_loop3A_762 = arith.constant 48 : i32
        %parallel_loop3A_763 = tpu.memref_slice %arg10[%parallel_loop3A_762] : memref<8320xf32, #tpu.memory_space<vmem>> -> memref<8264xf32, #tpu.memory_space<vmem>>
        %parallel_loop3A_764 = tpu.vector_load_idx %parallel_loop3A_763[%parallel_loop3A_204] : memref<8264xf32, #tpu.memory_space<vmem>>[vector<16xi32>], vector<16xf32>,
        %parallel_loop3A_765 = arith.constant 16 : i32
        %parallel_loop3A_766 = arith.muli %parallel_loop3A_194, %parallel_loop3A_765 : i32
        %parallel_loop3A_767 = arith.constant 6 : i32
        %parallel_loop3A_768 = arith.constant 1 : i32
        %parallel_loop3A_769 = arith.index_cast %parallel_loop3A_767 : i32 to index
        %parallel_loop3A_770 = arith.index_cast %parallel_loop3A_768 : i32 to index
        %parallel_loop3A_771 = arith.index_cast %parallel_loop3A_766 : i32 to index
        %parallel_loop3A_772 = tpu.vector_load %arg8[%parallel_loop3A_769, %parallel_loop3A_770, %parallel_loop3A_771] {strides = array<i32>} : memref<8x8x128xf32, #tpu.memory_space<vmem>>, vector<16xf32>,
        tpu.vector_store %arg8[%parallel_loop3A_769, %parallel_loop3A_770, %parallel_loop3A_771], %parallel_loop3A_764 {strides = array<i32>} : memref<8x8x128xf32, #tpu.memory_space<vmem>>, vector<16xf32>,
        %parallel_loop3A_773 = arith.constant 48 : i32
        %parallel_loop3A_774 = tpu.memref_slice %arg10[%parallel_loop3A_773] : memref<8320xf32, #tpu.memory_space<vmem>> -> memref<8264xf32, #tpu.memory_space<vmem>>
        %parallel_loop3A_775 = tpu.vector_load_idx %parallel_loop3A_774[%parallel_loop3A_207] : memref<8264xf32, #tpu.memory_space<vmem>>[vector<16xi32>], vector<16xf32>,
        %parallel_loop3A_776 = arith.constant 16 : i32
        %parallel_loop3A_777 = arith.muli %parallel_loop3A_194, %parallel_loop3A_776 : i32
        %parallel_loop3A_778 = arith.constant 6 : i32
        %parallel_loop3A_779 = arith.constant 2 : i32
        %parallel_loop3A_780 = arith.index_cast %parallel_loop3A_778 : i32 to index
        %parallel_loop3A_781 = arith.index_cast %parallel_loop3A_779 : i32 to index
        %parallel_loop3A_782 = arith.index_cast %parallel_loop3A_777 : i32 to index
        %parallel_loop3A_783 = tpu.vector_load %arg8[%parallel_loop3A_780, %parallel_loop3A_781, %parallel_loop3A_782] {strides = array<i32>} : memref<8x8x128xf32, #tpu.memory_space<vmem>>, vector<16xf32>,
        tpu.vector_store %arg8[%parallel_loop3A_780, %parallel_loop3A_781, %parallel_loop3A_782], %parallel_loop3A_775 {strides = array<i32>} : memref<8x8x128xf32, #tpu.memory_space<vmem>>, vector<16xf32>,
        %parallel_loop3A_784 = arith.constant 48 : i32
        %parallel_loop3A_785 = tpu.memref_slice %arg10[%parallel_loop3A_784] : memref<8320xf32, #tpu.memory_space<vmem>> -> memref<8264xf32, #tpu.memory_space<vmem>>
        %parallel_loop3A_786 = tpu.vector_load_idx %parallel_loop3A_785[%parallel_loop3A_210] : memref<8264xf32, #tpu.memory_space<vmem>>[vector<16xi32>], vector<16xf32>,
        %parallel_loop3A_787 = arith.constant 16 : i32
        %parallel_loop3A_788 = arith.muli %parallel_loop3A_194, %parallel_loop3A_787 : i32
        %parallel_loop3A_789 = arith.constant 6 : i32
        %parallel_loop3A_790 = arith.constant 3 : i32
        %parallel_loop3A_791 = arith.index_cast %parallel_loop3A_789 : i32 to index
        %parallel_loop3A_792 = arith.index_cast %parallel_loop3A_790 : i32 to index
        %parallel_loop3A_793 = arith.index_cast %parallel_loop3A_788 : i32 to index
        %parallel_loop3A_794 = tpu.vector_load %arg8[%parallel_loop3A_791, %parallel_loop3A_792, %parallel_loop3A_793] {strides = array<i32>} : memref<8x8x128xf32, #tpu.memory_space<vmem>>, vector<16xf32>,
        tpu.vector_store %arg8[%parallel_loop3A_791, %parallel_loop3A_792, %parallel_loop3A_793], %parallel_loop3A_786 {strides = array<i32>} : memref<8x8x128xf32, #tpu.memory_space<vmem>>, vector<16xf32>,
        %parallel_loop3A_795 = arith.constant 48 : i32
        %parallel_loop3A_796 = tpu.memref_slice %arg10[%parallel_loop3A_795] : memref<8320xf32, #tpu.memory_space<vmem>> -> memref<8264xf32, #tpu.memory_space<vmem>>
        %parallel_loop3A_797 = tpu.vector_load_idx %parallel_loop3A_796[%parallel_loop3A_213] : memref<8264xf32, #tpu.memory_space<vmem>>[vector<16xi32>], vector<16xf32>,
        %parallel_loop3A_798 = arith.constant 16 : i32
        %parallel_loop3A_799 = arith.muli %parallel_loop3A_194, %parallel_loop3A_798 : i32
        %parallel_loop3A_800 = arith.constant 6 : i32
        %parallel_loop3A_801 = arith.constant 4 : i32
        %parallel_loop3A_802 = arith.index_cast %parallel_loop3A_800 : i32 to index
        %parallel_loop3A_803 = arith.index_cast %parallel_loop3A_801 : i32 to index
        %parallel_loop3A_804 = arith.index_cast %parallel_loop3A_799 : i32 to index
        %parallel_loop3A_805 = tpu.vector_load %arg8[%parallel_loop3A_802, %parallel_loop3A_803, %parallel_loop3A_804] {strides = array<i32>} : memref<8x8x128xf32, #tpu.memory_space<vmem>>, vector<16xf32>,
        tpu.vector_store %arg8[%parallel_loop3A_802, %parallel_loop3A_803, %parallel_loop3A_804], %parallel_loop3A_797 {strides = array<i32>} : memref<8x8x128xf32, #tpu.memory_space<vmem>>, vector<16xf32>,
        %parallel_loop3A_806 = arith.constant 48 : i32
        %parallel_loop3A_807 = tpu.memref_slice %arg10[%parallel_loop3A_806] : memref<8320xf32, #tpu.memory_space<vmem>> -> memref<8264xf32, #tpu.memory_space<vmem>>
        %parallel_loop3A_808 = tpu.vector_load_idx %parallel_loop3A_807[%parallel_loop3A_216] : memref<8264xf32, #tpu.memory_space<vmem>>[vector<16xi32>], vector<16xf32>,
        %parallel_loop3A_809 = arith.constant 16 : i32
        %parallel_loop3A_810 = arith.muli %parallel_loop3A_194, %parallel_loop3A_809 : i32
        %parallel_loop3A_811 = arith.constant 6 : i32
        %parallel_loop3A_812 = arith.constant 5 : i32
        %parallel_loop3A_813 = arith.index_cast %parallel_loop3A_811 : i32 to index
        %parallel_loop3A_814 = arith.index_cast %parallel_loop3A_812 : i32 to index
        %parallel_loop3A_815 = arith.index_cast %parallel_loop3A_810 : i32 to index
        %parallel_loop3A_816 = tpu.vector_load %arg8[%parallel_loop3A_813, %parallel_loop3A_814, %parallel_loop3A_815] {strides = array<i32>} : memref<8x8x128xf32, #tpu.memory_space<vmem>>, vector<16xf32>,
        tpu.vector_store %arg8[%parallel_loop3A_813, %parallel_loop3A_814, %parallel_loop3A_815], %parallel_loop3A_808 {strides = array<i32>} : memref<8x8x128xf32, #tpu.memory_space<vmem>>, vector<16xf32>,
        %parallel_loop3A_817 = arith.constant 48 : i32
        %parallel_loop3A_818 = tpu.memref_slice %arg10[%parallel_loop3A_817] : memref<8320xf32, #tpu.memory_space<vmem>> -> memref<8264xf32, #tpu.memory_space<vmem>>
        %parallel_loop3A_819 = tpu.vector_load_idx %parallel_loop3A_818[%parallel_loop3A_219] : memref<8264xf32, #tpu.memory_space<vmem>>[vector<16xi32>], vector<16xf32>,
        %parallel_loop3A_820 = arith.constant 16 : i32
        %parallel_loop3A_821 = arith.muli %parallel_loop3A_194, %parallel_loop3A_820 : i32
        %parallel_loop3A_822 = arith.constant 6 : i32
        %parallel_loop3A_823 = arith.constant 6 : i32
        %parallel_loop3A_824 = arith.index_cast %parallel_loop3A_822 : i32 to index
        %parallel_loop3A_825 = arith.index_cast %parallel_loop3A_823 : i32 to index
        %parallel_loop3A_826 = arith.index_cast %parallel_loop3A_821 : i32 to index
        %parallel_loop3A_827 = tpu.vector_load %arg8[%parallel_loop3A_824, %parallel_loop3A_825, %parallel_loop3A_826] {strides = array<i32>} : memref<8x8x128xf32, #tpu.memory_space<vmem>>, vector<16xf32>,
        tpu.vector_store %arg8[%parallel_loop3A_824, %parallel_loop3A_825, %parallel_loop3A_826], %parallel_loop3A_819 {strides = array<i32>} : memref<8x8x128xf32, #tpu.memory_space<vmem>>, vector<16xf32>,
        %parallel_loop3A_828 = arith.constant 48 : i32
        %parallel_loop3A_829 = tpu.memref_slice %arg10[%parallel_loop3A_828] : memref<8320xf32, #tpu.memory_space<vmem>> -> memref<8264xf32, #tpu.memory_space<vmem>>
        %parallel_loop3A_830 = tpu.vector_load_idx %parallel_loop3A_829[%parallel_loop3A_222] : memref<8264xf32, #tpu.memory_space<vmem>>[vector<16xi32>], vector<16xf32>,
        %parallel_loop3A_831 = arith.constant 16 : i32
        %parallel_loop3A_832 = arith.muli %parallel_loop3A_194, %parallel_loop3A_831 : i32
        %parallel_loop3A_833 = arith.constant 6 : i32
        %parallel_loop3A_834 = arith.constant 7 : i32
        %parallel_loop3A_835 = arith.index_cast %parallel_loop3A_833 : i32 to index
        %parallel_loop3A_836 = arith.index_cast %parallel_loop3A_834 : i32 to index
        %parallel_loop3A_837 = arith.index_cast %parallel_loop3A_832 : i32 to index
        %parallel_loop3A_838 = tpu.vector_load %arg8[%parallel_loop3A_835, %parallel_loop3A_836, %parallel_loop3A_837] {strides = array<i32>} : memref<8x8x128xf32, #tpu.memory_space<vmem>>, vector<16xf32>,
        tpu.vector_store %arg8[%parallel_loop3A_835, %parallel_loop3A_836, %parallel_loop3A_837], %parallel_loop3A_830 {strides = array<i32>} : memref<8x8x128xf32, #tpu.memory_space<vmem>>, vector<16xf32>,
        %parallel_loop3A_839 = arith.constant 56 : i32
        %parallel_loop3A_840 = tpu.memref_slice %arg10[%parallel_loop3A_839] : memref<8320xf32, #tpu.memory_space<vmem>> -> memref<8264xf32, #tpu.memory_space<vmem>>
        %parallel_loop3A_841 = tpu.vector_load_idx %parallel_loop3A_840[%parallel_loop3A_201] : memref<8264xf32, #tpu.memory_space<vmem>>[vector<16xi32>], vector<16xf32>,
        %parallel_loop3A_842 = arith.constant 16 : i32
        %parallel_loop3A_843 = arith.muli %parallel_loop3A_194, %parallel_loop3A_842 : i32
        %parallel_loop3A_844 = arith.constant 7 : i32
        %parallel_loop3A_845 = arith.constant 0 : i32
        %parallel_loop3A_846 = arith.index_cast %parallel_loop3A_844 : i32 to index
        %parallel_loop3A_847 = arith.index_cast %parallel_loop3A_845 : i32 to index
        %parallel_loop3A_848 = arith.index_cast %parallel_loop3A_843 : i32 to index
        %parallel_loop3A_849 = tpu.vector_load %arg8[%parallel_loop3A_846, %parallel_loop3A_847, %parallel_loop3A_848] {strides = array<i32>} : memref<8x8x128xf32, #tpu.memory_space<vmem>>, vector<16xf32>,
        tpu.vector_store %arg8[%parallel_loop3A_846, %parallel_loop3A_847, %parallel_loop3A_848], %parallel_loop3A_841 {strides = array<i32>} : memref<8x8x128xf32, #tpu.memory_space<vmem>>, vector<16xf32>,
        %parallel_loop3A_850 = arith.constant 56 : i32
        %parallel_loop3A_851 = tpu.memref_slice %arg10[%parallel_loop3A_850] : memref<8320xf32, #tpu.memory_space<vmem>> -> memref<8264xf32, #tpu.memory_space<vmem>>
        %parallel_loop3A_852 = tpu.vector_load_idx %parallel_loop3A_851[%parallel_loop3A_204] : memref<8264xf32, #tpu.memory_space<vmem>>[vector<16xi32>], vector<16xf32>,
        %parallel_loop3A_853 = arith.constant 16 : i32
        %parallel_loop3A_854 = arith.muli %parallel_loop3A_194, %parallel_loop3A_853 : i32
        %parallel_loop3A_855 = arith.constant 7 : i32
        %parallel_loop3A_856 = arith.constant 1 : i32
        %parallel_loop3A_857 = arith.index_cast %parallel_loop3A_855 : i32 to index
        %parallel_loop3A_858 = arith.index_cast %parallel_loop3A_856 : i32 to index
        %parallel_loop3A_859 = arith.index_cast %parallel_loop3A_854 : i32 to index
        %parallel_loop3A_860 = tpu.vector_load %arg8[%parallel_loop3A_857, %parallel_loop3A_858, %parallel_loop3A_859] {strides = array<i32>} : memref<8x8x128xf32, #tpu.memory_space<vmem>>, vector<16xf32>,
        tpu.vector_store %arg8[%parallel_loop3A_857, %parallel_loop3A_858, %parallel_loop3A_859], %parallel_loop3A_852 {strides = array<i32>} : memref<8x8x128xf32, #tpu.memory_space<vmem>>, vector<16xf32>,
        %parallel_loop3A_861 = arith.constant 56 : i32
        %parallel_loop3A_862 = tpu.memref_slice %arg10[%parallel_loop3A_861] : memref<8320xf32, #tpu.memory_space<vmem>> -> memref<8264xf32, #tpu.memory_space<vmem>>
        %parallel_loop3A_863 = tpu.vector_load_idx %parallel_loop3A_862[%parallel_loop3A_207] : memref<8264xf32, #tpu.memory_space<vmem>>[vector<16xi32>], vector<16xf32>,
        %parallel_loop3A_864 = arith.constant 16 : i32
        %parallel_loop3A_865 = arith.muli %parallel_loop3A_194, %parallel_loop3A_864 : i32
        %parallel_loop3A_866 = arith.constant 7 : i32
        %parallel_loop3A_867 = arith.constant 2 : i32
        %parallel_loop3A_868 = arith.index_cast %parallel_loop3A_866 : i32 to index
        %parallel_loop3A_869 = arith.index_cast %parallel_loop3A_867 : i32 to index
        %parallel_loop3A_870 = arith.index_cast %parallel_loop3A_865 : i32 to index
        %parallel_loop3A_871 = tpu.vector_load %arg8[%parallel_loop3A_868, %parallel_loop3A_869, %parallel_loop3A_870] {strides = array<i32>} : memref<8x8x128xf32, #tpu.memory_space<vmem>>, vector<16xf32>,
        tpu.vector_store %arg8[%parallel_loop3A_868, %parallel_loop3A_869, %parallel_loop3A_870], %parallel_loop3A_863 {strides = array<i32>} : memref<8x8x128xf32, #tpu.memory_space<vmem>>, vector<16xf32>,
        %parallel_loop3A_872 = arith.constant 56 : i32
        %parallel_loop3A_873 = tpu.memref_slice %arg10[%parallel_loop3A_872] : memref<8320xf32, #tpu.memory_space<vmem>> -> memref<8264xf32, #tpu.memory_space<vmem>>
        %parallel_loop3A_874 = tpu.vector_load_idx %parallel_loop3A_873[%parallel_loop3A_210] : memref<8264xf32, #tpu.memory_space<vmem>>[vector<16xi32>], vector<16xf32>,
        %parallel_loop3A_875 = arith.constant 16 : i32
        %parallel_loop3A_876 = arith.muli %parallel_loop3A_194, %parallel_loop3A_875 : i32
        %parallel_loop3A_877 = arith.constant 7 : i32
        %parallel_loop3A_878 = arith.constant 3 : i32
        %parallel_loop3A_879 = arith.index_cast %parallel_loop3A_877 : i32 to index
        %parallel_loop3A_880 = arith.index_cast %parallel_loop3A_878 : i32 to index
        %parallel_loop3A_881 = arith.index_cast %parallel_loop3A_876 : i32 to index
        %parallel_loop3A_882 = tpu.vector_load %arg8[%parallel_loop3A_879, %parallel_loop3A_880, %parallel_loop3A_881] {strides = array<i32>} : memref<8x8x128xf32, #tpu.memory_space<vmem>>, vector<16xf32>,
        tpu.vector_store %arg8[%parallel_loop3A_879, %parallel_loop3A_880, %parallel_loop3A_881], %parallel_loop3A_874 {strides = array<i32>} : memref<8x8x128xf32, #tpu.memory_space<vmem>>, vector<16xf32>,
        %parallel_loop3A_883 = arith.constant 56 : i32
        %parallel_loop3A_884 = tpu.memref_slice %arg10[%parallel_loop3A_883] : memref<8320xf32, #tpu.memory_space<vmem>> -> memref<8264xf32, #tpu.memory_space<vmem>>
        %parallel_loop3A_885 = tpu.vector_load_idx %parallel_loop3A_884[%parallel_loop3A_213] : memref<8264xf32, #tpu.memory_space<vmem>>[vector<16xi32>], vector<16xf32>,
        %parallel_loop3A_886 = arith.constant 16 : i32
        %parallel_loop3A_887 = arith.muli %parallel_loop3A_194, %parallel_loop3A_886 : i32
        %parallel_loop3A_888 = arith.constant 7 : i32
        %parallel_loop3A_889 = arith.constant 4 : i32
        %parallel_loop3A_890 = arith.index_cast %parallel_loop3A_888 : i32 to index
        %parallel_loop3A_891 = arith.index_cast %parallel_loop3A_889 : i32 to index
        %parallel_loop3A_892 = arith.index_cast %parallel_loop3A_887 : i32 to index
        %parallel_loop3A_893 = tpu.vector_load %arg8[%parallel_loop3A_890, %parallel_loop3A_891, %parallel_loop3A_892] {strides = array<i32>} : memref<8x8x128xf32, #tpu.memory_space<vmem>>, vector<16xf32>,
        tpu.vector_store %arg8[%parallel_loop3A_890, %parallel_loop3A_891, %parallel_loop3A_892], %parallel_loop3A_885 {strides = array<i32>} : memref<8x8x128xf32, #tpu.memory_space<vmem>>, vector<16xf32>,
        %parallel_loop3A_894 = arith.constant 56 : i32
        %parallel_loop3A_895 = tpu.memref_slice %arg10[%parallel_loop3A_894] : memref<8320xf32, #tpu.memory_space<vmem>> -> memref<8264xf32, #tpu.memory_space<vmem>>
        %parallel_loop3A_896 = tpu.vector_load_idx %parallel_loop3A_895[%parallel_loop3A_216] : memref<8264xf32, #tpu.memory_space<vmem>>[vector<16xi32>], vector<16xf32>,
        %parallel_loop3A_897 = arith.constant 16 : i32
        %parallel_loop3A_898 = arith.muli %parallel_loop3A_194, %parallel_loop3A_897 : i32
        %parallel_loop3A_899 = arith.constant 7 : i32
        %parallel_loop3A_900 = arith.constant 5 : i32
        %parallel_loop3A_901 = arith.index_cast %parallel_loop3A_899 : i32 to index
        %parallel_loop3A_902 = arith.index_cast %parallel_loop3A_900 : i32 to index
        %parallel_loop3A_903 = arith.index_cast %parallel_loop3A_898 : i32 to index
        %parallel_loop3A_904 = tpu.vector_load %arg8[%parallel_loop3A_901, %parallel_loop3A_902, %parallel_loop3A_903] {strides = array<i32>} : memref<8x8x128xf32, #tpu.memory_space<vmem>>, vector<16xf32>,
        tpu.vector_store %arg8[%parallel_loop3A_901, %parallel_loop3A_902, %parallel_loop3A_903], %parallel_loop3A_896 {strides = array<i32>} : memref<8x8x128xf32, #tpu.memory_space<vmem>>, vector<16xf32>,
        %parallel_loop3A_905 = arith.constant 56 : i32
        %parallel_loop3A_906 = tpu.memref_slice %arg10[%parallel_loop3A_905] : memref<8320xf32, #tpu.memory_space<vmem>> -> memref<8264xf32, #tpu.memory_space<vmem>>
        %parallel_loop3A_907 = tpu.vector_load_idx %parallel_loop3A_906[%parallel_loop3A_219] : memref<8264xf32, #tpu.memory_space<vmem>>[vector<16xi32>], vector<16xf32>,
        %parallel_loop3A_908 = arith.constant 16 : i32
        %parallel_loop3A_909 = arith.muli %parallel_loop3A_194, %parallel_loop3A_908 : i32
        %parallel_loop3A_910 = arith.constant 7 : i32
        %parallel_loop3A_911 = arith.constant 6 : i32
        %parallel_loop3A_912 = arith.index_cast %parallel_loop3A_910 : i32 to index
        %parallel_loop3A_913 = arith.index_cast %parallel_loop3A_911 : i32 to index
        %parallel_loop3A_914 = arith.index_cast %parallel_loop3A_909 : i32 to index
        %parallel_loop3A_915 = tpu.vector_load %arg8[%parallel_loop3A_912, %parallel_loop3A_913, %parallel_loop3A_914] {strides = array<i32>} : memref<8x8x128xf32, #tpu.memory_space<vmem>>, vector<16xf32>,
        tpu.vector_store %arg8[%parallel_loop3A_912, %parallel_loop3A_913, %parallel_loop3A_914], %parallel_loop3A_907 {strides = array<i32>} : memref<8x8x128xf32, #tpu.memory_space<vmem>>, vector<16xf32>,
        %parallel_loop3A_916 = arith.constant 56 : i32
        %parallel_loop3A_917 = tpu.memref_slice %arg10[%parallel_loop3A_916] : memref<8320xf32, #tpu.memory_space<vmem>> -> memref<8264xf32, #tpu.memory_space<vmem>>
        %parallel_loop3A_918 = tpu.vector_load_idx %parallel_loop3A_917[%parallel_loop3A_222] : memref<8264xf32, #tpu.memory_space<vmem>>[vector<16xi32>], vector<16xf32>,
        %parallel_loop3A_919 = arith.constant 16 : i32
        %parallel_loop3A_920 = arith.muli %parallel_loop3A_194, %parallel_loop3A_919 : i32
        %parallel_loop3A_921 = arith.constant 7 : i32
        %parallel_loop3A_922 = arith.constant 7 : i32
        %parallel_loop3A_923 = arith.index_cast %parallel_loop3A_921 : i32 to index
        %parallel_loop3A_924 = arith.index_cast %parallel_loop3A_922 : i32 to index
        %parallel_loop3A_925 = arith.index_cast %parallel_loop3A_920 : i32 to index
        %parallel_loop3A_926 = tpu.vector_load %arg8[%parallel_loop3A_923, %parallel_loop3A_924, %parallel_loop3A_925] {strides = array<i32>} : memref<8x8x128xf32, #tpu.memory_space<vmem>>, vector<16xf32>,
        tpu.vector_store %arg8[%parallel_loop3A_923, %parallel_loop3A_924, %parallel_loop3A_925], %parallel_loop3A_918 {strides = array<i32>} : memref<8x8x128xf32, #tpu.memory_space<vmem>>, vector<16xf32>,
      } {sc.loop_unroll_factor = 1 : i64, sc.parallel_access}
      %add3A_66 = arith.addi %mul3A_2, %add3A_51 : i32
      %jit3A = arith.constant 32 : i32
      %div3A = arith.divsi %add3A_66, %jit3A : i32
      %sign3A = arith.constant 0 : i32
      %sign3A_67 = arith.cmpi sgt, %add3A_66, %sign3A : i32
      %sign3A_68 = arith.extui %sign3A_67 : i1 to i32
      %sign3A_69 = arith.constant 0 : i32
      %sign3A_70 = arith.cmpi slt, %add3A_66, %sign3A_69 : i32
      %sign3A_71 = arith.extui %sign3A_70 : i1 to i32
      %sign3A_72 = arith.subi %sign3A_68, %sign3A_71 : i32
      %sign3A_73 = arith.constant 0 : i32
      %sign3A_74 = arith.cmpi sgt, %jit3A, %sign3A_73 : i32
      %sign3A_75 = arith.extui %sign3A_74 : i1 to i32
      %sign3A_76 = arith.constant 0 : i32
      %sign3A_77 = arith.cmpi slt, %jit3A, %sign3A_76 : i32
      %sign3A_78 = arith.extui %sign3A_77 : i1 to i32
      %sign3A_79 = arith.subi %sign3A_75, %sign3A_78 : i32
      %ne3A = arith.cmpi ne, %sign3A_72, %sign3A_79 : i32
      %rem3A = arith.remsi %add3A_66, %jit3A : i32
      %ne3A_80 = arith.constant 0 : i32
      %ne3A_81 = arith.cmpi ne, %rem3A, %ne3A_80 : i32
      %and3A = arith.andi %ne3A, %ne3A_81 : i1
      %sub3A = arith.constant 1 : i32
      %sub3A_82 = arith.subi %div3A, %sub3A : i32
      %select_n3A = arith.select %and3A, %sub3A_82, %div3A : i32
      %jit3A_83 = arith.constant 32 : i32
      %eq3A = arith.constant 0 : i32
      %eq3A_84 = arith.cmpi eq, %jit3A_83, %eq3A : i32
      %jit3A_85 = arith.constant 1 : i32
      %select_n3A_86 = arith.select %eq3A_84, %jit3A_85, %jit3A_83 : i32
      %rem3A_87 = arith.remsi %add3A_66, %select_n3A_86 : i32
      %ne3A_88 = arith.constant 0 : i32
      %ne3A_89 = arith.cmpi ne, %rem3A_87, %ne3A_88 : i32
      %lt3A = arith.constant 0 : i32
      %lt3A_90 = arith.cmpi slt, %rem3A_87, %lt3A : i32
      %lt3A_91 = arith.constant 0 : i32
      %lt3A_92 = arith.cmpi slt, %select_n3A_86, %lt3A_91 : i32
      %ne3A_93 = arith.xori %lt3A_90, %lt3A_92 : i1
      %and3A_94 = arith.andi %ne3A_93, %ne3A_89 : i1
      %add3A_95 = arith.addi %rem3A_87, %select_n3A_86 : i32
      %select_n3A_96 = arith.select %and3A_94, %add3A_95, %rem3A_87 : i32
      %dma_start3A_97 = arith.constant 0 : i32
      %dma_start3A_98 = arith.constant 0 : i32
      %dma_start3A_99 = arith.constant 0 : i32
      %dma_start3A_100 = tpu.memref_slice %arg4[%select_n3A, %dma_start3A_97, %select_n3A_96, %dma_start3A_98, %dma_start3A_99] : memref<200x8x32x8x128xf32, #tpu.memory_space<hbm>> -> memref<1x8x1x8x128xf32, #tpu.memory_space<hbm>>
      %dma_start3A_101 = tpu.memref_squeeze %dma_start3A_100 : memref<1x8x1x8x128xf32, #tpu.memory_space<hbm>> -> memref<8x8x128xf32, #tpu.memory_space<hbm>>
      %dma_start3A_102 = arith.constant 0 : i32
      %dma_start3A_103 = arith.constant 0 : i32
      %dma_start3A_104 = arith.constant 0 : i32
      %dma_start3A_105 = tpu.memref_slice %arg4[%select_n3A, %dma_start3A_102, %select_n3A_96, %dma_start3A_103, %dma_start3A_104] : memref<200x8x32x8x128xf32, #tpu.memory_space<hbm>> -> memref<1x8x1x8x128xf32, #tpu.memory_space<hbm>>
      %dma_start3A_106 = tpu.memref_squeeze %dma_start3A_105 : memref<1x8x1x8x128xf32, #tpu.memory_space<hbm>> -> memref<8x8x128xf32, #tpu.memory_space<hbm>>
      tpu.enqueue_dma source(%arg8 : memref<8x8x128xf32, #tpu.memory_space<vmem>>) target(%dma_start3A_106 : memref<8x8x128xf32, #tpu.memory_space<hbm>>) target_semaphore(%arg13 : memref<!tpu.dma_semaphore, #tpu.memory_space<semaphore_mem>>)
      %add3A_107 = arith.constant 2 : i32
      %add3A_108 = arith.addi %add3A_51, %add3A_107 : i32
      %lt3A_109 = arith.constant 200 : i32
      %lt3A_110 = arith.cmpi slt, %add3A_108, %lt3A_109 : i32
      %convert_element_type3A_111 = arith.extui %lt3A_110 : i1 to i32
      %cond3A_112 = arith.constant 0 : i32
      %cond3A_113 = arith.cmpi ne, %convert_element_type3A_111, %cond3A_112 : i32
      scf.if %cond3A_113 {
        %add3A_194 = arith.constant 2 : i32
        %add3A_195 = arith.addi %add3A_51, %add3A_194 : i32
        %dma_start3A_196 = arith.constant 0 : i32
        %dma_start3A_197 = tpu.memref_slice %arg5[%add3A_195, %dma_start3A_196] : memref<200x128xi32, #tpu.memory_space<vmem>> -> memref<1x128xi32, #tpu.memory_space<vmem>>
        %dma_start3A_198 = tpu.memref_squeeze %dma_start3A_197 : memref<1x128xi32, #tpu.memory_space<vmem>> -> memref<128xi32, #tpu.memory_space<vmem>>
        %dma_start3A_199 = arith.constant 0 : i32
        %dma_start3A_200 = arith.constant 0 : i32
        %dma_start3A_201 = tpu.memref_slice %arg3[%dma_start3A_199, %dma_start3A_200] : memref<1000000x64xf32, #tpu.memory_space<hbm>> -> memref<1000000x64xf32, #tpu.memory_space<hbm>>
        tpu.enqueue_indirect_dma source(%dma_start3A_201 : memref<1000000x64xf32, #tpu.memory_space<hbm>>) target(%arg6 : memref<128x64xf32, #tpu.memory_space<vmem>>) offsets(%dma_start3A_198 : memref<128xi32, #tpu.memory_space<vmem>>) semaphore(%arg11 : memref<!tpu.dma_semaphore, #tpu.memory_space<semaphore_mem>>)
      } else {
      }
      %mul3A_114 = arith.constant 2 : i32
      %mul3A_115 = arith.muli %scan3A_47, %mul3A_114 : i32
      %add3A_116 = arith.constant 1 : i32
      %add3A_117 = arith.addi %mul3A_115, %add3A_116 : i32
      %dma_wait3A_118 = arith.constant 0 : i32
      %dma_wait3A_119 = arith.constant 0 : i32
      %dma_wait3A_120 = tpu.memref_slice %arg5[%dma_wait3A_118, %dma_wait3A_119] : memref<200x128xi32, #tpu.memory_space<vmem>> -> memref<1x128xi32, #tpu.memory_space<vmem>>
      %dma_wait3A_121 = tpu.memref_squeeze %dma_wait3A_120 : memref<1x128xi32, #tpu.memory_space<vmem>> -> memref<128xi32, #tpu.memory_space<vmem>>
      %dma_wait3A_122 = arith.constant 0 : i32
      %dma_wait3A_123 = arith.constant 0 : i32
      %dma_wait3A_124 = tpu.memref_slice %arg3[%dma_wait3A_122, %dma_wait3A_123] : memref<1000000x64xf32, #tpu.memory_space<hbm>> -> memref<1000000x64xf32, #tpu.memory_space<hbm>>
      tpu.wait_indirect_dma semaphore(%arg12 : memref<!tpu.dma_semaphore, #tpu.memory_space<semaphore_mem>>) src(%dma_wait3A_124 : memref<1000000x64xf32, #tpu.memory_space<hbm>>) dst(%arg7 : memref<128x64xf32, #tpu.memory_space<vmem>>)
      %gt3A_125 = arith.constant 0 : i32
      %gt3A_126 = arith.cmpi sgt, %scan3A_47, %gt3A_125 : i32
      %convert_element_type3A_127 = arith.extui %gt3A_126 : i1 to i32
      %cond3A_128 = arith.constant 0 : i32
      %cond3A_129 = arith.cmpi ne, %convert_element_type3A_127, %cond3A_128 : i32
      scf.if %cond3A_129 {
        %dma_wait3A_194 = arith.constant 0 : i32
        %dma_wait3A_195 = arith.constant 0 : i32
        %dma_wait3A_196 = arith.constant 0 : i32
        %dma_wait3A_197 = arith.constant 0 : i32
        %dma_wait3A_198 = arith.constant 0 : i32
        %dma_wait3A_199 = tpu.memref_slice %arg4[%dma_wait3A_194, %dma_wait3A_196, %dma_wait3A_195, %dma_wait3A_197, %dma_wait3A_198] : memref<200x8x32x8x128xf32, #tpu.memory_space<hbm>> -> memref<1x8x1x8x128xf32, #tpu.memory_space<hbm>>
        %dma_wait3A_200 = tpu.memref_squeeze %dma_wait3A_199 : memref<1x8x1x8x128xf32, #tpu.memory_space<hbm>> -> memref<8x8x128xf32, #tpu.memory_space<hbm>>
        %dma_wait3A_201 = arith.constant 0 : i32
        %dma_wait3A_202 = arith.constant 0 : i32
        %dma_wait3A_203 = arith.constant 0 : i32
        %dma_wait3A_204 = tpu.memref_slice %arg4[%dma_wait3A_194, %dma_wait3A_201, %dma_wait3A_195, %dma_wait3A_202, %dma_wait3A_203] : memref<200x8x32x8x128xf32, #tpu.memory_space<hbm>> -> memref<1x8x1x8x128xf32, #tpu.memory_space<hbm>>
        %dma_wait3A_205 = tpu.memref_squeeze %dma_wait3A_204 : memref<1x8x1x8x128xf32, #tpu.memory_space<hbm>> -> memref<8x8x128xf32, #tpu.memory_space<hbm>>
        tpu.wait_dma2 semaphore(%arg14 : memref<!tpu.dma_semaphore, #tpu.memory_space<semaphore_mem>>) src(%arg9 : memref<8x8x128xf32, #tpu.memory_space<vmem>>) dst(%dma_wait3A_205 : memref<8x8x128xf32, #tpu.memory_space<hbm>>)
      } else {
      }
      %parallel_loop3A_130 = arith.constant 0 : i32
      %parallel_loop3A_131 = arith.constant 128 : i32
      %parallel_loop3A_132 = arith.constant 1 : i32
      scf.for %parallel_loop3A_194 = %parallel_loop3A_130 to %parallel_loop3A_131 step %parallel_loop3A_132  : i32 {
        %parallel_loop3A_195 = arith.index_cast %parallel_loop3A_194 : i32 to index
        %parallel_loop3A_196 = arith.constant 0 : index
        %parallel_loop3A_197 = tpu.vector_load %arg7[%parallel_loop3A_195, %parallel_loop3A_196] {strides = array<i32>} : memref<128x64xf32, #tpu.memory_space<vmem>>, vector<16xf32>,
        %parallel_loop3A_198 = arith.constant 8.000000e+00 : f32
        %parallel_loop3A_199 = vector.broadcast %parallel_loop3A_198 : f32 to vector<16xf32>
        %parallel_loop3A_200 = arith.mulf %parallel_loop3A_197, %parallel_loop3A_199 : vector<16xf32>
        %parallel_loop3A_201 = arith.constant 65 : i32
        %parallel_loop3A_202 = arith.muli %parallel_loop3A_194, %parallel_loop3A_201 : i32
        %parallel_loop3A_203 = arith.constant 0 : i32
        %parallel_loop3A_204 = arith.addi %parallel_loop3A_202, %parallel_loop3A_203 : i32
        %parallel_loop3A_205 = arith.index_cast %parallel_loop3A_204 : i32 to index
        %parallel_loop3A_206 = tpu.vector_load %arg10[%parallel_loop3A_205] {strides = array<i32>} : memref<8320xf32, #tpu.memory_space<vmem>>, vector<16xf32>,
        tpu.vector_store %arg10[%parallel_loop3A_205], %parallel_loop3A_200 {strides = array<i32>} : memref<8320xf32, #tpu.memory_space<vmem>>, vector<16xf32>,
        %parallel_loop3A_207 = arith.index_cast %parallel_loop3A_194 : i32 to index
        %parallel_loop3A_208 = arith.constant 16 : index
        %parallel_loop3A_209 = tpu.vector_load %arg7[%parallel_loop3A_207, %parallel_loop3A_208] {strides = array<i32>} : memref<128x64xf32, #tpu.memory_space<vmem>>, vector<16xf32>,
        %parallel_loop3A_210 = arith.constant 8.000000e+00 : f32
        %parallel_loop3A_211 = vector.broadcast %parallel_loop3A_210 : f32 to vector<16xf32>
        %parallel_loop3A_212 = arith.mulf %parallel_loop3A_209, %parallel_loop3A_211 : vector<16xf32>
        %parallel_loop3A_213 = arith.constant 65 : i32
        %parallel_loop3A_214 = arith.muli %parallel_loop3A_194, %parallel_loop3A_213 : i32
        %parallel_loop3A_215 = arith.constant 16 : i32
        %parallel_loop3A_216 = arith.addi %parallel_loop3A_214, %parallel_loop3A_215 : i32
        %parallel_loop3A_217 = arith.index_cast %parallel_loop3A_216 : i32 to index
        %parallel_loop3A_218 = tpu.vector_load %arg10[%parallel_loop3A_217] {strides = array<i32>} : memref<8320xf32, #tpu.memory_space<vmem>>, vector<16xf32>,
        tpu.vector_store %arg10[%parallel_loop3A_217], %parallel_loop3A_212 {strides = array<i32>} : memref<8320xf32, #tpu.memory_space<vmem>>, vector<16xf32>,
        %parallel_loop3A_219 = arith.index_cast %parallel_loop3A_194 : i32 to index
        %parallel_loop3A_220 = arith.constant 32 : index
        %parallel_loop3A_221 = tpu.vector_load %arg7[%parallel_loop3A_219, %parallel_loop3A_220] {strides = array<i32>} : memref<128x64xf32, #tpu.memory_space<vmem>>, vector<16xf32>,
        %parallel_loop3A_222 = arith.constant 8.000000e+00 : f32
        %parallel_loop3A_223 = vector.broadcast %parallel_loop3A_222 : f32 to vector<16xf32>
        %parallel_loop3A_224 = arith.mulf %parallel_loop3A_221, %parallel_loop3A_223 : vector<16xf32>
        %parallel_loop3A_225 = arith.constant 65 : i32
        %parallel_loop3A_226 = arith.muli %parallel_loop3A_194, %parallel_loop3A_225 : i32
        %parallel_loop3A_227 = arith.constant 32 : i32
        %parallel_loop3A_228 = arith.addi %parallel_loop3A_226, %parallel_loop3A_227 : i32
        %parallel_loop3A_229 = arith.index_cast %parallel_loop3A_228 : i32 to index
        %parallel_loop3A_230 = tpu.vector_load %arg10[%parallel_loop3A_229] {strides = array<i32>} : memref<8320xf32, #tpu.memory_space<vmem>>, vector<16xf32>,
        tpu.vector_store %arg10[%parallel_loop3A_229], %parallel_loop3A_224 {strides = array<i32>} : memref<8320xf32, #tpu.memory_space<vmem>>, vector<16xf32>,
        %parallel_loop3A_231 = arith.index_cast %parallel_loop3A_194 : i32 to index
        %parallel_loop3A_232 = arith.constant 48 : index
        %parallel_loop3A_233 = tpu.vector_load %arg7[%parallel_loop3A_231, %parallel_loop3A_232] {strides = array<i32>} : memref<128x64xf32, #tpu.memory_space<vmem>>, vector<16xf32>,
        %parallel_loop3A_234 = arith.constant 8.000000e+00 : f32
        %parallel_loop3A_235 = vector.broadcast %parallel_loop3A_234 : f32 to vector<16xf32>
        %parallel_loop3A_236 = arith.mulf %parallel_loop3A_233, %parallel_loop3A_235 : vector<16xf32>
        %parallel_loop3A_237 = arith.constant 65 : i32
        %parallel_loop3A_238 = arith.muli %parallel_loop3A_194, %parallel_loop3A_237 : i32
        %parallel_loop3A_239 = arith.constant 48 : i32
        %parallel_loop3A_240 = arith.addi %parallel_loop3A_238, %parallel_loop3A_239 : i32
        %parallel_loop3A_241 = arith.index_cast %parallel_loop3A_240 : i32 to index
        %parallel_loop3A_242 = tpu.vector_load %arg10[%parallel_loop3A_241] {strides = array<i32>} : memref<8320xf32, #tpu.memory_space<vmem>>, vector<16xf32>,
        tpu.vector_store %arg10[%parallel_loop3A_241], %parallel_loop3A_236 {strides = array<i32>} : memref<8320xf32, #tpu.memory_space<vmem>>, vector<16xf32>,
      } {sc.loop_unroll_factor = 8 : i64, sc.parallel_access}
      %parallel_loop3A_133 = arith.constant 0 : i32
      %parallel_loop3A_134 = arith.constant 8 : i32
      %parallel_loop3A_135 = arith.constant 1 : i32
      scf.for %parallel_loop3A_194 = %parallel_loop3A_133 to %parallel_loop3A_134 step %parallel_loop3A_135  : i32 {
        %parallel_loop3A_195 = arith.constant 1040 : i32
        %parallel_loop3A_196 = arith.muli %parallel_loop3A_194, %parallel_loop3A_195 : i32
        %parallel_loop3A_197 = vector.broadcast %parallel_loop3A_196 : i32 to vector<16xi32>
        %parallel_loop3A_198 = arith.addi %mul3A_5, %parallel_loop3A_197 : vector<16xi32>
        %parallel_loop3A_199 = arith.constant 0 : i32
        %parallel_loop3A_200 = vector.broadcast %parallel_loop3A_199 : i32 to vector<16xi32>
        %parallel_loop3A_201 = arith.addi %parallel_loop3A_198, %parallel_loop3A_200 : vector<16xi32>
        %parallel_loop3A_202 = arith.constant 1 : i32
        %parallel_loop3A_203 = vector.broadcast %parallel_loop3A_202 : i32 to vector<16xi32>
        %parallel_loop3A_204 = arith.addi %parallel_loop3A_198, %parallel_loop3A_203 : vector<16xi32>
        %parallel_loop3A_205 = arith.constant 2 : i32
        %parallel_loop3A_206 = vector.broadcast %parallel_loop3A_205 : i32 to vector<16xi32>
        %parallel_loop3A_207 = arith.addi %parallel_loop3A_198, %parallel_loop3A_206 : vector<16xi32>
        %parallel_loop3A_208 = arith.constant 3 : i32
        %parallel_loop3A_209 = vector.broadcast %parallel_loop3A_208 : i32 to vector<16xi32>
        %parallel_loop3A_210 = arith.addi %parallel_loop3A_198, %parallel_loop3A_209 : vector<16xi32>
        %parallel_loop3A_211 = arith.constant 4 : i32
        %parallel_loop3A_212 = vector.broadcast %parallel_loop3A_211 : i32 to vector<16xi32>
        %parallel_loop3A_213 = arith.addi %parallel_loop3A_198, %parallel_loop3A_212 : vector<16xi32>
        %parallel_loop3A_214 = arith.constant 5 : i32
        %parallel_loop3A_215 = vector.broadcast %parallel_loop3A_214 : i32 to vector<16xi32>
        %parallel_loop3A_216 = arith.addi %parallel_loop3A_198, %parallel_loop3A_215 : vector<16xi32>
        %parallel_loop3A_217 = arith.constant 6 : i32
        %parallel_loop3A_218 = vector.broadcast %parallel_loop3A_217 : i32 to vector<16xi32>
        %parallel_loop3A_219 = arith.addi %parallel_loop3A_198, %parallel_loop3A_218 : vector<16xi32>
        %parallel_loop3A_220 = arith.constant 7 : i32
        %parallel_loop3A_221 = vector.broadcast %parallel_loop3A_220 : i32 to vector<16xi32>
        %parallel_loop3A_222 = arith.addi %parallel_loop3A_198, %parallel_loop3A_221 : vector<16xi32>
        %parallel_loop3A_223 = arith.constant 0 : i32
        %parallel_loop3A_224 = tpu.memref_slice %arg10[%parallel_loop3A_223] : memref<8320xf32, #tpu.memory_space<vmem>> -> memref<8264xf32, #tpu.memory_space<vmem>>
        %parallel_loop3A_225 = tpu.vector_load_idx %parallel_loop3A_224[%parallel_loop3A_201] : memref<8264xf32, #tpu.memory_space<vmem>>[vector<16xi32>], vector<16xf32>,
        %parallel_loop3A_226 = arith.constant 16 : i32
        %parallel_loop3A_227 = arith.muli %parallel_loop3A_194, %parallel_loop3A_226 : i32
        %parallel_loop3A_228 = arith.constant 0 : i32
        %parallel_loop3A_229 = arith.constant 0 : i32
        %parallel_loop3A_230 = arith.index_cast %parallel_loop3A_228 : i32 to index
        %parallel_loop3A_231 = arith.index_cast %parallel_loop3A_229 : i32 to index
        %parallel_loop3A_232 = arith.index_cast %parallel_loop3A_227 : i32 to index
        %parallel_loop3A_233 = tpu.vector_load %arg9[%parallel_loop3A_230, %parallel_loop3A_231, %parallel_loop3A_232] {strides = array<i32>} : memref<8x8x128xf32, #tpu.memory_space<vmem>>, vector<16xf32>,
        tpu.vector_store %arg9[%parallel_loop3A_230, %parallel_loop3A_231, %parallel_loop3A_232], %parallel_loop3A_225 {strides = array<i32>} : memref<8x8x128xf32, #tpu.memory_space<vmem>>, vector<16xf32>,
        %parallel_loop3A_234 = arith.constant 0 : i32
        %parallel_loop3A_235 = tpu.memref_slice %arg10[%parallel_loop3A_234] : memref<8320xf32, #tpu.memory_space<vmem>> -> memref<8264xf32, #tpu.memory_space<vmem>>
        %parallel_loop3A_236 = tpu.vector_load_idx %parallel_loop3A_235[%parallel_loop3A_204] : memref<8264xf32, #tpu.memory_space<vmem>>[vector<16xi32>], vector<16xf32>,
        %parallel_loop3A_237 = arith.constant 16 : i32
        %parallel_loop3A_238 = arith.muli %parallel_loop3A_194, %parallel_loop3A_237 : i32
        %parallel_loop3A_239 = arith.constant 0 : i32
        %parallel_loop3A_240 = arith.constant 1 : i32
        %parallel_loop3A_241 = arith.index_cast %parallel_loop3A_239 : i32 to index
        %parallel_loop3A_242 = arith.index_cast %parallel_loop3A_240 : i32 to index
        %parallel_loop3A_243 = arith.index_cast %parallel_loop3A_238 : i32 to index
        %parallel_loop3A_244 = tpu.vector_load %arg9[%parallel_loop3A_241, %parallel_loop3A_242, %parallel_loop3A_243] {strides = array<i32>} : memref<8x8x128xf32, #tpu.memory_space<vmem>>, vector<16xf32>,
        tpu.vector_store %arg9[%parallel_loop3A_241, %parallel_loop3A_242, %parallel_loop3A_243], %parallel_loop3A_236 {strides = array<i32>} : memref<8x8x128xf32, #tpu.memory_space<vmem>>, vector<16xf32>,
        %parallel_loop3A_245 = arith.constant 0 : i32
        %parallel_loop3A_246 = tpu.memref_slice %arg10[%parallel_loop3A_245] : memref<8320xf32, #tpu.memory_space<vmem>> -> memref<8264xf32, #tpu.memory_space<vmem>>
        %parallel_loop3A_247 = tpu.vector_load_idx %parallel_loop3A_246[%parallel_loop3A_207] : memref<8264xf32, #tpu.memory_space<vmem>>[vector<16xi32>], vector<16xf32>,
        %parallel_loop3A_248 = arith.constant 16 : i32
        %parallel_loop3A_249 = arith.muli %parallel_loop3A_194, %parallel_loop3A_248 : i32
        %parallel_loop3A_250 = arith.constant 0 : i32
        %parallel_loop3A_251 = arith.constant 2 : i32
        %parallel_loop3A_252 = arith.index_cast %parallel_loop3A_250 : i32 to index
        %parallel_loop3A_253 = arith.index_cast %parallel_loop3A_251 : i32 to index
        %parallel_loop3A_254 = arith.index_cast %parallel_loop3A_249 : i32 to index
        %parallel_loop3A_255 = tpu.vector_load %arg9[%parallel_loop3A_252, %parallel_loop3A_253, %parallel_loop3A_254] {strides = array<i32>} : memref<8x8x128xf32, #tpu.memory_space<vmem>>, vector<16xf32>,
        tpu.vector_store %arg9[%parallel_loop3A_252, %parallel_loop3A_253, %parallel_loop3A_254], %parallel_loop3A_247 {strides = array<i32>} : memref<8x8x128xf32, #tpu.memory_space<vmem>>, vector<16xf32>,
        %parallel_loop3A_256 = arith.constant 0 : i32
        %parallel_loop3A_257 = tpu.memref_slice %arg10[%parallel_loop3A_256] : memref<8320xf32, #tpu.memory_space<vmem>> -> memref<8264xf32, #tpu.memory_space<vmem>>
        %parallel_loop3A_258 = tpu.vector_load_idx %parallel_loop3A_257[%parallel_loop3A_210] : memref<8264xf32, #tpu.memory_space<vmem>>[vector<16xi32>], vector<16xf32>,
        %parallel_loop3A_259 = arith.constant 16 : i32
        %parallel_loop3A_260 = arith.muli %parallel_loop3A_194, %parallel_loop3A_259 : i32
        %parallel_loop3A_261 = arith.constant 0 : i32
        %parallel_loop3A_262 = arith.constant 3 : i32
        %parallel_loop3A_263 = arith.index_cast %parallel_loop3A_261 : i32 to index
        %parallel_loop3A_264 = arith.index_cast %parallel_loop3A_262 : i32 to index
        %parallel_loop3A_265 = arith.index_cast %parallel_loop3A_260 : i32 to index
        %parallel_loop3A_266 = tpu.vector_load %arg9[%parallel_loop3A_263, %parallel_loop3A_264, %parallel_loop3A_265] {strides = array<i32>} : memref<8x8x128xf32, #tpu.memory_space<vmem>>, vector<16xf32>,
        tpu.vector_store %arg9[%parallel_loop3A_263, %parallel_loop3A_264, %parallel_loop3A_265], %parallel_loop3A_258 {strides = array<i32>} : memref<8x8x128xf32, #tpu.memory_space<vmem>>, vector<16xf32>,
        %parallel_loop3A_267 = arith.constant 0 : i32
        %parallel_loop3A_268 = tpu.memref_slice %arg10[%parallel_loop3A_267] : memref<8320xf32, #tpu.memory_space<vmem>> -> memref<8264xf32, #tpu.memory_space<vmem>>
        %parallel_loop3A_269 = tpu.vector_load_idx %parallel_loop3A_268[%parallel_loop3A_213] : memref<8264xf32, #tpu.memory_space<vmem>>[vector<16xi32>], vector<16xf32>,
        %parallel_loop3A_270 = arith.constant 16 : i32
        %parallel_loop3A_271 = arith.muli %parallel_loop3A_194, %parallel_loop3A_270 : i32
        %parallel_loop3A_272 = arith.constant 0 : i32
        %parallel_loop3A_273 = arith.constant 4 : i32
        %parallel_loop3A_274 = arith.index_cast %parallel_loop3A_272 : i32 to index
        %parallel_loop3A_275 = arith.index_cast %parallel_loop3A_273 : i32 to index
        %parallel_loop3A_276 = arith.index_cast %parallel_loop3A_271 : i32 to index
        %parallel_loop3A_277 = tpu.vector_load %arg9[%parallel_loop3A_274, %parallel_loop3A_275, %parallel_loop3A_276] {strides = array<i32>} : memref<8x8x128xf32, #tpu.memory_space<vmem>>, vector<16xf32>,
        tpu.vector_store %arg9[%parallel_loop3A_274, %parallel_loop3A_275, %parallel_loop3A_276], %parallel_loop3A_269 {strides = array<i32>} : memref<8x8x128xf32, #tpu.memory_space<vmem>>, vector<16xf32>,
        %parallel_loop3A_278 = arith.constant 0 : i32
        %parallel_loop3A_279 = tpu.memref_slice %arg10[%parallel_loop3A_278] : memref<8320xf32, #tpu.memory_space<vmem>> -> memref<8264xf32, #tpu.memory_space<vmem>>
        %parallel_loop3A_280 = tpu.vector_load_idx %parallel_loop3A_279[%parallel_loop3A_216] : memref<8264xf32, #tpu.memory_space<vmem>>[vector<16xi32>], vector<16xf32>,
        %parallel_loop3A_281 = arith.constant 16 : i32
        %parallel_loop3A_282 = arith.muli %parallel_loop3A_194, %parallel_loop3A_281 : i32
        %parallel_loop3A_283 = arith.constant 0 : i32
        %parallel_loop3A_284 = arith.constant 5 : i32
        %parallel_loop3A_285 = arith.index_cast %parallel_loop3A_283 : i32 to index
        %parallel_loop3A_286 = arith.index_cast %parallel_loop3A_284 : i32 to index
        %parallel_loop3A_287 = arith.index_cast %parallel_loop3A_282 : i32 to index
        %parallel_loop3A_288 = tpu.vector_load %arg9[%parallel_loop3A_285, %parallel_loop3A_286, %parallel_loop3A_287] {strides = array<i32>} : memref<8x8x128xf32, #tpu.memory_space<vmem>>, vector<16xf32>,
        tpu.vector_store %arg9[%parallel_loop3A_285, %parallel_loop3A_286, %parallel_loop3A_287], %parallel_loop3A_280 {strides = array<i32>} : memref<8x8x128xf32, #tpu.memory_space<vmem>>, vector<16xf32>,
        %parallel_loop3A_289 = arith.constant 0 : i32
        %parallel_loop3A_290 = tpu.memref_slice %arg10[%parallel_loop3A_289] : memref<8320xf32, #tpu.memory_space<vmem>> -> memref<8264xf32, #tpu.memory_space<vmem>>
        %parallel_loop3A_291 = tpu.vector_load_idx %parallel_loop3A_290[%parallel_loop3A_219] : memref<8264xf32, #tpu.memory_space<vmem>>[vector<16xi32>], vector<16xf32>,
        %parallel_loop3A_292 = arith.constant 16 : i32
        %parallel_loop3A_293 = arith.muli %parallel_loop3A_194, %parallel_loop3A_292 : i32
        %parallel_loop3A_294 = arith.constant 0 : i32
        %parallel_loop3A_295 = arith.constant 6 : i32
        %parallel_loop3A_296 = arith.index_cast %parallel_loop3A_294 : i32 to index
        %parallel_loop3A_297 = arith.index_cast %parallel_loop3A_295 : i32 to index
        %parallel_loop3A_298 = arith.index_cast %parallel_loop3A_293 : i32 to index
        %parallel_loop3A_299 = tpu.vector_load %arg9[%parallel_loop3A_296, %parallel_loop3A_297, %parallel_loop3A_298] {strides = array<i32>} : memref<8x8x128xf32, #tpu.memory_space<vmem>>, vector<16xf32>,
        tpu.vector_store %arg9[%parallel_loop3A_296, %parallel_loop3A_297, %parallel_loop3A_298], %parallel_loop3A_291 {strides = array<i32>} : memref<8x8x128xf32, #tpu.memory_space<vmem>>, vector<16xf32>,
        %parallel_loop3A_300 = arith.constant 0 : i32
        %parallel_loop3A_301 = tpu.memref_slice %arg10[%parallel_loop3A_300] : memref<8320xf32, #tpu.memory_space<vmem>> -> memref<8264xf32, #tpu.memory_space<vmem>>
        %parallel_loop3A_302 = tpu.vector_load_idx %parallel_loop3A_301[%parallel_loop3A_222] : memref<8264xf32, #tpu.memory_space<vmem>>[vector<16xi32>], vector<16xf32>,
        %parallel_loop3A_303 = arith.constant 16 : i32
        %parallel_loop3A_304 = arith.muli %parallel_loop3A_194, %parallel_loop3A_303 : i32
        %parallel_loop3A_305 = arith.constant 0 : i32
        %parallel_loop3A_306 = arith.constant 7 : i32
        %parallel_loop3A_307 = arith.index_cast %parallel_loop3A_305 : i32 to index
        %parallel_loop3A_308 = arith.index_cast %parallel_loop3A_306 : i32 to index
        %parallel_loop3A_309 = arith.index_cast %parallel_loop3A_304 : i32 to index
        %parallel_loop3A_310 = tpu.vector_load %arg9[%parallel_loop3A_307, %parallel_loop3A_308, %parallel_loop3A_309] {strides = array<i32>} : memref<8x8x128xf32, #tpu.memory_space<vmem>>, vector<16xf32>,
        tpu.vector_store %arg9[%parallel_loop3A_307, %parallel_loop3A_308, %parallel_loop3A_309], %parallel_loop3A_302 {strides = array<i32>} : memref<8x8x128xf32, #tpu.memory_space<vmem>>, vector<16xf32>,
        %parallel_loop3A_311 = arith.constant 8 : i32
        %parallel_loop3A_312 = tpu.memref_slice %arg10[%parallel_loop3A_311] : memref<8320xf32, #tpu.memory_space<vmem>> -> memref<8264xf32, #tpu.memory_space<vmem>>
        %parallel_loop3A_313 = tpu.vector_load_idx %parallel_loop3A_312[%parallel_loop3A_201] : memref<8264xf32, #tpu.memory_space<vmem>>[vector<16xi32>], vector<16xf32>,
        %parallel_loop3A_314 = arith.constant 16 : i32
        %parallel_loop3A_315 = arith.muli %parallel_loop3A_194, %parallel_loop3A_314 : i32
        %parallel_loop3A_316 = arith.constant 1 : i32
        %parallel_loop3A_317 = arith.constant 0 : i32
        %parallel_loop3A_318 = arith.index_cast %parallel_loop3A_316 : i32 to index
        %parallel_loop3A_319 = arith.index_cast %parallel_loop3A_317 : i32 to index
        %parallel_loop3A_320 = arith.index_cast %parallel_loop3A_315 : i32 to index
        %parallel_loop3A_321 = tpu.vector_load %arg9[%parallel_loop3A_318, %parallel_loop3A_319, %parallel_loop3A_320] {strides = array<i32>} : memref<8x8x128xf32, #tpu.memory_space<vmem>>, vector<16xf32>,
        tpu.vector_store %arg9[%parallel_loop3A_318, %parallel_loop3A_319, %parallel_loop3A_320], %parallel_loop3A_313 {strides = array<i32>} : memref<8x8x128xf32, #tpu.memory_space<vmem>>, vector<16xf32>,
        %parallel_loop3A_322 = arith.constant 8 : i32
        %parallel_loop3A_323 = tpu.memref_slice %arg10[%parallel_loop3A_322] : memref<8320xf32, #tpu.memory_space<vmem>> -> memref<8264xf32, #tpu.memory_space<vmem>>
        %parallel_loop3A_324 = tpu.vector_load_idx %parallel_loop3A_323[%parallel_loop3A_204] : memref<8264xf32, #tpu.memory_space<vmem>>[vector<16xi32>], vector<16xf32>,
        %parallel_loop3A_325 = arith.constant 16 : i32
        %parallel_loop3A_326 = arith.muli %parallel_loop3A_194, %parallel_loop3A_325 : i32
        %parallel_loop3A_327 = arith.constant 1 : i32
        %parallel_loop3A_328 = arith.constant 1 : i32
        %parallel_loop3A_329 = arith.index_cast %parallel_loop3A_327 : i32 to index
        %parallel_loop3A_330 = arith.index_cast %parallel_loop3A_328 : i32 to index
        %parallel_loop3A_331 = arith.index_cast %parallel_loop3A_326 : i32 to index
        %parallel_loop3A_332 = tpu.vector_load %arg9[%parallel_loop3A_329, %parallel_loop3A_330, %parallel_loop3A_331] {strides = array<i32>} : memref<8x8x128xf32, #tpu.memory_space<vmem>>, vector<16xf32>,
        tpu.vector_store %arg9[%parallel_loop3A_329, %parallel_loop3A_330, %parallel_loop3A_331], %parallel_loop3A_324 {strides = array<i32>} : memref<8x8x128xf32, #tpu.memory_space<vmem>>, vector<16xf32>,
        %parallel_loop3A_333 = arith.constant 8 : i32
        %parallel_loop3A_334 = tpu.memref_slice %arg10[%parallel_loop3A_333] : memref<8320xf32, #tpu.memory_space<vmem>> -> memref<8264xf32, #tpu.memory_space<vmem>>
        %parallel_loop3A_335 = tpu.vector_load_idx %parallel_loop3A_334[%parallel_loop3A_207] : memref<8264xf32, #tpu.memory_space<vmem>>[vector<16xi32>], vector<16xf32>,
        %parallel_loop3A_336 = arith.constant 16 : i32
        %parallel_loop3A_337 = arith.muli %parallel_loop3A_194, %parallel_loop3A_336 : i32
        %parallel_loop3A_338 = arith.constant 1 : i32
        %parallel_loop3A_339 = arith.constant 2 : i32
        %parallel_loop3A_340 = arith.index_cast %parallel_loop3A_338 : i32 to index
        %parallel_loop3A_341 = arith.index_cast %parallel_loop3A_339 : i32 to index
        %parallel_loop3A_342 = arith.index_cast %parallel_loop3A_337 : i32 to index
        %parallel_loop3A_343 = tpu.vector_load %arg9[%parallel_loop3A_340, %parallel_loop3A_341, %parallel_loop3A_342] {strides = array<i32>} : memref<8x8x128xf32, #tpu.memory_space<vmem>>, vector<16xf32>,
        tpu.vector_store %arg9[%parallel_loop3A_340, %parallel_loop3A_341, %parallel_loop3A_342], %parallel_loop3A_335 {strides = array<i32>} : memref<8x8x128xf32, #tpu.memory_space<vmem>>, vector<16xf32>,
        %parallel_loop3A_344 = arith.constant 8 : i32
        %parallel_loop3A_345 = tpu.memref_slice %arg10[%parallel_loop3A_344] : memref<8320xf32, #tpu.memory_space<vmem>> -> memref<8264xf32, #tpu.memory_space<vmem>>
        %parallel_loop3A_346 = tpu.vector_load_idx %parallel_loop3A_345[%parallel_loop3A_210] : memref<8264xf32, #tpu.memory_space<vmem>>[vector<16xi32>], vector<16xf32>,
        %parallel_loop3A_347 = arith.constant 16 : i32
        %parallel_loop3A_348 = arith.muli %parallel_loop3A_194, %parallel_loop3A_347 : i32
        %parallel_loop3A_349 = arith.constant 1 : i32
        %parallel_loop3A_350 = arith.constant 3 : i32
        %parallel_loop3A_351 = arith.index_cast %parallel_loop3A_349 : i32 to index
        %parallel_loop3A_352 = arith.index_cast %parallel_loop3A_350 : i32 to index
        %parallel_loop3A_353 = arith.index_cast %parallel_loop3A_348 : i32 to index
        %parallel_loop3A_354 = tpu.vector_load %arg9[%parallel_loop3A_351, %parallel_loop3A_352, %parallel_loop3A_353] {strides = array<i32>} : memref<8x8x128xf32, #tpu.memory_space<vmem>>, vector<16xf32>,
        tpu.vector_store %arg9[%parallel_loop3A_351, %parallel_loop3A_352, %parallel_loop3A_353], %parallel_loop3A_346 {strides = array<i32>} : memref<8x8x128xf32, #tpu.memory_space<vmem>>, vector<16xf32>,
        %parallel_loop3A_355 = arith.constant 8 : i32
        %parallel_loop3A_356 = tpu.memref_slice %arg10[%parallel_loop3A_355] : memref<8320xf32, #tpu.memory_space<vmem>> -> memref<8264xf32, #tpu.memory_space<vmem>>
        %parallel_loop3A_357 = tpu.vector_load_idx %parallel_loop3A_356[%parallel_loop3A_213] : memref<8264xf32, #tpu.memory_space<vmem>>[vector<16xi32>], vector<16xf32>,
        %parallel_loop3A_358 = arith.constant 16 : i32
        %parallel_loop3A_359 = arith.muli %parallel_loop3A_194, %parallel_loop3A_358 : i32
        %parallel_loop3A_360 = arith.constant 1 : i32
        %parallel_loop3A_361 = arith.constant 4 : i32
        %parallel_loop3A_362 = arith.index_cast %parallel_loop3A_360 : i32 to index
        %parallel_loop3A_363 = arith.index_cast %parallel_loop3A_361 : i32 to index
        %parallel_loop3A_364 = arith.index_cast %parallel_loop3A_359 : i32 to index
        %parallel_loop3A_365 = tpu.vector_load %arg9[%parallel_loop3A_362, %parallel_loop3A_363, %parallel_loop3A_364] {strides = array<i32>} : memref<8x8x128xf32, #tpu.memory_space<vmem>>, vector<16xf32>,
        tpu.vector_store %arg9[%parallel_loop3A_362, %parallel_loop3A_363, %parallel_loop3A_364], %parallel_loop3A_357 {strides = array<i32>} : memref<8x8x128xf32, #tpu.memory_space<vmem>>, vector<16xf32>,
        %parallel_loop3A_366 = arith.constant 8 : i32
        %parallel_loop3A_367 = tpu.memref_slice %arg10[%parallel_loop3A_366] : memref<8320xf32, #tpu.memory_space<vmem>> -> memref<8264xf32, #tpu.memory_space<vmem>>
        %parallel_loop3A_368 = tpu.vector_load_idx %parallel_loop3A_367[%parallel_loop3A_216] : memref<8264xf32, #tpu.memory_space<vmem>>[vector<16xi32>], vector<16xf32>,
        %parallel_loop3A_369 = arith.constant 16 : i32
        %parallel_loop3A_370 = arith.muli %parallel_loop3A_194, %parallel_loop3A_369 : i32
        %parallel_loop3A_371 = arith.constant 1 : i32
        %parallel_loop3A_372 = arith.constant 5 : i32
        %parallel_loop3A_373 = arith.index_cast %parallel_loop3A_371 : i32 to index
        %parallel_loop3A_374 = arith.index_cast %parallel_loop3A_372 : i32 to index
        %parallel_loop3A_375 = arith.index_cast %parallel_loop3A_370 : i32 to index
        %parallel_loop3A_376 = tpu.vector_load %arg9[%parallel_loop3A_373, %parallel_loop3A_374, %parallel_loop3A_375] {strides = array<i32>} : memref<8x8x128xf32, #tpu.memory_space<vmem>>, vector<16xf32>,
        tpu.vector_store %arg9[%parallel_loop3A_373, %parallel_loop3A_374, %parallel_loop3A_375], %parallel_loop3A_368 {strides = array<i32>} : memref<8x8x128xf32, #tpu.memory_space<vmem>>, vector<16xf32>,
        %parallel_loop3A_377 = arith.constant 8 : i32
        %parallel_loop3A_378 = tpu.memref_slice %arg10[%parallel_loop3A_377] : memref<8320xf32, #tpu.memory_space<vmem>> -> memref<8264xf32, #tpu.memory_space<vmem>>
        %parallel_loop3A_379 = tpu.vector_load_idx %parallel_loop3A_378[%parallel_loop3A_219] : memref<8264xf32, #tpu.memory_space<vmem>>[vector<16xi32>], vector<16xf32>,
        %parallel_loop3A_380 = arith.constant 16 : i32
        %parallel_loop3A_381 = arith.muli %parallel_loop3A_194, %parallel_loop3A_380 : i32
        %parallel_loop3A_382 = arith.constant 1 : i32
        %parallel_loop3A_383 = arith.constant 6 : i32
        %parallel_loop3A_384 = arith.index_cast %parallel_loop3A_382 : i32 to index
        %parallel_loop3A_385 = arith.index_cast %parallel_loop3A_383 : i32 to index
        %parallel_loop3A_386 = arith.index_cast %parallel_loop3A_381 : i32 to index
        %parallel_loop3A_387 = tpu.vector_load %arg9[%parallel_loop3A_384, %parallel_loop3A_385, %parallel_loop3A_386] {strides = array<i32>} : memref<8x8x128xf32, #tpu.memory_space<vmem>>, vector<16xf32>,
        tpu.vector_store %arg9[%parallel_loop3A_384, %parallel_loop3A_385, %parallel_loop3A_386], %parallel_loop3A_379 {strides = array<i32>} : memref<8x8x128xf32, #tpu.memory_space<vmem>>, vector<16xf32>,
        %parallel_loop3A_388 = arith.constant 8 : i32
        %parallel_loop3A_389 = tpu.memref_slice %arg10[%parallel_loop3A_388] : memref<8320xf32, #tpu.memory_space<vmem>> -> memref<8264xf32, #tpu.memory_space<vmem>>
        %parallel_loop3A_390 = tpu.vector_load_idx %parallel_loop3A_389[%parallel_loop3A_222] : memref<8264xf32, #tpu.memory_space<vmem>>[vector<16xi32>], vector<16xf32>,
        %parallel_loop3A_391 = arith.constant 16 : i32
        %parallel_loop3A_392 = arith.muli %parallel_loop3A_194, %parallel_loop3A_391 : i32
        %parallel_loop3A_393 = arith.constant 1 : i32
        %parallel_loop3A_394 = arith.constant 7 : i32
        %parallel_loop3A_395 = arith.index_cast %parallel_loop3A_393 : i32 to index
        %parallel_loop3A_396 = arith.index_cast %parallel_loop3A_394 : i32 to index
        %parallel_loop3A_397 = arith.index_cast %parallel_loop3A_392 : i32 to index
        %parallel_loop3A_398 = tpu.vector_load %arg9[%parallel_loop3A_395, %parallel_loop3A_396, %parallel_loop3A_397] {strides = array<i32>} : memref<8x8x128xf32, #tpu.memory_space<vmem>>, vector<16xf32>,
        tpu.vector_store %arg9[%parallel_loop3A_395, %parallel_loop3A_396, %parallel_loop3A_397], %parallel_loop3A_390 {strides = array<i32>} : memref<8x8x128xf32, #tpu.memory_space<vmem>>, vector<16xf32>,
        %parallel_loop3A_399 = arith.constant 16 : i32
        %parallel_loop3A_400 = tpu.memref_slice %arg10[%parallel_loop3A_399] : memref<8320xf32, #tpu.memory_space<vmem>> -> memref<8264xf32, #tpu.memory_space<vmem>>
        %parallel_loop3A_401 = tpu.vector_load_idx %parallel_loop3A_400[%parallel_loop3A_201] : memref<8264xf32, #tpu.memory_space<vmem>>[vector<16xi32>], vector<16xf32>,
        %parallel_loop3A_402 = arith.constant 16 : i32
        %parallel_loop3A_403 = arith.muli %parallel_loop3A_194, %parallel_loop3A_402 : i32
        %parallel_loop3A_404 = arith.constant 2 : i32
        %parallel_loop3A_405 = arith.constant 0 : i32
        %parallel_loop3A_406 = arith.index_cast %parallel_loop3A_404 : i32 to index
        %parallel_loop3A_407 = arith.index_cast %parallel_loop3A_405 : i32 to index
        %parallel_loop3A_408 = arith.index_cast %parallel_loop3A_403 : i32 to index
        %parallel_loop3A_409 = tpu.vector_load %arg9[%parallel_loop3A_406, %parallel_loop3A_407, %parallel_loop3A_408] {strides = array<i32>} : memref<8x8x128xf32, #tpu.memory_space<vmem>>, vector<16xf32>,
        tpu.vector_store %arg9[%parallel_loop3A_406, %parallel_loop3A_407, %parallel_loop3A_408], %parallel_loop3A_401 {strides = array<i32>} : memref<8x8x128xf32, #tpu.memory_space<vmem>>, vector<16xf32>,
        %parallel_loop3A_410 = arith.constant 16 : i32
        %parallel_loop3A_411 = tpu.memref_slice %arg10[%parallel_loop3A_410] : memref<8320xf32, #tpu.memory_space<vmem>> -> memref<8264xf32, #tpu.memory_space<vmem>>
        %parallel_loop3A_412 = tpu.vector_load_idx %parallel_loop3A_411[%parallel_loop3A_204] : memref<8264xf32, #tpu.memory_space<vmem>>[vector<16xi32>], vector<16xf32>,
        %parallel_loop3A_413 = arith.constant 16 : i32
        %parallel_loop3A_414 = arith.muli %parallel_loop3A_194, %parallel_loop3A_413 : i32
        %parallel_loop3A_415 = arith.constant 2 : i32
        %parallel_loop3A_416 = arith.constant 1 : i32
        %parallel_loop3A_417 = arith.index_cast %parallel_loop3A_415 : i32 to index
        %parallel_loop3A_418 = arith.index_cast %parallel_loop3A_416 : i32 to index
        %parallel_loop3A_419 = arith.index_cast %parallel_loop3A_414 : i32 to index
        %parallel_loop3A_420 = tpu.vector_load %arg9[%parallel_loop3A_417, %parallel_loop3A_418, %parallel_loop3A_419] {strides = array<i32>} : memref<8x8x128xf32, #tpu.memory_space<vmem>>, vector<16xf32>,
        tpu.vector_store %arg9[%parallel_loop3A_417, %parallel_loop3A_418, %parallel_loop3A_419], %parallel_loop3A_412 {strides = array<i32>} : memref<8x8x128xf32, #tpu.memory_space<vmem>>, vector<16xf32>,
        %parallel_loop3A_421 = arith.constant 16 : i32
        %parallel_loop3A_422 = tpu.memref_slice %arg10[%parallel_loop3A_421] : memref<8320xf32, #tpu.memory_space<vmem>> -> memref<8264xf32, #tpu.memory_space<vmem>>
        %parallel_loop3A_423 = tpu.vector_load_idx %parallel_loop3A_422[%parallel_loop3A_207] : memref<8264xf32, #tpu.memory_space<vmem>>[vector<16xi32>], vector<16xf32>,
        %parallel_loop3A_424 = arith.constant 16 : i32
        %parallel_loop3A_425 = arith.muli %parallel_loop3A_194, %parallel_loop3A_424 : i32
        %parallel_loop3A_426 = arith.constant 2 : i32
        %parallel_loop3A_427 = arith.constant 2 : i32
        %parallel_loop3A_428 = arith.index_cast %parallel_loop3A_426 : i32 to index
        %parallel_loop3A_429 = arith.index_cast %parallel_loop3A_427 : i32 to index
        %parallel_loop3A_430 = arith.index_cast %parallel_loop3A_425 : i32 to index
        %parallel_loop3A_431 = tpu.vector_load %arg9[%parallel_loop3A_428, %parallel_loop3A_429, %parallel_loop3A_430] {strides = array<i32>} : memref<8x8x128xf32, #tpu.memory_space<vmem>>, vector<16xf32>,
        tpu.vector_store %arg9[%parallel_loop3A_428, %parallel_loop3A_429, %parallel_loop3A_430], %parallel_loop3A_423 {strides = array<i32>} : memref<8x8x128xf32, #tpu.memory_space<vmem>>, vector<16xf32>,
        %parallel_loop3A_432 = arith.constant 16 : i32
        %parallel_loop3A_433 = tpu.memref_slice %arg10[%parallel_loop3A_432] : memref<8320xf32, #tpu.memory_space<vmem>> -> memref<8264xf32, #tpu.memory_space<vmem>>
        %parallel_loop3A_434 = tpu.vector_load_idx %parallel_loop3A_433[%parallel_loop3A_210] : memref<8264xf32, #tpu.memory_space<vmem>>[vector<16xi32>], vector<16xf32>,
        %parallel_loop3A_435 = arith.constant 16 : i32
        %parallel_loop3A_436 = arith.muli %parallel_loop3A_194, %parallel_loop3A_435 : i32
        %parallel_loop3A_437 = arith.constant 2 : i32
        %parallel_loop3A_438 = arith.constant 3 : i32
        %parallel_loop3A_439 = arith.index_cast %parallel_loop3A_437 : i32 to index
        %parallel_loop3A_440 = arith.index_cast %parallel_loop3A_438 : i32 to index
        %parallel_loop3A_441 = arith.index_cast %parallel_loop3A_436 : i32 to index
        %parallel_loop3A_442 = tpu.vector_load %arg9[%parallel_loop3A_439, %parallel_loop3A_440, %parallel_loop3A_441] {strides = array<i32>} : memref<8x8x128xf32, #tpu.memory_space<vmem>>, vector<16xf32>,
        tpu.vector_store %arg9[%parallel_loop3A_439, %parallel_loop3A_440, %parallel_loop3A_441], %parallel_loop3A_434 {strides = array<i32>} : memref<8x8x128xf32, #tpu.memory_space<vmem>>, vector<16xf32>,
        %parallel_loop3A_443 = arith.constant 16 : i32
        %parallel_loop3A_444 = tpu.memref_slice %arg10[%parallel_loop3A_443] : memref<8320xf32, #tpu.memory_space<vmem>> -> memref<8264xf32, #tpu.memory_space<vmem>>
        %parallel_loop3A_445 = tpu.vector_load_idx %parallel_loop3A_444[%parallel_loop3A_213] : memref<8264xf32, #tpu.memory_space<vmem>>[vector<16xi32>], vector<16xf32>,
        %parallel_loop3A_446 = arith.constant 16 : i32
        %parallel_loop3A_447 = arith.muli %parallel_loop3A_194, %parallel_loop3A_446 : i32
        %parallel_loop3A_448 = arith.constant 2 : i32
        %parallel_loop3A_449 = arith.constant 4 : i32
        %parallel_loop3A_450 = arith.index_cast %parallel_loop3A_448 : i32 to index
        %parallel_loop3A_451 = arith.index_cast %parallel_loop3A_449 : i32 to index
        %parallel_loop3A_452 = arith.index_cast %parallel_loop3A_447 : i32 to index
        %parallel_loop3A_453 = tpu.vector_load %arg9[%parallel_loop3A_450, %parallel_loop3A_451, %parallel_loop3A_452] {strides = array<i32>} : memref<8x8x128xf32, #tpu.memory_space<vmem>>, vector<16xf32>,
        tpu.vector_store %arg9[%parallel_loop3A_450, %parallel_loop3A_451, %parallel_loop3A_452], %parallel_loop3A_445 {strides = array<i32>} : memref<8x8x128xf32, #tpu.memory_space<vmem>>, vector<16xf32>,
        %parallel_loop3A_454 = arith.constant 16 : i32
        %parallel_loop3A_455 = tpu.memref_slice %arg10[%parallel_loop3A_454] : memref<8320xf32, #tpu.memory_space<vmem>> -> memref<8264xf32, #tpu.memory_space<vmem>>
        %parallel_loop3A_456 = tpu.vector_load_idx %parallel_loop3A_455[%parallel_loop3A_216] : memref<8264xf32, #tpu.memory_space<vmem>>[vector<16xi32>], vector<16xf32>,
        %parallel_loop3A_457 = arith.constant 16 : i32
        %parallel_loop3A_458 = arith.muli %parallel_loop3A_194, %parallel_loop3A_457 : i32
        %parallel_loop3A_459 = arith.constant 2 : i32
        %parallel_loop3A_460 = arith.constant 5 : i32
        %parallel_loop3A_461 = arith.index_cast %parallel_loop3A_459 : i32 to index
        %parallel_loop3A_462 = arith.index_cast %parallel_loop3A_460 : i32 to index
        %parallel_loop3A_463 = arith.index_cast %parallel_loop3A_458 : i32 to index
        %parallel_loop3A_464 = tpu.vector_load %arg9[%parallel_loop3A_461, %parallel_loop3A_462, %parallel_loop3A_463] {strides = array<i32>} : memref<8x8x128xf32, #tpu.memory_space<vmem>>, vector<16xf32>,
        tpu.vector_store %arg9[%parallel_loop3A_461, %parallel_loop3A_462, %parallel_loop3A_463], %parallel_loop3A_456 {strides = array<i32>} : memref<8x8x128xf32, #tpu.memory_space<vmem>>, vector<16xf32>,
        %parallel_loop3A_465 = arith.constant 16 : i32
        %parallel_loop3A_466 = tpu.memref_slice %arg10[%parallel_loop3A_465] : memref<8320xf32, #tpu.memory_space<vmem>> -> memref<8264xf32, #tpu.memory_space<vmem>>
        %parallel_loop3A_467 = tpu.vector_load_idx %parallel_loop3A_466[%parallel_loop3A_219] : memref<8264xf32, #tpu.memory_space<vmem>>[vector<16xi32>], vector<16xf32>,
        %parallel_loop3A_468 = arith.constant 16 : i32
        %parallel_loop3A_469 = arith.muli %parallel_loop3A_194, %parallel_loop3A_468 : i32
        %parallel_loop3A_470 = arith.constant 2 : i32
        %parallel_loop3A_471 = arith.constant 6 : i32
        %parallel_loop3A_472 = arith.index_cast %parallel_loop3A_470 : i32 to index
        %parallel_loop3A_473 = arith.index_cast %parallel_loop3A_471 : i32 to index
        %parallel_loop3A_474 = arith.index_cast %parallel_loop3A_469 : i32 to index
        %parallel_loop3A_475 = tpu.vector_load %arg9[%parallel_loop3A_472, %parallel_loop3A_473, %parallel_loop3A_474] {strides = array<i32>} : memref<8x8x128xf32, #tpu.memory_space<vmem>>, vector<16xf32>,
        tpu.vector_store %arg9[%parallel_loop3A_472, %parallel_loop3A_473, %parallel_loop3A_474], %parallel_loop3A_467 {strides = array<i32>} : memref<8x8x128xf32, #tpu.memory_space<vmem>>, vector<16xf32>,
        %parallel_loop3A_476 = arith.constant 16 : i32
        %parallel_loop3A_477 = tpu.memref_slice %arg10[%parallel_loop3A_476] : memref<8320xf32, #tpu.memory_space<vmem>> -> memref<8264xf32, #tpu.memory_space<vmem>>
        %parallel_loop3A_478 = tpu.vector_load_idx %parallel_loop3A_477[%parallel_loop3A_222] : memref<8264xf32, #tpu.memory_space<vmem>>[vector<16xi32>], vector<16xf32>,
        %parallel_loop3A_479 = arith.constant 16 : i32
        %parallel_loop3A_480 = arith.muli %parallel_loop3A_194, %parallel_loop3A_479 : i32
        %parallel_loop3A_481 = arith.constant 2 : i32
        %parallel_loop3A_482 = arith.constant 7 : i32
        %parallel_loop3A_483 = arith.index_cast %parallel_loop3A_481 : i32 to index
        %parallel_loop3A_484 = arith.index_cast %parallel_loop3A_482 : i32 to index
        %parallel_loop3A_485 = arith.index_cast %parallel_loop3A_480 : i32 to index
        %parallel_loop3A_486 = tpu.vector_load %arg9[%parallel_loop3A_483, %parallel_loop3A_484, %parallel_loop3A_485] {strides = array<i32>} : memref<8x8x128xf32, #tpu.memory_space<vmem>>, vector<16xf32>,
        tpu.vector_store %arg9[%parallel_loop3A_483, %parallel_loop3A_484, %parallel_loop3A_485], %parallel_loop3A_478 {strides = array<i32>} : memref<8x8x128xf32, #tpu.memory_space<vmem>>, vector<16xf32>,
        %parallel_loop3A_487 = arith.constant 24 : i32
        %parallel_loop3A_488 = tpu.memref_slice %arg10[%parallel_loop3A_487] : memref<8320xf32, #tpu.memory_space<vmem>> -> memref<8264xf32, #tpu.memory_space<vmem>>
        %parallel_loop3A_489 = tpu.vector_load_idx %parallel_loop3A_488[%parallel_loop3A_201] : memref<8264xf32, #tpu.memory_space<vmem>>[vector<16xi32>], vector<16xf32>,
        %parallel_loop3A_490 = arith.constant 16 : i32
        %parallel_loop3A_491 = arith.muli %parallel_loop3A_194, %parallel_loop3A_490 : i32
        %parallel_loop3A_492 = arith.constant 3 : i32
        %parallel_loop3A_493 = arith.constant 0 : i32
        %parallel_loop3A_494 = arith.index_cast %parallel_loop3A_492 : i32 to index
        %parallel_loop3A_495 = arith.index_cast %parallel_loop3A_493 : i32 to index
        %parallel_loop3A_496 = arith.index_cast %parallel_loop3A_491 : i32 to index
        %parallel_loop3A_497 = tpu.vector_load %arg9[%parallel_loop3A_494, %parallel_loop3A_495, %parallel_loop3A_496] {strides = array<i32>} : memref<8x8x128xf32, #tpu.memory_space<vmem>>, vector<16xf32>,
        tpu.vector_store %arg9[%parallel_loop3A_494, %parallel_loop3A_495, %parallel_loop3A_496], %parallel_loop3A_489 {strides = array<i32>} : memref<8x8x128xf32, #tpu.memory_space<vmem>>, vector<16xf32>,
        %parallel_loop3A_498 = arith.constant 24 : i32
        %parallel_loop3A_499 = tpu.memref_slice %arg10[%parallel_loop3A_498] : memref<8320xf32, #tpu.memory_space<vmem>> -> memref<8264xf32, #tpu.memory_space<vmem>>
        %parallel_loop3A_500 = tpu.vector_load_idx %parallel_loop3A_499[%parallel_loop3A_204] : memref<8264xf32, #tpu.memory_space<vmem>>[vector<16xi32>], vector<16xf32>,
        %parallel_loop3A_501 = arith.constant 16 : i32
        %parallel_loop3A_502 = arith.muli %parallel_loop3A_194, %parallel_loop3A_501 : i32
        %parallel_loop3A_503 = arith.constant 3 : i32
        %parallel_loop3A_504 = arith.constant 1 : i32
        %parallel_loop3A_505 = arith.index_cast %parallel_loop3A_503 : i32 to index
        %parallel_loop3A_506 = arith.index_cast %parallel_loop3A_504 : i32 to index
        %parallel_loop3A_507 = arith.index_cast %parallel_loop3A_502 : i32 to index
        %parallel_loop3A_508 = tpu.vector_load %arg9[%parallel_loop3A_505, %parallel_loop3A_506, %parallel_loop3A_507] {strides = array<i32>} : memref<8x8x128xf32, #tpu.memory_space<vmem>>, vector<16xf32>,
        tpu.vector_store %arg9[%parallel_loop3A_505, %parallel_loop3A_506, %parallel_loop3A_507], %parallel_loop3A_500 {strides = array<i32>} : memref<8x8x128xf32, #tpu.memory_space<vmem>>, vector<16xf32>,
        %parallel_loop3A_509 = arith.constant 24 : i32
        %parallel_loop3A_510 = tpu.memref_slice %arg10[%parallel_loop3A_509] : memref<8320xf32, #tpu.memory_space<vmem>> -> memref<8264xf32, #tpu.memory_space<vmem>>
        %parallel_loop3A_511 = tpu.vector_load_idx %parallel_loop3A_510[%parallel_loop3A_207] : memref<8264xf32, #tpu.memory_space<vmem>>[vector<16xi32>], vector<16xf32>,
        %parallel_loop3A_512 = arith.constant 16 : i32
        %parallel_loop3A_513 = arith.muli %parallel_loop3A_194, %parallel_loop3A_512 : i32
        %parallel_loop3A_514 = arith.constant 3 : i32
        %parallel_loop3A_515 = arith.constant 2 : i32
        %parallel_loop3A_516 = arith.index_cast %parallel_loop3A_514 : i32 to index
        %parallel_loop3A_517 = arith.index_cast %parallel_loop3A_515 : i32 to index
        %parallel_loop3A_518 = arith.index_cast %parallel_loop3A_513 : i32 to index
        %parallel_loop3A_519 = tpu.vector_load %arg9[%parallel_loop3A_516, %parallel_loop3A_517, %parallel_loop3A_518] {strides = array<i32>} : memref<8x8x128xf32, #tpu.memory_space<vmem>>, vector<16xf32>,
        tpu.vector_store %arg9[%parallel_loop3A_516, %parallel_loop3A_517, %parallel_loop3A_518], %parallel_loop3A_511 {strides = array<i32>} : memref<8x8x128xf32, #tpu.memory_space<vmem>>, vector<16xf32>,
        %parallel_loop3A_520 = arith.constant 24 : i32
        %parallel_loop3A_521 = tpu.memref_slice %arg10[%parallel_loop3A_520] : memref<8320xf32, #tpu.memory_space<vmem>> -> memref<8264xf32, #tpu.memory_space<vmem>>
        %parallel_loop3A_522 = tpu.vector_load_idx %parallel_loop3A_521[%parallel_loop3A_210] : memref<8264xf32, #tpu.memory_space<vmem>>[vector<16xi32>], vector<16xf32>,
        %parallel_loop3A_523 = arith.constant 16 : i32
        %parallel_loop3A_524 = arith.muli %parallel_loop3A_194, %parallel_loop3A_523 : i32
        %parallel_loop3A_525 = arith.constant 3 : i32
        %parallel_loop3A_526 = arith.constant 3 : i32
        %parallel_loop3A_527 = arith.index_cast %parallel_loop3A_525 : i32 to index
        %parallel_loop3A_528 = arith.index_cast %parallel_loop3A_526 : i32 to index
        %parallel_loop3A_529 = arith.index_cast %parallel_loop3A_524 : i32 to index
        %parallel_loop3A_530 = tpu.vector_load %arg9[%parallel_loop3A_527, %parallel_loop3A_528, %parallel_loop3A_529] {strides = array<i32>} : memref<8x8x128xf32, #tpu.memory_space<vmem>>, vector<16xf32>,
        tpu.vector_store %arg9[%parallel_loop3A_527, %parallel_loop3A_528, %parallel_loop3A_529], %parallel_loop3A_522 {strides = array<i32>} : memref<8x8x128xf32, #tpu.memory_space<vmem>>, vector<16xf32>,
        %parallel_loop3A_531 = arith.constant 24 : i32
        %parallel_loop3A_532 = tpu.memref_slice %arg10[%parallel_loop3A_531] : memref<8320xf32, #tpu.memory_space<vmem>> -> memref<8264xf32, #tpu.memory_space<vmem>>
        %parallel_loop3A_533 = tpu.vector_load_idx %parallel_loop3A_532[%parallel_loop3A_213] : memref<8264xf32, #tpu.memory_space<vmem>>[vector<16xi32>], vector<16xf32>,
        %parallel_loop3A_534 = arith.constant 16 : i32
        %parallel_loop3A_535 = arith.muli %parallel_loop3A_194, %parallel_loop3A_534 : i32
        %parallel_loop3A_536 = arith.constant 3 : i32
        %parallel_loop3A_537 = arith.constant 4 : i32
        %parallel_loop3A_538 = arith.index_cast %parallel_loop3A_536 : i32 to index
        %parallel_loop3A_539 = arith.index_cast %parallel_loop3A_537 : i32 to index
        %parallel_loop3A_540 = arith.index_cast %parallel_loop3A_535 : i32 to index
        %parallel_loop3A_541 = tpu.vector_load %arg9[%parallel_loop3A_538, %parallel_loop3A_539, %parallel_loop3A_540] {strides = array<i32>} : memref<8x8x128xf32, #tpu.memory_space<vmem>>, vector<16xf32>,
        tpu.vector_store %arg9[%parallel_loop3A_538, %parallel_loop3A_539, %parallel_loop3A_540], %parallel_loop3A_533 {strides = array<i32>} : memref<8x8x128xf32, #tpu.memory_space<vmem>>, vector<16xf32>,
        %parallel_loop3A_542 = arith.constant 24 : i32
        %parallel_loop3A_543 = tpu.memref_slice %arg10[%parallel_loop3A_542] : memref<8320xf32, #tpu.memory_space<vmem>> -> memref<8264xf32, #tpu.memory_space<vmem>>
        %parallel_loop3A_544 = tpu.vector_load_idx %parallel_loop3A_543[%parallel_loop3A_216] : memref<8264xf32, #tpu.memory_space<vmem>>[vector<16xi32>], vector<16xf32>,
        %parallel_loop3A_545 = arith.constant 16 : i32
        %parallel_loop3A_546 = arith.muli %parallel_loop3A_194, %parallel_loop3A_545 : i32
        %parallel_loop3A_547 = arith.constant 3 : i32
        %parallel_loop3A_548 = arith.constant 5 : i32
        %parallel_loop3A_549 = arith.index_cast %parallel_loop3A_547 : i32 to index
        %parallel_loop3A_550 = arith.index_cast %parallel_loop3A_548 : i32 to index
        %parallel_loop3A_551 = arith.index_cast %parallel_loop3A_546 : i32 to index
        %parallel_loop3A_552 = tpu.vector_load %arg9[%parallel_loop3A_549, %parallel_loop3A_550, %parallel_loop3A_551] {strides = array<i32>} : memref<8x8x128xf32, #tpu.memory_space<vmem>>, vector<16xf32>,
        tpu.vector_store %arg9[%parallel_loop3A_549, %parallel_loop3A_550, %parallel_loop3A_551], %parallel_loop3A_544 {strides = array<i32>} : memref<8x8x128xf32, #tpu.memory_space<vmem>>, vector<16xf32>,
        %parallel_loop3A_553 = arith.constant 24 : i32
        %parallel_loop3A_554 = tpu.memref_slice %arg10[%parallel_loop3A_553] : memref<8320xf32, #tpu.memory_space<vmem>> -> memref<8264xf32, #tpu.memory_space<vmem>>
        %parallel_loop3A_555 = tpu.vector_load_idx %parallel_loop3A_554[%parallel_loop3A_219] : memref<8264xf32, #tpu.memory_space<vmem>>[vector<16xi32>], vector<16xf32>,
        %parallel_loop3A_556 = arith.constant 16 : i32
        %parallel_loop3A_557 = arith.muli %parallel_loop3A_194, %parallel_loop3A_556 : i32
        %parallel_loop3A_558 = arith.constant 3 : i32
        %parallel_loop3A_559 = arith.constant 6 : i32
        %parallel_loop3A_560 = arith.index_cast %parallel_loop3A_558 : i32 to index
        %parallel_loop3A_561 = arith.index_cast %parallel_loop3A_559 : i32 to index
        %parallel_loop3A_562 = arith.index_cast %parallel_loop3A_557 : i32 to index
        %parallel_loop3A_563 = tpu.vector_load %arg9[%parallel_loop3A_560, %parallel_loop3A_561, %parallel_loop3A_562] {strides = array<i32>} : memref<8x8x128xf32, #tpu.memory_space<vmem>>, vector<16xf32>,
        tpu.vector_store %arg9[%parallel_loop3A_560, %parallel_loop3A_561, %parallel_loop3A_562], %parallel_loop3A_555 {strides = array<i32>} : memref<8x8x128xf32, #tpu.memory_space<vmem>>, vector<16xf32>,
        %parallel_loop3A_564 = arith.constant 24 : i32
        %parallel_loop3A_565 = tpu.memref_slice %arg10[%parallel_loop3A_564] : memref<8320xf32, #tpu.memory_space<vmem>> -> memref<8264xf32, #tpu.memory_space<vmem>>
        %parallel_loop3A_566 = tpu.vector_load_idx %parallel_loop3A_565[%parallel_loop3A_222] : memref<8264xf32, #tpu.memory_space<vmem>>[vector<16xi32>], vector<16xf32>,
        %parallel_loop3A_567 = arith.constant 16 : i32
        %parallel_loop3A_568 = arith.muli %parallel_loop3A_194, %parallel_loop3A_567 : i32
        %parallel_loop3A_569 = arith.constant 3 : i32
        %parallel_loop3A_570 = arith.constant 7 : i32
        %parallel_loop3A_571 = arith.index_cast %parallel_loop3A_569 : i32 to index
        %parallel_loop3A_572 = arith.index_cast %parallel_loop3A_570 : i32 to index
        %parallel_loop3A_573 = arith.index_cast %parallel_loop3A_568 : i32 to index
        %parallel_loop3A_574 = tpu.vector_load %arg9[%parallel_loop3A_571, %parallel_loop3A_572, %parallel_loop3A_573] {strides = array<i32>} : memref<8x8x128xf32, #tpu.memory_space<vmem>>, vector<16xf32>,
        tpu.vector_store %arg9[%parallel_loop3A_571, %parallel_loop3A_572, %parallel_loop3A_573], %parallel_loop3A_566 {strides = array<i32>} : memref<8x8x128xf32, #tpu.memory_space<vmem>>, vector<16xf32>,
        %parallel_loop3A_575 = arith.constant 32 : i32
        %parallel_loop3A_576 = tpu.memref_slice %arg10[%parallel_loop3A_575] : memref<8320xf32, #tpu.memory_space<vmem>> -> memref<8264xf32, #tpu.memory_space<vmem>>
        %parallel_loop3A_577 = tpu.vector_load_idx %parallel_loop3A_576[%parallel_loop3A_201] : memref<8264xf32, #tpu.memory_space<vmem>>[vector<16xi32>], vector<16xf32>,
        %parallel_loop3A_578 = arith.constant 16 : i32
        %parallel_loop3A_579 = arith.muli %parallel_loop3A_194, %parallel_loop3A_578 : i32
        %parallel_loop3A_580 = arith.constant 4 : i32
        %parallel_loop3A_581 = arith.constant 0 : i32
        %parallel_loop3A_582 = arith.index_cast %parallel_loop3A_580 : i32 to index
        %parallel_loop3A_583 = arith.index_cast %parallel_loop3A_581 : i32 to index
        %parallel_loop3A_584 = arith.index_cast %parallel_loop3A_579 : i32 to index
        %parallel_loop3A_585 = tpu.vector_load %arg9[%parallel_loop3A_582, %parallel_loop3A_583, %parallel_loop3A_584] {strides = array<i32>} : memref<8x8x128xf32, #tpu.memory_space<vmem>>, vector<16xf32>,
        tpu.vector_store %arg9[%parallel_loop3A_582, %parallel_loop3A_583, %parallel_loop3A_584], %parallel_loop3A_577 {strides = array<i32>} : memref<8x8x128xf32, #tpu.memory_space<vmem>>, vector<16xf32>,
        %parallel_loop3A_586 = arith.constant 32 : i32
        %parallel_loop3A_587 = tpu.memref_slice %arg10[%parallel_loop3A_586] : memref<8320xf32, #tpu.memory_space<vmem>> -> memref<8264xf32, #tpu.memory_space<vmem>>
        %parallel_loop3A_588 = tpu.vector_load_idx %parallel_loop3A_587[%parallel_loop3A_204] : memref<8264xf32, #tpu.memory_space<vmem>>[vector<16xi32>], vector<16xf32>,
        %parallel_loop3A_589 = arith.constant 16 : i32
        %parallel_loop3A_590 = arith.muli %parallel_loop3A_194, %parallel_loop3A_589 : i32
        %parallel_loop3A_591 = arith.constant 4 : i32
        %parallel_loop3A_592 = arith.constant 1 : i32
        %parallel_loop3A_593 = arith.index_cast %parallel_loop3A_591 : i32 to index
        %parallel_loop3A_594 = arith.index_cast %parallel_loop3A_592 : i32 to index
        %parallel_loop3A_595 = arith.index_cast %parallel_loop3A_590 : i32 to index
        %parallel_loop3A_596 = tpu.vector_load %arg9[%parallel_loop3A_593, %parallel_loop3A_594, %parallel_loop3A_595] {strides = array<i32>} : memref<8x8x128xf32, #tpu.memory_space<vmem>>, vector<16xf32>,
        tpu.vector_store %arg9[%parallel_loop3A_593, %parallel_loop3A_594, %parallel_loop3A_595], %parallel_loop3A_588 {strides = array<i32>} : memref<8x8x128xf32, #tpu.memory_space<vmem>>, vector<16xf32>,
        %parallel_loop3A_597 = arith.constant 32 : i32
        %parallel_loop3A_598 = tpu.memref_slice %arg10[%parallel_loop3A_597] : memref<8320xf32, #tpu.memory_space<vmem>> -> memref<8264xf32, #tpu.memory_space<vmem>>
        %parallel_loop3A_599 = tpu.vector_load_idx %parallel_loop3A_598[%parallel_loop3A_207] : memref<8264xf32, #tpu.memory_space<vmem>>[vector<16xi32>], vector<16xf32>,
        %parallel_loop3A_600 = arith.constant 16 : i32
        %parallel_loop3A_601 = arith.muli %parallel_loop3A_194, %parallel_loop3A_600 : i32
        %parallel_loop3A_602 = arith.constant 4 : i32
        %parallel_loop3A_603 = arith.constant 2 : i32
        %parallel_loop3A_604 = arith.index_cast %parallel_loop3A_602 : i32 to index
        %parallel_loop3A_605 = arith.index_cast %parallel_loop3A_603 : i32 to index
        %parallel_loop3A_606 = arith.index_cast %parallel_loop3A_601 : i32 to index
        %parallel_loop3A_607 = tpu.vector_load %arg9[%parallel_loop3A_604, %parallel_loop3A_605, %parallel_loop3A_606] {strides = array<i32>} : memref<8x8x128xf32, #tpu.memory_space<vmem>>, vector<16xf32>,
        tpu.vector_store %arg9[%parallel_loop3A_604, %parallel_loop3A_605, %parallel_loop3A_606], %parallel_loop3A_599 {strides = array<i32>} : memref<8x8x128xf32, #tpu.memory_space<vmem>>, vector<16xf32>,
        %parallel_loop3A_608 = arith.constant 32 : i32
        %parallel_loop3A_609 = tpu.memref_slice %arg10[%parallel_loop3A_608] : memref<8320xf32, #tpu.memory_space<vmem>> -> memref<8264xf32, #tpu.memory_space<vmem>>
        %parallel_loop3A_610 = tpu.vector_load_idx %parallel_loop3A_609[%parallel_loop3A_210] : memref<8264xf32, #tpu.memory_space<vmem>>[vector<16xi32>], vector<16xf32>,
        %parallel_loop3A_611 = arith.constant 16 : i32
        %parallel_loop3A_612 = arith.muli %parallel_loop3A_194, %parallel_loop3A_611 : i32
        %parallel_loop3A_613 = arith.constant 4 : i32
        %parallel_loop3A_614 = arith.constant 3 : i32
        %parallel_loop3A_615 = arith.index_cast %parallel_loop3A_613 : i32 to index
        %parallel_loop3A_616 = arith.index_cast %parallel_loop3A_614 : i32 to index
        %parallel_loop3A_617 = arith.index_cast %parallel_loop3A_612 : i32 to index
        %parallel_loop3A_618 = tpu.vector_load %arg9[%parallel_loop3A_615, %parallel_loop3A_616, %parallel_loop3A_617] {strides = array<i32>} : memref<8x8x128xf32, #tpu.memory_space<vmem>>, vector<16xf32>,
        tpu.vector_store %arg9[%parallel_loop3A_615, %parallel_loop3A_616, %parallel_loop3A_617], %parallel_loop3A_610 {strides = array<i32>} : memref<8x8x128xf32, #tpu.memory_space<vmem>>, vector<16xf32>,
        %parallel_loop3A_619 = arith.constant 32 : i32
        %parallel_loop3A_620 = tpu.memref_slice %arg10[%parallel_loop3A_619] : memref<8320xf32, #tpu.memory_space<vmem>> -> memref<8264xf32, #tpu.memory_space<vmem>>
        %parallel_loop3A_621 = tpu.vector_load_idx %parallel_loop3A_620[%parallel_loop3A_213] : memref<8264xf32, #tpu.memory_space<vmem>>[vector<16xi32>], vector<16xf32>,
        %parallel_loop3A_622 = arith.constant 16 : i32
        %parallel_loop3A_623 = arith.muli %parallel_loop3A_194, %parallel_loop3A_622 : i32
        %parallel_loop3A_624 = arith.constant 4 : i32
        %parallel_loop3A_625 = arith.constant 4 : i32
        %parallel_loop3A_626 = arith.index_cast %parallel_loop3A_624 : i32 to index
        %parallel_loop3A_627 = arith.index_cast %parallel_loop3A_625 : i32 to index
        %parallel_loop3A_628 = arith.index_cast %parallel_loop3A_623 : i32 to index
        %parallel_loop3A_629 = tpu.vector_load %arg9[%parallel_loop3A_626, %parallel_loop3A_627, %parallel_loop3A_628] {strides = array<i32>} : memref<8x8x128xf32, #tpu.memory_space<vmem>>, vector<16xf32>,
        tpu.vector_store %arg9[%parallel_loop3A_626, %parallel_loop3A_627, %parallel_loop3A_628], %parallel_loop3A_621 {strides = array<i32>} : memref<8x8x128xf32, #tpu.memory_space<vmem>>, vector<16xf32>,
        %parallel_loop3A_630 = arith.constant 32 : i32
        %parallel_loop3A_631 = tpu.memref_slice %arg10[%parallel_loop3A_630] : memref<8320xf32, #tpu.memory_space<vmem>> -> memref<8264xf32, #tpu.memory_space<vmem>>
        %parallel_loop3A_632 = tpu.vector_load_idx %parallel_loop3A_631[%parallel_loop3A_216] : memref<8264xf32, #tpu.memory_space<vmem>>[vector<16xi32>], vector<16xf32>,
        %parallel_loop3A_633 = arith.constant 16 : i32
        %parallel_loop3A_634 = arith.muli %parallel_loop3A_194, %parallel_loop3A_633 : i32
        %parallel_loop3A_635 = arith.constant 4 : i32
        %parallel_loop3A_636 = arith.constant 5 : i32
        %parallel_loop3A_637 = arith.index_cast %parallel_loop3A_635 : i32 to index
        %parallel_loop3A_638 = arith.index_cast %parallel_loop3A_636 : i32 to index
        %parallel_loop3A_639 = arith.index_cast %parallel_loop3A_634 : i32 to index
        %parallel_loop3A_640 = tpu.vector_load %arg9[%parallel_loop3A_637, %parallel_loop3A_638, %parallel_loop3A_639] {strides = array<i32>} : memref<8x8x128xf32, #tpu.memory_space<vmem>>, vector<16xf32>,
        tpu.vector_store %arg9[%parallel_loop3A_637, %parallel_loop3A_638, %parallel_loop3A_639], %parallel_loop3A_632 {strides = array<i32>} : memref<8x8x128xf32, #tpu.memory_space<vmem>>, vector<16xf32>,
        %parallel_loop3A_641 = arith.constant 32 : i32
        %parallel_loop3A_642 = tpu.memref_slice %arg10[%parallel_loop3A_641] : memref<8320xf32, #tpu.memory_space<vmem>> -> memref<8264xf32, #tpu.memory_space<vmem>>
        %parallel_loop3A_643 = tpu.vector_load_idx %parallel_loop3A_642[%parallel_loop3A_219] : memref<8264xf32, #tpu.memory_space<vmem>>[vector<16xi32>], vector<16xf32>,
        %parallel_loop3A_644 = arith.constant 16 : i32
        %parallel_loop3A_645 = arith.muli %parallel_loop3A_194, %parallel_loop3A_644 : i32
        %parallel_loop3A_646 = arith.constant 4 : i32
        %parallel_loop3A_647 = arith.constant 6 : i32
        %parallel_loop3A_648 = arith.index_cast %parallel_loop3A_646 : i32 to index
        %parallel_loop3A_649 = arith.index_cast %parallel_loop3A_647 : i32 to index
        %parallel_loop3A_650 = arith.index_cast %parallel_loop3A_645 : i32 to index
        %parallel_loop3A_651 = tpu.vector_load %arg9[%parallel_loop3A_648, %parallel_loop3A_649, %parallel_loop3A_650] {strides = array<i32>} : memref<8x8x128xf32, #tpu.memory_space<vmem>>, vector<16xf32>,
        tpu.vector_store %arg9[%parallel_loop3A_648, %parallel_loop3A_649, %parallel_loop3A_650], %parallel_loop3A_643 {strides = array<i32>} : memref<8x8x128xf32, #tpu.memory_space<vmem>>, vector<16xf32>,
        %parallel_loop3A_652 = arith.constant 32 : i32
        %parallel_loop3A_653 = tpu.memref_slice %arg10[%parallel_loop3A_652] : memref<8320xf32, #tpu.memory_space<vmem>> -> memref<8264xf32, #tpu.memory_space<vmem>>
        %parallel_loop3A_654 = tpu.vector_load_idx %parallel_loop3A_653[%parallel_loop3A_222] : memref<8264xf32, #tpu.memory_space<vmem>>[vector<16xi32>], vector<16xf32>,
        %parallel_loop3A_655 = arith.constant 16 : i32
        %parallel_loop3A_656 = arith.muli %parallel_loop3A_194, %parallel_loop3A_655 : i32
        %parallel_loop3A_657 = arith.constant 4 : i32
        %parallel_loop3A_658 = arith.constant 7 : i32
        %parallel_loop3A_659 = arith.index_cast %parallel_loop3A_657 : i32 to index
        %parallel_loop3A_660 = arith.index_cast %parallel_loop3A_658 : i32 to index
        %parallel_loop3A_661 = arith.index_cast %parallel_loop3A_656 : i32 to index
        %parallel_loop3A_662 = tpu.vector_load %arg9[%parallel_loop3A_659, %parallel_loop3A_660, %parallel_loop3A_661] {strides = array<i32>} : memref<8x8x128xf32, #tpu.memory_space<vmem>>, vector<16xf32>,
        tpu.vector_store %arg9[%parallel_loop3A_659, %parallel_loop3A_660, %parallel_loop3A_661], %parallel_loop3A_654 {strides = array<i32>} : memref<8x8x128xf32, #tpu.memory_space<vmem>>, vector<16xf32>,
        %parallel_loop3A_663 = arith.constant 40 : i32
        %parallel_loop3A_664 = tpu.memref_slice %arg10[%parallel_loop3A_663] : memref<8320xf32, #tpu.memory_space<vmem>> -> memref<8264xf32, #tpu.memory_space<vmem>>
        %parallel_loop3A_665 = tpu.vector_load_idx %parallel_loop3A_664[%parallel_loop3A_201] : memref<8264xf32, #tpu.memory_space<vmem>>[vector<16xi32>], vector<16xf32>,
        %parallel_loop3A_666 = arith.constant 16 : i32
        %parallel_loop3A_667 = arith.muli %parallel_loop3A_194, %parallel_loop3A_666 : i32
        %parallel_loop3A_668 = arith.constant 5 : i32
        %parallel_loop3A_669 = arith.constant 0 : i32
        %parallel_loop3A_670 = arith.index_cast %parallel_loop3A_668 : i32 to index
        %parallel_loop3A_671 = arith.index_cast %parallel_loop3A_669 : i32 to index
        %parallel_loop3A_672 = arith.index_cast %parallel_loop3A_667 : i32 to index
        %parallel_loop3A_673 = tpu.vector_load %arg9[%parallel_loop3A_670, %parallel_loop3A_671, %parallel_loop3A_672] {strides = array<i32>} : memref<8x8x128xf32, #tpu.memory_space<vmem>>, vector<16xf32>,
        tpu.vector_store %arg9[%parallel_loop3A_670, %parallel_loop3A_671, %parallel_loop3A_672], %parallel_loop3A_665 {strides = array<i32>} : memref<8x8x128xf32, #tpu.memory_space<vmem>>, vector<16xf32>,
        %parallel_loop3A_674 = arith.constant 40 : i32
        %parallel_loop3A_675 = tpu.memref_slice %arg10[%parallel_loop3A_674] : memref<8320xf32, #tpu.memory_space<vmem>> -> memref<8264xf32, #tpu.memory_space<vmem>>
        %parallel_loop3A_676 = tpu.vector_load_idx %parallel_loop3A_675[%parallel_loop3A_204] : memref<8264xf32, #tpu.memory_space<vmem>>[vector<16xi32>], vector<16xf32>,
        %parallel_loop3A_677 = arith.constant 16 : i32
        %parallel_loop3A_678 = arith.muli %parallel_loop3A_194, %parallel_loop3A_677 : i32
        %parallel_loop3A_679 = arith.constant 5 : i32
        %parallel_loop3A_680 = arith.constant 1 : i32
        %parallel_loop3A_681 = arith.index_cast %parallel_loop3A_679 : i32 to index
        %parallel_loop3A_682 = arith.index_cast %parallel_loop3A_680 : i32 to index
        %parallel_loop3A_683 = arith.index_cast %parallel_loop3A_678 : i32 to index
        %parallel_loop3A_684 = tpu.vector_load %arg9[%parallel_loop3A_681, %parallel_loop3A_682, %parallel_loop3A_683] {strides = array<i32>} : memref<8x8x128xf32, #tpu.memory_space<vmem>>, vector<16xf32>,
        tpu.vector_store %arg9[%parallel_loop3A_681, %parallel_loop3A_682, %parallel_loop3A_683], %parallel_loop3A_676 {strides = array<i32>} : memref<8x8x128xf32, #tpu.memory_space<vmem>>, vector<16xf32>,
        %parallel_loop3A_685 = arith.constant 40 : i32
        %parallel_loop3A_686 = tpu.memref_slice %arg10[%parallel_loop3A_685] : memref<8320xf32, #tpu.memory_space<vmem>> -> memref<8264xf32, #tpu.memory_space<vmem>>
        %parallel_loop3A_687 = tpu.vector_load_idx %parallel_loop3A_686[%parallel_loop3A_207] : memref<8264xf32, #tpu.memory_space<vmem>>[vector<16xi32>], vector<16xf32>,
        %parallel_loop3A_688 = arith.constant 16 : i32
        %parallel_loop3A_689 = arith.muli %parallel_loop3A_194, %parallel_loop3A_688 : i32
        %parallel_loop3A_690 = arith.constant 5 : i32
        %parallel_loop3A_691 = arith.constant 2 : i32
        %parallel_loop3A_692 = arith.index_cast %parallel_loop3A_690 : i32 to index
        %parallel_loop3A_693 = arith.index_cast %parallel_loop3A_691 : i32 to index
        %parallel_loop3A_694 = arith.index_cast %parallel_loop3A_689 : i32 to index
        %parallel_loop3A_695 = tpu.vector_load %arg9[%parallel_loop3A_692, %parallel_loop3A_693, %parallel_loop3A_694] {strides = array<i32>} : memref<8x8x128xf32, #tpu.memory_space<vmem>>, vector<16xf32>,
        tpu.vector_store %arg9[%parallel_loop3A_692, %parallel_loop3A_693, %parallel_loop3A_694], %parallel_loop3A_687 {strides = array<i32>} : memref<8x8x128xf32, #tpu.memory_space<vmem>>, vector<16xf32>,
        %parallel_loop3A_696 = arith.constant 40 : i32
        %parallel_loop3A_697 = tpu.memref_slice %arg10[%parallel_loop3A_696] : memref<8320xf32, #tpu.memory_space<vmem>> -> memref<8264xf32, #tpu.memory_space<vmem>>
        %parallel_loop3A_698 = tpu.vector_load_idx %parallel_loop3A_697[%parallel_loop3A_210] : memref<8264xf32, #tpu.memory_space<vmem>>[vector<16xi32>], vector<16xf32>,
        %parallel_loop3A_699 = arith.constant 16 : i32
        %parallel_loop3A_700 = arith.muli %parallel_loop3A_194, %parallel_loop3A_699 : i32
        %parallel_loop3A_701 = arith.constant 5 : i32
        %parallel_loop3A_702 = arith.constant 3 : i32
        %parallel_loop3A_703 = arith.index_cast %parallel_loop3A_701 : i32 to index
        %parallel_loop3A_704 = arith.index_cast %parallel_loop3A_702 : i32 to index
        %parallel_loop3A_705 = arith.index_cast %parallel_loop3A_700 : i32 to index
        %parallel_loop3A_706 = tpu.vector_load %arg9[%parallel_loop3A_703, %parallel_loop3A_704, %parallel_loop3A_705] {strides = array<i32>} : memref<8x8x128xf32, #tpu.memory_space<vmem>>, vector<16xf32>,
        tpu.vector_store %arg9[%parallel_loop3A_703, %parallel_loop3A_704, %parallel_loop3A_705], %parallel_loop3A_698 {strides = array<i32>} : memref<8x8x128xf32, #tpu.memory_space<vmem>>, vector<16xf32>,
        %parallel_loop3A_707 = arith.constant 40 : i32
        %parallel_loop3A_708 = tpu.memref_slice %arg10[%parallel_loop3A_707] : memref<8320xf32, #tpu.memory_space<vmem>> -> memref<8264xf32, #tpu.memory_space<vmem>>
        %parallel_loop3A_709 = tpu.vector_load_idx %parallel_loop3A_708[%parallel_loop3A_213] : memref<8264xf32, #tpu.memory_space<vmem>>[vector<16xi32>], vector<16xf32>,
        %parallel_loop3A_710 = arith.constant 16 : i32
        %parallel_loop3A_711 = arith.muli %parallel_loop3A_194, %parallel_loop3A_710 : i32
        %parallel_loop3A_712 = arith.constant 5 : i32
        %parallel_loop3A_713 = arith.constant 4 : i32
        %parallel_loop3A_714 = arith.index_cast %parallel_loop3A_712 : i32 to index
        %parallel_loop3A_715 = arith.index_cast %parallel_loop3A_713 : i32 to index
        %parallel_loop3A_716 = arith.index_cast %parallel_loop3A_711 : i32 to index
        %parallel_loop3A_717 = tpu.vector_load %arg9[%parallel_loop3A_714, %parallel_loop3A_715, %parallel_loop3A_716] {strides = array<i32>} : memref<8x8x128xf32, #tpu.memory_space<vmem>>, vector<16xf32>,
        tpu.vector_store %arg9[%parallel_loop3A_714, %parallel_loop3A_715, %parallel_loop3A_716], %parallel_loop3A_709 {strides = array<i32>} : memref<8x8x128xf32, #tpu.memory_space<vmem>>, vector<16xf32>,
        %parallel_loop3A_718 = arith.constant 40 : i32
        %parallel_loop3A_719 = tpu.memref_slice %arg10[%parallel_loop3A_718] : memref<8320xf32, #tpu.memory_space<vmem>> -> memref<8264xf32, #tpu.memory_space<vmem>>
        %parallel_loop3A_720 = tpu.vector_load_idx %parallel_loop3A_719[%parallel_loop3A_216] : memref<8264xf32, #tpu.memory_space<vmem>>[vector<16xi32>], vector<16xf32>,
        %parallel_loop3A_721 = arith.constant 16 : i32
        %parallel_loop3A_722 = arith.muli %parallel_loop3A_194, %parallel_loop3A_721 : i32
        %parallel_loop3A_723 = arith.constant 5 : i32
        %parallel_loop3A_724 = arith.constant 5 : i32
        %parallel_loop3A_725 = arith.index_cast %parallel_loop3A_723 : i32 to index
        %parallel_loop3A_726 = arith.index_cast %parallel_loop3A_724 : i32 to index
        %parallel_loop3A_727 = arith.index_cast %parallel_loop3A_722 : i32 to index
        %parallel_loop3A_728 = tpu.vector_load %arg9[%parallel_loop3A_725, %parallel_loop3A_726, %parallel_loop3A_727] {strides = array<i32>} : memref<8x8x128xf32, #tpu.memory_space<vmem>>, vector<16xf32>,
        tpu.vector_store %arg9[%parallel_loop3A_725, %parallel_loop3A_726, %parallel_loop3A_727], %parallel_loop3A_720 {strides = array<i32>} : memref<8x8x128xf32, #tpu.memory_space<vmem>>, vector<16xf32>,
        %parallel_loop3A_729 = arith.constant 40 : i32
        %parallel_loop3A_730 = tpu.memref_slice %arg10[%parallel_loop3A_729] : memref<8320xf32, #tpu.memory_space<vmem>> -> memref<8264xf32, #tpu.memory_space<vmem>>
        %parallel_loop3A_731 = tpu.vector_load_idx %parallel_loop3A_730[%parallel_loop3A_219] : memref<8264xf32, #tpu.memory_space<vmem>>[vector<16xi32>], vector<16xf32>,
        %parallel_loop3A_732 = arith.constant 16 : i32
        %parallel_loop3A_733 = arith.muli %parallel_loop3A_194, %parallel_loop3A_732 : i32
        %parallel_loop3A_734 = arith.constant 5 : i32
        %parallel_loop3A_735 = arith.constant 6 : i32
        %parallel_loop3A_736 = arith.index_cast %parallel_loop3A_734 : i32 to index
        %parallel_loop3A_737 = arith.index_cast %parallel_loop3A_735 : i32 to index
        %parallel_loop3A_738 = arith.index_cast %parallel_loop3A_733 : i32 to index
        %parallel_loop3A_739 = tpu.vector_load %arg9[%parallel_loop3A_736, %parallel_loop3A_737, %parallel_loop3A_738] {strides = array<i32>} : memref<8x8x128xf32, #tpu.memory_space<vmem>>, vector<16xf32>,
        tpu.vector_store %arg9[%parallel_loop3A_736, %parallel_loop3A_737, %parallel_loop3A_738], %parallel_loop3A_731 {strides = array<i32>} : memref<8x8x128xf32, #tpu.memory_space<vmem>>, vector<16xf32>,
        %parallel_loop3A_740 = arith.constant 40 : i32
        %parallel_loop3A_741 = tpu.memref_slice %arg10[%parallel_loop3A_740] : memref<8320xf32, #tpu.memory_space<vmem>> -> memref<8264xf32, #tpu.memory_space<vmem>>
        %parallel_loop3A_742 = tpu.vector_load_idx %parallel_loop3A_741[%parallel_loop3A_222] : memref<8264xf32, #tpu.memory_space<vmem>>[vector<16xi32>], vector<16xf32>,
        %parallel_loop3A_743 = arith.constant 16 : i32
        %parallel_loop3A_744 = arith.muli %parallel_loop3A_194, %parallel_loop3A_743 : i32
        %parallel_loop3A_745 = arith.constant 5 : i32
        %parallel_loop3A_746 = arith.constant 7 : i32
        %parallel_loop3A_747 = arith.index_cast %parallel_loop3A_745 : i32 to index
        %parallel_loop3A_748 = arith.index_cast %parallel_loop3A_746 : i32 to index
        %parallel_loop3A_749 = arith.index_cast %parallel_loop3A_744 : i32 to index
        %parallel_loop3A_750 = tpu.vector_load %arg9[%parallel_loop3A_747, %parallel_loop3A_748, %parallel_loop3A_749] {strides = array<i32>} : memref<8x8x128xf32, #tpu.memory_space<vmem>>, vector<16xf32>,
        tpu.vector_store %arg9[%parallel_loop3A_747, %parallel_loop3A_748, %parallel_loop3A_749], %parallel_loop3A_742 {strides = array<i32>} : memref<8x8x128xf32, #tpu.memory_space<vmem>>, vector<16xf32>,
        %parallel_loop3A_751 = arith.constant 48 : i32
        %parallel_loop3A_752 = tpu.memref_slice %arg10[%parallel_loop3A_751] : memref<8320xf32, #tpu.memory_space<vmem>> -> memref<8264xf32, #tpu.memory_space<vmem>>
        %parallel_loop3A_753 = tpu.vector_load_idx %parallel_loop3A_752[%parallel_loop3A_201] : memref<8264xf32, #tpu.memory_space<vmem>>[vector<16xi32>], vector<16xf32>,
        %parallel_loop3A_754 = arith.constant 16 : i32
        %parallel_loop3A_755 = arith.muli %parallel_loop3A_194, %parallel_loop3A_754 : i32
        %parallel_loop3A_756 = arith.constant 6 : i32
        %parallel_loop3A_757 = arith.constant 0 : i32
        %parallel_loop3A_758 = arith.index_cast %parallel_loop3A_756 : i32 to index
        %parallel_loop3A_759 = arith.index_cast %parallel_loop3A_757 : i32 to index
        %parallel_loop3A_760 = arith.index_cast %parallel_loop3A_755 : i32 to index
        %parallel_loop3A_761 = tpu.vector_load %arg9[%parallel_loop3A_758, %parallel_loop3A_759, %parallel_loop3A_760] {strides = array<i32>} : memref<8x8x128xf32, #tpu.memory_space<vmem>>, vector<16xf32>,
        tpu.vector_store %arg9[%parallel_loop3A_758, %parallel_loop3A_759, %parallel_loop3A_760], %parallel_loop3A_753 {strides = array<i32>} : memref<8x8x128xf32, #tpu.memory_space<vmem>>, vector<16xf32>,
        %parallel_loop3A_762 = arith.constant 48 : i32
        %parallel_loop3A_763 = tpu.memref_slice %arg10[%parallel_loop3A_762] : memref<8320xf32, #tpu.memory_space<vmem>> -> memref<8264xf32, #tpu.memory_space<vmem>>
        %parallel_loop3A_764 = tpu.vector_load_idx %parallel_loop3A_763[%parallel_loop3A_204] : memref<8264xf32, #tpu.memory_space<vmem>>[vector<16xi32>], vector<16xf32>,
        %parallel_loop3A_765 = arith.constant 16 : i32
        %parallel_loop3A_766 = arith.muli %parallel_loop3A_194, %parallel_loop3A_765 : i32
        %parallel_loop3A_767 = arith.constant 6 : i32
        %parallel_loop3A_768 = arith.constant 1 : i32
        %parallel_loop3A_769 = arith.index_cast %parallel_loop3A_767 : i32 to index
        %parallel_loop3A_770 = arith.index_cast %parallel_loop3A_768 : i32 to index
        %parallel_loop3A_771 = arith.index_cast %parallel_loop3A_766 : i32 to index
        %parallel_loop3A_772 = tpu.vector_load %arg9[%parallel_loop3A_769, %parallel_loop3A_770, %parallel_loop3A_771] {strides = array<i32>} : memref<8x8x128xf32, #tpu.memory_space<vmem>>, vector<16xf32>,
        tpu.vector_store %arg9[%parallel_loop3A_769, %parallel_loop3A_770, %parallel_loop3A_771], %parallel_loop3A_764 {strides = array<i32>} : memref<8x8x128xf32, #tpu.memory_space<vmem>>, vector<16xf32>,
        %parallel_loop3A_773 = arith.constant 48 : i32
        %parallel_loop3A_774 = tpu.memref_slice %arg10[%parallel_loop3A_773] : memref<8320xf32, #tpu.memory_space<vmem>> -> memref<8264xf32, #tpu.memory_space<vmem>>
        %parallel_loop3A_775 = tpu.vector_load_idx %parallel_loop3A_774[%parallel_loop3A_207] : memref<8264xf32, #tpu.memory_space<vmem>>[vector<16xi32>], vector<16xf32>,
        %parallel_loop3A_776 = arith.constant 16 : i32
        %parallel_loop3A_777 = arith.muli %parallel_loop3A_194, %parallel_loop3A_776 : i32
        %parallel_loop3A_778 = arith.constant 6 : i32
        %parallel_loop3A_779 = arith.constant 2 : i32
        %parallel_loop3A_780 = arith.index_cast %parallel_loop3A_778 : i32 to index
        %parallel_loop3A_781 = arith.index_cast %parallel_loop3A_779 : i32 to index
        %parallel_loop3A_782 = arith.index_cast %parallel_loop3A_777 : i32 to index
        %parallel_loop3A_783 = tpu.vector_load %arg9[%parallel_loop3A_780, %parallel_loop3A_781, %parallel_loop3A_782] {strides = array<i32>} : memref<8x8x128xf32, #tpu.memory_space<vmem>>, vector<16xf32>,
        tpu.vector_store %arg9[%parallel_loop3A_780, %parallel_loop3A_781, %parallel_loop3A_782], %parallel_loop3A_775 {strides = array<i32>} : memref<8x8x128xf32, #tpu.memory_space<vmem>>, vector<16xf32>,
        %parallel_loop3A_784 = arith.constant 48 : i32
        %parallel_loop3A_785 = tpu.memref_slice %arg10[%parallel_loop3A_784] : memref<8320xf32, #tpu.memory_space<vmem>> -> memref<8264xf32, #tpu.memory_space<vmem>>
        %parallel_loop3A_786 = tpu.vector_load_idx %parallel_loop3A_785[%parallel_loop3A_210] : memref<8264xf32, #tpu.memory_space<vmem>>[vector<16xi32>], vector<16xf32>,
        %parallel_loop3A_787 = arith.constant 16 : i32
        %parallel_loop3A_788 = arith.muli %parallel_loop3A_194, %parallel_loop3A_787 : i32
        %parallel_loop3A_789 = arith.constant 6 : i32
        %parallel_loop3A_790 = arith.constant 3 : i32
        %parallel_loop3A_791 = arith.index_cast %parallel_loop3A_789 : i32 to index
        %parallel_loop3A_792 = arith.index_cast %parallel_loop3A_790 : i32 to index
        %parallel_loop3A_793 = arith.index_cast %parallel_loop3A_788 : i32 to index
        %parallel_loop3A_794 = tpu.vector_load %arg9[%parallel_loop3A_791, %parallel_loop3A_792, %parallel_loop3A_793] {strides = array<i32>} : memref<8x8x128xf32, #tpu.memory_space<vmem>>, vector<16xf32>,
        tpu.vector_store %arg9[%parallel_loop3A_791, %parallel_loop3A_792, %parallel_loop3A_793], %parallel_loop3A_786 {strides = array<i32>} : memref<8x8x128xf32, #tpu.memory_space<vmem>>, vector<16xf32>,
        %parallel_loop3A_795 = arith.constant 48 : i32
        %parallel_loop3A_796 = tpu.memref_slice %arg10[%parallel_loop3A_795] : memref<8320xf32, #tpu.memory_space<vmem>> -> memref<8264xf32, #tpu.memory_space<vmem>>
        %parallel_loop3A_797 = tpu.vector_load_idx %parallel_loop3A_796[%parallel_loop3A_213] : memref<8264xf32, #tpu.memory_space<vmem>>[vector<16xi32>], vector<16xf32>,
        %parallel_loop3A_798 = arith.constant 16 : i32
        %parallel_loop3A_799 = arith.muli %parallel_loop3A_194, %parallel_loop3A_798 : i32
        %parallel_loop3A_800 = arith.constant 6 : i32
        %parallel_loop3A_801 = arith.constant 4 : i32
        %parallel_loop3A_802 = arith.index_cast %parallel_loop3A_800 : i32 to index
        %parallel_loop3A_803 = arith.index_cast %parallel_loop3A_801 : i32 to index
        %parallel_loop3A_804 = arith.index_cast %parallel_loop3A_799 : i32 to index
        %parallel_loop3A_805 = tpu.vector_load %arg9[%parallel_loop3A_802, %parallel_loop3A_803, %parallel_loop3A_804] {strides = array<i32>} : memref<8x8x128xf32, #tpu.memory_space<vmem>>, vector<16xf32>,
        tpu.vector_store %arg9[%parallel_loop3A_802, %parallel_loop3A_803, %parallel_loop3A_804], %parallel_loop3A_797 {strides = array<i32>} : memref<8x8x128xf32, #tpu.memory_space<vmem>>, vector<16xf32>,
        %parallel_loop3A_806 = arith.constant 48 : i32
        %parallel_loop3A_807 = tpu.memref_slice %arg10[%parallel_loop3A_806] : memref<8320xf32, #tpu.memory_space<vmem>> -> memref<8264xf32, #tpu.memory_space<vmem>>
        %parallel_loop3A_808 = tpu.vector_load_idx %parallel_loop3A_807[%parallel_loop3A_216] : memref<8264xf32, #tpu.memory_space<vmem>>[vector<16xi32>], vector<16xf32>,
        %parallel_loop3A_809 = arith.constant 16 : i32
        %parallel_loop3A_810 = arith.muli %parallel_loop3A_194, %parallel_loop3A_809 : i32
        %parallel_loop3A_811 = arith.constant 6 : i32
        %parallel_loop3A_812 = arith.constant 5 : i32
        %parallel_loop3A_813 = arith.index_cast %parallel_loop3A_811 : i32 to index
        %parallel_loop3A_814 = arith.index_cast %parallel_loop3A_812 : i32 to index
        %parallel_loop3A_815 = arith.index_cast %parallel_loop3A_810 : i32 to index
        %parallel_loop3A_816 = tpu.vector_load %arg9[%parallel_loop3A_813, %parallel_loop3A_814, %parallel_loop3A_815] {strides = array<i32>} : memref<8x8x128xf32, #tpu.memory_space<vmem>>, vector<16xf32>,
        tpu.vector_store %arg9[%parallel_loop3A_813, %parallel_loop3A_814, %parallel_loop3A_815], %parallel_loop3A_808 {strides = array<i32>} : memref<8x8x128xf32, #tpu.memory_space<vmem>>, vector<16xf32>,
        %parallel_loop3A_817 = arith.constant 48 : i32
        %parallel_loop3A_818 = tpu.memref_slice %arg10[%parallel_loop3A_817] : memref<8320xf32, #tpu.memory_space<vmem>> -> memref<8264xf32, #tpu.memory_space<vmem>>
        %parallel_loop3A_819 = tpu.vector_load_idx %parallel_loop3A_818[%parallel_loop3A_219] : memref<8264xf32, #tpu.memory_space<vmem>>[vector<16xi32>], vector<16xf32>,
        %parallel_loop3A_820 = arith.constant 16 : i32
        %parallel_loop3A_821 = arith.muli %parallel_loop3A_194, %parallel_loop3A_820 : i32
        %parallel_loop3A_822 = arith.constant 6 : i32
        %parallel_loop3A_823 = arith.constant 6 : i32
        %parallel_loop3A_824 = arith.index_cast %parallel_loop3A_822 : i32 to index
        %parallel_loop3A_825 = arith.index_cast %parallel_loop3A_823 : i32 to index
        %parallel_loop3A_826 = arith.index_cast %parallel_loop3A_821 : i32 to index
        %parallel_loop3A_827 = tpu.vector_load %arg9[%parallel_loop3A_824, %parallel_loop3A_825, %parallel_loop3A_826] {strides = array<i32>} : memref<8x8x128xf32, #tpu.memory_space<vmem>>, vector<16xf32>,
        tpu.vector_store %arg9[%parallel_loop3A_824, %parallel_loop3A_825, %parallel_loop3A_826], %parallel_loop3A_819 {strides = array<i32>} : memref<8x8x128xf32, #tpu.memory_space<vmem>>, vector<16xf32>,
        %parallel_loop3A_828 = arith.constant 48 : i32
        %parallel_loop3A_829 = tpu.memref_slice %arg10[%parallel_loop3A_828] : memref<8320xf32, #tpu.memory_space<vmem>> -> memref<8264xf32, #tpu.memory_space<vmem>>
        %parallel_loop3A_830 = tpu.vector_load_idx %parallel_loop3A_829[%parallel_loop3A_222] : memref<8264xf32, #tpu.memory_space<vmem>>[vector<16xi32>], vector<16xf32>,
        %parallel_loop3A_831 = arith.constant 16 : i32
        %parallel_loop3A_832 = arith.muli %parallel_loop3A_194, %parallel_loop3A_831 : i32
        %parallel_loop3A_833 = arith.constant 6 : i32
        %parallel_loop3A_834 = arith.constant 7 : i32
        %parallel_loop3A_835 = arith.index_cast %parallel_loop3A_833 : i32 to index
        %parallel_loop3A_836 = arith.index_cast %parallel_loop3A_834 : i32 to index
        %parallel_loop3A_837 = arith.index_cast %parallel_loop3A_832 : i32 to index
        %parallel_loop3A_838 = tpu.vector_load %arg9[%parallel_loop3A_835, %parallel_loop3A_836, %parallel_loop3A_837] {strides = array<i32>} : memref<8x8x128xf32, #tpu.memory_space<vmem>>, vector<16xf32>,
        tpu.vector_store %arg9[%parallel_loop3A_835, %parallel_loop3A_836, %parallel_loop3A_837], %parallel_loop3A_830 {strides = array<i32>} : memref<8x8x128xf32, #tpu.memory_space<vmem>>, vector<16xf32>,
        %parallel_loop3A_839 = arith.constant 56 : i32
        %parallel_loop3A_840 = tpu.memref_slice %arg10[%parallel_loop3A_839] : memref<8320xf32, #tpu.memory_space<vmem>> -> memref<8264xf32, #tpu.memory_space<vmem>>
        %parallel_loop3A_841 = tpu.vector_load_idx %parallel_loop3A_840[%parallel_loop3A_201] : memref<8264xf32, #tpu.memory_space<vmem>>[vector<16xi32>], vector<16xf32>,
        %parallel_loop3A_842 = arith.constant 16 : i32
        %parallel_loop3A_843 = arith.muli %parallel_loop3A_194, %parallel_loop3A_842 : i32
        %parallel_loop3A_844 = arith.constant 7 : i32
        %parallel_loop3A_845 = arith.constant 0 : i32
        %parallel_loop3A_846 = arith.index_cast %parallel_loop3A_844 : i32 to index
        %parallel_loop3A_847 = arith.index_cast %parallel_loop3A_845 : i32 to index
        %parallel_loop3A_848 = arith.index_cast %parallel_loop3A_843 : i32 to index
        %parallel_loop3A_849 = tpu.vector_load %arg9[%parallel_loop3A_846, %parallel_loop3A_847, %parallel_loop3A_848] {strides = array<i32>} : memref<8x8x128xf32, #tpu.memory_space<vmem>>, vector<16xf32>,
        tpu.vector_store %arg9[%parallel_loop3A_846, %parallel_loop3A_847, %parallel_loop3A_848], %parallel_loop3A_841 {strides = array<i32>} : memref<8x8x128xf32, #tpu.memory_space<vmem>>, vector<16xf32>,
        %parallel_loop3A_850 = arith.constant 56 : i32
        %parallel_loop3A_851 = tpu.memref_slice %arg10[%parallel_loop3A_850] : memref<8320xf32, #tpu.memory_space<vmem>> -> memref<8264xf32, #tpu.memory_space<vmem>>
        %parallel_loop3A_852 = tpu.vector_load_idx %parallel_loop3A_851[%parallel_loop3A_204] : memref<8264xf32, #tpu.memory_space<vmem>>[vector<16xi32>], vector<16xf32>,
        %parallel_loop3A_853 = arith.constant 16 : i32
        %parallel_loop3A_854 = arith.muli %parallel_loop3A_194, %parallel_loop3A_853 : i32
        %parallel_loop3A_855 = arith.constant 7 : i32
        %parallel_loop3A_856 = arith.constant 1 : i32
        %parallel_loop3A_857 = arith.index_cast %parallel_loop3A_855 : i32 to index
        %parallel_loop3A_858 = arith.index_cast %parallel_loop3A_856 : i32 to index
        %parallel_loop3A_859 = arith.index_cast %parallel_loop3A_854 : i32 to index
        %parallel_loop3A_860 = tpu.vector_load %arg9[%parallel_loop3A_857, %parallel_loop3A_858, %parallel_loop3A_859] {strides = array<i32>} : memref<8x8x128xf32, #tpu.memory_space<vmem>>, vector<16xf32>,
        tpu.vector_store %arg9[%parallel_loop3A_857, %parallel_loop3A_858, %parallel_loop3A_859], %parallel_loop3A_852 {strides = array<i32>} : memref<8x8x128xf32, #tpu.memory_space<vmem>>, vector<16xf32>,
        %parallel_loop3A_861 = arith.constant 56 : i32
        %parallel_loop3A_862 = tpu.memref_slice %arg10[%parallel_loop3A_861] : memref<8320xf32, #tpu.memory_space<vmem>> -> memref<8264xf32, #tpu.memory_space<vmem>>
        %parallel_loop3A_863 = tpu.vector_load_idx %parallel_loop3A_862[%parallel_loop3A_207] : memref<8264xf32, #tpu.memory_space<vmem>>[vector<16xi32>], vector<16xf32>,
        %parallel_loop3A_864 = arith.constant 16 : i32
        %parallel_loop3A_865 = arith.muli %parallel_loop3A_194, %parallel_loop3A_864 : i32
        %parallel_loop3A_866 = arith.constant 7 : i32
        %parallel_loop3A_867 = arith.constant 2 : i32
        %parallel_loop3A_868 = arith.index_cast %parallel_loop3A_866 : i32 to index
        %parallel_loop3A_869 = arith.index_cast %parallel_loop3A_867 : i32 to index
        %parallel_loop3A_870 = arith.index_cast %parallel_loop3A_865 : i32 to index
        %parallel_loop3A_871 = tpu.vector_load %arg9[%parallel_loop3A_868, %parallel_loop3A_869, %parallel_loop3A_870] {strides = array<i32>} : memref<8x8x128xf32, #tpu.memory_space<vmem>>, vector<16xf32>,
        tpu.vector_store %arg9[%parallel_loop3A_868, %parallel_loop3A_869, %parallel_loop3A_870], %parallel_loop3A_863 {strides = array<i32>} : memref<8x8x128xf32, #tpu.memory_space<vmem>>, vector<16xf32>,
        %parallel_loop3A_872 = arith.constant 56 : i32
        %parallel_loop3A_873 = tpu.memref_slice %arg10[%parallel_loop3A_872] : memref<8320xf32, #tpu.memory_space<vmem>> -> memref<8264xf32, #tpu.memory_space<vmem>>
        %parallel_loop3A_874 = tpu.vector_load_idx %parallel_loop3A_873[%parallel_loop3A_210] : memref<8264xf32, #tpu.memory_space<vmem>>[vector<16xi32>], vector<16xf32>,
        %parallel_loop3A_875 = arith.constant 16 : i32
        %parallel_loop3A_876 = arith.muli %parallel_loop3A_194, %parallel_loop3A_875 : i32
        %parallel_loop3A_877 = arith.constant 7 : i32
        %parallel_loop3A_878 = arith.constant 3 : i32
        %parallel_loop3A_879 = arith.index_cast %parallel_loop3A_877 : i32 to index
        %parallel_loop3A_880 = arith.index_cast %parallel_loop3A_878 : i32 to index
        %parallel_loop3A_881 = arith.index_cast %parallel_loop3A_876 : i32 to index
        %parallel_loop3A_882 = tpu.vector_load %arg9[%parallel_loop3A_879, %parallel_loop3A_880, %parallel_loop3A_881] {strides = array<i32>} : memref<8x8x128xf32, #tpu.memory_space<vmem>>, vector<16xf32>,
        tpu.vector_store %arg9[%parallel_loop3A_879, %parallel_loop3A_880, %parallel_loop3A_881], %parallel_loop3A_874 {strides = array<i32>} : memref<8x8x128xf32, #tpu.memory_space<vmem>>, vector<16xf32>,
        %parallel_loop3A_883 = arith.constant 56 : i32
        %parallel_loop3A_884 = tpu.memref_slice %arg10[%parallel_loop3A_883] : memref<8320xf32, #tpu.memory_space<vmem>> -> memref<8264xf32, #tpu.memory_space<vmem>>
        %parallel_loop3A_885 = tpu.vector_load_idx %parallel_loop3A_884[%parallel_loop3A_213] : memref<8264xf32, #tpu.memory_space<vmem>>[vector<16xi32>], vector<16xf32>,
        %parallel_loop3A_886 = arith.constant 16 : i32
        %parallel_loop3A_887 = arith.muli %parallel_loop3A_194, %parallel_loop3A_886 : i32
        %parallel_loop3A_888 = arith.constant 7 : i32
        %parallel_loop3A_889 = arith.constant 4 : i32
        %parallel_loop3A_890 = arith.index_cast %parallel_loop3A_888 : i32 to index
        %parallel_loop3A_891 = arith.index_cast %parallel_loop3A_889 : i32 to index
        %parallel_loop3A_892 = arith.index_cast %parallel_loop3A_887 : i32 to index
        %parallel_loop3A_893 = tpu.vector_load %arg9[%parallel_loop3A_890, %parallel_loop3A_891, %parallel_loop3A_892] {strides = array<i32>} : memref<8x8x128xf32, #tpu.memory_space<vmem>>, vector<16xf32>,
        tpu.vector_store %arg9[%parallel_loop3A_890, %parallel_loop3A_891, %parallel_loop3A_892], %parallel_loop3A_885 {strides = array<i32>} : memref<8x8x128xf32, #tpu.memory_space<vmem>>, vector<16xf32>,
        %parallel_loop3A_894 = arith.constant 56 : i32
        %parallel_loop3A_895 = tpu.memref_slice %arg10[%parallel_loop3A_894] : memref<8320xf32, #tpu.memory_space<vmem>> -> memref<8264xf32, #tpu.memory_space<vmem>>
        %parallel_loop3A_896 = tpu.vector_load_idx %parallel_loop3A_895[%parallel_loop3A_216] : memref<8264xf32, #tpu.memory_space<vmem>>[vector<16xi32>], vector<16xf32>,
        %parallel_loop3A_897 = arith.constant 16 : i32
        %parallel_loop3A_898 = arith.muli %parallel_loop3A_194, %parallel_loop3A_897 : i32
        %parallel_loop3A_899 = arith.constant 7 : i32
        %parallel_loop3A_900 = arith.constant 5 : i32
        %parallel_loop3A_901 = arith.index_cast %parallel_loop3A_899 : i32 to index
        %parallel_loop3A_902 = arith.index_cast %parallel_loop3A_900 : i32 to index
        %parallel_loop3A_903 = arith.index_cast %parallel_loop3A_898 : i32 to index
        %parallel_loop3A_904 = tpu.vector_load %arg9[%parallel_loop3A_901, %parallel_loop3A_902, %parallel_loop3A_903] {strides = array<i32>} : memref<8x8x128xf32, #tpu.memory_space<vmem>>, vector<16xf32>,
        tpu.vector_store %arg9[%parallel_loop3A_901, %parallel_loop3A_902, %parallel_loop3A_903], %parallel_loop3A_896 {strides = array<i32>} : memref<8x8x128xf32, #tpu.memory_space<vmem>>, vector<16xf32>,
        %parallel_loop3A_905 = arith.constant 56 : i32
        %parallel_loop3A_906 = tpu.memref_slice %arg10[%parallel_loop3A_905] : memref<8320xf32, #tpu.memory_space<vmem>> -> memref<8264xf32, #tpu.memory_space<vmem>>
        %parallel_loop3A_907 = tpu.vector_load_idx %parallel_loop3A_906[%parallel_loop3A_219] : memref<8264xf32, #tpu.memory_space<vmem>>[vector<16xi32>], vector<16xf32>,
        %parallel_loop3A_908 = arith.constant 16 : i32
        %parallel_loop3A_909 = arith.muli %parallel_loop3A_194, %parallel_loop3A_908 : i32
        %parallel_loop3A_910 = arith.constant 7 : i32
        %parallel_loop3A_911 = arith.constant 6 : i32
        %parallel_loop3A_912 = arith.index_cast %parallel_loop3A_910 : i32 to index
        %parallel_loop3A_913 = arith.index_cast %parallel_loop3A_911 : i32 to index
        %parallel_loop3A_914 = arith.index_cast %parallel_loop3A_909 : i32 to index
        %parallel_loop3A_915 = tpu.vector_load %arg9[%parallel_loop3A_912, %parallel_loop3A_913, %parallel_loop3A_914] {strides = array<i32>} : memref<8x8x128xf32, #tpu.memory_space<vmem>>, vector<16xf32>,
        tpu.vector_store %arg9[%parallel_loop3A_912, %parallel_loop3A_913, %parallel_loop3A_914], %parallel_loop3A_907 {strides = array<i32>} : memref<8x8x128xf32, #tpu.memory_space<vmem>>, vector<16xf32>,
        %parallel_loop3A_916 = arith.constant 56 : i32
        %parallel_loop3A_917 = tpu.memref_slice %arg10[%parallel_loop3A_916] : memref<8320xf32, #tpu.memory_space<vmem>> -> memref<8264xf32, #tpu.memory_space<vmem>>
        %parallel_loop3A_918 = tpu.vector_load_idx %parallel_loop3A_917[%parallel_loop3A_222] : memref<8264xf32, #tpu.memory_space<vmem>>[vector<16xi32>], vector<16xf32>,
        %parallel_loop3A_919 = arith.constant 16 : i32
        %parallel_loop3A_920 = arith.muli %parallel_loop3A_194, %parallel_loop3A_919 : i32
        %parallel_loop3A_921 = arith.constant 7 : i32
        %parallel_loop3A_922 = arith.constant 7 : i32
        %parallel_loop3A_923 = arith.index_cast %parallel_loop3A_921 : i32 to index
        %parallel_loop3A_924 = arith.index_cast %parallel_loop3A_922 : i32 to index
        %parallel_loop3A_925 = arith.index_cast %parallel_loop3A_920 : i32 to index
        %parallel_loop3A_926 = tpu.vector_load %arg9[%parallel_loop3A_923, %parallel_loop3A_924, %parallel_loop3A_925] {strides = array<i32>} : memref<8x8x128xf32, #tpu.memory_space<vmem>>, vector<16xf32>,
        tpu.vector_store %arg9[%parallel_loop3A_923, %parallel_loop3A_924, %parallel_loop3A_925], %parallel_loop3A_918 {strides = array<i32>} : memref<8x8x128xf32, #tpu.memory_space<vmem>>, vector<16xf32>,
      } {sc.loop_unroll_factor = 1 : i64, sc.parallel_access}
      %add3A_136 = arith.addi %mul3A_2, %add3A_117 : i32
      %jit3A_137 = arith.constant 32 : i32
      %div3A_138 = arith.divsi %add3A_136, %jit3A_137 : i32
      %sign3A_139 = arith.constant 0 : i32
      %sign3A_140 = arith.cmpi sgt, %add3A_136, %sign3A_139 : i32
      %sign3A_141 = arith.extui %sign3A_140 : i1 to i32
      %sign3A_142 = arith.constant 0 : i32
      %sign3A_143 = arith.cmpi slt, %add3A_136, %sign3A_142 : i32
      %sign3A_144 = arith.extui %sign3A_143 : i1 to i32
      %sign3A_145 = arith.subi %sign3A_141, %sign3A_144 : i32
      %sign3A_146 = arith.constant 0 : i32
      %sign3A_147 = arith.cmpi sgt, %jit3A_137, %sign3A_146 : i32
      %sign3A_148 = arith.extui %sign3A_147 : i1 to i32
      %sign3A_149 = arith.constant 0 : i32
      %sign3A_150 = arith.cmpi slt, %jit3A_137, %sign3A_149 : i32
      %sign3A_151 = arith.extui %sign3A_150 : i1 to i32
      %sign3A_152 = arith.subi %sign3A_148, %sign3A_151 : i32
      %ne3A_153 = arith.cmpi ne, %sign3A_145, %sign3A_152 : i32
      %rem3A_154 = arith.remsi %add3A_136, %jit3A_137 : i32
      %ne3A_155 = arith.constant 0 : i32
      %ne3A_156 = arith.cmpi ne, %rem3A_154, %ne3A_155 : i32
      %and3A_157 = arith.andi %ne3A_153, %ne3A_156 : i1
      %sub3A_158 = arith.constant 1 : i32
      %sub3A_159 = arith.subi %div3A_138, %sub3A_158 : i32
      %select_n3A_160 = arith.select %and3A_157, %sub3A_159, %div3A_138 : i32
      %jit3A_161 = arith.constant 32 : i32
      %eq3A_162 = arith.constant 0 : i32
      %eq3A_163 = arith.cmpi eq, %jit3A_161, %eq3A_162 : i32
      %jit3A_164 = arith.constant 1 : i32
      %select_n3A_165 = arith.select %eq3A_163, %jit3A_164, %jit3A_161 : i32
      %rem3A_166 = arith.remsi %add3A_136, %select_n3A_165 : i32
      %ne3A_167 = arith.constant 0 : i32
      %ne3A_168 = arith.cmpi ne, %rem3A_166, %ne3A_167 : i32
      %lt3A_169 = arith.constant 0 : i32
      %lt3A_170 = arith.cmpi slt, %rem3A_166, %lt3A_169 : i32
      %lt3A_171 = arith.constant 0 : i32
      %lt3A_172 = arith.cmpi slt, %select_n3A_165, %lt3A_171 : i32
      %ne3A_173 = arith.xori %lt3A_170, %lt3A_172 : i1
      %and3A_174 = arith.andi %ne3A_173, %ne3A_168 : i1
      %add3A_175 = arith.addi %rem3A_166, %select_n3A_165 : i32
      %select_n3A_176 = arith.select %and3A_174, %add3A_175, %rem3A_166 : i32
      %dma_start3A_177 = arith.constant 0 : i32
      %dma_start3A_178 = arith.constant 0 : i32
      %dma_start3A_179 = arith.constant 0 : i32
      %dma_start3A_180 = tpu.memref_slice %arg4[%select_n3A_160, %dma_start3A_177, %select_n3A_176, %dma_start3A_178, %dma_start3A_179] : memref<200x8x32x8x128xf32, #tpu.memory_space<hbm>> -> memref<1x8x1x8x128xf32, #tpu.memory_space<hbm>>
      %dma_start3A_181 = tpu.memref_squeeze %dma_start3A_180 : memref<1x8x1x8x128xf32, #tpu.memory_space<hbm>> -> memref<8x8x128xf32, #tpu.memory_space<hbm>>
      %dma_start3A_182 = arith.constant 0 : i32
      %dma_start3A_183 = arith.constant 0 : i32
      %dma_start3A_184 = arith.constant 0 : i32
      %dma_start3A_185 = tpu.memref_slice %arg4[%select_n3A_160, %dma_start3A_182, %select_n3A_176, %dma_start3A_183, %dma_start3A_184] : memref<200x8x32x8x128xf32, #tpu.memory_space<hbm>> -> memref<1x8x1x8x128xf32, #tpu.memory_space<hbm>>
      %dma_start3A_186 = tpu.memref_squeeze %dma_start3A_185 : memref<1x8x1x8x128xf32, #tpu.memory_space<hbm>> -> memref<8x8x128xf32, #tpu.memory_space<hbm>>
      tpu.enqueue_dma source(%arg9 : memref<8x8x128xf32, #tpu.memory_space<vmem>>) target(%dma_start3A_186 : memref<8x8x128xf32, #tpu.memory_space<hbm>>) target_semaphore(%arg14 : memref<!tpu.dma_semaphore, #tpu.memory_space<semaphore_mem>>)
      %add3A_187 = arith.constant 2 : i32
      %add3A_188 = arith.addi %add3A_117, %add3A_187 : i32
      %lt3A_189 = arith.constant 200 : i32
      %lt3A_190 = arith.cmpi slt, %add3A_188, %lt3A_189 : i32
      %convert_element_type3A_191 = arith.extui %lt3A_190 : i1 to i32
      %cond3A_192 = arith.constant 0 : i32
      %cond3A_193 = arith.cmpi ne, %convert_element_type3A_191, %cond3A_192 : i32
      scf.if %cond3A_193 {
        %add3A_194 = arith.constant 2 : i32
        %add3A_195 = arith.addi %add3A_117, %add3A_194 : i32
        %dma_start3A_196 = arith.constant 0 : i32
        %dma_start3A_197 = tpu.memref_slice %arg5[%add3A_195, %dma_start3A_196] : memref<200x128xi32, #tpu.memory_space<vmem>> -> memref<1x128xi32, #tpu.memory_space<vmem>>
        %dma_start3A_198 = tpu.memref_squeeze %dma_start3A_197 : memref<1x128xi32, #tpu.memory_space<vmem>> -> memref<128xi32, #tpu.memory_space<vmem>>
        %dma_start3A_199 = arith.constant 0 : i32
        %dma_start3A_200 = arith.constant 0 : i32
        %dma_start3A_201 = tpu.memref_slice %arg3[%dma_start3A_199, %dma_start3A_200] : memref<1000000x64xf32, #tpu.memory_space<hbm>> -> memref<1000000x64xf32, #tpu.memory_space<hbm>>
        tpu.enqueue_indirect_dma source(%dma_start3A_201 : memref<1000000x64xf32, #tpu.memory_space<hbm>>) target(%arg7 : memref<128x64xf32, #tpu.memory_space<vmem>>) offsets(%dma_start3A_198 : memref<128xi32, #tpu.memory_space<vmem>>) semaphore(%arg12 : memref<!tpu.dma_semaphore, #tpu.memory_space<semaphore_mem>>)
      } else {
      }
    }
    %scan3A_23 = arith.constant 100 : i32
    %dma_wait3A = arith.constant 0 : i32
    %dma_wait3A_24 = arith.constant 0 : i32
    %dma_wait3A_25 = arith.constant 0 : i32
    %dma_wait3A_26 = arith.constant 0 : i32
    %dma_wait3A_27 = arith.constant 0 : i32
    %dma_wait3A_28 = tpu.memref_slice %arg4[%dma_wait3A, %dma_wait3A_25, %dma_wait3A_24, %dma_wait3A_26, %dma_wait3A_27] : memref<200x8x32x8x128xf32, #tpu.memory_space<hbm>> -> memref<1x8x1x8x128xf32, #tpu.memory_space<hbm>>
    %dma_wait3A_29 = tpu.memref_squeeze %dma_wait3A_28 : memref<1x8x1x8x128xf32, #tpu.memory_space<hbm>> -> memref<8x8x128xf32, #tpu.memory_space<hbm>>
    %dma_wait3A_30 = arith.constant 0 : i32
    %dma_wait3A_31 = arith.constant 0 : i32
    %dma_wait3A_32 = arith.constant 0 : i32
    %dma_wait3A_33 = tpu.memref_slice %arg4[%dma_wait3A, %dma_wait3A_30, %dma_wait3A_24, %dma_wait3A_31, %dma_wait3A_32] : memref<200x8x32x8x128xf32, #tpu.memory_space<hbm>> -> memref<1x8x1x8x128xf32, #tpu.memory_space<hbm>>
    %dma_wait3A_34 = tpu.memref_squeeze %dma_wait3A_33 : memref<1x8x1x8x128xf32, #tpu.memory_space<hbm>> -> memref<8x8x128xf32, #tpu.memory_space<hbm>>
    tpu.wait_dma2 semaphore(%arg13 : memref<!tpu.dma_semaphore, #tpu.memory_space<semaphore_mem>>) src(%arg8 : memref<8x8x128xf32, #tpu.memory_space<vmem>>) dst(%dma_wait3A_34 : memref<8x8x128xf32, #tpu.memory_space<hbm>>)
    %dma_wait3A_35 = arith.constant 0 : i32
    %dma_wait3A_36 = arith.constant 0 : i32
    %dma_wait3A_37 = arith.constant 0 : i32
    %dma_wait3A_38 = arith.constant 0 : i32
    %dma_wait3A_39 = arith.constant 0 : i32
    %dma_wait3A_40 = tpu.memref_slice %arg4[%dma_wait3A_35, %dma_wait3A_37, %dma_wait3A_36, %dma_wait3A_38, %dma_wait3A_39] : memref<200x8x32x8x128xf32, #tpu.memory_space<hbm>> -> memref<1x8x1x8x128xf32, #tpu.memory_space<hbm>>
    %dma_wait3A_41 = tpu.memref_squeeze %dma_wait3A_40 : memref<1x8x1x8x128xf32, #tpu.memory_space<hbm>> -> memref<8x8x128xf32, #tpu.memory_space<hbm>>
    %dma_wait3A_42 = arith.constant 0 : i32
    %dma_wait3A_43 = arith.constant 0 : i32
    %dma_wait3A_44 = arith.constant 0 : i32
    %dma_wait3A_45 = tpu.memref_slice %arg4[%dma_wait3A_35, %dma_wait3A_42, %dma_wait3A_36, %dma_wait3A_43, %dma_wait3A_44] : memref<200x8x32x8x128xf32, #tpu.memory_space<hbm>> -> memref<1x8x1x8x128xf32, #tpu.memory_space<hbm>>
    %dma_wait3A_46 = tpu.memref_squeeze %dma_wait3A_45 : memref<1x8x1x8x128xf32, #tpu.memory_space<hbm>> -> memref<8x8x128xf32, #tpu.memory_space<hbm>>
    tpu.wait_dma2 semaphore(%arg14 : memref<!tpu.dma_semaphore, #tpu.memory_space<semaphore_mem>>) src(%arg9 : memref<8x8x128xf32, #tpu.memory_space<vmem>>) dst(%dma_wait3A_46 : memref<8x8x128xf32, #tpu.memory_space<hbm>>)
    return
  }
}

</mosaic_0001>

<sc_bundles>
// kernel: kernel.3.cloned.1.call-start
scs
__scs_entry_jumppad:
0x0: {  	(pc) =	sbr.rel $0x88, $3  }
0x1: {  	(tag) =	ssettag $0x0;
	lr =	simm.s32 $0x1  }
0x2: {  	[smem:$0x3F9F] =	sst lr;
	_ =	strace $0xD0000000  }
0x3: {  	_ = 	snop  }
0x4: {  	_ = 	snop  }
0x5: {  	_ = 	snop  }
0x6: {  	_ = 	snop  }
0x7: {  	_ = 	snop  }
__scs_overlays_trampoline_lowered:
0x8: {  	[smem:$0x3FAE] =	sst s0  }
0x9: {  	[smem:$0x3FAF] =	sst s1  }
0xa: {  	[smem:$0x3FB0] =	sst s2  }
0xb: {  	[smem:$0x3FB1] =	sst s3  }
0xc: {  	[smem:$0x3FB2] =	sst s4  }
0xd: {  	[smem:$0x3FB3] =	sst s5  }
0xe: {  	[smem:$0x3FB4] =	sst s6  }
0xf: {  	[smem:$0x3FB5] =	sst s7  }
0x10: {  	[smem:$0x3FB6] =	sst s8  }
0x11: {  	[smem:$0x3FB7] =	sst s9;
	s0 =	simm.s32 @!p0 $0x0  }
0x12: {  	s1 =	sld [smem:$0x3F9D];
	s0 =	simm.s32 @p0 $0x1  }
0x13: {  	[smem:$0x3FB8] =	sst s0;
	s0 =	simm.s32 @!p1 $0x0  }
0x14: {  	s2 =	sld [smem:$0x3F9C];
	s0 =	simm.s32 @p1 $0x1  }
0x15: {  	[smem:$0x3FB9] =	sst s0;
	s0 =	simm.s32 @!p2 $0x0  }
0x16: {  	s3 =	sld [smem:$0x3FDB];
	s0 =	simm.s32 @p2 $0x1  }
0x17: {  	s4 =	simm.s32 $0x1BF5;
	[smem:$0x3FBB] =	sst s0  }
0x18: {  	s0 =	sld [smem:$0x3F9E];
	_ =	swait.ge [sflag:s4], $0x0  }
0x19: {  	s7 =	sld [smem:$0x3F9F]  }
0x1a: {  	s8 =	sadd.s32 $0xFFFFE003, lr  }
0x1b: {  	s9 =	sadd.s32 $0xFFFFFEF7, lr;
	s5 =	simm.s32 $0xFFFFFFFF;
	p2 =	slt.u32 s8, $0xFFFFF086  }
0x1c: {  	p1 =	slt.u32 s9, $0xF7A;
	s5 =	simm.s32 @!p2 $0x0  }
0x1d: {  	s5 =	simm.s32 @p1 $0x1;
	p0 =	seq.s32 s7, s2  }
0x1e: {  	s7 =	smul.u32 @!p0 $0xF7A, s2;
	p2 =	seq.s32 @!p0 s5, $0x0  }
0x1f: {  	s9 =	smul.u32 $0xF7A, s1;
	s8 =	simm.s32 @!p0 $0x1BF5;
	p2 =	por !p2, p0  }
0x20: {  	[sflag:s8] =	ssyncset.s32 @!p0 $0xFFFFF086;
	s6 =	sadd.s32 @!p0 s3, s7;
	s7 =	simm.s32 @!p0 $0x108  }
0x21: {  	s3 =	sadd.s32 s3, s9;
	s6 =	sadd.s32 @!p0 $0x88, s6;
	s7 =	simm.s32 @p2 $0x1082  }
0x22: {  	[simem:s7], [sflag:s8] =	dma.local @!p0 [hbm:s6], $0xF7A  }
0x23: {  	s9 =	sor.u32 $0xD0000000, s2;
	s6 =	simm.s32 $0x108;
	_ =	swait.ge @!p0 [sflag:s8], $0x0  }
0x24: {  	s3 =	sadd.s32 $0x88, s3;
	s6 =	simm.s32 @!p1 $0x1082;
	[sflag:s4] =	ssyncset.s32 $0xFFFFF086  }
0x25: {  	[simem:s6], [sflag:s4] =	dma.local [hbm:s3], $0xF7A  }
0x26: {  	[smem:$0x3F9F] =	sst s1;
	(tag) =	ssettag s2;
	_ =	strace s9  }
0x27: {  	s1 =	sld [smem:$0x3FAF]  }
0x28: {  	s2 =	sld [smem:$0x3FB0]  }
0x29: {  	s4 =	sld [smem:$0x3FB2]  }
0x2a: {  	p0 =	seq.s32 s5, $0x0;
	s5 =	sld [smem:$0x3FB3]  }
0x2b: {  	s6 =	sld [smem:$0x3FB4]  }
0x2c: {  	s7 =	sld [smem:$0x3FB5]  }
0x2d: {  	s3 =	simm.s32 $0x108;
	s8 =	sld [smem:$0x3FB6]  }
0x2e: {  	s3 =	simm.s32 @!p0 $0x1082;
	s9 =	sld [smem:$0x3FB7]  }
0x2f: {  	lr =	sadd.s32 s0, s3;
	s0 =	sld [smem:$0x3FAE]  }
0x30: {  	s3 =	sld [smem:$0x3FB1]  }
0x31: {  	[smem:$0x3FBA] =	sst s10  }
0x32: {  	s10 =	sld [smem:$0x3FB8];
	_ =	sdelay $0x3  }
0x33: {  	p0 =	seq.s32 s10, $0x1;
	s10 =	sld [smem:$0x3FBA];
	_ =	sdelay $0x3  }
0x34: {  	[smem:$0x3FBA] =	sst s10  }
0x35: {  	s10 =	sld [smem:$0x3FB9];
	_ =	sdelay $0x3  }
0x36: {  	p1 =	seq.s32 s10, $0x1;
	s10 =	sld [smem:$0x3FBA];
	_ =	sdelay $0x3  }
0x37: {  	[smem:$0x3FBA] =	sst s10  }
0x38: {  	s10 =	sld [smem:$0x3FBB]  }
0x39: {  	_ = 	snop;
	(pc) =	sbr.ind lr, $3  }
0x3a: {  	_ = 	snop  }
0x3b: {  	_ = 	snop  }
0x3c: {  	p2 =	seq.s32 s10, $0x1;
	s10 =	sld [smem:$0x3FBA]  }
0x3d: {  	_ =	shalt  }
0x3e: {  	_ =	shalt  }
0x3f: {  	_ =	shalt  }
0x40: {  	_ =	shalt  }
0x41: {  	_ =	shalt  }
0x42: {  	_ =	shalt  }
0x43: {  	_ =	shalt  }
0x44: {  	_ =	shalt  }
0x45: {  	_ =	shalt  }
0x46: {  	_ =	shalt  }
0x47: {  	_ =	shalt  }
0x48: {  	_ =	shalt  }
0x49: {  	_ =	shalt  }
0x4a: {  	_ =	shalt  }
0x4b: {  	_ =	shalt  }
0x4c: {  	_ =	shalt  }
0x4d: {  	_ =	shalt  }
0x4e: {  	_ =	shalt  }
0x4f: {  	_ =	shalt  }
0x50: {  	_ =	shalt  }
0x51: {  	_ =	shalt  }
0x52: {  	_ =	shalt  }
0x53: {  	_ =	shalt  }
0x54: {  	_ =	shalt  }
0x55: {  	_ =	shalt  }
0x56: {  	_ =	shalt  }
0x57: {  	_ =	shalt  }
0x58: {  	_ =	shalt  }
0x59: {  	_ =	shalt  }
0x5a: {  	_ =	shalt  }
0x5b: {  	_ =	shalt  }
0x5c: {  	_ =	shalt  }
0x5d: {  	_ =	shalt  }
0x5e: {  	_ =	shalt  }
0x5f: {  	_ =	shalt  }
0x60: {  	_ =	shalt  }
0x61: {  	_ =	shalt  }
0x62: {  	_ =	shalt  }
0x63: {  	_ =	shalt  }
0x64: {  	_ =	shalt  }
0x65: {  	_ =	shalt  }
0x66: {  	_ =	shalt  }
0x67: {  	_ =	shalt  }
0x68: {  	_ =	shalt  }
0x69: {  	_ =	shalt  }
0x6a: {  	_ =	shalt  }
0x6b: {  	_ =	shalt  }
0x6c: {  	_ =	shalt  }
0x6d: {  	_ =	shalt  }
0x6e: {  	_ =	shalt  }
0x6f: {  	_ =	shalt  }
0x70: {  	_ =	shalt  }
0x71: {  	_ =	shalt  }
0x72: {  	_ =	shalt  }
0x73: {  	_ =	shalt  }
0x74: {  	_ =	shalt  }
0x75: {  	_ =	shalt  }
0x76: {  	_ =	shalt  }
0x77: {  	_ =	shalt  }
0x78: {  	_ =	shalt  }
0x79: {  	_ =	shalt  }
0x7a: {  	_ =	shalt  }
0x7b: {  	_ =	shalt  }
0x7c: {  	_ =	shalt  }
0x7d: {  	_ =	shalt  }
0x7e: {  	_ =	shalt  }
0x7f: {  	_ =	shalt  }
0x80: {  	_ =	shalt  }
0x81: {  	_ =	shalt  }
0x82: {  	_ =	shalt  }
0x83: {  	_ =	shalt  }
0x84: {  	_ =	shalt  }
0x85: {  	_ =	shalt  }
0x86: {  	_ =	shalt  }
0x87: {  	_ =	shalt  }
.Lfunc_end0:
.L_simem_size_0:
called_computation_lowered:
.L_overlay_start_0:
0x88: {  	s2 =	sld [smem:$0x3FD9]  }
0x89: {  	s3 =	sld [smem:$0x3FFE];
	_ =	sdelay $0x1  }
0x8a: {  	s1 =	srdreg.scid  }
0x8b: {  	s0 =	sand.u32 $0x1, s1  }
0x8c: {  	s17 =	sshll.u32 s0, $0xA;
	s2 =	sadd.s32 s3, s2  }
0x8d: {  	s2 =	sadd.s32 s2, s17  }
0x8e: {  	[smem:$0x3FC6] =	sst s2  }
0x8f: {  	_ = 	snop  }
0x90: {  	s2 =	sld [smem:$0x3FD0];
	(tm) =	ssettm $0x1  }
0x91: {  	s18 =	sld [smem:$0x3FFB];
	_ =	sdelay $0x3  }
0x92: {  	_ =	strace s18  }
0x93: {  	s3 =	sld [smem:$0x3FFC];
	_ =	sdelay $0x3  }
0x94: {  	_ =	strace s3  }
0x95: {  	s3 =	sld [smem:$0x3FFD];
	_ =	sdelay $0x3  }
0x96: {  	_ =	strace s3  }
0x97: {  	_ =	strace $0x8FFFFFFF  }
0x98: {  	s19 =	sld [smem:$0x3FDB];
	_ =	sdelay $0x1  }
0x99: {  	s4 =	simm.s32 $_scs_section_size  }
0x9a: {  	s5 =	simm.s32 $_size__tile_overlayer_lowered;
	s6 =	simm.s32 $_tile_overlayer_lowered  }
0x9b: {  	s22 =	simm.s32 $0x1BFF;
	s21 =	sshll.u32 s6, $0x1;
	s3 =	sadd.s32 s4, s19  }
0x9c: {  	s7 =	simm.s32 $0x0;
	s20 =	sshll.u32 s5, $0x1;
	s5 =	sadd.s32 s21, s3  }
0x9d: {  	[timem:s7], [sflag:s22] =	dma.local [hbm:s5], s20  }
0x9e: {  	_ =	swait.ge [sflag:s22], s20  }
0x9f: {  	s4 =	ssub.s32 $0x0, s20;
	[sflag:s22] =	ssyncset.done $0x0  }
0xa0: {  	[sflag:s22] =	ssyncadd.s32 s4;
	_ =	sdelay $0x1  }
0xa1: {  	s23 =	simm.s32 $0x1B8B  }
0xa2: {  	_ =	swait.ge [sflag:s23], $0x1  }
0xa3: {  	[sflag:s23] =	ssyncset.done $0x0  }
0xa4: {  	s25 =	simm.s32 $0x1B8E;
	s24 =	sld [smem:$0x3FFE];
	[sflag:s23] =	ssyncadd.s32 $0xFFFFFFFF  }
0xa5: {  	s26 =	simm.s32 $execute0_lowered;
	[smem:$0x3FD2] =	sst s25  }
0xa6: {  	s5 =	sshll.u32 s26, $0x1;
	_ =	strace $0x80000046;
	[dreg:$0x1] =	wrdreg $0xFFFFFFFF  }
0xa7: {  	s28 =	simm.s32 $_size_execute0_lowered;
	s3 =	sadd.s32 s3, s5;
	[dreg:$0x0] =	wrdreg $0x0  }
0xa8: {  	s5 =	sshll.u32 s28, $0x1;
	[dreg:$0x2] =	wrdreg s3  }
0xa9: {  	[dreg:$0x3] =	wrdreg s5  }
0xaa: {  	[dreg:$0x4] =	wrdreg $0xC0  }
0xab: {  	_ =	task [dreg:s7], $0x5FFFF  }
0xac: {  	[dreg:$0x1] =	wrdreg $0xFFFFFFFF  }
0xad: {  	[dreg:$0x0] =	wrdreg $0x60  }
0xae: {  	[dreg:$0x2] =	wrdreg s24  }
0xaf: {  	[dreg:$0x3] =	wrdreg s2  }
0xb0: {  	[dreg:$0x4] =	wrdreg $0x9  }
0xb1: {  	_ =	task.clear_ibuf [dreg:s7], $0x5FFFF;
	_ =	strace $0x90000046  }
0xb2: {  	s29 =	simm.s32 $0x9;
	_ =	strace $0x80000048  }
0xb3: {  	_ =	swait.ge [sflag:s29], $0x1  }
0xb4: {  	[sflag:s29] =	ssyncadd.s32 $0xFFFFFFFF  }
0xb5: {  	_ =	strace $0x90000048  }
0xb6: {  	_ =	sfence  }
0xb7: {  	s30 =	sld [smem:$0x0];
	_ =	sdelay $0x2  }
0xb8: {  	s31 =	sshll.u32 s1, $0xD;
	s1 =	sshrl.u32 s1, $0x2  }
0xb9: {  	s3 =	sand.u32 $0x4000, s31;
	s1 =	sadd.s32 s1, s30  }
0xba: {  	s0 =	sor.u32 s3, s0;
	s1 =	sshll.u32 s1, $0x11  }
0xbb: {  	s0 =	sor.u32 s1, s0  }
0xbc: {  	s0 =	sadd.s32 $0x8F2B, s0  }
0xbd: {  	[sflag:s0] =	ssyncadd.remote.s32 $0x1  }
0xbe: {  	_ =	sfence.sel $0xFFFF  }
0xbf: {  	[dreg:$0x0] =	wrdreg $0xFFFFFFFF;
	(pc) =	sbr.abs _section_cstart, $3  }
0xc0: {  	[dreg:$0x1] =	wrdreg $0xFFFFFFFF  }
0xc1: {  	_ =	task.clear_ibuf [dreg:s7], $0x2FFFF;
	_ =	strace $0x9FFFFFFF  }
0xc2: {  	(tm) =	ssettm $0x7FFFFFFF  }
0xc3: {  	_ =	shalt  }
tec
execute0_lowered:
.L_overlay_start_1:
0x0: {  	(tag) =	ssettag $0x1  }
0x1: {  	v0 =	vlaneseq.u32  }
0x2: {  	s0 =	rddreg [dreg:$0x0];
	s4 =	simm.s32 $0x0;
	v9 =	vmul.u32 $0x41, v0  }
0x3: {  	[smem:$0x7FF] =	sst s4;
	v56 =	vand.u32 $0x7, v0  }
0x4: {  	s2 =	rddreg [dreg:$0x1];
	_ =	strace $0x80000047;
	[tilespmem:$0x1FF70] =	vst v56;
	v11 =	vadd.s32 $0x2, v9  }
0x5: {  	v15 =	vadd.s32 $0x3, v9;
	[tilespmem:$0x1FF10] =	vst v11  }
0x6: {  	v14 =	vadd.s32 $0x4, v9;
	[tilespmem:$0x1FF20] =	vst v15  }
0x7: {  	s1 =	srdreg.scid;
	v1 =	vimm.s32 $0x7654321;
	v53 =	vimm.s32 $0x10765432;
	v8 =	vadd.s32 $0x5, v9;
	[tilespmem:$0x1FF30] =	vst v14  }
0x8: {  	s3 =	stileid.u32;
	s9 =	simm.s32 $0x8400;
	s10 =	simm.s32 $0xE400;
	v2 =	vimm.s32 $0x21076543;
	v52 =	vunpack.c.l.s4.s8 v1;
	v12 =	vadd.s32 $0x6, v9;
	[tilespmem:$0x1FF40] =	vst v8  }
0x9: {  	s12 =	simm.s32 $0x80;
	s13 =	simm.s32 $0x1;
	v3 =	vimm.s32 $0x32107654;
	s14 =	simm.s32 $0xE408;
	v54 =	vunpack.c.l.s4.s8 v53;
	v13 =	vadd.s32 $0x7, v9;
	[tilespmem:$0x1FF50] =	vst v12  }
0xa: {  	s15 =	simm.s32 $0xE410;
	s16 =	simm.s32 $0xE418;
	s17 =	simm.s32 $0xE420;
	v2 =	vunpack.c.l.s4.s8 v2;
	v6 =	vadd.s32 $0x1, v9;
	v57 =	vunpack.c.0.s8.s32 v52;
	[tilespmem:$0x1FF60] =	vst v13  }
0xb: {  	v4 =	vimm.s32 $0x43210765;
	s18 =	simm.s32 $0xE428;
	s1 =	sand.u32 $0x1, s1;
	s3 =	sshll.u32 s3, $0x1;
	v3 =	vunpack.c.l.s4.s8 v3;
	v59 =	vunpack.c.0.s8.s32 v54;
	[tilespmem:$0x1FFF0] =	vst v6  }
0xc: {  	v55 =	vimm.s32 $0x54321076;
	s19 =	simm.s32 $0xE430;
	s20 =	simm.s32 $0xE438;
	v4 =	vunpack.c.l.s4.s8 v4;
	s3 =	sor.u32 s1, s3;
	v61 =	vunpack.c.0.s8.s32 v2;
	[tilespmem:$0x1FF80] =	vst v57  }
0xd: {  	v5 =	vimm.s32 $0x65432107;
	s21 =	simm.s32 $0x400;
	v1 =	vunpack.c.l.s4.s8 v55;
	s1 =	ssub.s32 $0x2, s1;
	s28 =	smul.u32 $0xC80, s3;
	v62 =	vunpack.c.0.s8.s32 v3;
	[tilespmem:$0x1FF90] =	vst v59  }
.Ltmp0:
0xe: {  	s22 =	simm.s32 $0x8000;
	v5 =	vunpack.c.l.s4.s8 v5;
	s5 =	sshrl.u32 s1, $0x1;
	v63 =	vunpack.c.0.s8.s32 v4;
	[tilespmem:$0x1FFA0] =	vst v61;
	(pc) =	sbr.rel .LBB2_1-.Ltmp0, $4  }
0xf: {  	s23 =	simm.s32 $0xA400;
	s24 =	simm.s32 $0x2;
	v58 =	vunpack.c.0.s8.s32 v1;
	s30 =	ssub.s32 s1, s5;
	[tilespmem:$0x1FFB0] =	vst v62  }
0x10: {  	s4 =	sadd.s32 $0xF42A00, s0;
	v60 =	vunpack.c.0.s8.s32 v5;
	s6 =	sadd.s32 s28, s0;
	s0 =	smax.u32 s30, $0x1;
	[tilespmem:$0x1FFC0] =	vst v63  }
0x11: {  	s25 =	simm.s32 $0xC400;
	[tilespmem:$0x1FFD0] =	vst v58;
	s31 =	sadd.s32 $0x600, s6;
	[dreg:$0x4] =	wrdreg s0  }
0x12: {  	s29 =	simm.s32 $0x0;
	s5 =	smul.u32 $0xC8, s3;
	[tilespmem:$0x1FFE0] =	vst v60;
	[dreg:$0x3] =	wrdreg s31  }
.LBB2_12:
0x13: {  	s0 =	simm.s32 $0x3  }
0x14: {  	_ =	swait.ge [sflag:s0], $0x2000  }
0x15: {  	[sflag:s0] =	ssyncset.done $0x0  }
0x16: {  	s1 =	simm.s32 $0x4;
	[sflag:s0] =	ssyncadd.s32 $0xFFFFE000  }
0x17: {  	_ =	swait.ge [sflag:s1], $0x2000  }
0x18: {  	v11 =	vld [tilespmem:$0x1FF10]  }
0x19: {  	v15 =	vld [tilespmem:$0x1FF20]  }
0x1a: {  	v14 =	vld [tilespmem:$0x1FF30]  }
0x1b: {  	v8 =	vld [tilespmem:$0x1FF40]  }
0x1c: {  	v12 =	vld [tilespmem:$0x1FF50]  }
0x1d: {  	s29 =	sadd.s32 $0x1, s29;
	s31 =	rddreg [dreg:$0x4];
	v13 =	vld [tilespmem:$0x1FF60]  }
0x1e: {  	v56 =	vld [tilespmem:$0x1FF70];
	p0 =	sne.s32 s29, s31  }
.Ltmp1:
0x1f: {  	v57 =	vld [tilespmem:$0x1FF80];
	(pc) =	sbr.rel @!p0 .LBB2_13-.Ltmp1, $4  }
0x20: {  	v59 =	vld [tilespmem:$0x1FF90]  }
0x21: {  	v61 =	vld [tilespmem:$0x1FFA0]  }
0x22: {  	[sflag:s1] =	ssyncset.done $0x0;
	v62 =	vld [tilespmem:$0x1FFB0]  }
0x23: {  	v63 =	vld [tilespmem:$0x1FFC0];
	[sflag:s1] =	ssyncadd.s32 $0xFFFFE000  }
.LBB2_1:
0x24: {  	s0 =	simm.s32 $0x0;
	s1 =	rddreg [dreg:$0x3];
	s28 =	simm.s32 $0x5  }
0x25: {  	[tilespmem:s0], [sflag:$0x5] =	stream.linear.gather [hbm4b:s1+s0], $0x6400, $0x38;
	[tilespmem:$0x10480] =	vst v63  }
0x26: {  	_ =	swait.ge [sflag:s28], $0x6400  }
0x27: {  	[sflag:s28] =	ssyncset.done $0x0  }
0x28: {  	s31 =	simm.s32 $0x6400;
	[sflag:s28] =	ssyncadd.s32 $0xFFFF9C00  }
0x29: {  	[tilespmem:s31], [sflag:$0x1] =	stream.indirect.gather [hbm4b:s4+s12], $0x40, s0, s12, $0xb8;
	[tilespmem:$0x10480] =	vst v63  }
0x2a: {  	s30 =	simm.s32 $0x0  }
0x2b: {  	[tilespmem:s9], [sflag:$0x2] =	stream.indirect.gather [hbm4b:s4+s12], $0x40, s12, s12, $0xb8;
	[tilespmem:$0x10480] =	vst v63  }
.LBB2_2:
0x2c: {  	_ =	swait.ge [sflag:s13], $0x2000  }
0x2d: {  	p0 =	seq.s32 s30, $0x0;
	[sflag:s13] =	ssyncset.done $0x0  }
0x2e: {  	s0 =	simm.s32 @!p0 $0x3;
	[sflag:s13] =	ssyncadd.s32 $0xFFFFE000  }
0x2f: {  	_ =	swait.ge @!p0 [sflag:s0], $0x2000  }
0x30: {  	[sflag:s0] =	ssyncset.done @!p0 $0x0  }
0x31: {  	s1 =	simm.s32 $0x6500;
	[sflag:s0] =	ssyncadd.s32 @!p0 $0xFFFFE000  }
0x32: {  	v0 =	vld [tilespmem:s1+$0xC0]  }
0x33: {  	v1 =	vld [tilespmem:s1+$0xFFFFFF40]  }
0x34: {  	v2 =	vld [tilespmem:s1+$0xFFFFFF80]  }
0x35: {  	v3 =	vld [tilespmem:s1+$0xFFFFFFC0]  }
0x36: {  	v4 =	vld [tilespmem:s1+$0x0]  }
0x37: {  	v5 =	vld [tilespmem:s1+$0x40];
	v0 =	vmul.f32 $8.000000000e+00, v0  }
0x38: {  	s0 =	simm.s32 $0xE504;
	v16 =	vld [tilespmem:s1+$0x80];
	v1 =	vmul.f32 $8.000000000e+00, v1  }
0x39: {  	v17 =	vld [tilespmem:s1+$0xFFFFFF00];
	v2 =	vmul.f32 $8.000000000e+00, v2;
	[tilespmem:s0+$0xC3] =	vst v0  }
0x3a: {  	[tilespmem:s0+$0xFFFFFF3D] =	vst v1;
	v0 =	vmul.f32 $8.000000000e+00, v3;
	v1 =	vld [tilespmem:s1+$0xD0]  }
0x3b: {  	[tilespmem:s0+$0xFFFFFF7E] =	vst v2;
	v2 =	vmul.f32 $8.000000000e+00, v4;
	v3 =	vld [tilespmem:s1+$0xFFFFFF50]  }
0x3c: {  	v4 =	vld [tilespmem:s1+$0xFFFFFF90];
	[tilespmem:s0+$0xFFFFFFBF] =	vst v0;
	v0 =	vmul.f32 $8.000000000e+00, v5  }
0x3d: {  	[tilespmem:s0+$0x0] =	vst v2;
	v2 =	vmul.f32 $8.000000000e+00, v16;
	v5 =	vld [tilespmem:s1+$0xFFFFFFD0]  }
0x3e: {  	v16 =	vmul.f32 $8.000000000e+00, v17;
	v17 =	vld [tilespmem:s1+$0x10];
	[tilespmem:s0+$0x41] =	vst v0  }
0x3f: {  	[tilespmem:s0+$0x82] =	vst v2;
	v0 =	vld [tilespmem:s1+$0x50];
	v1 =	vmul.f32 $8.000000000e+00, v1  }
0x40: {  	[tilespmem:s0+$0xFFFFFEFC] =	vst v16;
	v2 =	vmul.f32 $8.000000000e+00, v3;
	v3 =	vld [tilespmem:s1+$0x90]  }
0x41: {  	v16 =	vld [tilespmem:s1+$0xFFFFFF10];
	v4 =	vmul.f32 $8.000000000e+00, v4;
	[tilespmem:s0+$0xD3] =	vst v1  }
0x42: {  	[tilespmem:s0+$0xFFFFFF4D] =	vst v2;
	v1 =	vmul.f32 $8.000000000e+00, v5;
	v2 =	vld [tilespmem:s1+$0xE0]  }
0x43: {  	[tilespmem:s0+$0xFFFFFF8E] =	vst v4;
	v4 =	vmul.f32 $8.000000000e+00, v17;
	v5 =	vld [tilespmem:s1+$0xFFFFFF60]  }
0x44: {  	v17 =	vld [tilespmem:s1+$0xFFFFFFA0];
	[tilespmem:s0+$0xFFFFFFCF] =	vst v1;
	v0 =	vmul.f32 $8.000000000e+00, v0  }
0x45: {  	[tilespmem:s0+$0x10] =	vst v4;
	v1 =	vld [tilespmem:s1+$0xFFFFFFE0];
	v3 =	vmul.f32 $8.000000000e+00, v3  }
0x46: {  	v4 =	vmul.f32 $8.000000000e+00, v16;
	v16 =	vld [tilespmem:s1+$0x20];
	[tilespmem:s0+$0x51] =	vst v0  }
0x47: {  	v0 =	vld [tilespmem:s1+$0x60];
	[tilespmem:s0+$0x92] =	vst v3;
	v2 =	vmul.f32 $8.000000000e+00, v2  }
0x48: {  	[tilespmem:s0+$0xFFFFFF0C] =	vst v4;
	v3 =	vmul.f32 $8.000000000e+00, v5;
	v4 =	vld [tilespmem:s1+$0xA0]  }
0x49: {  	v5 =	vld [tilespmem:s1+$0xFFFFFF20];
	v17 =	vmul.f32 $8.000000000e+00, v17;
	[tilespmem:s0+$0xE3] =	vst v2  }
0x4a: {  	[tilespmem:s0+$0xFFFFFF5D] =	vst v3;
	v1 =	vmul.f32 $8.000000000e+00, v1;
	v3 =	vld [tilespmem:s1+$0xF0]  }
0x4b: {  	[tilespmem:s0+$0xFFFFFF9E] =	vst v17;
	v2 =	vmul.f32 $8.000000000e+00, v16;
	v18 =	vld [tilespmem:s1+$0xFFFFFF70]  }
0x4c: {  	v17 =	vld [tilespmem:s1+$0xFFFFFFB0];
	[tilespmem:s0+$0xFFFFFFDF] =	vst v1;
	v0 =	vmul.f32 $8.000000000e+00, v0  }
0x4d: {  	[tilespmem:s0+$0x20] =	vst v2;
	v1 =	vld [tilespmem:s1+$0xFFFFFFF0];
	v4 =	vmul.f32 $8.000000000e+00, v4  }
0x4e: {  	v5 =	vmul.f32 $8.000000000e+00, v5;
	v2 =	vld [tilespmem:s1+$0x30];
	[tilespmem:s0+$0x61] =	vst v0  }
0x4f: {  	v0 =	vld [tilespmem:s1+$0x70];
	[tilespmem:s0+$0xA2] =	vst v4;
	v19 =	vmul.f32 $8.000000000e+00, v3  }
0x50: {  	s31 =	sshll.u32 s30, $0x1;
	[tilespmem:s0+$0xFFFFFF1C] =	vst v5;
	v3 =	vld [tilespmem:s1+$0xB0];
	v16 =	vmul.f32 $8.000000000e+00, v18  }
0x51: {  	s3 =	simm.s32 $0x0;
	s6 =	simm.s32 $0x6700;
	v4 =	vld [tilespmem:s1+$0xFFFFFF30];
	v5 =	vmul.f32 $8.000000000e+00, v17;
	s1 =	simm.s32 $0xB400;
	[tilespmem:s0+$0xF3] =	vst v19  }
.LBB2_3:
0x52: {  	v17 =	vld [tilespmem:s6+$0xC0];
	s3 =	sadd.s32 $0x8, s3;
	[tilespmem:s0+$0xFFFFFF6D] =	vst v16;
	v1 =	vmul.f32 $8.000000000e+00, v1  }
0x53: {  	v16 =	vld [tilespmem:s6+$0xFFFFFF40];
	p1 =	slt.u32 s3, $0x78;
	[tilespmem:s0+$0xFFFFFFAE] =	vst v5;
	v2 =	vmul.f32 $8.000000000e+00, v2  }
0x54: {  	v5 =	vld [tilespmem:s6+$0xFFFFFF80];
	[tilespmem:s0+$0xFFFFFFEF] =	vst v1;
	v0 =	vmul.f32 $8.000000000e+00, v0  }
0x55: {  	v1 =	vld [tilespmem:s6+$0xFFFFFFC0];
	[tilespmem:s0+$0x30] =	vst v2;
	v2 =	vmul.f32 $8.000000000e+00, v3  }
0x56: {  	v3 =	vld [tilespmem:s6+$0x0];
	v4 =	vmul.f32 $8.000000000e+00, v4;
	[tilespmem:s0+$0x71] =	vst v0  }
0x57: {  	v0 =	vld [tilespmem:s6+$0x40];
	v17 =	vmul.f32 $8.000000000e+00, v17;
	[tilespmem:s0+$0xB2] =	vst v2  }
0x58: {  	v2 =	vmul.f32 $8.000000000e+00, v16;
	v16 =	vld [tilespmem:s6+$0x80];
	[tilespmem:s0+$0xFFFFFF2C] =	vst v4;
	s0 =	sadd.s32 $0x208, s0  }
0x59: {  	v4 =	vld [tilespmem:s6+$0xFFFFFF00];
	v5 =	vmul.f32 $8.000000000e+00, v5;
	[tilespmem:s0+$0xC3] =	vst v17  }
0x5a: {  	[tilespmem:s0+$0xFFFFFF3D] =	vst v2;
	v1 =	vmul.f32 $8.000000000e+00, v1;
	v2 =	vld [tilespmem:s6+$0xD0]  }
0x5b: {  	v17 =	vld [tilespmem:s6+$0xFFFFFF50];
	[tilespmem:s0+$0xFFFFFF7E] =	vst v5;
	v3 =	vmul.f32 $8.000000000e+00, v3  }
0x5c: {  	v5 =	vld [tilespmem:s6+$0xFFFFFF90];
	[tilespmem:s0+$0xFFFFFFBF] =	vst v1;
	v0 =	vmul.f32 $8.000000000e+00, v0  }
0x5d: {  	v1 =	vld [tilespmem:s6+$0xFFFFFFD0];
	[tilespmem:s0+$0x0] =	vst v3;
	v3 =	vmul.f32 $8.000000000e+00, v16  }
0x5e: {  	v4 =	vmul.f32 $8.000000000e+00, v4;
	v16 =	vld [tilespmem:s6+$0x10];
	[tilespmem:s0+$0x41] =	vst v0  }
0x5f: {  	v0 =	vld [tilespmem:s6+$0x50];
	[tilespmem:s0+$0x82] =	vst v3;
	v2 =	vmul.f32 $8.000000000e+00, v2  }
0x60: {  	[tilespmem:s0+$0xFFFFFEFC] =	vst v4;
	v3 =	vmul.f32 $8.000000000e+00, v17;
	v4 =	vld [tilespmem:s6+$0x90]  }
0x61: {  	v17 =	vld [tilespmem:s6+$0xFFFFFF10];
	v5 =	vmul.f32 $8.000000000e+00, v5;
	[tilespmem:s0+$0xD3] =	vst v2  }
0x62: {  	[tilespmem:s0+$0xFFFFFF4D] =	vst v3;
	v1 =	vmul.f32 $8.000000000e+00, v1;
	v2 =	vld [tilespmem:s6+$0xE0]  }
0x63: {  	v3 =	vld [tilespmem:s6+$0xFFFFFF60];
	[tilespmem:s0+$0xFFFFFF8E] =	vst v5;
	v5 =	vmul.f32 $8.000000000e+00, v16  }
0x64: {  	v16 =	vld [tilespmem:s6+$0xFFFFFFA0];
	[tilespmem:s0+$0xFFFFFFCF] =	vst v1;
	v0 =	vmul.f32 $8.000000000e+00, v0  }
0x65: {  	v1 =	vld [tilespmem:s6+$0xFFFFFFE0];
	[tilespmem:s0+$0x10] =	vst v5;
	v4 =	vmul.f32 $8.000000000e+00, v4  }
0x66: {  	v5 =	vmul.f32 $8.000000000e+00, v17;
	v17 =	vld [tilespmem:s6+$0x20];
	[tilespmem:s0+$0x51] =	vst v0  }
0x67: {  	v0 =	vld [tilespmem:s6+$0x60];
	[tilespmem:s0+$0x92] =	vst v4;
	v2 =	vmul.f32 $8.000000000e+00, v2  }
0x68: {  	[tilespmem:s0+$0xFFFFFF0C] =	vst v5;
	v3 =	vmul.f32 $8.000000000e+00, v3;
	v4 =	vld [tilespmem:s6+$0xA0]  }
0x69: {  	v5 =	vld [tilespmem:s6+$0xFFFFFF20];
	v16 =	vmul.f32 $8.000000000e+00, v16;
	[tilespmem:s0+$0xE3] =	vst v2  }
0x6a: {  	[tilespmem:s0+$0xFFFFFF5D] =	vst v3;
	v1 =	vmul.f32 $8.000000000e+00, v1;
	v3 =	vld [tilespmem:s6+$0xF0]  }
0x6b: {  	v18 =	vld [tilespmem:s6+$0xFFFFFF70];
	[tilespmem:s0+$0xFFFFFF9E] =	vst v16;
	v2 =	vmul.f32 $8.000000000e+00, v17  }
0x6c: {  	v17 =	vld [tilespmem:s6+$0xFFFFFFB0];
	[tilespmem:s0+$0xFFFFFFDF] =	vst v1;
	v0 =	vmul.f32 $8.000000000e+00, v0  }
.Ltmp2:
0x6d: {  	v1 =	vld [tilespmem:s6+$0xFFFFFFF0];
	[tilespmem:s0+$0x20] =	vst v2;
	v4 =	vmul.f32 $8.000000000e+00, v4;
	(pc) =	sbr.rel @p1 .LBB2_3-.Ltmp2, $4  }
0x6e: {  	v5 =	vmul.f32 $8.000000000e+00, v5;
	v2 =	vld [tilespmem:s6+$0x30];
	[tilespmem:s0+$0x61] =	vst v0  }
0x6f: {  	v0 =	vld [tilespmem:s6+$0x70];
	[tilespmem:s0+$0xA2] =	vst v4;
	v19 =	vmul.f32 $8.000000000e+00, v3  }
0x70: {  	[tilespmem:s0+$0xFFFFFF1C] =	vst v5;
	v16 =	vmul.f32 $8.000000000e+00, v18;
	v3 =	vld [tilespmem:s6+$0xB0]  }
0x71: {  	s7 =	simm.s32 $0x0;
	v4 =	vld [tilespmem:s6+$0xFFFFFF30];
	v5 =	vmul.f32 $8.000000000e+00, v17;
	[tilespmem:s0+$0xF3] =	vst v19;
	s6 =	sadd.s32 $0x200, s6  }
0x72: {  	[tilespmem:s0+$0xFFFFFF6D] =	vst v16;
	v1 =	vmul.f32 $8.000000000e+00, v1;
	v16 =	vadd.s32 s7, v9  }
0x73: {  	[tilespmem:s0+$0xFFFFFFAE] =	vst v5;
	v2 =	vmul.f32 $8.000000000e+00, v2;
	v5 =	vand.u32 $0x3FF8, v16  }
0x74: {  	[tilespmem:s0+$0xFFFFFFEF] =	vst v1;
	v0 =	vmul.f32 $8.000000000e+00, v0;
	v23 =	vor.u32 v56, v5  }
0x75: {  	[tilespmem:s0+$0x30] =	vst v2;
	v1 =	vmul.f32 $8.000000000e+00, v3  }
0x76: {  	v2 =	vmul.f32 $8.000000000e+00, v4;
	[tilespmem:s0+$0x71] =	vst v0  }
0x77: {  	[tilespmem:s0+$0xB2] =	vst v1  }
0x78: {  	v0 =	vadd.s32 s7, v6;
	[tilespmem:s0+$0xFFFFFF2C] =	vst v2  }
0x79: {  	v0 =	vand.u32 $0x3FF8, v0;
	v1 =	vld.idx.msk [tilespmem:v23+s10+$0x0], $0xffff  }
0x7a: {  	v22 =	vor.u32 v57, v0;
	_ =	sdelay $0x3  }
0x7b: {  	v0 =	vadd.s32 s7, v11;
	[tilespmem:s1+$0xFFFFF000] =	vst v1  }
0x7c: {  	v0 =	vand.u32 $0x3FF8, v0;
	v1 =	vld.idx.msk [tilespmem:v22+s10+$0x0], $0xffff  }
0x7d: {  	v21 =	vor.u32 v59, v0;
	_ =	sdelay $0x3  }
0x7e: {  	v0 =	vadd.s32 s7, v15;
	[tilespmem:s1+$0xFFFFF080] =	vst v1  }
0x7f: {  	v0 =	vand.u32 $0x3FF8, v0;
	v1 =	vld.idx.msk [tilespmem:v21+s10+$0x0], $0xffff  }
0x80: {  	v20 =	vor.u32 v61, v0;
	_ =	sdelay $0x3  }
0x81: {  	v0 =	vadd.s32 s7, v14;
	[tilespmem:s1+$0xFFFFF100] =	vst v1  }
0x82: {  	v0 =	vand.u32 $0x3FF8, v0;
	v1 =	vld.idx.msk [tilespmem:v20+s10+$0x0], $0xffff  }
0x83: {  	v19 =	vor.u32 v62, v0;
	_ =	sdelay $0x3  }
0x84: {  	v0 =	vadd.s32 s7, v8;
	[tilespmem:s1+$0xFFFFF180] =	vst v1  }
0x85: {  	v0 =	vand.u32 $0x3FF8, v0;
	v1 =	vld.idx.msk [tilespmem:v19+s10+$0x0], $0xffff  }
0x86: {  	v18 =	vor.u32 v63, v0;
	_ =	sdelay $0x3  }
0x87: {  	[tilespmem:s1+$0xFFFFF200] =	vst v1  }
0x88: {  	v1 =	vld.idx.msk [tilespmem:v18+s10+$0x0], $0xffff  }
0x89: {  	v7 =	vld [tilespmem:$0x1FFD0];
	_ =	sdelay $0x2  }
0x8a: {  	v0 =	vadd.s32 s7, v12  }
0x8b: {  	v0 =	vand.u32 $0x3FF8, v0  }
0x8c: {  	v17 =	vor.u32 v7, v0;
	[tilespmem:s1+$0xFFFFF280] =	vst v1  }
0x8d: {  	v10 =	vld [tilespmem:$0x1FFE0];
	_ =	sdelay $0x2  }
0x8e: {  	v0 =	vadd.s32 s7, v13  }
0x8f: {  	v0 =	vand.u32 $0x3FF8, v0;
	v1 =	vld.idx.msk [tilespmem:v17+s10+$0x0], $0xffff  }
0x90: {  	v16 =	vor.u32 v10, v0  }
0x91: {  	s3 =	simm.s32 $0x410  }
0x92: {  	v0 =	vadd.s32 s3, v9  }
0x93: {  	v0 =	vand.u32 $0x3FF8, v0  }
0x94: {  	v31 =	vor.u32 v56, v0;
	[tilespmem:s1+$0xFFFFF300] =	vst v1  }
0x95: {  	v0 =	vld.idx.msk [tilespmem:v16+s10+$0x0], $0xffff;
	_ =	sdelay $0x2  }
0x96: {  	v1 =	vadd.s32 s3, v6  }
0x97: {  	v1 =	vand.u32 $0x3FF8, v1;
	v2 =	vld.idx.msk [tilespmem:v31+s10+$0x0], $0xffff  }
0x98: {  	v30 =	vor.u32 v57, v1;
	[tilespmem:s1+$0xFFFFF380] =	vst v0  }
0x99: {  	v0 =	vld.idx.msk [tilespmem:v23+s14+$0x0], $0xffff;
	_ =	sdelay $0x1  }
0x9a: {  	s0 =	simm.s32 $0xB410  }
0x9b: {  	v1 =	vadd.s32 s3, v11;
	[tilespmem:s0+$0xFFFFF000] =	vst v2  }
0x9c: {  	v1 =	vand.u32 $0x3FF8, v1;
	v2 =	vld.idx.msk [tilespmem:v30+s10+$0x0], $0xffff  }
0x9d: {  	v29 =	vor.u32 v59, v1;
	[tilespmem:s1+$0xFFFFF400] =	vst v0  }
0x9e: {  	v0 =	vld.idx.msk [tilespmem:v22+s14+$0x0], $0xffff;
	_ =	sdelay $0x2  }
0x9f: {  	v1 =	vadd.s32 s3, v15;
	[tilespmem:s0+$0xFFFFF080] =	vst v2  }
0xa0: {  	v1 =	vand.u32 $0x3FF8, v1;
	v2 =	vld.idx.msk [tilespmem:v29+s10+$0x0], $0xffff  }
0xa1: {  	v28 =	vor.u32 v61, v1;
	[tilespmem:s1+$0xFFFFF480] =	vst v0  }
0xa2: {  	v0 =	vld.idx.msk [tilespmem:v21+s14+$0x0], $0xffff;
	_ =	sdelay $0x2  }
0xa3: {  	v1 =	vadd.s32 s3, v14;
	[tilespmem:s0+$0xFFFFF100] =	vst v2  }
0xa4: {  	v1 =	vand.u32 $0x3FF8, v1;
	v2 =	vld.idx.msk [tilespmem:v28+s10+$0x0], $0xffff  }
0xa5: {  	v27 =	vor.u32 v62, v1;
	[tilespmem:s1+$0xFFFFF500] =	vst v0  }
0xa6: {  	v0 =	vld.idx.msk [tilespmem:v20+s14+$0x0], $0xffff;
	_ =	sdelay $0x2  }
0xa7: {  	v1 =	vadd.s32 s3, v8;
	[tilespmem:s0+$0xFFFFF180] =	vst v2  }
0xa8: {  	v1 =	vand.u32 $0x3FF8, v1;
	v2 =	vld.idx.msk [tilespmem:v27+s10+$0x0], $0xffff  }
0xa9: {  	v26 =	vor.u32 v63, v1;
	[tilespmem:s1+$0xFFFFF580] =	vst v0  }
0xaa: {  	v0 =	vld.idx.msk [tilespmem:v19+s14+$0x0], $0xffff;
	_ =	sdelay $0x2  }
0xab: {  	v1 =	vadd.s32 s3, v12;
	[tilespmem:s0+$0xFFFFF200] =	vst v2  }
0xac: {  	v1 =	vand.u32 $0x3FF8, v1;
	v2 =	vld.idx.msk [tilespmem:v26+s10+$0x0], $0xffff  }
0xad: {  	v25 =	vor.u32 v7, v1;
	[tilespmem:s1+$0xFFFFF600] =	vst v0  }
0xae: {  	v0 =	vld.idx.msk [tilespmem:v18+s14+$0x0], $0xffff;
	_ =	sdelay $0x2  }
0xaf: {  	v1 =	vadd.s32 s3, v13;
	[tilespmem:s0+$0xFFFFF280] =	vst v2  }
0xb0: {  	v1 =	vand.u32 $0x3FF8, v1;
	v2 =	vld.idx.msk [tilespmem:v25+s10+$0x0], $0xffff  }
0xb1: {  	v24 =	vor.u32 v10, v1;
	[tilespmem:s1+$0xFFFFF680] =	vst v0  }
0xb2: {  	v0 =	vld.idx.msk [tilespmem:v17+s14+$0x0], $0xffff;
	_ =	sdelay $0x2  }
0xb3: {  	[tilespmem:s0+$0xFFFFF300] =	vst v2  }
0xb4: {  	v1 =	vld.idx.msk [tilespmem:v24+s10+$0x0], $0xffff  }
0xb5: {  	[tilespmem:s1+$0xFFFFF700] =	vst v0  }
0xb6: {  	v0 =	vld.idx.msk [tilespmem:v16+s14+$0x0], $0xffff;
	_ =	sdelay $0x2  }
0xb7: {  	s26 =	simm.s32 $0x820;
	[tilespmem:s0+$0xFFFFF380] =	vst v1  }
0xb8: {  	v2 =	vadd.s32 s26, v9;
	v1 =	vld.idx.msk [tilespmem:v31+s14+$0x0], $0xffff  }
0xb9: {  	v2 =	vand.u32 $0x3FF8, v2;
	[tilespmem:s1+$0xFFFFF780] =	vst v0  }
0xba: {  	v39 =	vor.u32 v56, v2;
	v0 =	vld.idx.msk [tilespmem:v23+s15+$0x0], $0xffff;
	_ =	sdelay $0x2  }
0xbb: {  	[tilespmem:s0+$0xFFFFF400] =	vst v1  }
0xbc: {  	v2 =	vadd.s32 s26, v6;
	v1 =	vld.idx.msk [tilespmem:v30+s14+$0x0], $0xffff  }
0xbd: {  	v2 =	vand.u32 $0x3FF8, v2;
	v3 =	vld.idx.msk [tilespmem:v39+s10+$0x0], $0xffff;
	[tilespmem:s1+$0xFFFFF800] =	vst v0  }
0xbe: {  	v38 =	vor.u32 v57, v2;
	v0 =	vld.idx.msk [tilespmem:v22+s15+$0x0], $0xffff;
	_ =	sdelay $0x2  }
0xbf: {  	s8 =	simm.s32 $0xB420;
	[tilespmem:s0+$0xFFFFF480] =	vst v1  }
0xc0: {  	v2 =	vadd.s32 s26, v11;
	[tilespmem:s8+$0xFFFFF000] =	vst v3;
	v1 =	vld.idx.msk [tilespmem:v29+s14+$0x0], $0xffff  }
0xc1: {  	v2 =	vand.u32 $0x3FF8, v2;
	v3 =	vld.idx.msk [tilespmem:v38+s10+$0x0], $0xffff;
	[tilespmem:s1+$0xFFFFF880] =	vst v0  }
0xc2: {  	v37 =	vor.u32 v59, v2;
	v0 =	vld.idx.msk [tilespmem:v21+s15+$0x0], $0xffff;
	_ =	sdelay $0x2  }
0xc3: {  	[tilespmem:s0+$0xFFFFF500] =	vst v1  }
0xc4: {  	v2 =	vadd.s32 s26, v15;
	[tilespmem:s8+$0xFFFFF080] =	vst v3;
	v1 =	vld.idx.msk [tilespmem:v28+s14+$0x0], $0xffff  }
0xc5: {  	v2 =	vand.u32 $0x3FF8, v2;
	v3 =	vld.idx.msk [tilespmem:v37+s10+$0x0], $0xffff;
	[tilespmem:s1+$0xFFFFF900] =	vst v0  }
0xc6: {  	v36 =	vor.u32 v61, v2;
	v0 =	vld.idx.msk [tilespmem:v20+s15+$0x0], $0xffff;
	_ =	sdelay $0x2  }
0xc7: {  	[tilespmem:s0+$0xFFFFF580] =	vst v1  }
0xc8: {  	v2 =	vadd.s32 s26, v14;
	[tilespmem:s8+$0xFFFFF100] =	vst v3;
	v1 =	vld.idx.msk [tilespmem:v27+s14+$0x0], $0xffff  }
0xc9: {  	v2 =	vand.u32 $0x3FF8, v2;
	v3 =	vld.idx.msk [tilespmem:v36+s10+$0x0], $0xffff;
	[tilespmem:s1+$0xFFFFF980] =	vst v0  }
0xca: {  	v35 =	vor.u32 v62, v2;
	v0 =	vld.idx.msk [tilespmem:v19+s15+$0x0], $0xffff;
	_ =	sdelay $0x2  }
0xcb: {  	[tilespmem:s0+$0xFFFFF600] =	vst v1  }
0xcc: {  	v2 =	vadd.s32 s26, v8;
	[tilespmem:s8+$0xFFFFF180] =	vst v3;
	v1 =	vld.idx.msk [tilespmem:v26+s14+$0x0], $0xffff  }
0xcd: {  	v2 =	vand.u32 $0x3FF8, v2;
	v3 =	vld.idx.msk [tilespmem:v35+s10+$0x0], $0xffff;
	[tilespmem:s1+$0xFFFFFA00] =	vst v0  }
0xce: {  	v34 =	vor.u32 v63, v2;
	v0 =	vld.idx.msk [tilespmem:v18+s15+$0x0], $0xffff;
	_ =	sdelay $0x2  }
0xcf: {  	[tilespmem:s0+$0xFFFFF680] =	vst v1  }
0xd0: {  	v2 =	vadd.s32 s26, v12;
	[tilespmem:s8+$0xFFFFF200] =	vst v3;
	v1 =	vld.idx.msk [tilespmem:v25+s14+$0x0], $0xffff  }
0xd1: {  	v2 =	vand.u32 $0x3FF8, v2;
	v3 =	vld.idx.msk [tilespmem:v34+s10+$0x0], $0xffff;
	[tilespmem:s1+$0xFFFFFA80] =	vst v0  }
0xd2: {  	v33 =	vor.u32 v7, v2;
	v0 =	vld.idx.msk [tilespmem:v17+s15+$0x0], $0xffff;
	_ =	sdelay $0x2  }
0xd3: {  	[tilespmem:s0+$0xFFFFF700] =	vst v1  }
0xd4: {  	v2 =	vadd.s32 s26, v13;
	[tilespmem:s8+$0xFFFFF280] =	vst v3;
	v1 =	vld.idx.msk [tilespmem:v24+s14+$0x0], $0xffff  }
0xd5: {  	v2 =	vand.u32 $0x3FF8, v2;
	v3 =	vld.idx.msk [tilespmem:v33+s10+$0x0], $0xffff;
	[tilespmem:s1+$0xFFFFFB00] =	vst v0  }
0xd6: {  	v32 =	vor.u32 v10, v2;
	v0 =	vld.idx.msk [tilespmem:v16+s15+$0x0], $0xffff;
	_ =	sdelay $0x2  }
0xd7: {  	[tilespmem:s0+$0xFFFFF780] =	vst v1  }
0xd8: {  	[tilespmem:s8+$0xFFFFF300] =	vst v3;
	v1 =	vld.idx.msk [tilespmem:v31+s15+$0x0], $0xffff  }
0xd9: {  	v2 =	vld.idx.msk [tilespmem:v32+s10+$0x0], $0xffff;
	[tilespmem:s1+$0xFFFFFB80] =	vst v0  }
0xda: {  	v0 =	vld.idx.msk [tilespmem:v23+s16+$0x0], $0xffff;
	_ =	sdelay $0x2  }
0xdb: {  	[tilespmem:s0+$0xFFFFF800] =	vst v1  }
0xdc: {  	[tilespmem:s8+$0xFFFFF380] =	vst v2;
	v1 =	vld.idx.msk [tilespmem:v30+s15+$0x0], $0xffff  }
0xdd: {  	v2 =	vld.idx.msk [tilespmem:v39+s14+$0x0], $0xffff;
	[tilespmem:s1+$0xFFFFFC00] =	vst v0  }
0xde: {  	v0 =	vld.idx.msk [tilespmem:v22+s16+$0x0], $0xffff  }
0xdf: {  	s6 =	simm.s32 $0xC30  }
0xe0: {  	v3 =	vadd.s32 s6, v9  }
0xe1: {  	v3 =	vand.u32 $0x3FF8, v3;
	[tilespmem:s0+$0xFFFFF880] =	vst v1  }
0xe2: {  	v47 =	vor.u32 v56, v3;
	[tilespmem:s8+$0xFFFFF400] =	vst v2;
	v1 =	vld.idx.msk [tilespmem:v29+s15+$0x0], $0xffff  }
0xe3: {  	v2 =	vld.idx.msk [tilespmem:v38+s14+$0x0], $0xffff;
	[tilespmem:s1+$0xFFFFFC80] =	vst v0  }
0xe4: {  	v0 =	vld.idx.msk [tilespmem:v21+s16+$0x0], $0xffff;
	_ =	sdelay $0x1  }
0xe5: {  	v3 =	vadd.s32 s6, v6  }
0xe6: {  	v3 =	vand.u32 $0x3FF8, v3;
	v4 =	vld.idx.msk [tilespmem:v47+s10+$0x0], $0xffff;
	[tilespmem:s0+$0xFFFFF900] =	vst v1  }
0xe7: {  	v45 =	vor.u32 v57, v3;
	[tilespmem:s8+$0xFFFFF480] =	vst v2;
	v1 =	vld.idx.msk [tilespmem:v28+s15+$0x0], $0xffff  }
0xe8: {  	v2 =	vld.idx.msk [tilespmem:v37+s14+$0x0], $0xffff;
	[tilespmem:s1+$0xFFFFFD00] =	vst v0  }
0xe9: {  	v0 =	vld.idx.msk [tilespmem:v20+s16+$0x0], $0xffff  }
0xea: {  	s3 =	simm.s32 $0xB430  }
0xeb: {  	v3 =	vadd.s32 s6, v11;
	[tilespmem:s3+$0xFFFFF000] =	vst v4  }
0xec: {  	v3 =	vand.u32 $0x3FF8, v3;
	v4 =	vld.idx.msk [tilespmem:v45+s10+$0x0], $0xffff;
	[tilespmem:s0+$0xFFFFF980] =	vst v1  }
0xed: {  	v46 =	vor.u32 v59, v3;
	[tilespmem:s8+$0xFFFFF500] =	vst v2;
	v1 =	vld.idx.msk [tilespmem:v27+s15+$0x0], $0xffff  }
0xee: {  	v2 =	vld.idx.msk [tilespmem:v36+s14+$0x0], $0xffff;
	[tilespmem:s1+$0xFFFFFD80] =	vst v0  }
0xef: {  	v0 =	vld.idx.msk [tilespmem:v19+s16+$0x0], $0xffff;
	_ =	sdelay $0x1  }
0xf0: {  	v3 =	vadd.s32 s6, v15;
	[tilespmem:s3+$0xFFFFF080] =	vst v4  }
0xf1: {  	v3 =	vand.u32 $0x3FF8, v3;
	v4 =	vld.idx.msk [tilespmem:v46+s10+$0x0], $0xffff;
	[tilespmem:s0+$0xFFFFFA00] =	vst v1  }
0xf2: {  	v44 =	vor.u32 v61, v3;
	[tilespmem:s8+$0xFFFFF580] =	vst v2;
	v1 =	vld.idx.msk [tilespmem:v26+s15+$0x0], $0xffff  }
0xf3: {  	v2 =	vld.idx.msk [tilespmem:v35+s14+$0x0], $0xffff;
	[tilespmem:s1+$0xFFFFFE00] =	vst v0  }
0xf4: {  	v0 =	vld.idx.msk [tilespmem:v18+s16+$0x0], $0xffff;
	_ =	sdelay $0x1  }
0xf5: {  	v3 =	vadd.s32 s6, v14;
	[tilespmem:s3+$0xFFFFF100] =	vst v4  }
0xf6: {  	v3 =	vand.u32 $0x3FF8, v3;
	v4 =	vld.idx.msk [tilespmem:v44+s10+$0x0], $0xffff;
	[tilespmem:s0+$0xFFFFFA80] =	vst v1  }
0xf7: {  	v43 =	vor.u32 v62, v3;
	[tilespmem:s8+$0xFFFFF600] =	vst v2;
	v1 =	vld.idx.msk [tilespmem:v25+s15+$0x0], $0xffff  }
0xf8: {  	v2 =	vld.idx.msk [tilespmem:v34+s14+$0x0], $0xffff;
	[tilespmem:s1+$0xFFFFFE80] =	vst v0  }
0xf9: {  	v0 =	vld.idx.msk [tilespmem:v17+s16+$0x0], $0xffff;
	_ =	sdelay $0x1  }
0xfa: {  	v3 =	vadd.s32 s6, v8;
	[tilespmem:s3+$0xFFFFF180] =	vst v4  }
0xfb: {  	v3 =	vand.u32 $0x3FF8, v3;
	v4 =	vld.idx.msk [tilespmem:v43+s10+$0x0], $0xffff;
	[tilespmem:s0+$0xFFFFFB00] =	vst v1  }
0xfc: {  	v42 =	vor.u32 v63, v3;
	[tilespmem:s8+$0xFFFFF680] =	vst v2;
	v1 =	vld.idx.msk [tilespmem:v24+s15+$0x0], $0xffff  }
0xfd: {  	v2 =	vld.idx.msk [tilespmem:v33+s14+$0x0], $0xffff;
	[tilespmem:s1+$0xFFFFFF00] =	vst v0  }
0xfe: {  	v0 =	vld.idx.msk [tilespmem:v16+s16+$0x0], $0xffff;
	_ =	sdelay $0x1  }
0xff: {  	v3 =	vadd.s32 s6, v12;
	[tilespmem:s3+$0xFFFFF200] =	vst v4  }
0x100: {  	v3 =	vand.u32 $0x3FF8, v3;
	v4 =	vld.idx.msk [tilespmem:v42+s10+$0x0], $0xffff;
	[tilespmem:s0+$0xFFFFFB80] =	vst v1  }
0x101: {  	v41 =	vor.u32 v7, v3;
	[tilespmem:s8+$0xFFFFF700] =	vst v2;
	v1 =	vld.idx.msk [tilespmem:v31+s16+$0x0], $0xffff  }
0x102: {  	v2 =	vld.idx.msk [tilespmem:v32+s14+$0x0], $0xffff;
	[tilespmem:s1+$0xFFFFFF80] =	vst v0  }
0x103: {  	v0 =	vld.idx.msk [tilespmem:v23+s17+$0x0], $0xffff;
	_ =	sdelay $0x1  }
0x104: {  	v3 =	vadd.s32 s6, v13;
	[tilespmem:s3+$0xFFFFF280] =	vst v4  }
0x105: {  	v3 =	vand.u32 $0x3FF8, v3;
	v4 =	vld.idx.msk [tilespmem:v41+s10+$0x0], $0xffff;
	[tilespmem:s0+$0xFFFFFC00] =	vst v1  }
0x106: {  	v40 =	vor.u32 v10, v3;
	[tilespmem:s8+$0xFFFFF780] =	vst v2;
	v1 =	vld.idx.msk [tilespmem:v30+s16+$0x0], $0xffff  }
0x107: {  	v2 =	vld.idx.msk [tilespmem:v39+s15+$0x0], $0xffff;
	[tilespmem:s1+$0x0] =	vst v0  }
0x108: {  	v0 =	vld.idx.msk [tilespmem:v22+s17+$0x0], $0xffff;
	_ =	sdelay $0x1  }
0x109: {  	[tilespmem:s3+$0xFFFFF300] =	vst v4  }
0x10a: {  	v3 =	vld.idx.msk [tilespmem:v40+s10+$0x0], $0xffff;
	[tilespmem:s0+$0xFFFFFC80] =	vst v1  }
0x10b: {  	[tilespmem:s8+$0xFFFFF800] =	vst v2;
	v1 =	vld.idx.msk [tilespmem:v29+s16+$0x0], $0xffff  }
0x10c: {  	v2 =	vld.idx.msk [tilespmem:v38+s15+$0x0], $0xffff;
	[tilespmem:s1+$0x80] =	vst v0  }
0x10d: {  	s28 =	simm.s32 $0x1040;
	v0 =	vld.idx.msk [tilespmem:v21+s17+$0x0], $0xffff  }
0x10e: {  	v4 =	vadd.s32 s28, v9  }
0x10f: {  	v4 =	vand.u32 $0x3FF8, v4;
	[tilespmem:s3+$0xFFFFF380] =	vst v3  }
0x110: {  	v48 =	vor.u32 v56, v4;
	v3 =	vld.idx.msk [tilespmem:v47+s14+$0x0], $0xffff;
	[tilespmem:s0+$0xFFFFFD00] =	vst v1  }
0x111: {  	[tilespmem:s8+$0xFFFFF880] =	vst v2;
	v1 =	vld.idx.msk [tilespmem:v28+s16+$0x0], $0xffff  }
0x112: {  	v2 =	vld.idx.msk [tilespmem:v37+s15+$0x0], $0xffff;
	[tilespmem:s1+$0x100] =	vst v0  }
0x113: {  	v0 =	vld.idx.msk [tilespmem:v20+s17+$0x0], $0xffff  }
0x114: {  	v4 =	vadd.s32 s28, v6  }
0x115: {  	v4 =	vand.u32 $0x3FF8, v4;
	v5 =	vld.idx.msk [tilespmem:v48+s10+$0x0], $0xffff;
	[tilespmem:s3+$0xFFFFF400] =	vst v3  }
0x116: {  	v49 =	vor.u32 v57, v4;
	v3 =	vld.idx.msk [tilespmem:v45+s14+$0x0], $0xffff;
	[tilespmem:s0+$0xFFFFFD80] =	vst v1  }
0x117: {  	[tilespmem:s8+$0xFFFFF900] =	vst v2;
	v1 =	vld.idx.msk [tilespmem:v27+s16+$0x0], $0xffff  }
0x118: {  	v2 =	vld.idx.msk [tilespmem:v36+s15+$0x0], $0xffff;
	[tilespmem:s1+$0x180] =	vst v0  }
0x119: {  	s6 =	simm.s32 $0xB440;
	v0 =	vld.idx.msk [tilespmem:v19+s17+$0x0], $0xffff  }
0x11a: {  	v4 =	vadd.s32 s28, v11;
	[tilespmem:s6+$0xFFFFF000] =	vst v5  }
0x11b: {  	v4 =	vand.u32 $0x3FF8, v4;
	v5 =	vld.idx.msk [tilespmem:v49+s10+$0x0], $0xffff;
	[tilespmem:s3+$0xFFFFF480] =	vst v3  }
0x11c: {  	v50 =	vor.u32 v59, v4;
	v3 =	vld.idx.msk [tilespmem:v46+s14+$0x0], $0xffff;
	[tilespmem:s0+$0xFFFFFE00] =	vst v1  }
0x11d: {  	[tilespmem:s8+$0xFFFFF980] =	vst v2;
	v1 =	vld.idx.msk [tilespmem:v26+s16+$0x0], $0xffff  }
0x11e: {  	v2 =	vld.idx.msk [tilespmem:v35+s15+$0x0], $0xffff;
	[tilespmem:s1+$0x200] =	vst v0  }
0x11f: {  	v0 =	vld.idx.msk [tilespmem:v18+s17+$0x0], $0xffff  }
0x120: {  	v4 =	vadd.s32 s28, v15;
	[tilespmem:s6+$0xFFFFF080] =	vst v5  }
0x121: {  	v4 =	vand.u32 $0x3FF8, v4;
	v5 =	vld.idx.msk [tilespmem:v50+s10+$0x0], $0xffff;
	[tilespmem:s3+$0xFFFFF500] =	vst v3  }
0x122: {  	v51 =	vor.u32 v61, v4;
	v3 =	vld.idx.msk [tilespmem:v44+s14+$0x0], $0xffff;
	[tilespmem:s0+$0xFFFFFE80] =	vst v1  }
0x123: {  	[tilespmem:s8+$0xFFFFFA00] =	vst v2;
	v1 =	vld.idx.msk [tilespmem:v25+s16+$0x0], $0xffff  }
0x124: {  	v2 =	vld.idx.msk [tilespmem:v34+s15+$0x0], $0xffff;
	[tilespmem:s1+$0x280] =	vst v0  }
0x125: {  	v0 =	vld.idx.msk [tilespmem:v17+s17+$0x0], $0xffff  }
0x126: {  	v4 =	vadd.s32 s28, v14;
	[tilespmem:s6+$0xFFFFF100] =	vst v5  }
0x127: {  	v4 =	vand.u32 $0x3FF8, v4;
	v5 =	vld.idx.msk [tilespmem:v51+s10+$0x0], $0xffff;
	[tilespmem:s3+$0xFFFFF580] =	vst v3  }
0x128: {  	v52 =	vor.u32 v62, v4;
	v3 =	vld.idx.msk [tilespmem:v43+s14+$0x0], $0xffff;
	[tilespmem:s0+$0xFFFFFF00] =	vst v1  }
0x129: {  	[tilespmem:s8+$0xFFFFFA80] =	vst v2;
	v1 =	vld.idx.msk [tilespmem:v24+s16+$0x0], $0xffff  }
0x12a: {  	v2 =	vld.idx.msk [tilespmem:v33+s15+$0x0], $0xffff;
	[tilespmem:s1+$0x300] =	vst v0  }
0x12b: {  	v0 =	vld.idx.msk [tilespmem:v16+s17+$0x0], $0xffff  }
0x12c: {  	v4 =	vadd.s32 s28, v8;
	[tilespmem:s6+$0xFFFFF180] =	vst v5  }
0x12d: {  	v4 =	vand.u32 $0x3FF8, v4;
	v5 =	vld.idx.msk [tilespmem:v52+s10+$0x0], $0xffff;
	[tilespmem:s3+$0xFFFFF600] =	vst v3  }
0x12e: {  	v53 =	vor.u32 v63, v4;
	v3 =	vld.idx.msk [tilespmem:v42+s14+$0x0], $0xffff;
	[tilespmem:s0+$0xFFFFFF80] =	vst v1  }
0x12f: {  	[tilespmem:s8+$0xFFFFFB00] =	vst v2;
	v1 =	vld.idx.msk [tilespmem:v31+s17+$0x0], $0xffff  }
0x130: {  	v2 =	vld.idx.msk [tilespmem:v32+s15+$0x0], $0xffff;
	[tilespmem:s1+$0x380] =	vst v0  }
0x131: {  	v0 =	vld.idx.msk [tilespmem:v23+s18+$0x0], $0xffff  }
0x132: {  	v4 =	vadd.s32 s28, v12;
	[tilespmem:s6+$0xFFFFF200] =	vst v5  }
0x133: {  	v4 =	vand.u32 $0x3FF8, v4;
	v5 =	vld.idx.msk [tilespmem:v53+s10+$0x0], $0xffff;
	[tilespmem:s3+$0xFFFFF680] =	vst v3  }
0x134: {  	v54 =	vor.u32 v7, v4;
	v3 =	vld.idx.msk [tilespmem:v41+s14+$0x0], $0xffff;
	[tilespmem:s0+$0x0] =	vst v1  }
0x135: {  	[tilespmem:s8+$0xFFFFFB80] =	vst v2;
	v1 =	vld.idx.msk [tilespmem:v30+s17+$0x0], $0xffff  }
0x136: {  	v2 =	vld.idx.msk [tilespmem:v39+s16+$0x0], $0xffff;
	[tilespmem:s1+$0x400] =	vst v0  }
0x137: {  	v0 =	vld.idx.msk [tilespmem:v22+s18+$0x0], $0xffff  }
0x138: {  	v4 =	vadd.s32 s28, v13;
	[tilespmem:s6+$0xFFFFF280] =	vst v5  }
0x139: {  	v4 =	vand.u32 $0x3FF8, v4;
	v5 =	vld.idx.msk [tilespmem:v54+s10+$0x0], $0xffff;
	[tilespmem:s3+$0xFFFFF700] =	vst v3  }
0x13a: {  	v55 =	vor.u32 v10, v4;
	v3 =	vld.idx.msk [tilespmem:v40+s14+$0x0], $0xffff;
	[tilespmem:s0+$0x80] =	vst v1  }
0x13b: {  	[tilespmem:s8+$0xFFFFFC00] =	vst v2;
	v1 =	vld.idx.msk [tilespmem:v29+s17+$0x0], $0xffff  }
0x13c: {  	v2 =	vld.idx.msk [tilespmem:v38+s16+$0x0], $0xffff;
	[tilespmem:s1+$0x480] =	vst v0  }
0x13d: {  	v0 =	vld.idx.msk [tilespmem:v21+s18+$0x0], $0xffff  }
0x13e: {  	[tilespmem:s6+$0xFFFFF300] =	vst v5  }
0x13f: {  	v4 =	vld.idx.msk [tilespmem:v55+s10+$0x0], $0xffff;
	[tilespmem:s3+$0xFFFFF780] =	vst v3  }
0x140: {  	v3 =	vld.idx.msk [tilespmem:v47+s15+$0x0], $0xffff;
	[tilespmem:s0+$0x100] =	vst v1  }
0x141: {  	[tilespmem:s8+$0xFFFFFC80] =	vst v2;
	v1 =	vld.idx.msk [tilespmem:v28+s17+$0x0], $0xffff  }
0x142: {  	v2 =	vld.idx.msk [tilespmem:v37+s16+$0x0], $0xffff;
	[tilespmem:s1+$0x500] =	vst v0  }
0x143: {  	v0 =	vld.idx.msk [tilespmem:v20+s18+$0x0], $0xffff  }
0x144: {  	[tilespmem:s6+$0xFFFFF380] =	vst v4  }
0x145: {  	v4 =	vld.idx.msk [tilespmem:v48+s14+$0x0], $0xffff;
	[tilespmem:s3+$0xFFFFF800] =	vst v3  }
0x146: {  	v3 =	vld.idx.msk [tilespmem:v45+s15+$0x0], $0xffff;
	[tilespmem:s0+$0x180] =	vst v1  }
0x147: {  	[tilespmem:s8+$0xFFFFFD00] =	vst v2;
	v1 =	vld.idx.msk [tilespmem:v27+s17+$0x0], $0xffff  }
0x148: {  	v2 =	vld.idx.msk [tilespmem:v36+s16+$0x0], $0xffff;
	[tilespmem:s1+$0x580] =	vst v0  }
0x149: {  	v0 =	vld.idx.msk [tilespmem:v19+s18+$0x0], $0xffff  }
0x14a: {  	[tilespmem:s6+$0xFFFFF400] =	vst v4  }
0x14b: {  	[tilespmem:s3+$0xFFFFF880] =	vst v3  }
0x14c: {  	s11 =	simm.s32 $0x1450;
	v3 =	vld.idx.msk [tilespmem:v46+s15+$0x0], $0xffff;
	[tilespmem:s0+$0x200] =	vst v1  }
0x14d: {  	v5 =	vadd.s32 s11, v9;
	[tilespmem:s8+$0xFFFFFD80] =	vst v2;
	v1 =	vld.idx.msk [tilespmem:v26+s17+$0x0], $0xffff  }
0x14e: {  	v2 =	vld.idx.msk [tilespmem:v49+s14+$0x0], $0xffff;
	[tilespmem:s1+$0x600] =	vst v0;
	v0 =	vand.u32 $0x3FF8, v5  }
0x14f: {  	v5 =	vld.idx.msk [tilespmem:v18+s18+$0x0], $0xffff;
	v56 =	vor.u32 v56, v0;
	_ =	sdelay $0x1  }
0x150: {  	[tilespmem:s3+$0xFFFFF900] =	vst v3;
	v0 =	vld.idx.msk [tilespmem:v35+s16+$0x0], $0xffff  }
0x151: {  	v3 =	vld.idx.msk [tilespmem:v44+s15+$0x0], $0xffff;
	[tilespmem:s0+$0x280] =	vst v1  }
0x152: {  	v4 =	vadd.s32 s11, v6;
	[tilespmem:s6+$0xFFFFF480] =	vst v2;
	v1 =	vld.idx.msk [tilespmem:v25+s17+$0x0], $0xffff  }
0x153: {  	v4 =	vand.u32 $0x3FF8, v4;
	[tilespmem:s1+$0x680] =	vst v5;
	v5 =	vld.idx.msk [tilespmem:v56+s10+$0x0], $0xffff  }
0x154: {  	v57 =	vor.u32 v57, v4;
	v2 =	vld.idx.msk [tilespmem:v50+s14+$0x0], $0xffff  }
0x155: {  	[tilespmem:s8+$0xFFFFFE00] =	vst v0;
	v58 =	vld.idx.msk [tilespmem:v17+s18+$0x0], $0xffff  }
0x156: {  	[tilespmem:s3+$0xFFFFF980] =	vst v3;
	v0 =	vld.idx.msk [tilespmem:v34+s16+$0x0], $0xffff  }
0x157: {  	s7 =	simm.s32 $0xB450;
	v3 =	vld.idx.msk [tilespmem:v43+s15+$0x0], $0xffff;
	[tilespmem:s0+$0x300] =	vst v1  }
0x158: {  	v4 =	vadd.s32 s11, v11;
	v1 =	vld.idx.msk [tilespmem:v24+s17+$0x0], $0xffff;
	[tilespmem:s7+$0xFFFFF000] =	vst v5  }
0x159: {  	v4 =	vand.u32 $0x3FF8, v4;
	[tilespmem:s6+$0xFFFFF500] =	vst v2;
	v5 =	vld.idx.msk [tilespmem:v57+s10+$0x0], $0xffff  }
0x15a: {  	[tilespmem:s1+$0x700] =	vst v58;
	v58 =	vor.u32 v59, v4;
	v4 =	vld.idx.msk [tilespmem:v51+s14+$0x0], $0xffff  }
0x15b: {  	[tilespmem:s8+$0xFFFFFE80] =	vst v0;
	v0 =	vld.idx.msk [tilespmem:v16+s18+$0x0], $0xffff  }
0x15c: {  	[tilespmem:s3+$0xFFFFFA00] =	vst v3  }
0x15d: {  	v2 =	vld.idx.msk [tilespmem:v33+s16+$0x0], $0xffff;
	[tilespmem:s0+$0x380] =	vst v1  }
0x15e: {  	v3 =	vld.idx.msk [tilespmem:v42+s15+$0x0], $0xffff;
	[tilespmem:s7+$0xFFFFF080] =	vst v5  }
0x15f: {  	v1 =	vld.idx.msk [tilespmem:v31+s18+$0x0], $0xffff;
	v5 =	vadd.s32 s11, v15;
	[tilespmem:s6+$0xFFFFF580] =	vst v4  }
0x160: {  	v60 =	vld.idx.msk [tilespmem:v58+s10+$0x0], $0xffff;
	[tilespmem:s1+$0x780] =	vst v0;
	v0 =	vand.u32 $0x3FF8, v5  }
0x161: {  	v4 =	vld.idx.msk [tilespmem:v52+s14+$0x0], $0xffff;
	v59 =	vor.u32 v61, v0  }
0x162: {  	[tilespmem:s8+$0xFFFFFF00] =	vst v2;
	v2 =	vld.idx.msk [tilespmem:v23+s19+$0x0], $0xffff  }
0x163: {  	[tilespmem:s3+$0xFFFFFA80] =	vst v3;
	v0 =	vld.idx.msk [tilespmem:v32+s16+$0x0], $0xffff  }
0x164: {  	v3 =	vld.idx.msk [tilespmem:v41+s15+$0x0], $0xffff;
	[tilespmem:s0+$0x400] =	vst v1  }
0x165: {  	v1 =	vld.idx.msk [tilespmem:v30+s18+$0x0], $0xffff;
	[tilespmem:s7+$0xFFFFF100] =	vst v60  }
0x166: {  	v5 =	vadd.s32 s11, v14;
	[tilespmem:s6+$0xFFFFF600] =	vst v4;
	v61 =	vld.idx.msk [tilespmem:v59+s10+$0x0], $0xffff  }
0x167: {  	[tilespmem:s1+$0x800] =	vst v2;
	v2 =	vand.u32 $0x3FF8, v5;
	v4 =	vld.idx.msk [tilespmem:v53+s14+$0x0], $0xffff  }
0x168: {  	[tilespmem:s8+$0xFFFFFF80] =	vst v0;
	v0 =	vld.idx.msk [tilespmem:v22+s19+$0x0], $0xffff;
	v60 =	vor.u32 v62, v2  }
0x169: {  	[tilespmem:s3+$0xFFFFFB00] =	vst v3  }
0x16a: {  	v2 =	vld.idx.msk [tilespmem:v39+s17+$0x0], $0xffff;
	[tilespmem:s0+$0x480] =	vst v1  }
0x16b: {  	v3 =	vld.idx.msk [tilespmem:v40+s15+$0x0], $0xffff;
	[tilespmem:s7+$0xFFFFF180] =	vst v61  }
0x16c: {  	v5 =	vadd.s32 s11, v8;
	v1 =	vld.idx.msk [tilespmem:v29+s18+$0x0], $0xffff;
	[tilespmem:s6+$0xFFFFF680] =	vst v4  }
0x16d: {  	v62 =	vld.idx.msk [tilespmem:v60+s10+$0x0], $0xffff;
	[tilespmem:s1+$0x880] =	vst v0;
	v0 =	vand.u32 $0x3FF8, v5  }
0x16e: {  	v4 =	vld.idx.msk [tilespmem:v54+s14+$0x0], $0xffff;
	v61 =	vor.u32 v63, v0  }
0x16f: {  	[tilespmem:s8+$0x0] =	vst v2;
	v2 =	vld.idx.msk [tilespmem:v21+s19+$0x0], $0xffff  }
0x170: {  	[tilespmem:s3+$0xFFFFFB80] =	vst v3;
	v0 =	vld.idx.msk [tilespmem:v38+s17+$0x0], $0xffff  }
0x171: {  	v3 =	vld.idx.msk [tilespmem:v47+s16+$0x0], $0xffff;
	[tilespmem:s0+$0x500] =	vst v1  }
0x172: {  	v1 =	vld.idx.msk [tilespmem:v28+s18+$0x0], $0xffff;
	[tilespmem:s7+$0xFFFFF200] =	vst v62  }
0x173: {  	v5 =	vadd.s32 s11, v12;
	[tilespmem:s6+$0xFFFFF700] =	vst v4;
	v63 =	vld.idx.msk [tilespmem:v61+s10+$0x0], $0xffff  }
0x174: {  	[tilespmem:s1+$0x900] =	vst v2;
	v2 =	vand.u32 $0x3FF8, v5;
	v4 =	vld.idx.msk [tilespmem:v55+s14+$0x0], $0xffff  }
0x175: {  	[tilespmem:s8+$0x80] =	vst v0;
	v0 =	vld.idx.msk [tilespmem:v20+s19+$0x0], $0xffff;
	v62 =	vor.u32 v7, v2  }
0x176: {  	[tilespmem:s3+$0xFFFFFC00] =	vst v3  }
0x177: {  	v2 =	vld.idx.msk [tilespmem:v37+s17+$0x0], $0xffff;
	[tilespmem:s0+$0x580] =	vst v1  }
0x178: {  	v7 =	vld.idx.msk [tilespmem:v27+s18+$0x0], $0xffff;
	[tilespmem:s7+$0xFFFFF280] =	vst v63  }
0x179: {  	v3 =	vld.idx.msk [tilespmem:v45+s16+$0x0], $0xffff;
	v5 =	vadd.s32 s11, v13;
	[tilespmem:s6+$0xFFFFF780] =	vst v4  }
0x17a: {  	v1 =	vld.idx.msk [tilespmem:v62+s10+$0x0], $0xffff;
	[tilespmem:s1+$0x980] =	vst v0;
	v0 =	vand.u32 $0x3FF8, v5  }
0x17b: {  	v4 =	vld.idx.msk [tilespmem:v48+s15+$0x0], $0xffff;
	v63 =	vor.u32 v10, v0  }
0x17c: {  	[tilespmem:s8+$0x100] =	vst v2;
	v2 =	vld.idx.msk [tilespmem:v19+s19+$0x0], $0xffff  }
0x17d: {  	v0 =	vld.idx.msk [tilespmem:v36+s17+$0x0], $0xffff;
	[tilespmem:s0+$0x600] =	vst v7  }
0x17e: {  	[tilespmem:s3+$0xFFFFFC80] =	vst v3;
	v3 =	vld.idx.msk [tilespmem:v26+s18+$0x0], $0xffff  }
0x17f: {  	[tilespmem:s7+$0xFFFFF300] =	vst v1;
	v1 =	vld.idx.msk [tilespmem:v46+s16+$0x0], $0xffff  }
0x180: {  	[tilespmem:s6+$0xFFFFF800] =	vst v4;
	v5 =	vld.idx.msk [tilespmem:v63+s10+$0x0], $0xffff  }
0x181: {  	[tilespmem:s1+$0xA00] =	vst v2;
	v4 =	vld.idx.msk [tilespmem:v49+s15+$0x0], $0xffff  }
0x182: {  	[tilespmem:s8+$0x180] =	vst v0;
	v0 =	vld.idx.msk [tilespmem:v18+s19+$0x0], $0xffff  }
0x183: {  	v2 =	vld.idx.msk [tilespmem:v35+s17+$0x0], $0xffff;
	[tilespmem:s0+$0x680] =	vst v3  }
0x184: {  	[tilespmem:s3+$0xFFFFFD00] =	vst v1;
	v1 =	vld.idx.msk [tilespmem:v25+s18+$0x0], $0xffff  }
0x185: {  	[tilespmem:s7+$0xFFFFF380] =	vst v5;
	v3 =	vld.idx.msk [tilespmem:v44+s16+$0x0], $0xffff  }
0x186: {  	[tilespmem:s6+$0xFFFFF880] =	vst v4;
	v5 =	vld.idx.msk [tilespmem:v56+s14+$0x0], $0xffff  }
0x187: {  	[tilespmem:s1+$0xA80] =	vst v0;
	v4 =	vld.idx.msk [tilespmem:v50+s15+$0x0], $0xffff  }
0x188: {  	[tilespmem:s8+$0x200] =	vst v2;
	v0 =	vld.idx.msk [tilespmem:v17+s19+$0x0], $0xffff  }
0x189: {  	s11 =	simm.s32 $0x1860;
	v2 =	vld.idx.msk [tilespmem:v34+s17+$0x0], $0xffff  }
.LBB2_5:
0x18a: {  	[tilespmem:s3+$0xFFFFFD80] =	vst v3;
	v3 =	vld [tilespmem:$0x1FF70];
	_ =	sdelay $0x2  }
0x18b: {  	v6 =	vadd.s32 s11, v9;
	[tilespmem:s7+$0xFFFFF400] =	vst v5  }
0x18c: {  	v6 =	vand.u32 $0x3FF8, v6;
	v5 =	vld.idx.msk [tilespmem:v43+s16+$0x0], $0xffff  }
0x18d: {  	v3 =	vor.u32 v3, v6;
	v6 =	vld.idx.msk [tilespmem:v57+s14+$0x0], $0xffff;
	[tilespmem:s1+$0xB00] =	vst v0  }
0x18e: {  	s26 =	smov.u32 s3;
	v7 =	vld [tilespmem:$0x1FFF0];
	s3 =	smov.u32 s6;
	[tilespmem:s8+$0x280] =	vst v2  }
0x18f: {  	v0 =	vld.idx.msk [tilespmem:v16+s19+$0x0], $0xffff;
	[tilespmem:s3+$0xFFFFF900] =	vst v4  }
0x190: {  	v2 =	vld.idx.msk [tilespmem:v33+s17+$0x0], $0xffff  }
0x191: {  	v4 =	vld.idx.msk [tilespmem:v51+s15+$0x0], $0xffff  }
0x192: {  	v8 =	vld.idx.msk [tilespmem:v3+s10+$0x0], $0xffff  }
0x193: {  	[tilespmem:s26+$0xFFFFFE00] =	vst v5;
	v5 =	vld [tilespmem:$0x1FF80];
	_ =	sdelay $0x1  }
0x194: {  	s28 =	smov.u32 s11  }
0x195: {  	v7 =	vadd.s32 s28, v7;
	[tilespmem:s7+$0xFFFFF480] =	vst v6  }
0x196: {  	v7 =	vand.u32 $0x3FF8, v7;
	v6 =	vld.idx.msk [tilespmem:v42+s16+$0x0], $0xffff  }
0x197: {  	v5 =	vor.u32 v5, v7;
	v7 =	vld.idx.msk [tilespmem:v58+s14+$0x0], $0xffff;
	[tilespmem:s1+$0xB80] =	vst v0  }
0x198: {  	[tilespmem:s8+$0x300] =	vst v2  }
0x199: {  	s6 =	smov.u32 s7;
	s7 =	sadd.s32 $0x10, s7;
	v0 =	vld.idx.msk [tilespmem:v23+s20+$0x0], $0xffff;
	[tilespmem:s3+$0xFFFFF980] =	vst v4  }
0x19a: {  	v23 =	vmov v31;
	v2 =	vld.idx.msk [tilespmem:v32+s17+$0x0], $0xffff;
	[tilespmem:s7+$0xFFFFF000] =	vst v8  }
0x19b: {  	v31 =	vmovc v39;
	v39 =	vmovc v47;
	v47 =	vmov v48;
	v48 =	vmov v56;
	v56 =	vmov v3;
	v3 =	vld.idx.msk [tilespmem:v52+s15+$0x0], $0xffff  }
0x19c: {  	v8 =	vld.idx.msk [tilespmem:v5+s10+$0x0], $0xffff  }
0x19d: {  	[tilespmem:s26+$0xFFFFFE80] =	vst v6;
	v6 =	vld [tilespmem:$0x1FF90];
	_ =	sdelay $0x1  }
0x19e: {  	v4 =	vadd.s32 s28, v11;
	[tilespmem:s0+$0x700] =	vst v1  }
0x19f: {  	v1 =	vand.u32 $0x3FF8, v4;
	v4 =	vld.idx.msk [tilespmem:v24+s18+$0x0], $0xffff;
	[tilespmem:s6+$0xFFFFF500] =	vst v7  }
0x1a0: {  	v7 =	vld.idx.msk [tilespmem:v59+s14+$0x0], $0xffff  }
0x1a1: {  	v1 =	vor.u32 v6, v1;
	v6 =	vld.idx.msk [tilespmem:v41+s16+$0x0], $0xffff;
	[tilespmem:s1+$0xC00] =	vst v0  }
0x1a2: {  	[tilespmem:s8+$0x380] =	vst v2  }
0x1a3: {  	v0 =	vld.idx.msk [tilespmem:v22+s20+$0x0], $0xffff;
	[tilespmem:s3+$0xFFFFFA00] =	vst v3  }
0x1a4: {  	v2 =	vld.idx.msk [tilespmem:v31+s18+$0x0], $0xffff;
	[tilespmem:s7+$0xFFFFF080] =	vst v8  }
0x1a5: {  	v3 =	vld.idx.msk [tilespmem:v53+s15+$0x0], $0xffff  }
0x1a6: {  	v8 =	vld.idx.msk [tilespmem:v1+s10+$0x0], $0xffff  }
0x1a7: {  	[tilespmem:s26+$0xFFFFFF00] =	vst v6;
	v6 =	vld [tilespmem:$0x1FFA0]  }
0x1a8: {  	v22 =	vmov v30;
	v30 =	vmov v38  }
0x1a9: {  	v38 =	vmovc v45;
	v45 =	vmovc v49;
	v49 =	vmov v57;
	v57 =	vmov v5;
	v5 =	vadd.s32 s28, v15;
	[tilespmem:s0+$0x780] =	vst v4  }
0x1aa: {  	v4 =	vand.u32 $0x3FF8, v5;
	v5 =	vld.idx.msk [tilespmem:v23+s19+$0x0], $0xffff;
	[tilespmem:s6+$0xFFFFF580] =	vst v7  }
0x1ab: {  	v7 =	vld.idx.msk [tilespmem:v60+s14+$0x0], $0xffff  }
0x1ac: {  	v4 =	vor.u32 v6, v4;
	v6 =	vld.idx.msk [tilespmem:v40+s16+$0x0], $0xffff;
	[tilespmem:s1+$0xC80] =	vst v0  }
0x1ad: {  	[tilespmem:s8+$0x400] =	vst v2  }
0x1ae: {  	v0 =	vld.idx.msk [tilespmem:v21+s20+$0x0], $0xffff;
	[tilespmem:s3+$0xFFFFFA80] =	vst v3  }
0x1af: {  	v21 =	vmov v29;
	v2 =	vld.idx.msk [tilespmem:v30+s18+$0x0], $0xffff;
	[tilespmem:s7+$0xFFFFF100] =	vst v8  }
0x1b0: {  	v29 =	vmovc v37;
	v37 =	vmovc v46;
	v46 =	vmov v50;
	v50 =	vmov v58;
	v58 =	vmov v1;
	v1 =	vld.idx.msk [tilespmem:v54+s15+$0x0], $0xffff  }
0x1b1: {  	v8 =	vld.idx.msk [tilespmem:v4+s10+$0x0], $0xffff  }
0x1b2: {  	[tilespmem:s26+$0xFFFFFF80] =	vst v6;
	v6 =	vld [tilespmem:$0x1FFB0];
	_ =	sdelay $0x1  }
0x1b3: {  	[tilespmem:s0+$0x800] =	vst v5  }
0x1b4: {  	v3 =	vadd.s32 s28, v14;
	v5 =	vld.idx.msk [tilespmem:v22+s19+$0x0], $0xffff;
	[tilespmem:s6+$0xFFFFF600] =	vst v7  }
0x1b5: {  	v3 =	vand.u32 $0x3FF8, v3;
	v7 =	vld.idx.msk [tilespmem:v61+s14+$0x0], $0xffff  }
0x1b6: {  	v3 =	vor.u32 v6, v3;
	v6 =	vld.idx.msk [tilespmem:v39+s17+$0x0], $0xffff;
	[tilespmem:s1+$0xD00] =	vst v0  }
0x1b7: {  	[tilespmem:s8+$0x480] =	vst v2  }
0x1b8: {  	v0 =	vld.idx.msk [tilespmem:v20+s20+$0x0], $0xffff;
	v20 =	vmov v28  }
0x1b9: {  	v28 =	vmovc v36;
	v36 =	vmovc v44;
	v44 =	vmov v51;
	v51 =	vmov v59;
	[tilespmem:s3+$0xFFFFFB00] =	vst v1;
	v59 =	vmov v4;
	v4 =	vld [tilespmem:$0x1FF40]  }
0x1ba: {  	v1 =	vld.idx.msk [tilespmem:v29+s18+$0x0], $0xffff;
	[tilespmem:s7+$0xFFFFF180] =	vst v8  }
0x1bb: {  	v2 =	vld.idx.msk [tilespmem:v55+s15+$0x0], $0xffff  }
0x1bc: {  	v8 =	vld.idx.msk [tilespmem:v3+s10+$0x0], $0xffff  }
0x1bd: {  	[tilespmem:s26+$0x0] =	vst v6;
	v6 =	vld [tilespmem:$0x1FFC0];
	_ =	sdelay $0x1  }
0x1be: {  	[tilespmem:s0+$0x880] =	vst v5  }
0x1bf: {  	v4 =	vadd.s32 s28, v4;
	v5 =	vld.idx.msk [tilespmem:v21+s19+$0x0], $0xffff;
	[tilespmem:s6+$0xFFFFF680] =	vst v7  }
0x1c0: {  	v4 =	vand.u32 $0x3FF8, v4;
	v7 =	vld.idx.msk [tilespmem:v62+s14+$0x0], $0xffff  }
0x1c1: {  	v4 =	vor.u32 v6, v4;
	v6 =	vld.idx.msk [tilespmem:v38+s17+$0x0], $0xffff;
	[tilespmem:s1+$0xD80] =	vst v0  }
0x1c2: {  	[tilespmem:s8+$0x500] =	vst v1  }
0x1c3: {  	v0 =	vld.idx.msk [tilespmem:v19+s20+$0x0], $0xffff;
	[tilespmem:s3+$0xFFFFFB80] =	vst v2  }
0x1c4: {  	v1 =	vld.idx.msk [tilespmem:v28+s18+$0x0], $0xffff;
	[tilespmem:s7+$0xFFFFF200] =	vst v8  }
0x1c5: {  	v2 =	vld.idx.msk [tilespmem:v47+s16+$0x0], $0xffff  }
0x1c6: {  	v8 =	vld.idx.msk [tilespmem:v4+s10+$0x0], $0xffff  }
0x1c7: {  	[tilespmem:s26+$0x80] =	vst v6;
	v6 =	vld [tilespmem:$0x1FFD0];
	_ =	sdelay $0x1  }
0x1c8: {  	v19 =	vmov v27;
	v27 =	vmov v35;
	[tilespmem:s0+$0x900] =	vst v5  }
0x1c9: {  	v35 =	vmovc v43;
	v43 =	vmovc v52;
	v52 =	vmov v60;
	v60 =	vmov v3;
	v3 =	vadd.s32 s28, v12;
	v5 =	vld.idx.msk [tilespmem:v20+s19+$0x0], $0xffff;
	[tilespmem:s6+$0xFFFFF700] =	vst v7  }
0x1ca: {  	v3 =	vand.u32 $0x3FF8, v3;
	v7 =	vld.idx.msk [tilespmem:v63+s14+$0x0], $0xffff  }
0x1cb: {  	v3 =	vor.u32 v6, v3;
	v6 =	vld.idx.msk [tilespmem:v37+s17+$0x0], $0xffff;
	[tilespmem:s1+$0xE00] =	vst v0  }
0x1cc: {  	[tilespmem:s8+$0x580] =	vst v1  }
0x1cd: {  	v0 =	vld.idx.msk [tilespmem:v18+s20+$0x0], $0xffff;
	[tilespmem:s3+$0xFFFFFC00] =	vst v2  }
0x1ce: {  	v1 =	vld.idx.msk [tilespmem:v27+s18+$0x0], $0xffff;
	[tilespmem:s7+$0xFFFFF280] =	vst v8  }
0x1cf: {  	v2 =	vld.idx.msk [tilespmem:v45+s16+$0x0], $0xffff  }
0x1d0: {  	v8 =	vld.idx.msk [tilespmem:v3+s10+$0x0], $0xffff  }
0x1d1: {  	[tilespmem:s26+$0x100] =	vst v6;
	v6 =	vld [tilespmem:$0x1FFE0];
	_ =	sdelay $0x1  }
0x1d2: {  	v18 =	vmov v26;
	v26 =	vmov v34;
	[tilespmem:s0+$0x980] =	vst v5  }
0x1d3: {  	v34 =	vmovc v42;
	v42 =	vmovc v53;
	v53 =	vmov v61;
	v61 =	vmov v4;
	v4 =	vadd.s32 s28, v13;
	v5 =	vld.idx.msk [tilespmem:v19+s19+$0x0], $0xffff;
	[tilespmem:s6+$0xFFFFF780] =	vst v7  }
0x1d4: {  	v4 =	vand.u32 $0x3FF8, v4;
	v7 =	vld.idx.msk [tilespmem:v48+s15+$0x0], $0xffff  }
0x1d5: {  	v4 =	vor.u32 v6, v4;
	v6 =	vld.idx.msk [tilespmem:v36+s17+$0x0], $0xffff;
	[tilespmem:s1+$0xE80] =	vst v0  }
0x1d6: {  	[tilespmem:s8+$0x600] =	vst v1  }
0x1d7: {  	v0 =	vld.idx.msk [tilespmem:v17+s20+$0x0], $0xffff;
	[tilespmem:s3+$0xFFFFFC80] =	vst v2  }
0x1d8: {  	v1 =	vld.idx.msk [tilespmem:v26+s18+$0x0], $0xffff;
	[tilespmem:s7+$0xFFFFF300] =	vst v8  }
0x1d9: {  	v17 =	vmov v25;
	v2 =	vld.idx.msk [tilespmem:v46+s16+$0x0], $0xffff  }
0x1da: {  	v25 =	vmovc v33;
	v33 =	vmovc v41;
	v41 =	vmov v54;
	v54 =	vmov v62;
	v62 =	vmov v3;
	v3 =	vld.idx.msk [tilespmem:v4+s10+$0x0], $0xffff;
	[tilespmem:s0+$0xA00] =	vst v5  }
0x1db: {  	[tilespmem:s26+$0x180] =	vst v6  }
0x1dc: {  	v6 =	vld.idx.msk [tilespmem:v18+s19+$0x0], $0xffff;
	[tilespmem:s6+$0xFFFFF800] =	vst v7  }
0x1dd: {  	v7 =	vld.idx.msk [tilespmem:v35+s17+$0x0], $0xffff  }
0x1de: {  	v8 =	vld.idx.msk [tilespmem:v49+s15+$0x0], $0xffff;
	[tilespmem:s1+$0xF00] =	vst v0  }
0x1df: {  	[tilespmem:s8+$0x680] =	vst v1  }
0x1e0: {  	v10 =	vmov v9;
	v9 =	vld.idx.msk [tilespmem:v16+s20+$0x0], $0xffff;
	[tilespmem:s3+$0xFFFFFD00] =	vst v2  }
0x1e1: {  	v1 =	vld.idx.msk [tilespmem:v25+s18+$0x0], $0xffff;
	[tilespmem:s7+$0xFFFFF380] =	vst v3  }
0x1e2: {  	p1 =	sne.s32 s11, $0x1C70;
	v3 =	vld.idx.msk [tilespmem:v44+s16+$0x0], $0xffff  }
.Ltmp3:
0x1e3: {  	v5 =	vld.idx.msk [tilespmem:v56+s14+$0x0], $0xffff;
	[tilespmem:s0+$0xA80] =	vst v6;
	(pc) =	sbr.rel @p1 .LBB2_5-.Ltmp3, $4  }
0x1e4: {  	[tilespmem:s26+$0x200] =	vst v7  }
0x1e5: {  	v0 =	vld.idx.msk [tilespmem:v17+s19+$0x0], $0xffff;
	[tilespmem:s6+$0xFFFFF880] =	vst v8  }
0x1e6: {  	s11 =	sadd.s32 $0x410, s11;
	v16 =	vmov v24;
	v24 =	vmov v32;
	v2 =	vld.idx.msk [tilespmem:v34+s17+$0x0], $0xffff  }
0x1e7: {  	v32 =	vmovc v40;
	v40 =	vmovc v55;
	v55 =	vmov v63;
	v63 =	vmov v4;
	v4 =	vld.idx.msk [tilespmem:v50+s15+$0x0], $0xffff;
	[tilespmem:s1+$0xF80] =	vst v9;
	v9 =	vmov v10;
	s1 =	smov.u32 s0;
	s0 =	smov.u32 s8;
	s8 =	smov.u32 s26  }
0x1e8: {  	_ =	sdelay $0x2  }
0x1e9: {  	[tilespmem:s7+$0xFFFFF400] =	vst v5  }
0x1ea: {  	v5 =	vld.idx.msk [tilespmem:v57+s14+$0x0], $0xffff;
	_ =	sdelay $0x4  }
0x1eb: {  	[tilespmem:s7+$0xFFFFF480] =	vst v5  }
0x1ec: {  	v5 =	vld.idx.msk [tilespmem:v58+s14+$0x0], $0xffff;
	_ =	sdelay $0x4  }
0x1ed: {  	[tilespmem:s7+$0xFFFFF500] =	vst v5  }
0x1ee: {  	v5 =	vld.idx.msk [tilespmem:v59+s14+$0x0], $0xffff;
	_ =	sdelay $0x4  }
0x1ef: {  	[tilespmem:s7+$0xFFFFF580] =	vst v5  }
0x1f0: {  	v5 =	vld.idx.msk [tilespmem:v60+s14+$0x0], $0xffff;
	_ =	sdelay $0x4  }
0x1f1: {  	[tilespmem:s7+$0xFFFFF600] =	vst v5  }
0x1f2: {  	v5 =	vld.idx.msk [tilespmem:v61+s14+$0x0], $0xffff;
	_ =	sdelay $0x4  }
0x1f3: {  	[tilespmem:s7+$0xFFFFF680] =	vst v5  }
0x1f4: {  	v5 =	vld.idx.msk [tilespmem:v62+s14+$0x0], $0xffff;
	_ =	sdelay $0x4  }
0x1f5: {  	[tilespmem:s7+$0xFFFFF700] =	vst v5  }
0x1f6: {  	v5 =	vld.idx.msk [tilespmem:v63+s14+$0x0], $0xffff;
	_ =	sdelay $0x4  }
0x1f7: {  	[tilespmem:s7+$0xFFFFF780] =	vst v5  }
0x1f8: {  	v5 =	vld.idx.msk [tilespmem:v56+s15+$0x0], $0xffff;
	_ =	sdelay $0x4  }
0x1f9: {  	[tilespmem:s7+$0xFFFFF800] =	vst v5  }
0x1fa: {  	v5 =	vld.idx.msk [tilespmem:v57+s15+$0x0], $0xffff;
	_ =	sdelay $0x4  }
0x1fb: {  	[tilespmem:s7+$0xFFFFF880] =	vst v5  }
0x1fc: {  	v5 =	vld.idx.msk [tilespmem:v58+s15+$0x0], $0xffff;
	_ =	sdelay $0x3  }
0x1fd: {  	[tilespmem:s6+$0xFFFFF900] =	vst v4  }
0x1fe: {  	v4 =	vld.idx.msk [tilespmem:v51+s15+$0x0], $0xffff;
	[tilespmem:s7+$0xFFFFF900] =	vst v5  }
0x1ff: {  	v5 =	vld.idx.msk [tilespmem:v59+s15+$0x0], $0xffff;
	_ =	sdelay $0x3  }
0x200: {  	[tilespmem:s6+$0xFFFFF980] =	vst v4  }
0x201: {  	v4 =	vld.idx.msk [tilespmem:v52+s15+$0x0], $0xffff;
	[tilespmem:s7+$0xFFFFF980] =	vst v5  }
0x202: {  	v5 =	vld.idx.msk [tilespmem:v60+s15+$0x0], $0xffff;
	_ =	sdelay $0x3  }
0x203: {  	[tilespmem:s6+$0xFFFFFA00] =	vst v4  }
0x204: {  	v4 =	vld.idx.msk [tilespmem:v53+s15+$0x0], $0xffff;
	[tilespmem:s7+$0xFFFFFA00] =	vst v5  }
0x205: {  	v5 =	vld.idx.msk [tilespmem:v61+s15+$0x0], $0xffff;
	_ =	sdelay $0x3  }
0x206: {  	[tilespmem:s6+$0xFFFFFA80] =	vst v4  }
0x207: {  	v4 =	vld.idx.msk [tilespmem:v54+s15+$0x0], $0xffff;
	[tilespmem:s7+$0xFFFFFA80] =	vst v5  }
0x208: {  	v5 =	vld.idx.msk [tilespmem:v62+s15+$0x0], $0xffff;
	_ =	sdelay $0x3  }
0x209: {  	[tilespmem:s6+$0xFFFFFB00] =	vst v4  }
0x20a: {  	v4 =	vld.idx.msk [tilespmem:v55+s15+$0x0], $0xffff;
	[tilespmem:s7+$0xFFFFFB00] =	vst v5  }
0x20b: {  	v5 =	vld.idx.msk [tilespmem:v63+s15+$0x0], $0xffff;
	_ =	sdelay $0x3  }
0x20c: {  	[tilespmem:s6+$0xFFFFFB80] =	vst v4  }
0x20d: {  	v4 =	vld.idx.msk [tilespmem:v48+s16+$0x0], $0xffff;
	[tilespmem:s7+$0xFFFFFB80] =	vst v5  }
0x20e: {  	v5 =	vld.idx.msk [tilespmem:v56+s16+$0x0], $0xffff;
	_ =	sdelay $0x3  }
0x20f: {  	[tilespmem:s6+$0xFFFFFC00] =	vst v4  }
0x210: {  	v4 =	vld.idx.msk [tilespmem:v49+s16+$0x0], $0xffff;
	[tilespmem:s7+$0xFFFFFC00] =	vst v5  }
0x211: {  	v5 =	vld.idx.msk [tilespmem:v57+s16+$0x0], $0xffff;
	_ =	sdelay $0x3  }
0x212: {  	[tilespmem:s6+$0xFFFFFC80] =	vst v4  }
0x213: {  	v4 =	vld.idx.msk [tilespmem:v50+s16+$0x0], $0xffff;
	[tilespmem:s7+$0xFFFFFC80] =	vst v5  }
0x214: {  	v5 =	vld.idx.msk [tilespmem:v58+s16+$0x0], $0xffff;
	_ =	sdelay $0x3  }
0x215: {  	[tilespmem:s6+$0xFFFFFD00] =	vst v4  }
0x216: {  	v4 =	vld.idx.msk [tilespmem:v51+s16+$0x0], $0xffff;
	[tilespmem:s7+$0xFFFFFD00] =	vst v5  }
0x217: {  	v5 =	vld.idx.msk [tilespmem:v59+s16+$0x0], $0xffff;
	_ =	sdelay $0x1  }
0x218: {  	[tilespmem:s3+$0xFFFFFD80] =	vst v3  }
0x219: {  	v3 =	vld.idx.msk [tilespmem:v43+s16+$0x0], $0xffff  }
0x21a: {  	[tilespmem:s6+$0xFFFFFD80] =	vst v4  }
0x21b: {  	v4 =	vld.idx.msk [tilespmem:v52+s16+$0x0], $0xffff;
	[tilespmem:s7+$0xFFFFFD80] =	vst v5  }
0x21c: {  	v5 =	vld.idx.msk [tilespmem:v60+s16+$0x0], $0xffff;
	_ =	sdelay $0x1  }
0x21d: {  	[tilespmem:s3+$0xFFFFFE00] =	vst v3  }
0x21e: {  	v3 =	vld.idx.msk [tilespmem:v42+s16+$0x0], $0xffff  }
0x21f: {  	[tilespmem:s6+$0xFFFFFE00] =	vst v4  }
0x220: {  	v4 =	vld.idx.msk [tilespmem:v53+s16+$0x0], $0xffff;
	[tilespmem:s7+$0xFFFFFE00] =	vst v5  }
0x221: {  	v5 =	vld.idx.msk [tilespmem:v61+s16+$0x0], $0xffff;
	_ =	sdelay $0x1  }
0x222: {  	[tilespmem:s3+$0xFFFFFE80] =	vst v3  }
0x223: {  	v3 =	vld.idx.msk [tilespmem:v41+s16+$0x0], $0xffff  }
0x224: {  	[tilespmem:s6+$0xFFFFFE80] =	vst v4  }
0x225: {  	v4 =	vld.idx.msk [tilespmem:v54+s16+$0x0], $0xffff;
	[tilespmem:s7+$0xFFFFFE80] =	vst v5  }
0x226: {  	v5 =	vld.idx.msk [tilespmem:v62+s16+$0x0], $0xffff;
	_ =	sdelay $0x1  }
0x227: {  	[tilespmem:s3+$0xFFFFFF00] =	vst v3  }
0x228: {  	v3 =	vld.idx.msk [tilespmem:v40+s16+$0x0], $0xffff  }
0x229: {  	[tilespmem:s6+$0xFFFFFF00] =	vst v4  }
0x22a: {  	v4 =	vld.idx.msk [tilespmem:v55+s16+$0x0], $0xffff;
	[tilespmem:s7+$0xFFFFFF00] =	vst v5  }
0x22b: {  	v5 =	vld.idx.msk [tilespmem:v63+s16+$0x0], $0xffff;
	_ =	sdelay $0x1  }
0x22c: {  	[tilespmem:s3+$0xFFFFFF80] =	vst v3  }
0x22d: {  	v3 =	vld.idx.msk [tilespmem:v47+s17+$0x0], $0xffff  }
0x22e: {  	[tilespmem:s6+$0xFFFFFF80] =	vst v4  }
0x22f: {  	v4 =	vld.idx.msk [tilespmem:v48+s17+$0x0], $0xffff;
	[tilespmem:s7+$0xFFFFFF80] =	vst v5  }
0x230: {  	v5 =	vld.idx.msk [tilespmem:v56+s17+$0x0], $0xffff;
	_ =	sdelay $0x1  }
0x231: {  	[tilespmem:s3+$0x0] =	vst v3  }
0x232: {  	v3 =	vld.idx.msk [tilespmem:v45+s17+$0x0], $0xffff  }
0x233: {  	[tilespmem:s6+$0x0] =	vst v4  }
0x234: {  	v4 =	vld.idx.msk [tilespmem:v49+s17+$0x0], $0xffff;
	[tilespmem:s7+$0x0] =	vst v5  }
0x235: {  	v5 =	vld.idx.msk [tilespmem:v57+s17+$0x0], $0xffff;
	_ =	sdelay $0x1  }
0x236: {  	[tilespmem:s3+$0x80] =	vst v3  }
0x237: {  	v3 =	vld.idx.msk [tilespmem:v46+s17+$0x0], $0xffff  }
0x238: {  	[tilespmem:s6+$0x80] =	vst v4  }
0x239: {  	v4 =	vld.idx.msk [tilespmem:v50+s17+$0x0], $0xffff;
	[tilespmem:s7+$0x80] =	vst v5  }
0x23a: {  	v5 =	vld.idx.msk [tilespmem:v58+s17+$0x0], $0xffff;
	_ =	sdelay $0x1  }
0x23b: {  	[tilespmem:s3+$0x100] =	vst v3  }
0x23c: {  	v3 =	vld.idx.msk [tilespmem:v44+s17+$0x0], $0xffff  }
0x23d: {  	[tilespmem:s6+$0x100] =	vst v4  }
0x23e: {  	v4 =	vld.idx.msk [tilespmem:v51+s17+$0x0], $0xffff;
	[tilespmem:s7+$0x100] =	vst v5  }
0x23f: {  	v5 =	vld.idx.msk [tilespmem:v59+s17+$0x0], $0xffff;
	_ =	sdelay $0x1  }
0x240: {  	[tilespmem:s3+$0x180] =	vst v3  }
0x241: {  	v3 =	vld.idx.msk [tilespmem:v43+s17+$0x0], $0xffff  }
0x242: {  	[tilespmem:s6+$0x180] =	vst v4  }
0x243: {  	v4 =	vld.idx.msk [tilespmem:v52+s17+$0x0], $0xffff;
	[tilespmem:s7+$0x180] =	vst v5  }
0x244: {  	v5 =	vld.idx.msk [tilespmem:v60+s17+$0x0], $0xffff;
	_ =	sdelay $0x1  }
0x245: {  	[tilespmem:s3+$0x200] =	vst v3  }
0x246: {  	v3 =	vld.idx.msk [tilespmem:v42+s17+$0x0], $0xffff  }
0x247: {  	[tilespmem:s6+$0x200] =	vst v4  }
0x248: {  	v4 =	vld.idx.msk [tilespmem:v53+s17+$0x0], $0xffff;
	[tilespmem:s7+$0x200] =	vst v5  }
0x249: {  	v5 =	vld.idx.msk [tilespmem:v61+s17+$0x0], $0xffff  }
0x24a: {  	[tilespmem:s8+$0x280] =	vst v2  }
0x24b: {  	v2 =	vld.idx.msk [tilespmem:v33+s17+$0x0], $0xffff;
	[tilespmem:s3+$0x280] =	vst v3  }
0x24c: {  	v3 =	vld.idx.msk [tilespmem:v41+s17+$0x0], $0xffff  }
0x24d: {  	[tilespmem:s6+$0x280] =	vst v4  }
0x24e: {  	v4 =	vld.idx.msk [tilespmem:v54+s17+$0x0], $0xffff;
	[tilespmem:s7+$0x280] =	vst v5  }
0x24f: {  	v5 =	vld.idx.msk [tilespmem:v62+s17+$0x0], $0xffff  }
0x250: {  	[tilespmem:s8+$0x300] =	vst v2  }
0x251: {  	v2 =	vld.idx.msk [tilespmem:v32+s17+$0x0], $0xffff;
	[tilespmem:s3+$0x300] =	vst v3  }
0x252: {  	v3 =	vld.idx.msk [tilespmem:v40+s17+$0x0], $0xffff  }
0x253: {  	[tilespmem:s6+$0x300] =	vst v4  }
0x254: {  	v4 =	vld.idx.msk [tilespmem:v55+s17+$0x0], $0xffff;
	[tilespmem:s7+$0x300] =	vst v5  }
0x255: {  	v5 =	vld.idx.msk [tilespmem:v63+s17+$0x0], $0xffff  }
0x256: {  	[tilespmem:s8+$0x380] =	vst v2  }
0x257: {  	v2 =	vld.idx.msk [tilespmem:v39+s18+$0x0], $0xffff;
	[tilespmem:s3+$0x380] =	vst v3  }
0x258: {  	v3 =	vld.idx.msk [tilespmem:v47+s18+$0x0], $0xffff  }
0x259: {  	[tilespmem:s6+$0x380] =	vst v4  }
0x25a: {  	v4 =	vld.idx.msk [tilespmem:v48+s18+$0x0], $0xffff;
	[tilespmem:s7+$0x380] =	vst v5  }
0x25b: {  	v5 =	vld.idx.msk [tilespmem:v56+s18+$0x0], $0xffff  }
0x25c: {  	[tilespmem:s8+$0x400] =	vst v2  }
0x25d: {  	v2 =	vld.idx.msk [tilespmem:v38+s18+$0x0], $0xffff;
	[tilespmem:s3+$0x400] =	vst v3  }
0x25e: {  	v3 =	vld.idx.msk [tilespmem:v45+s18+$0x0], $0xffff  }
0x25f: {  	[tilespmem:s6+$0x400] =	vst v4  }
0x260: {  	v4 =	vld.idx.msk [tilespmem:v49+s18+$0x0], $0xffff;
	[tilespmem:s7+$0x400] =	vst v5  }
0x261: {  	v5 =	vld.idx.msk [tilespmem:v57+s18+$0x0], $0xffff  }
0x262: {  	[tilespmem:s8+$0x480] =	vst v2  }
0x263: {  	v2 =	vld.idx.msk [tilespmem:v37+s18+$0x0], $0xffff;
	[tilespmem:s3+$0x480] =	vst v3  }
0x264: {  	v3 =	vld.idx.msk [tilespmem:v46+s18+$0x0], $0xffff  }
0x265: {  	[tilespmem:s6+$0x480] =	vst v4  }
0x266: {  	v4 =	vld.idx.msk [tilespmem:v50+s18+$0x0], $0xffff;
	[tilespmem:s7+$0x480] =	vst v5  }
0x267: {  	v5 =	vld.idx.msk [tilespmem:v58+s18+$0x0], $0xffff  }
0x268: {  	[tilespmem:s8+$0x500] =	vst v2  }
0x269: {  	v2 =	vld.idx.msk [tilespmem:v36+s18+$0x0], $0xffff;
	[tilespmem:s3+$0x500] =	vst v3  }
0x26a: {  	v3 =	vld.idx.msk [tilespmem:v44+s18+$0x0], $0xffff  }
0x26b: {  	[tilespmem:s6+$0x500] =	vst v4  }
0x26c: {  	v4 =	vld.idx.msk [tilespmem:v51+s18+$0x0], $0xffff;
	[tilespmem:s7+$0x500] =	vst v5  }
0x26d: {  	v5 =	vld.idx.msk [tilespmem:v59+s18+$0x0], $0xffff  }
0x26e: {  	[tilespmem:s8+$0x580] =	vst v2  }
0x26f: {  	v2 =	vld.idx.msk [tilespmem:v35+s18+$0x0], $0xffff;
	[tilespmem:s3+$0x580] =	vst v3  }
0x270: {  	v3 =	vld.idx.msk [tilespmem:v43+s18+$0x0], $0xffff  }
0x271: {  	[tilespmem:s6+$0x580] =	vst v4  }
0x272: {  	v4 =	vld.idx.msk [tilespmem:v52+s18+$0x0], $0xffff;
	[tilespmem:s7+$0x580] =	vst v5  }
0x273: {  	v5 =	vld.idx.msk [tilespmem:v60+s18+$0x0], $0xffff  }
0x274: {  	[tilespmem:s8+$0x600] =	vst v2  }
0x275: {  	v2 =	vld.idx.msk [tilespmem:v34+s18+$0x0], $0xffff;
	[tilespmem:s3+$0x600] =	vst v3  }
0x276: {  	v3 =	vld.idx.msk [tilespmem:v42+s18+$0x0], $0xffff  }
0x277: {  	[tilespmem:s6+$0x600] =	vst v4  }
0x278: {  	v4 =	vld.idx.msk [tilespmem:v53+s18+$0x0], $0xffff;
	[tilespmem:s7+$0x600] =	vst v5  }
0x279: {  	v5 =	vld.idx.msk [tilespmem:v61+s18+$0x0], $0xffff  }
0x27a: {  	[tilespmem:s8+$0x680] =	vst v2  }
0x27b: {  	v2 =	vld.idx.msk [tilespmem:v33+s18+$0x0], $0xffff;
	[tilespmem:s3+$0x680] =	vst v3  }
0x27c: {  	v3 =	vld.idx.msk [tilespmem:v41+s18+$0x0], $0xffff  }
0x27d: {  	[tilespmem:s6+$0x680] =	vst v4  }
0x27e: {  	v4 =	vld.idx.msk [tilespmem:v54+s18+$0x0], $0xffff;
	[tilespmem:s7+$0x680] =	vst v5  }
0x27f: {  	[tilespmem:s0+$0x700] =	vst v1;
	v5 =	vld.idx.msk [tilespmem:v62+s18+$0x0], $0xffff  }
0x280: {  	v1 =	vld.idx.msk [tilespmem:v24+s18+$0x0], $0xffff;
	[tilespmem:s8+$0x700] =	vst v2  }
0x281: {  	v2 =	vld.idx.msk [tilespmem:v32+s18+$0x0], $0xffff;
	[tilespmem:s3+$0x700] =	vst v3  }
0x282: {  	v3 =	vld.idx.msk [tilespmem:v40+s18+$0x0], $0xffff  }
0x283: {  	[tilespmem:s6+$0x700] =	vst v4  }
0x284: {  	v4 =	vld.idx.msk [tilespmem:v55+s18+$0x0], $0xffff;
	[tilespmem:s7+$0x700] =	vst v5  }
0x285: {  	[tilespmem:s0+$0x780] =	vst v1;
	v5 =	vld.idx.msk [tilespmem:v63+s18+$0x0], $0xffff  }
0x286: {  	v1 =	vld.idx.msk [tilespmem:v31+s19+$0x0], $0xffff;
	[tilespmem:s8+$0x780] =	vst v2  }
0x287: {  	v2 =	vld.idx.msk [tilespmem:v39+s19+$0x0], $0xffff;
	[tilespmem:s3+$0x780] =	vst v3  }
0x288: {  	v3 =	vld.idx.msk [tilespmem:v47+s19+$0x0], $0xffff  }
0x289: {  	[tilespmem:s6+$0x780] =	vst v4  }
0x28a: {  	v4 =	vld.idx.msk [tilespmem:v48+s19+$0x0], $0xffff;
	[tilespmem:s7+$0x780] =	vst v5  }
0x28b: {  	[tilespmem:s0+$0x800] =	vst v1;
	v5 =	vld.idx.msk [tilespmem:v56+s19+$0x0], $0xffff  }
0x28c: {  	v1 =	vld.idx.msk [tilespmem:v30+s19+$0x0], $0xffff;
	[tilespmem:s8+$0x800] =	vst v2  }
0x28d: {  	v2 =	vld.idx.msk [tilespmem:v38+s19+$0x0], $0xffff;
	[tilespmem:s3+$0x800] =	vst v3  }
0x28e: {  	v3 =	vld.idx.msk [tilespmem:v45+s19+$0x0], $0xffff  }
0x28f: {  	[tilespmem:s6+$0x800] =	vst v4  }
0x290: {  	v4 =	vld.idx.msk [tilespmem:v49+s19+$0x0], $0xffff;
	[tilespmem:s7+$0x800] =	vst v5  }
0x291: {  	[tilespmem:s0+$0x880] =	vst v1;
	v5 =	vld.idx.msk [tilespmem:v57+s19+$0x0], $0xffff  }
0x292: {  	v1 =	vld.idx.msk [tilespmem:v29+s19+$0x0], $0xffff;
	[tilespmem:s8+$0x880] =	vst v2  }
0x293: {  	v2 =	vld.idx.msk [tilespmem:v37+s19+$0x0], $0xffff;
	[tilespmem:s3+$0x880] =	vst v3  }
0x294: {  	v3 =	vld.idx.msk [tilespmem:v46+s19+$0x0], $0xffff  }
0x295: {  	[tilespmem:s6+$0x880] =	vst v4  }
0x296: {  	v4 =	vld.idx.msk [tilespmem:v50+s19+$0x0], $0xffff;
	[tilespmem:s7+$0x880] =	vst v5  }
0x297: {  	[tilespmem:s0+$0x900] =	vst v1;
	v5 =	vld.idx.msk [tilespmem:v58+s19+$0x0], $0xffff  }
0x298: {  	v1 =	vld.idx.msk [tilespmem:v28+s19+$0x0], $0xffff;
	[tilespmem:s8+$0x900] =	vst v2  }
0x299: {  	v2 =	vld.idx.msk [tilespmem:v36+s19+$0x0], $0xffff;
	[tilespmem:s3+$0x900] =	vst v3  }
0x29a: {  	v3 =	vld.idx.msk [tilespmem:v44+s19+$0x0], $0xffff  }
0x29b: {  	[tilespmem:s6+$0x900] =	vst v4  }
0x29c: {  	v4 =	vld.idx.msk [tilespmem:v51+s19+$0x0], $0xffff;
	[tilespmem:s7+$0x900] =	vst v5  }
0x29d: {  	[tilespmem:s0+$0x980] =	vst v1;
	v5 =	vld.idx.msk [tilespmem:v59+s19+$0x0], $0xffff  }
0x29e: {  	v1 =	vld.idx.msk [tilespmem:v27+s19+$0x0], $0xffff;
	[tilespmem:s8+$0x980] =	vst v2  }
0x29f: {  	v2 =	vld.idx.msk [tilespmem:v35+s19+$0x0], $0xffff;
	[tilespmem:s3+$0x980] =	vst v3  }
0x2a0: {  	v3 =	vld.idx.msk [tilespmem:v43+s19+$0x0], $0xffff  }
0x2a1: {  	[tilespmem:s6+$0x980] =	vst v4  }
0x2a2: {  	v4 =	vld.idx.msk [tilespmem:v52+s19+$0x0], $0xffff;
	[tilespmem:s7+$0x980] =	vst v5  }
0x2a3: {  	[tilespmem:s0+$0xA00] =	vst v1;
	v5 =	vld.idx.msk [tilespmem:v60+s19+$0x0], $0xffff  }
0x2a4: {  	v1 =	vld.idx.msk [tilespmem:v26+s19+$0x0], $0xffff;
	[tilespmem:s8+$0xA00] =	vst v2  }
0x2a5: {  	v2 =	vld.idx.msk [tilespmem:v34+s19+$0x0], $0xffff;
	[tilespmem:s3+$0xA00] =	vst v3  }
0x2a6: {  	v3 =	vld.idx.msk [tilespmem:v42+s19+$0x0], $0xffff  }
0x2a7: {  	[tilespmem:s6+$0xA00] =	vst v4  }
0x2a8: {  	v4 =	vld.idx.msk [tilespmem:v53+s19+$0x0], $0xffff;
	[tilespmem:s7+$0xA00] =	vst v5  }
0x2a9: {  	[tilespmem:s0+$0xA80] =	vst v1;
	v5 =	vld.idx.msk [tilespmem:v61+s19+$0x0], $0xffff  }
0x2aa: {  	v1 =	vld.idx.msk [tilespmem:v25+s19+$0x0], $0xffff;
	[tilespmem:s8+$0xA80] =	vst v2  }
0x2ab: {  	v2 =	vld.idx.msk [tilespmem:v33+s19+$0x0], $0xffff;
	[tilespmem:s3+$0xA80] =	vst v3  }
0x2ac: {  	[tilespmem:s1+$0xB00] =	vst v0;
	v3 =	vld.idx.msk [tilespmem:v41+s19+$0x0], $0xffff  }
0x2ad: {  	[tilespmem:s6+$0xA80] =	vst v4  }
0x2ae: {  	v4 =	vld.idx.msk [tilespmem:v54+s19+$0x0], $0xffff;
	[tilespmem:s7+$0xA80] =	vst v5  }
0x2af: {  	[tilespmem:s0+$0xB00] =	vst v1;
	v0 =	vld.idx.msk [tilespmem:v62+s19+$0x0], $0xffff  }
0x2b0: {  	v1 =	vld.idx.msk [tilespmem:v24+s19+$0x0], $0xffff;
	[tilespmem:s8+$0xB00] =	vst v2  }
0x2b1: {  	v2 =	vld.idx.msk [tilespmem:v32+s19+$0x0], $0xffff;
	[tilespmem:s3+$0xB00] =	vst v3  }
0x2b2: {  	v3 =	vld.idx.msk [tilespmem:v40+s19+$0x0], $0xffff  }
0x2b3: {  	[tilespmem:s6+$0xB00] =	vst v4;
	v5 =	vld.idx.msk [tilespmem:v16+s19+$0x0], $0xffff  }
0x2b4: {  	v4 =	vld.idx.msk [tilespmem:v55+s19+$0x0], $0xffff;
	[tilespmem:s7+$0xB00] =	vst v0  }
0x2b5: {  	[tilespmem:s0+$0xB80] =	vst v1;
	v0 =	vld.idx.msk [tilespmem:v63+s19+$0x0], $0xffff  }
0x2b6: {  	v1 =	vld.idx.msk [tilespmem:v31+s20+$0x0], $0xffff;
	[tilespmem:s8+$0xB80] =	vst v2  }
0x2b7: {  	v2 =	vld.idx.msk [tilespmem:v39+s20+$0x0], $0xffff;
	[tilespmem:s3+$0xB80] =	vst v3  }
0x2b8: {  	v3 =	vld.idx.msk [tilespmem:v47+s20+$0x0], $0xffff;
	[tilespmem:s1+$0xB80] =	vst v5  }
0x2b9: {  	[tilespmem:s6+$0xB80] =	vst v4;
	v5 =	vld.idx.msk [tilespmem:v23+s20+$0x0], $0xffff  }
0x2ba: {  	v4 =	vld.idx.msk [tilespmem:v48+s20+$0x0], $0xffff;
	[tilespmem:s7+$0xB80] =	vst v0  }
0x2bb: {  	[tilespmem:s0+$0xC00] =	vst v1;
	v0 =	vld.idx.msk [tilespmem:v56+s20+$0x0], $0xffff  }
0x2bc: {  	v1 =	vld.idx.msk [tilespmem:v30+s20+$0x0], $0xffff;
	[tilespmem:s8+$0xC00] =	vst v2  }
0x2bd: {  	v2 =	vld.idx.msk [tilespmem:v38+s20+$0x0], $0xffff;
	[tilespmem:s3+$0xC00] =	vst v3  }
0x2be: {  	v3 =	vld.idx.msk [tilespmem:v45+s20+$0x0], $0xffff;
	[tilespmem:s1+$0xC00] =	vst v5  }
0x2bf: {  	[tilespmem:s6+$0xC00] =	vst v4;
	v5 =	vld.idx.msk [tilespmem:v22+s20+$0x0], $0xffff  }
0x2c0: {  	v4 =	vld.idx.msk [tilespmem:v49+s20+$0x0], $0xffff;
	[tilespmem:s7+$0xC00] =	vst v0  }
0x2c1: {  	[tilespmem:s0+$0xC80] =	vst v1;
	v0 =	vld.idx.msk [tilespmem:v57+s20+$0x0], $0xffff  }
0x2c2: {  	v1 =	vld.idx.msk [tilespmem:v29+s20+$0x0], $0xffff;
	[tilespmem:s8+$0xC80] =	vst v2  }
0x2c3: {  	v2 =	vld.idx.msk [tilespmem:v37+s20+$0x0], $0xffff;
	[tilespmem:s3+$0xC80] =	vst v3  }
0x2c4: {  	v3 =	vld.idx.msk [tilespmem:v46+s20+$0x0], $0xffff;
	[tilespmem:s1+$0xC80] =	vst v5  }
0x2c5: {  	[tilespmem:s6+$0xC80] =	vst v4;
	v5 =	vld.idx.msk [tilespmem:v21+s20+$0x0], $0xffff  }
0x2c6: {  	v4 =	vld.idx.msk [tilespmem:v50+s20+$0x0], $0xffff;
	[tilespmem:s7+$0xC80] =	vst v0  }
0x2c7: {  	[tilespmem:s0+$0xD00] =	vst v1;
	v0 =	vld.idx.msk [tilespmem:v58+s20+$0x0], $0xffff  }
0x2c8: {  	v1 =	vld.idx.msk [tilespmem:v28+s20+$0x0], $0xffff;
	[tilespmem:s8+$0xD00] =	vst v2  }
0x2c9: {  	v2 =	vld.idx.msk [tilespmem:v36+s20+$0x0], $0xffff;
	[tilespmem:s3+$0xD00] =	vst v3  }
0x2ca: {  	v3 =	vld.idx.msk [tilespmem:v44+s20+$0x0], $0xffff;
	[tilespmem:s1+$0xD00] =	vst v5  }
0x2cb: {  	[tilespmem:s6+$0xD00] =	vst v4;
	v5 =	vld.idx.msk [tilespmem:v20+s20+$0x0], $0xffff  }
0x2cc: {  	v4 =	vld.idx.msk [tilespmem:v51+s20+$0x0], $0xffff;
	[tilespmem:s7+$0xD00] =	vst v0  }
0x2cd: {  	[tilespmem:s0+$0xD80] =	vst v1;
	v0 =	vld.idx.msk [tilespmem:v59+s20+$0x0], $0xffff  }
0x2ce: {  	v1 =	vld.idx.msk [tilespmem:v27+s20+$0x0], $0xffff;
	[tilespmem:s8+$0xD80] =	vst v2  }
0x2cf: {  	v2 =	vld.idx.msk [tilespmem:v35+s20+$0x0], $0xffff;
	[tilespmem:s3+$0xD80] =	vst v3  }
0x2d0: {  	v3 =	vld.idx.msk [tilespmem:v43+s20+$0x0], $0xffff;
	[tilespmem:s1+$0xD80] =	vst v5  }
0x2d1: {  	[tilespmem:s6+$0xD80] =	vst v4;
	v5 =	vld.idx.msk [tilespmem:v19+s20+$0x0], $0xffff  }
0x2d2: {  	v4 =	vld.idx.msk [tilespmem:v52+s20+$0x0], $0xffff;
	[tilespmem:s7+$0xD80] =	vst v0  }
0x2d3: {  	[tilespmem:s0+$0xE00] =	vst v1;
	v0 =	vld.idx.msk [tilespmem:v60+s20+$0x0], $0xffff  }
0x2d4: {  	v1 =	vld.idx.msk [tilespmem:v26+s20+$0x0], $0xffff;
	[tilespmem:s8+$0xE00] =	vst v2  }
0x2d5: {  	v2 =	vld.idx.msk [tilespmem:v34+s20+$0x0], $0xffff;
	[tilespmem:s3+$0xE00] =	vst v3  }
0x2d6: {  	v3 =	vld.idx.msk [tilespmem:v42+s20+$0x0], $0xffff;
	[tilespmem:s1+$0xE00] =	vst v5  }
0x2d7: {  	[tilespmem:s6+$0xE00] =	vst v4;
	v5 =	vld.idx.msk [tilespmem:v18+s20+$0x0], $0xffff  }
0x2d8: {  	v4 =	vld.idx.msk [tilespmem:v53+s20+$0x0], $0xffff;
	[tilespmem:s7+$0xE00] =	vst v0  }
0x2d9: {  	[tilespmem:s0+$0xE80] =	vst v1;
	v0 =	vld.idx.msk [tilespmem:v61+s20+$0x0], $0xffff  }
0x2da: {  	v1 =	vld.idx.msk [tilespmem:v25+s20+$0x0], $0xffff;
	[tilespmem:s8+$0xE80] =	vst v2  }
0x2db: {  	v2 =	vld.idx.msk [tilespmem:v33+s20+$0x0], $0xffff;
	[tilespmem:s3+$0xE80] =	vst v3  }
0x2dc: {  	v3 =	vld.idx.msk [tilespmem:v41+s20+$0x0], $0xffff;
	[tilespmem:s1+$0xE80] =	vst v5  }
0x2dd: {  	[tilespmem:s6+$0xE80] =	vst v4;
	v5 =	vld.idx.msk [tilespmem:v17+s20+$0x0], $0xffff  }
0x2de: {  	v4 =	vld.idx.msk [tilespmem:v54+s20+$0x0], $0xffff;
	[tilespmem:s7+$0xE80] =	vst v0  }
0x2df: {  	[tilespmem:s0+$0xF00] =	vst v1;
	v0 =	vld.idx.msk [tilespmem:v62+s20+$0x0], $0xffff  }
0x2e0: {  	v1 =	vld.idx.msk [tilespmem:v24+s20+$0x0], $0xffff;
	[tilespmem:s8+$0xF00] =	vst v2  }
0x2e1: {  	v2 =	vld.idx.msk [tilespmem:v32+s20+$0x0], $0xffff;
	[tilespmem:s3+$0xF00] =	vst v3  }
0x2e2: {  	v3 =	vld.idx.msk [tilespmem:v40+s20+$0x0], $0xffff;
	[tilespmem:s1+$0xF00] =	vst v5  }
0x2e3: {  	[tilespmem:s6+$0xF00] =	vst v4;
	v5 =	vld.idx.msk [tilespmem:v16+s20+$0x0], $0xffff  }
0x2e4: {  	v4 =	vld.idx.msk [tilespmem:v55+s20+$0x0], $0xffff;
	[tilespmem:s7+$0xF00] =	vst v0  }
0x2e5: {  	[tilespmem:s0+$0xF80] =	vst v1;
	v0 =	vld.idx.msk [tilespmem:v63+s20+$0x0], $0xffff  }
0x2e6: {  	s11 =	sadd.s32 s5, s31;
	[tilespmem:s8+$0xF80] =	vst v2  }
0x2e7: {  	s26 =	sshll.u32 s11, $0x7;
	[tilespmem:s3+$0xF80] =	vst v3  }
0x2e8: {  	s0 =	sshll.u32 s11, $0xA;
	[tilespmem:s1+$0xF80] =	vst v5;
	s1 =	sand.u32 $0xF00, s26  }
0x2e9: {  	s0 =	sand.u32 $0xFFF8000, s0;
	[tilespmem:s6+$0xF80] =	vst v4;
	s1 =	sadd.s32 s2, s1  }
0x2ea: {  	p1 =	seq.s32 s30, $0x63;
	s0 =	sadd.s32 s0, s1;
	[tilespmem:s7+$0xF80] =	vst v0  }
0x2eb: {  	[hbm4b:s0+s21] =	stream.strided.scatter [tilespmem:s23], [sflag:$0x3], $0x2000, s22, s21, $0x38;
	[tilespmem:$0x10480] =	vst v63  }
0x2ec: {  	s0 =	sshll.u32 @!p1 s30, $0x8  }
0x2ed: {  	s0 =	sand.u32 @!p1 $0x3FFFFF00, s0  }
0x2ee: {  	s3 =	simm.s32 @!p1 $0x6400;
	s1 =	simm.s32 @!p1 $0x80;
	s0 =	sadd.s32 @!p1 $0x100, s0  }
0x2ef: {  	[tilespmem:s3], [sflag:$0x1] =	stream.indirect.gather @!p1 [hbm4b:s4+s1], $0x40, s0, s1, $0xb8;
	[tilespmem:$0x10480] =	vst v63  }
0x2f0: {  	_ =	swait.ge [sflag:s24], $0x2000  }
0x2f1: {  	[sflag:s24] =	ssyncset.done $0x0  }
0x2f2: {  	s0 =	simm.s32 @!p0 $0x4;
	[sflag:s24] =	ssyncadd.s32 $0xFFFFE000  }
0x2f3: {  	_ =	swait.ge @!p0 [sflag:s0], $0x2000  }
0x2f4: {  	[sflag:s0] =	ssyncset.done @!p0 $0x0  }
0x2f5: {  	s28 =	simm.s32 $0x8500;
	[sflag:s0] =	ssyncadd.s32 @!p0 $0xFFFFE000  }
0x2f6: {  	v0 =	vld [tilespmem:s28+$0xC0]  }
0x2f7: {  	v1 =	vld [tilespmem:s28+$0xFFFFFF40]  }
0x2f8: {  	v2 =	vld [tilespmem:s28+$0xFFFFFF80]  }
0x2f9: {  	v3 =	vld [tilespmem:s28+$0xFFFFFFC0]  }
0x2fa: {  	v4 =	vld [tilespmem:s28+$0x0]  }
0x2fb: {  	v5 =	vld [tilespmem:s28+$0x40];
	v0 =	vmul.f32 $8.000000000e+00, v0  }
0x2fc: {  	s0 =	simm.s32 $0xE504;
	v6 =	vld [tilespmem:s28+$0x80];
	v1 =	vmul.f32 $8.000000000e+00, v1  }
0x2fd: {  	v7 =	vld [tilespmem:s28+$0xFFFFFF00];
	v2 =	vmul.f32 $8.000000000e+00, v2;
	[tilespmem:s0+$0xC3] =	vst v0  }
0x2fe: {  	[tilespmem:s0+$0xFFFFFF3D] =	vst v1;
	v0 =	vmul.f32 $8.000000000e+00, v3;
	v1 =	vld [tilespmem:s28+$0xD0]  }
0x2ff: {  	[tilespmem:s0+$0xFFFFFF7E] =	vst v2;
	v2 =	vmul.f32 $8.000000000e+00, v4;
	v3 =	vld [tilespmem:s28+$0xFFFFFF50]  }
0x300: {  	v4 =	vld [tilespmem:s28+$0xFFFFFF90];
	[tilespmem:s0+$0xFFFFFFBF] =	vst v0;
	v0 =	vmul.f32 $8.000000000e+00, v5  }
0x301: {  	[tilespmem:s0+$0x0] =	vst v2;
	v2 =	vmul.f32 $8.000000000e+00, v6;
	v5 =	vld [tilespmem:s28+$0xFFFFFFD0]  }
0x302: {  	v6 =	vmul.f32 $8.000000000e+00, v7;
	v7 =	vld [tilespmem:s28+$0x10];
	[tilespmem:s0+$0x41] =	vst v0  }
0x303: {  	[tilespmem:s0+$0x82] =	vst v2;
	v0 =	vld [tilespmem:s28+$0x50];
	v1 =	vmul.f32 $8.000000000e+00, v1  }
0x304: {  	[tilespmem:s0+$0xFFFFFEFC] =	vst v6;
	v2 =	vmul.f32 $8.000000000e+00, v3;
	v3 =	vld [tilespmem:s28+$0x90]  }
0x305: {  	v6 =	vld [tilespmem:s28+$0xFFFFFF10];
	v4 =	vmul.f32 $8.000000000e+00, v4;
	[tilespmem:s0+$0xD3] =	vst v1  }
0x306: {  	[tilespmem:s0+$0xFFFFFF4D] =	vst v2;
	v1 =	vmul.f32 $8.000000000e+00, v5;
	v2 =	vld [tilespmem:s28+$0xE0]  }
0x307: {  	[tilespmem:s0+$0xFFFFFF8E] =	vst v4;
	v4 =	vmul.f32 $8.000000000e+00, v7;
	v5 =	vld [tilespmem:s28+$0xFFFFFF60]  }
0x308: {  	v7 =	vld [tilespmem:s28+$0xFFFFFFA0];
	[tilespmem:s0+$0xFFFFFFCF] =	vst v1;
	v0 =	vmul.f32 $8.000000000e+00, v0  }
0x309: {  	[tilespmem:s0+$0x10] =	vst v4;
	v1 =	vld [tilespmem:s28+$0xFFFFFFE0];
	v3 =	vmul.f32 $8.000000000e+00, v3  }
0x30a: {  	v4 =	vmul.f32 $8.000000000e+00, v6;
	v6 =	vld [tilespmem:s28+$0x20];
	[tilespmem:s0+$0x51] =	vst v0  }
0x30b: {  	v0 =	vld [tilespmem:s28+$0x60];
	[tilespmem:s0+$0x92] =	vst v3;
	v2 =	vmul.f32 $8.000000000e+00, v2  }
0x30c: {  	[tilespmem:s0+$0xFFFFFF0C] =	vst v4;
	v3 =	vmul.f32 $8.000000000e+00, v5;
	v4 =	vld [tilespmem:s28+$0xA0]  }
0x30d: {  	v5 =	vld [tilespmem:s28+$0xFFFFFF20];
	v7 =	vmul.f32 $8.000000000e+00, v7;
	[tilespmem:s0+$0xE3] =	vst v2  }
0x30e: {  	[tilespmem:s0+$0xFFFFFF5D] =	vst v3;
	v1 =	vmul.f32 $8.000000000e+00, v1;
	v3 =	vld [tilespmem:s28+$0xF0]  }
0x30f: {  	[tilespmem:s0+$0xFFFFFF9E] =	vst v7;
	v2 =	vmul.f32 $8.000000000e+00, v6;
	v8 =	vld [tilespmem:s28+$0xFFFFFF70]  }
0x310: {  	v6 =	vld [tilespmem:s28+$0xFFFFFFB0];
	[tilespmem:s0+$0xFFFFFFDF] =	vst v1;
	v0 =	vmul.f32 $8.000000000e+00, v0  }
0x311: {  	[tilespmem:s0+$0x20] =	vst v2;
	v1 =	vld [tilespmem:s28+$0xFFFFFFF0];
	v4 =	vmul.f32 $8.000000000e+00, v4  }
0x312: {  	v5 =	vmul.f32 $8.000000000e+00, v5;
	v2 =	vld [tilespmem:s28+$0x30];
	[tilespmem:s0+$0x61] =	vst v0  }
0x313: {  	v0 =	vld [tilespmem:s28+$0x70];
	[tilespmem:s0+$0xA2] =	vst v4;
	v7 =	vmul.f32 $8.000000000e+00, v3  }
0x314: {  	s31 =	sor.u32 $0x1, s31;
	[tilespmem:s0+$0xFFFFFF1C] =	vst v5;
	v3 =	vld [tilespmem:s28+$0xB0];
	v16 =	vmul.f32 $8.000000000e+00, v8  }
0x315: {  	s6 =	simm.s32 $0x8700;
	s3 =	simm.s32 $0x0;
	s1 =	simm.s32 $0xD400;
	v4 =	vld [tilespmem:s28+$0xFFFFFF30];
	v5 =	vmul.f32 $8.000000000e+00, v6;
	[tilespmem:s0+$0xF3] =	vst v7  }
.LBB2_7:
0x316: {  	v6 =	vld [tilespmem:s6+$0xC0];
	s3 =	sadd.s32 $0x8, s3;
	[tilespmem:s0+$0xFFFFFF6D] =	vst v16;
	v1 =	vmul.f32 $8.000000000e+00, v1  }
0x317: {  	v7 =	vld [tilespmem:s6+$0xFFFFFF40];
	p0 =	slt.u32 s3, $0x78;
	[tilespmem:s0+$0xFFFFFFAE] =	vst v5;
	v2 =	vmul.f32 $8.000000000e+00, v2  }
0x318: {  	v5 =	vld [tilespmem:s6+$0xFFFFFF80];
	[tilespmem:s0+$0xFFFFFFEF] =	vst v1;
	v0 =	vmul.f32 $8.000000000e+00, v0  }
0x319: {  	v1 =	vld [tilespmem:s6+$0xFFFFFFC0];
	[tilespmem:s0+$0x30] =	vst v2;
	v2 =	vmul.f32 $8.000000000e+00, v3  }
0x31a: {  	v3 =	vld [tilespmem:s6+$0x0];
	v4 =	vmul.f32 $8.000000000e+00, v4;
	[tilespmem:s0+$0x71] =	vst v0  }
0x31b: {  	v0 =	vld [tilespmem:s6+$0x40];
	v6 =	vmul.f32 $8.000000000e+00, v6;
	[tilespmem:s0+$0xB2] =	vst v2  }
0x31c: {  	v2 =	vmul.f32 $8.000000000e+00, v7;
	v7 =	vld [tilespmem:s6+$0x80];
	[tilespmem:s0+$0xFFFFFF2C] =	vst v4;
	s0 =	sadd.s32 $0x208, s0  }
0x31d: {  	v4 =	vld [tilespmem:s6+$0xFFFFFF00];
	v5 =	vmul.f32 $8.000000000e+00, v5;
	[tilespmem:s0+$0xC3] =	vst v6  }
0x31e: {  	[tilespmem:s0+$0xFFFFFF3D] =	vst v2;
	v1 =	vmul.f32 $8.000000000e+00, v1;
	v2 =	vld [tilespmem:s6+$0xD0]  }
0x31f: {  	v6 =	vld [tilespmem:s6+$0xFFFFFF50];
	[tilespmem:s0+$0xFFFFFF7E] =	vst v5;
	v3 =	vmul.f32 $8.000000000e+00, v3  }
0x320: {  	v5 =	vld [tilespmem:s6+$0xFFFFFF90];
	[tilespmem:s0+$0xFFFFFFBF] =	vst v1;
	v0 =	vmul.f32 $8.000000000e+00, v0  }
0x321: {  	v1 =	vld [tilespmem:s6+$0xFFFFFFD0];
	[tilespmem:s0+$0x0] =	vst v3;
	v3 =	vmul.f32 $8.000000000e+00, v7  }
0x322: {  	v4 =	vmul.f32 $8.000000000e+00, v4;
	v7 =	vld [tilespmem:s6+$0x10];
	[tilespmem:s0+$0x41] =	vst v0  }
0x323: {  	v0 =	vld [tilespmem:s6+$0x50];
	[tilespmem:s0+$0x82] =	vst v3;
	v2 =	vmul.f32 $8.000000000e+00, v2  }
0x324: {  	[tilespmem:s0+$0xFFFFFEFC] =	vst v4;
	v3 =	vmul.f32 $8.000000000e+00, v6;
	v4 =	vld [tilespmem:s6+$0x90]  }
0x325: {  	v6 =	vld [tilespmem:s6+$0xFFFFFF10];
	v5 =	vmul.f32 $8.000000000e+00, v5;
	[tilespmem:s0+$0xD3] =	vst v2  }
0x326: {  	[tilespmem:s0+$0xFFFFFF4D] =	vst v3;
	v1 =	vmul.f32 $8.000000000e+00, v1;
	v2 =	vld [tilespmem:s6+$0xE0]  }
0x327: {  	v3 =	vld [tilespmem:s6+$0xFFFFFF60];
	[tilespmem:s0+$0xFFFFFF8E] =	vst v5;
	v5 =	vmul.f32 $8.000000000e+00, v7  }
0x328: {  	v7 =	vld [tilespmem:s6+$0xFFFFFFA0];
	[tilespmem:s0+$0xFFFFFFCF] =	vst v1;
	v0 =	vmul.f32 $8.000000000e+00, v0  }
0x329: {  	v1 =	vld [tilespmem:s6+$0xFFFFFFE0];
	[tilespmem:s0+$0x10] =	vst v5;
	v4 =	vmul.f32 $8.000000000e+00, v4  }
0x32a: {  	v5 =	vmul.f32 $8.000000000e+00, v6;
	v6 =	vld [tilespmem:s6+$0x20];
	[tilespmem:s0+$0x51] =	vst v0  }
0x32b: {  	v0 =	vld [tilespmem:s6+$0x60];
	[tilespmem:s0+$0x92] =	vst v4;
	v2 =	vmul.f32 $8.000000000e+00, v2  }
0x32c: {  	[tilespmem:s0+$0xFFFFFF0C] =	vst v5;
	v3 =	vmul.f32 $8.000000000e+00, v3;
	v4 =	vld [tilespmem:s6+$0xA0]  }
0x32d: {  	v5 =	vld [tilespmem:s6+$0xFFFFFF20];
	v7 =	vmul.f32 $8.000000000e+00, v7;
	[tilespmem:s0+$0xE3] =	vst v2  }
0x32e: {  	[tilespmem:s0+$0xFFFFFF5D] =	vst v3;
	v1 =	vmul.f32 $8.000000000e+00, v1;
	v3 =	vld [tilespmem:s6+$0xF0]  }
0x32f: {  	v8 =	vld [tilespmem:s6+$0xFFFFFF70];
	[tilespmem:s0+$0xFFFFFF9E] =	vst v7;
	v2 =	vmul.f32 $8.000000000e+00, v6  }
0x330: {  	v6 =	vld [tilespmem:s6+$0xFFFFFFB0];
	[tilespmem:s0+$0xFFFFFFDF] =	vst v1;
	v0 =	vmul.f32 $8.000000000e+00, v0  }
.Ltmp4:
0x331: {  	v1 =	vld [tilespmem:s6+$0xFFFFFFF0];
	[tilespmem:s0+$0x20] =	vst v2;
	v4 =	vmul.f32 $8.000000000e+00, v4;
	(pc) =	sbr.rel @p0 .LBB2_7-.Ltmp4, $4  }
0x332: {  	v5 =	vmul.f32 $8.000000000e+00, v5;
	v2 =	vld [tilespmem:s6+$0x30];
	[tilespmem:s0+$0x61] =	vst v0  }
0x333: {  	v0 =	vld [tilespmem:s6+$0x70];
	[tilespmem:s0+$0xA2] =	vst v4;
	v7 =	vmul.f32 $8.000000000e+00, v3  }
0x334: {  	[tilespmem:s0+$0xFFFFFF1C] =	vst v5;
	v16 =	vmul.f32 $8.000000000e+00, v8;
	v3 =	vld [tilespmem:s6+$0xB0]  }
0x335: {  	s7 =	simm.s32 $0x0;
	v4 =	vld [tilespmem:s6+$0xFFFFFF30];
	v5 =	vmul.f32 $8.000000000e+00, v6;
	[tilespmem:s0+$0xF3] =	vst v7;
	s6 =	sadd.s32 $0x200, s6  }
0x336: {  	[tilespmem:s0+$0xFFFFFF6D] =	vst v16;
	v1 =	vmul.f32 $8.000000000e+00, v1  }
0x337: {  	[tilespmem:s0+$0xFFFFFFAE] =	vst v5  }
0x338: {  	v2 =	vmul.f32 $8.000000000e+00, v2;
	[tilespmem:s0+$0xFFFFFFEF] =	vst v1  }
0x339: {  	v0 =	vmul.f32 $8.000000000e+00, v0;
	v7 =	vld [tilespmem:$0x1FF70]  }
0x33a: {  	[tilespmem:s0+$0x30] =	vst v2;
	v1 =	vmul.f32 $8.000000000e+00, v3  }
0x33b: {  	v2 =	vmul.f32 $8.000000000e+00, v4;
	[tilespmem:s0+$0x71] =	vst v0  }
0x33c: {  	v6 =	vadd.s32 s7, v9;
	[tilespmem:s0+$0xB2] =	vst v1  }
0x33d: {  	v5 =	vand.u32 $0x3FF8, v6;
	[tilespmem:s0+$0xFFFFFF2C] =	vst v2  }
0x33e: {  	v6 =	vld [tilespmem:$0x1FFF0];
	v23 =	vor.u32 v7, v5;
	_ =	sdelay $0x1  }
0x33f: {  	v8 =	vld [tilespmem:$0x1FF80];
	_ =	sdelay $0x2  }
0x340: {  	v0 =	vadd.s32 s7, v6;
	v1 =	vld.idx.msk [tilespmem:v23+s10+$0x0], $0xffff  }
0x341: {  	v0 =	vand.u32 $0x3FF8, v0  }
0x342: {  	v22 =	vor.u32 v8, v0;
	_ =	sdelay $0x2  }
0x343: {  	[tilespmem:s1+$0xFFFFF000] =	vst v1  }
0x344: {  	v58 =	vld [tilespmem:$0x1FF10]  }
0x345: {  	v1 =	vld.idx.msk [tilespmem:v22+s10+$0x0], $0xffff  }
0x346: {  	v59 =	vld [tilespmem:$0x1FF90];
	_ =	sdelay $0x2  }
0x347: {  	v0 =	vadd.s32 s7, v58  }
0x348: {  	[tilespmem:s1+$0xFFFFF080] =	vst v1;
	v0 =	vand.u32 $0x3FF8, v0  }
0x349: {  	v60 =	vld [tilespmem:$0x1FF20];
	v21 =	vor.u32 v59, v0;
	_ =	sdelay $0x1  }
0x34a: {  	v61 =	vld [tilespmem:$0x1FFA0];
	_ =	sdelay $0x2  }
0x34b: {  	v0 =	vadd.s32 s7, v60;
	v1 =	vld.idx.msk [tilespmem:v21+s10+$0x0], $0xffff  }
0x34c: {  	v0 =	vand.u32 $0x3FF8, v0  }
0x34d: {  	v20 =	vor.u32 v61, v0;
	_ =	sdelay $0x2  }
0x34e: {  	[tilespmem:s1+$0xFFFFF100] =	vst v1  }
0x34f: {  	v62 =	vld [tilespmem:$0x1FF30]  }
0x350: {  	v1 =	vld.idx.msk [tilespmem:v20+s10+$0x0], $0xffff  }
0x351: {  	v63 =	vld [tilespmem:$0x1FFB0];
	_ =	sdelay $0x2  }
0x352: {  	v0 =	vadd.s32 s7, v62  }
0x353: {  	[tilespmem:s1+$0xFFFFF180] =	vst v1;
	v0 =	vand.u32 $0x3FF8, v0  }
0x354: {  	v11 =	vld [tilespmem:$0x1FF40];
	v19 =	vor.u32 v63, v0;
	_ =	sdelay $0x1  }
0x355: {  	v12 =	vld [tilespmem:$0x1FFC0];
	_ =	sdelay $0x2  }
0x356: {  	v0 =	vadd.s32 s7, v11;
	v1 =	vld.idx.msk [tilespmem:v19+s10+$0x0], $0xffff  }
0x357: {  	v0 =	vand.u32 $0x3FF8, v0  }
0x358: {  	v18 =	vor.u32 v12, v0;
	_ =	sdelay $0x2  }
0x359: {  	[tilespmem:s1+$0xFFFFF200] =	vst v1  }
0x35a: {  	v15 =	vld [tilespmem:$0x1FF50]  }
0x35b: {  	v1 =	vld.idx.msk [tilespmem:v18+s10+$0x0], $0xffff;
	_ =	sdelay $0x1  }
0x35c: {  	v13 =	vld [tilespmem:$0x1FFD0];
	_ =	sdelay $0x2  }
0x35d: {  	v0 =	vadd.s32 s7, v15;
	[tilespmem:s1+$0xFFFFF280] =	vst v1  }
0x35e: {  	v0 =	vand.u32 $0x3FF8, v0;
	v14 =	vld [tilespmem:$0x1FF60]  }
0x35f: {  	v17 =	vor.u32 v13, v0  }
0x360: {  	v4 =	vld [tilespmem:$0x1FFE0];
	_ =	sdelay $0x2  }
0x361: {  	v0 =	vadd.s32 s7, v14  }
0x362: {  	v1 =	vld.idx.msk [tilespmem:v17+s10+$0x0], $0xffff;
	v0 =	vand.u32 $0x3FF8, v0  }
0x363: {  	v16 =	vor.u32 v4, v0  }
0x364: {  	s3 =	simm.s32 $0x410  }
0x365: {  	v0 =	vadd.s32 s3, v9  }
0x366: {  	v0 =	vand.u32 $0x3FF8, v0  }
0x367: {  	v31 =	vor.u32 v7, v0;
	[tilespmem:s1+$0xFFFFF300] =	vst v1  }
0x368: {  	v0 =	vld.idx.msk [tilespmem:v16+s10+$0x0], $0xffff;
	_ =	sdelay $0x2  }
0x369: {  	v1 =	vadd.s32 s3, v6  }
0x36a: {  	v1 =	vand.u32 $0x3FF8, v1;
	v2 =	vld.idx.msk [tilespmem:v31+s10+$0x0], $0xffff  }
0x36b: {  	v30 =	vor.u32 v8, v1;
	[tilespmem:s1+$0xFFFFF380] =	vst v0  }
0x36c: {  	v0 =	vld.idx.msk [tilespmem:v23+s14+$0x0], $0xffff;
	_ =	sdelay $0x1  }
0x36d: {  	s0 =	simm.s32 $0xD410  }
0x36e: {  	v1 =	vadd.s32 s3, v58;
	[tilespmem:s0+$0xFFFFF000] =	vst v2  }
0x36f: {  	v1 =	vand.u32 $0x3FF8, v1;
	v2 =	vld.idx.msk [tilespmem:v30+s10+$0x0], $0xffff  }
0x370: {  	v29 =	vor.u32 v59, v1;
	[tilespmem:s1+$0xFFFFF400] =	vst v0  }
0x371: {  	v0 =	vld.idx.msk [tilespmem:v22+s14+$0x0], $0xffff;
	_ =	sdelay $0x2  }
0x372: {  	v1 =	vadd.s32 s3, v60;
	[tilespmem:s0+$0xFFFFF080] =	vst v2  }
0x373: {  	v1 =	vand.u32 $0x3FF8, v1;
	v2 =	vld.idx.msk [tilespmem:v29+s10+$0x0], $0xffff  }
0x374: {  	v28 =	vor.u32 v61, v1;
	[tilespmem:s1+$0xFFFFF480] =	vst v0  }
0x375: {  	v0 =	vld.idx.msk [tilespmem:v21+s14+$0x0], $0xffff;
	_ =	sdelay $0x2  }
0x376: {  	v1 =	vadd.s32 s3, v62;
	[tilespmem:s0+$0xFFFFF100] =	vst v2  }
0x377: {  	v1 =	vand.u32 $0x3FF8, v1;
	v2 =	vld.idx.msk [tilespmem:v28+s10+$0x0], $0xffff  }
0x378: {  	v27 =	vor.u32 v63, v1;
	[tilespmem:s1+$0xFFFFF500] =	vst v0  }
0x379: {  	v0 =	vld.idx.msk [tilespmem:v20+s14+$0x0], $0xffff;
	_ =	sdelay $0x2  }
0x37a: {  	v1 =	vadd.s32 s3, v11;
	[tilespmem:s0+$0xFFFFF180] =	vst v2  }
0x37b: {  	v1 =	vand.u32 $0x3FF8, v1;
	v2 =	vld.idx.msk [tilespmem:v27+s10+$0x0], $0xffff  }
0x37c: {  	v26 =	vor.u32 v12, v1;
	[tilespmem:s1+$0xFFFFF580] =	vst v0  }
0x37d: {  	v0 =	vld.idx.msk [tilespmem:v19+s14+$0x0], $0xffff;
	_ =	sdelay $0x2  }
0x37e: {  	v1 =	vadd.s32 s3, v15;
	[tilespmem:s0+$0xFFFFF200] =	vst v2  }
0x37f: {  	v1 =	vand.u32 $0x3FF8, v1;
	v2 =	vld.idx.msk [tilespmem:v26+s10+$0x0], $0xffff  }
0x380: {  	v25 =	vor.u32 v13, v1;
	[tilespmem:s1+$0xFFFFF600] =	vst v0  }
0x381: {  	v0 =	vld.idx.msk [tilespmem:v18+s14+$0x0], $0xffff;
	_ =	sdelay $0x2  }
0x382: {  	v1 =	vadd.s32 s3, v14;
	[tilespmem:s0+$0xFFFFF280] =	vst v2  }
0x383: {  	v1 =	vand.u32 $0x3FF8, v1;
	v2 =	vld.idx.msk [tilespmem:v25+s10+$0x0], $0xffff  }
0x384: {  	v24 =	vor.u32 v4, v1;
	[tilespmem:s1+$0xFFFFF680] =	vst v0  }
0x385: {  	v0 =	vld.idx.msk [tilespmem:v17+s14+$0x0], $0xffff;
	_ =	sdelay $0x2  }
0x386: {  	[tilespmem:s0+$0xFFFFF300] =	vst v2  }
0x387: {  	v1 =	vld.idx.msk [tilespmem:v24+s10+$0x0], $0xffff  }
0x388: {  	[tilespmem:s1+$0xFFFFF700] =	vst v0  }
0x389: {  	v0 =	vld.idx.msk [tilespmem:v16+s14+$0x0], $0xffff;
	_ =	sdelay $0x2  }
0x38a: {  	[tilespmem:s0+$0xFFFFF380] =	vst v1  }
0x38b: {  	v1 =	vld.idx.msk [tilespmem:v31+s14+$0x0], $0xffff  }
0x38c: {  	s26 =	simm.s32 $0x820;
	[tilespmem:s1+$0xFFFFF780] =	vst v0  }
0x38d: {  	v2 =	vadd.s32 s26, v9;
	v0 =	vld.idx.msk [tilespmem:v23+s15+$0x0], $0xffff  }
0x38e: {  	v2 =	vand.u32 $0x3FF8, v2  }
0x38f: {  	v39 =	vor.u32 v7, v2  }
0x390: {  	[tilespmem:s0+$0xFFFFF400] =	vst v1  }
0x391: {  	v1 =	vld.idx.msk [tilespmem:v30+s14+$0x0], $0xffff  }
0x392: {  	[tilespmem:s1+$0xFFFFF800] =	vst v0  }
0x393: {  	v2 =	vadd.s32 s26, v6;
	v0 =	vld.idx.msk [tilespmem:v22+s15+$0x0], $0xffff  }
0x394: {  	v2 =	vand.u32 $0x3FF8, v2;
	v3 =	vld.idx.msk [tilespmem:v39+s10+$0x0], $0xffff  }
0x395: {  	v38 =	vor.u32 v8, v2  }
0x396: {  	[tilespmem:s0+$0xFFFFF480] =	vst v1  }
0x397: {  	v1 =	vld.idx.msk [tilespmem:v29+s14+$0x0], $0xffff  }
0x398: {  	s8 =	simm.s32 $0xD420;
	[tilespmem:s1+$0xFFFFF880] =	vst v0  }
0x399: {  	v2 =	vadd.s32 s26, v58;
	[tilespmem:s8+$0xFFFFF000] =	vst v3;
	v0 =	vld.idx.msk [tilespmem:v21+s15+$0x0], $0xffff  }
0x39a: {  	v2 =	vand.u32 $0x3FF8, v2;
	v3 =	vld.idx.msk [tilespmem:v38+s10+$0x0], $0xffff  }
0x39b: {  	v37 =	vor.u32 v59, v2  }
0x39c: {  	[tilespmem:s0+$0xFFFFF500] =	vst v1  }
0x39d: {  	v1 =	vld.idx.msk [tilespmem:v28+s14+$0x0], $0xffff  }
0x39e: {  	[tilespmem:s1+$0xFFFFF900] =	vst v0  }
0x39f: {  	v2 =	vadd.s32 s26, v60;
	[tilespmem:s8+$0xFFFFF080] =	vst v3;
	v0 =	vld.idx.msk [tilespmem:v20+s15+$0x0], $0xffff  }
0x3a0: {  	v2 =	vand.u32 $0x3FF8, v2;
	v3 =	vld.idx.msk [tilespmem:v37+s10+$0x0], $0xffff  }
0x3a1: {  	v36 =	vor.u32 v61, v2  }
0x3a2: {  	[tilespmem:s0+$0xFFFFF580] =	vst v1  }
0x3a3: {  	v1 =	vld.idx.msk [tilespmem:v27+s14+$0x0], $0xffff  }
0x3a4: {  	[tilespmem:s1+$0xFFFFF980] =	vst v0  }
0x3a5: {  	v2 =	vadd.s32 s26, v62;
	[tilespmem:s8+$0xFFFFF100] =	vst v3;
	v0 =	vld.idx.msk [tilespmem:v19+s15+$0x0], $0xffff  }
0x3a6: {  	v2 =	vand.u32 $0x3FF8, v2;
	v3 =	vld.idx.msk [tilespmem:v36+s10+$0x0], $0xffff  }
0x3a7: {  	v35 =	vor.u32 v63, v2  }
0x3a8: {  	[tilespmem:s0+$0xFFFFF600] =	vst v1  }
0x3a9: {  	v1 =	vld.idx.msk [tilespmem:v26+s14+$0x0], $0xffff  }
0x3aa: {  	[tilespmem:s1+$0xFFFFFA00] =	vst v0  }
0x3ab: {  	v2 =	vadd.s32 s26, v11;
	[tilespmem:s8+$0xFFFFF180] =	vst v3;
	v0 =	vld.idx.msk [tilespmem:v18+s15+$0x0], $0xffff  }
0x3ac: {  	v2 =	vand.u32 $0x3FF8, v2;
	v3 =	vld.idx.msk [tilespmem:v35+s10+$0x0], $0xffff  }
0x3ad: {  	v34 =	vor.u32 v12, v2  }
0x3ae: {  	[tilespmem:s0+$0xFFFFF680] =	vst v1  }
0x3af: {  	v1 =	vld.idx.msk [tilespmem:v25+s14+$0x0], $0xffff  }
0x3b0: {  	[tilespmem:s1+$0xFFFFFA80] =	vst v0  }
0x3b1: {  	v2 =	vadd.s32 s26, v15;
	[tilespmem:s8+$0xFFFFF200] =	vst v3;
	v0 =	vld.idx.msk [tilespmem:v17+s15+$0x0], $0xffff  }
0x3b2: {  	v2 =	vand.u32 $0x3FF8, v2;
	v3 =	vld.idx.msk [tilespmem:v34+s10+$0x0], $0xffff  }
0x3b3: {  	v33 =	vor.u32 v13, v2  }
0x3b4: {  	[tilespmem:s0+$0xFFFFF700] =	vst v1  }
0x3b5: {  	v1 =	vld.idx.msk [tilespmem:v24+s14+$0x0], $0xffff  }
0x3b6: {  	[tilespmem:s1+$0xFFFFFB00] =	vst v0  }
0x3b7: {  	v2 =	vadd.s32 s26, v14;
	[tilespmem:s8+$0xFFFFF280] =	vst v3;
	v0 =	vld.idx.msk [tilespmem:v16+s15+$0x0], $0xffff  }
0x3b8: {  	v2 =	vand.u32 $0x3FF8, v2;
	v3 =	vld.idx.msk [tilespmem:v33+s10+$0x0], $0xffff  }
0x3b9: {  	v32 =	vor.u32 v4, v2  }
0x3ba: {  	[tilespmem:s0+$0xFFFFF780] =	vst v1  }
0x3bb: {  	v1 =	vld.idx.msk [tilespmem:v31+s15+$0x0], $0xffff  }
0x3bc: {  	[tilespmem:s1+$0xFFFFFB80] =	vst v0  }
0x3bd: {  	[tilespmem:s8+$0xFFFFF300] =	vst v3;
	v0 =	vld.idx.msk [tilespmem:v23+s16+$0x0], $0xffff  }
0x3be: {  	s6 =	simm.s32 $0xC30;
	v2 =	vld.idx.msk [tilespmem:v32+s10+$0x0], $0xffff  }
0x3bf: {  	v3 =	vadd.s32 s6, v9  }
0x3c0: {  	v3 =	vand.u32 $0x3FF8, v3;
	[tilespmem:s0+$0xFFFFF800] =	vst v1  }
0x3c1: {  	v47 =	vor.u32 v7, v3;
	v1 =	vld.idx.msk [tilespmem:v30+s15+$0x0], $0xffff  }
0x3c2: {  	[tilespmem:s1+$0xFFFFFC00] =	vst v0  }
0x3c3: {  	[tilespmem:s8+$0xFFFFF380] =	vst v2;
	v0 =	vld.idx.msk [tilespmem:v22+s16+$0x0], $0xffff  }
0x3c4: {  	v2 =	vld.idx.msk [tilespmem:v39+s14+$0x0], $0xffff  }
0x3c5: {  	v3 =	vadd.s32 s6, v6  }
0x3c6: {  	v5 =	vmov v4;
	v3 =	vand.u32 $0x3FF8, v3;
	v4 =	vld.idx.msk [tilespmem:v47+s10+$0x0], $0xffff;
	[tilespmem:s0+$0xFFFFF880] =	vst v1  }
0x3c7: {  	v45 =	vor.u32 v8, v3;
	v1 =	vld.idx.msk [tilespmem:v29+s15+$0x0], $0xffff  }
0x3c8: {  	[tilespmem:s1+$0xFFFFFC80] =	vst v0  }
0x3c9: {  	[tilespmem:s8+$0xFFFFF400] =	vst v2;
	v0 =	vld.idx.msk [tilespmem:v21+s16+$0x0], $0xffff  }
0x3ca: {  	s3 =	simm.s32 $0xD430;
	v2 =	vld.idx.msk [tilespmem:v38+s14+$0x0], $0xffff  }
0x3cb: {  	v3 =	vadd.s32 s6, v58;
	[tilespmem:s3+$0xFFFFF000] =	vst v4  }
0x3cc: {  	v3 =	vand.u32 $0x3FF8, v3;
	v4 =	vld.idx.msk [tilespmem:v45+s10+$0x0], $0xffff;
	[tilespmem:s0+$0xFFFFF900] =	vst v1  }
0x3cd: {  	v46 =	vor.u32 v59, v3;
	v1 =	vld.idx.msk [tilespmem:v28+s15+$0x0], $0xffff  }
0x3ce: {  	[tilespmem:s1+$0xFFFFFD00] =	vst v0  }
0x3cf: {  	[tilespmem:s8+$0xFFFFF480] =	vst v2;
	v0 =	vld.idx.msk [tilespmem:v20+s16+$0x0], $0xffff  }
0x3d0: {  	v2 =	vld.idx.msk [tilespmem:v37+s14+$0x0], $0xffff  }
0x3d1: {  	v3 =	vadd.s32 s6, v60;
	[tilespmem:s3+$0xFFFFF080] =	vst v4  }
0x3d2: {  	v3 =	vand.u32 $0x3FF8, v3;
	v4 =	vld.idx.msk [tilespmem:v46+s10+$0x0], $0xffff;
	[tilespmem:s0+$0xFFFFF980] =	vst v1  }
0x3d3: {  	v44 =	vor.u32 v61, v3;
	v1 =	vld.idx.msk [tilespmem:v27+s15+$0x0], $0xffff  }
0x3d4: {  	[tilespmem:s1+$0xFFFFFD80] =	vst v0  }
0x3d5: {  	[tilespmem:s8+$0xFFFFF500] =	vst v2;
	v0 =	vld.idx.msk [tilespmem:v19+s16+$0x0], $0xffff  }
0x3d6: {  	v2 =	vld.idx.msk [tilespmem:v36+s14+$0x0], $0xffff  }
0x3d7: {  	v3 =	vadd.s32 s6, v62;
	[tilespmem:s3+$0xFFFFF100] =	vst v4  }
0x3d8: {  	v3 =	vand.u32 $0x3FF8, v3;
	v4 =	vld.idx.msk [tilespmem:v44+s10+$0x0], $0xffff;
	[tilespmem:s0+$0xFFFFFA00] =	vst v1  }
0x3d9: {  	v43 =	vor.u32 v63, v3;
	v1 =	vld.idx.msk [tilespmem:v26+s15+$0x0], $0xffff  }
0x3da: {  	[tilespmem:s1+$0xFFFFFE00] =	vst v0  }
0x3db: {  	[tilespmem:s8+$0xFFFFF580] =	vst v2;
	v0 =	vld.idx.msk [tilespmem:v18+s16+$0x0], $0xffff  }
0x3dc: {  	v2 =	vld.idx.msk [tilespmem:v35+s14+$0x0], $0xffff  }
0x3dd: {  	v3 =	vadd.s32 s6, v11;
	[tilespmem:s3+$0xFFFFF180] =	vst v4  }
0x3de: {  	v3 =	vand.u32 $0x3FF8, v3;
	v4 =	vld.idx.msk [tilespmem:v43+s10+$0x0], $0xffff;
	[tilespmem:s0+$0xFFFFFA80] =	vst v1  }
0x3df: {  	v42 =	vor.u32 v12, v3;
	v1 =	vld.idx.msk [tilespmem:v25+s15+$0x0], $0xffff  }
0x3e0: {  	[tilespmem:s1+$0xFFFFFE80] =	vst v0  }
0x3e1: {  	[tilespmem:s8+$0xFFFFF600] =	vst v2;
	v0 =	vld.idx.msk [tilespmem:v17+s16+$0x0], $0xffff  }
0x3e2: {  	v2 =	vld.idx.msk [tilespmem:v34+s14+$0x0], $0xffff  }
0x3e3: {  	v3 =	vadd.s32 s6, v15;
	[tilespmem:s3+$0xFFFFF200] =	vst v4  }
0x3e4: {  	v3 =	vand.u32 $0x3FF8, v3;
	v4 =	vld.idx.msk [tilespmem:v42+s10+$0x0], $0xffff;
	[tilespmem:s0+$0xFFFFFB00] =	vst v1  }
0x3e5: {  	v41 =	vor.u32 v13, v3;
	v1 =	vld.idx.msk [tilespmem:v24+s15+$0x0], $0xffff  }
0x3e6: {  	[tilespmem:s1+$0xFFFFFF00] =	vst v0  }
0x3e7: {  	[tilespmem:s8+$0xFFFFF680] =	vst v2;
	v0 =	vld.idx.msk [tilespmem:v16+s16+$0x0], $0xffff  }
0x3e8: {  	v2 =	vld.idx.msk [tilespmem:v33+s14+$0x0], $0xffff  }
0x3e9: {  	v3 =	vadd.s32 s6, v14;
	[tilespmem:s3+$0xFFFFF280] =	vst v4  }
0x3ea: {  	v3 =	vand.u32 $0x3FF8, v3;
	v4 =	vld.idx.msk [tilespmem:v41+s10+$0x0], $0xffff;
	[tilespmem:s0+$0xFFFFFB80] =	vst v1  }
0x3eb: {  	v40 =	vor.u32 v5, v3;
	v1 =	vld.idx.msk [tilespmem:v31+s16+$0x0], $0xffff  }
0x3ec: {  	[tilespmem:s1+$0xFFFFFF80] =	vst v0  }
0x3ed: {  	[tilespmem:s8+$0xFFFFF700] =	vst v2;
	v0 =	vld.idx.msk [tilespmem:v23+s17+$0x0], $0xffff  }
0x3ee: {  	v2 =	vld.idx.msk [tilespmem:v32+s14+$0x0], $0xffff  }
0x3ef: {  	[tilespmem:s3+$0xFFFFF300] =	vst v4  }
0x3f0: {  	v3 =	vld.idx.msk [tilespmem:v40+s10+$0x0], $0xffff;
	[tilespmem:s0+$0xFFFFFC00] =	vst v1  }
0x3f1: {  	v1 =	vld.idx.msk [tilespmem:v30+s16+$0x0], $0xffff  }
0x3f2: {  	[tilespmem:s1+$0x0] =	vst v0  }
0x3f3: {  	[tilespmem:s8+$0xFFFFF780] =	vst v2;
	v0 =	vld.idx.msk [tilespmem:v22+s17+$0x0], $0xffff  }
0x3f4: {  	v2 =	vld.idx.msk [tilespmem:v39+s15+$0x0], $0xffff  }
0x3f5: {  	[tilespmem:s3+$0xFFFFF380] =	vst v3  }
0x3f6: {  	v3 =	vld.idx.msk [tilespmem:v47+s14+$0x0], $0xffff;
	[tilespmem:s0+$0xFFFFFC80] =	vst v1  }
0x3f7: {  	v1 =	vld.idx.msk [tilespmem:v29+s16+$0x0], $0xffff  }
0x3f8: {  	[tilespmem:s1+$0x80] =	vst v0  }
0x3f9: {  	[tilespmem:s8+$0xFFFFF800] =	vst v2;
	v0 =	vld.idx.msk [tilespmem:v21+s17+$0x0], $0xffff  }
0x3fa: {  	v2 =	vld.idx.msk [tilespmem:v38+s15+$0x0], $0xffff  }
0x3fb: {  	[tilespmem:s3+$0xFFFFF400] =	vst v3  }
0x3fc: {  	v3 =	vld.idx.msk [tilespmem:v45+s14+$0x0], $0xffff;
	[tilespmem:s0+$0xFFFFFD00] =	vst v1  }
0x3fd: {  	v1 =	vld.idx.msk [tilespmem:v28+s16+$0x0], $0xffff  }
0x3fe: {  	[tilespmem:s1+$0x100] =	vst v0  }
0x3ff: {  	s28 =	simm.s32 $0x1040;
	[tilespmem:s8+$0xFFFFF880] =	vst v2;
	v0 =	vld.idx.msk [tilespmem:v20+s17+$0x0], $0xffff  }
0x400: {  	v4 =	vadd.s32 s28, v9;
	v2 =	vld.idx.msk [tilespmem:v37+s15+$0x0], $0xffff  }
0x401: {  	v4 =	vand.u32 $0x3FF8, v4;
	[tilespmem:s3+$0xFFFFF480] =	vst v3  }
0x402: {  	v48 =	vor.u32 v7, v4;
	v3 =	vld.idx.msk [tilespmem:v46+s14+$0x0], $0xffff;
	[tilespmem:s0+$0xFFFFFD80] =	vst v1  }
0x403: {  	v1 =	vld.idx.msk [tilespmem:v27+s16+$0x0], $0xffff  }
0x404: {  	[tilespmem:s1+$0x180] =	vst v0  }
0x405: {  	[tilespmem:s8+$0xFFFFF900] =	vst v2;
	v0 =	vld.idx.msk [tilespmem:v19+s17+$0x0], $0xffff  }
0x406: {  	v4 =	vadd.s32 s28, v6;
	v2 =	vld.idx.msk [tilespmem:v36+s15+$0x0], $0xffff  }
0x407: {  	v55 =	vmov v5;
	v4 =	vand.u32 $0x3FF8, v4;
	v5 =	vld.idx.msk [tilespmem:v48+s10+$0x0], $0xffff;
	[tilespmem:s3+$0xFFFFF500] =	vst v3  }
0x408: {  	v49 =	vor.u32 v8, v4;
	v3 =	vld.idx.msk [tilespmem:v44+s14+$0x0], $0xffff;
	[tilespmem:s0+$0xFFFFFE00] =	vst v1  }
0x409: {  	v1 =	vld.idx.msk [tilespmem:v26+s16+$0x0], $0xffff  }
0x40a: {  	[tilespmem:s1+$0x200] =	vst v0  }
0x40b: {  	s6 =	simm.s32 $0xD440;
	[tilespmem:s8+$0xFFFFF980] =	vst v2;
	v0 =	vld.idx.msk [tilespmem:v18+s17+$0x0], $0xffff  }
0x40c: {  	v4 =	vadd.s32 s28, v58;
	[tilespmem:s6+$0xFFFFF000] =	vst v5;
	v2 =	vld.idx.msk [tilespmem:v35+s15+$0x0], $0xffff  }
0x40d: {  	v4 =	vand.u32 $0x3FF8, v4;
	v5 =	vld.idx.msk [tilespmem:v49+s10+$0x0], $0xffff;
	[tilespmem:s3+$0xFFFFF580] =	vst v3  }
0x40e: {  	v50 =	vor.u32 v59, v4;
	v3 =	vld.idx.msk [tilespmem:v43+s14+$0x0], $0xffff;
	[tilespmem:s0+$0xFFFFFE80] =	vst v1  }
0x40f: {  	v1 =	vld.idx.msk [tilespmem:v25+s16+$0x0], $0xffff  }
0x410: {  	[tilespmem:s1+$0x280] =	vst v0  }
0x411: {  	[tilespmem:s8+$0xFFFFFA00] =	vst v2;
	v0 =	vld.idx.msk [tilespmem:v17+s17+$0x0], $0xffff  }
0x412: {  	v4 =	vadd.s32 s28, v60;
	[tilespmem:s6+$0xFFFFF080] =	vst v5;
	v2 =	vld.idx.msk [tilespmem:v34+s15+$0x0], $0xffff  }
0x413: {  	v4 =	vand.u32 $0x3FF8, v4;
	v5 =	vld.idx.msk [tilespmem:v50+s10+$0x0], $0xffff;
	[tilespmem:s3+$0xFFFFF600] =	vst v3  }
0x414: {  	v51 =	vor.u32 v61, v4;
	v3 =	vld.idx.msk [tilespmem:v42+s14+$0x0], $0xffff;
	[tilespmem:s0+$0xFFFFFF00] =	vst v1  }
0x415: {  	v1 =	vld.idx.msk [tilespmem:v24+s16+$0x0], $0xffff  }
0x416: {  	[tilespmem:s1+$0x300] =	vst v0  }
0x417: {  	[tilespmem:s8+$0xFFFFFA80] =	vst v2;
	v0 =	vld.idx.msk [tilespmem:v16+s17+$0x0], $0xffff  }
0x418: {  	v4 =	vadd.s32 s28, v62;
	[tilespmem:s6+$0xFFFFF100] =	vst v5;
	v2 =	vld.idx.msk [tilespmem:v33+s15+$0x0], $0xffff  }
0x419: {  	v4 =	vand.u32 $0x3FF8, v4;
	v5 =	vld.idx.msk [tilespmem:v51+s10+$0x0], $0xffff;
	[tilespmem:s3+$0xFFFFF680] =	vst v3  }
0x41a: {  	v52 =	vor.u32 v63, v4;
	v3 =	vld.idx.msk [tilespmem:v41+s14+$0x0], $0xffff;
	[tilespmem:s0+$0xFFFFFF80] =	vst v1  }
0x41b: {  	v1 =	vld.idx.msk [tilespmem:v31+s17+$0x0], $0xffff  }
0x41c: {  	[tilespmem:s1+$0x380] =	vst v0  }
0x41d: {  	[tilespmem:s8+$0xFFFFFB00] =	vst v2;
	v0 =	vld.idx.msk [tilespmem:v23+s18+$0x0], $0xffff  }
0x41e: {  	v4 =	vadd.s32 s28, v11;
	[tilespmem:s6+$0xFFFFF180] =	vst v5;
	v2 =	vld.idx.msk [tilespmem:v32+s15+$0x0], $0xffff  }
0x41f: {  	v4 =	vand.u32 $0x3FF8, v4;
	v5 =	vld.idx.msk [tilespmem:v52+s10+$0x0], $0xffff;
	[tilespmem:s3+$0xFFFFF700] =	vst v3  }
0x420: {  	v53 =	vor.u32 v12, v4;
	v3 =	vld.idx.msk [tilespmem:v40+s14+$0x0], $0xffff;
	[tilespmem:s0+$0x0] =	vst v1  }
0x421: {  	v1 =	vld.idx.msk [tilespmem:v30+s17+$0x0], $0xffff  }
0x422: {  	[tilespmem:s1+$0x400] =	vst v0  }
0x423: {  	[tilespmem:s8+$0xFFFFFB80] =	vst v2;
	v0 =	vld.idx.msk [tilespmem:v22+s18+$0x0], $0xffff  }
0x424: {  	v4 =	vadd.s32 s28, v15;
	[tilespmem:s6+$0xFFFFF200] =	vst v5;
	v2 =	vld.idx.msk [tilespmem:v39+s16+$0x0], $0xffff  }
0x425: {  	v4 =	vand.u32 $0x3FF8, v4;
	v5 =	vld.idx.msk [tilespmem:v53+s10+$0x0], $0xffff;
	[tilespmem:s3+$0xFFFFF780] =	vst v3  }
0x426: {  	v54 =	vor.u32 v13, v4;
	v3 =	vld.idx.msk [tilespmem:v47+s15+$0x0], $0xffff;
	[tilespmem:s0+$0x80] =	vst v1  }
0x427: {  	v1 =	vld.idx.msk [tilespmem:v29+s17+$0x0], $0xffff  }
0x428: {  	[tilespmem:s1+$0x480] =	vst v0  }
0x429: {  	[tilespmem:s8+$0xFFFFFC00] =	vst v2;
	v0 =	vld.idx.msk [tilespmem:v21+s18+$0x0], $0xffff  }
0x42a: {  	v4 =	vadd.s32 s28, v14;
	[tilespmem:s6+$0xFFFFF280] =	vst v5;
	v2 =	vld.idx.msk [tilespmem:v38+s16+$0x0], $0xffff  }
0x42b: {  	v4 =	vand.u32 $0x3FF8, v4;
	v5 =	vld.idx.msk [tilespmem:v54+s10+$0x0], $0xffff;
	[tilespmem:s3+$0xFFFFF800] =	vst v3  }
0x42c: {  	v55 =	vor.u32 v55, v4;
	v3 =	vld.idx.msk [tilespmem:v45+s15+$0x0], $0xffff;
	[tilespmem:s0+$0x100] =	vst v1  }
0x42d: {  	v1 =	vld.idx.msk [tilespmem:v28+s17+$0x0], $0xffff  }
0x42e: {  	[tilespmem:s1+$0x500] =	vst v0  }
0x42f: {  	[tilespmem:s8+$0xFFFFFC80] =	vst v2;
	v0 =	vld.idx.msk [tilespmem:v20+s18+$0x0], $0xffff  }
0x430: {  	[tilespmem:s6+$0xFFFFF300] =	vst v5;
	v2 =	vld.idx.msk [tilespmem:v37+s16+$0x0], $0xffff  }
0x431: {  	v4 =	vld.idx.msk [tilespmem:v55+s10+$0x0], $0xffff;
	[tilespmem:s3+$0xFFFFF880] =	vst v3  }
0x432: {  	v3 =	vld.idx.msk [tilespmem:v46+s15+$0x0], $0xffff;
	[tilespmem:s0+$0x180] =	vst v1  }
0x433: {  	v1 =	vld.idx.msk [tilespmem:v27+s17+$0x0], $0xffff  }
0x434: {  	[tilespmem:s1+$0x580] =	vst v0  }
0x435: {  	[tilespmem:s8+$0xFFFFFD00] =	vst v2;
	v0 =	vld.idx.msk [tilespmem:v19+s18+$0x0], $0xffff  }
0x436: {  	[tilespmem:s6+$0xFFFFF380] =	vst v4;
	v2 =	vld.idx.msk [tilespmem:v36+s16+$0x0], $0xffff  }
0x437: {  	v4 =	vld.idx.msk [tilespmem:v48+s14+$0x0], $0xffff;
	[tilespmem:s3+$0xFFFFF900] =	vst v3  }
0x438: {  	s11 =	simm.s32 $0x1450;
	v3 =	vld.idx.msk [tilespmem:v44+s15+$0x0], $0xffff;
	[tilespmem:s0+$0x200] =	vst v1  }
0x439: {  	v5 =	vadd.s32 s11, v9;
	v1 =	vld.idx.msk [tilespmem:v26+s17+$0x0], $0xffff  }
0x43a: {  	[tilespmem:s1+$0x600] =	vst v0;
	v0 =	vand.u32 $0x3FF8, v5  }
0x43b: {  	[tilespmem:s8+$0xFFFFFD80] =	vst v2;
	v5 =	vld.idx.msk [tilespmem:v18+s18+$0x0], $0xffff;
	v56 =	vor.u32 v7, v0  }
0x43c: {  	[tilespmem:s6+$0xFFFFF400] =	vst v4;
	v0 =	vld.idx.msk [tilespmem:v35+s16+$0x0], $0xffff  }
0x43d: {  	v2 =	vld.idx.msk [tilespmem:v49+s14+$0x0], $0xffff;
	[tilespmem:s3+$0xFFFFF980] =	vst v3  }
0x43e: {  	v3 =	vld.idx.msk [tilespmem:v43+s15+$0x0], $0xffff;
	[tilespmem:s0+$0x280] =	vst v1  }
0x43f: {  	v4 =	vadd.s32 s11, v6;
	v1 =	vld.idx.msk [tilespmem:v25+s17+$0x0], $0xffff  }
0x440: {  	v4 =	vand.u32 $0x3FF8, v4;
	[tilespmem:s1+$0x680] =	vst v5;
	v5 =	vld.idx.msk [tilespmem:v56+s10+$0x0], $0xffff  }
0x441: {  	v57 =	vor.u32 v8, v4;
	[tilespmem:s8+$0xFFFFFE00] =	vst v0;
	v6 =	vld.idx.msk [tilespmem:v17+s18+$0x0], $0xffff  }
0x442: {  	[tilespmem:s6+$0xFFFFF480] =	vst v2;
	v0 =	vld.idx.msk [tilespmem:v34+s16+$0x0], $0xffff  }
0x443: {  	v2 =	vld.idx.msk [tilespmem:v50+s14+$0x0], $0xffff;
	[tilespmem:s3+$0xFFFFFA00] =	vst v3  }
0x444: {  	s7 =	simm.s32 $0xD450;
	[tilespmem:s0+$0x300] =	vst v1  }
0x445: {  	v4 =	vadd.s32 s11, v58;
	v1 =	vld.idx.msk [tilespmem:v24+s17+$0x0], $0xffff;
	[tilespmem:s7+$0xFFFFF000] =	vst v5  }
0x446: {  	v4 =	vand.u32 $0x3FF8, v4;
	v5 =	vld.idx.msk [tilespmem:v57+s10+$0x0], $0xffff;
	[tilespmem:s1+$0x700] =	vst v6  }
0x447: {  	v58 =	vor.u32 v59, v4;
	[tilespmem:s8+$0xFFFFFE80] =	vst v0;
	v0 =	vld.idx.msk [tilespmem:v16+s18+$0x0], $0xffff  }
0x448: {  	[tilespmem:s6+$0xFFFFF500] =	vst v2;
	v2 =	vld.idx.msk [tilespmem:v33+s16+$0x0], $0xffff  }
0x449: {  	v3 =	vld.idx.msk [tilespmem:v42+s15+$0x0], $0xffff  }
0x44a: {  	v4 =	vld.idx.msk [tilespmem:v51+s14+$0x0], $0xffff;
	[tilespmem:s0+$0x380] =	vst v1  }
0x44b: {  	v1 =	vld.idx.msk [tilespmem:v31+s18+$0x0], $0xffff;
	[tilespmem:s7+$0xFFFFF080] =	vst v5;
	v5 =	vadd.s32 s11, v60  }
0x44c: {  	v6 =	vld.idx.msk [tilespmem:v58+s10+$0x0], $0xffff;
	[tilespmem:s1+$0x780] =	vst v0;
	v0 =	vand.u32 $0x3FF8, v5  }
0x44d: {  	[tilespmem:s8+$0xFFFFFF00] =	vst v2;
	v2 =	vld.idx.msk [tilespmem:v23+s19+$0x0], $0xffff;
	v59 =	vor.u32 v61, v0  }
0x44e: {  	[tilespmem:s3+$0xFFFFFA80] =	vst v3;
	v0 =	vld.idx.msk [tilespmem:v32+s16+$0x0], $0xffff  }
0x44f: {  	v3 =	vld.idx.msk [tilespmem:v41+s15+$0x0], $0xffff;
	[tilespmem:s6+$0xFFFFF580] =	vst v4  }
0x450: {  	v4 =	vld.idx.msk [tilespmem:v52+s14+$0x0], $0xffff;
	[tilespmem:s0+$0x400] =	vst v1  }
0x451: {  	v5 =	vadd.s32 s11, v62;
	v1 =	vld.idx.msk [tilespmem:v30+s18+$0x0], $0xffff;
	[tilespmem:s7+$0xFFFFF100] =	vst v6  }
0x452: {  	v6 =	vld.idx.msk [tilespmem:v59+s10+$0x0], $0xffff;
	[tilespmem:s1+$0x800] =	vst v2;
	v2 =	vand.u32 $0x3FF8, v5  }
0x453: {  	[tilespmem:s8+$0xFFFFFF80] =	vst v0;
	v0 =	vld.idx.msk [tilespmem:v22+s19+$0x0], $0xffff;
	v60 =	vor.u32 v63, v2  }
0x454: {  	[tilespmem:s3+$0xFFFFFB00] =	vst v3;
	v2 =	vld.idx.msk [tilespmem:v39+s17+$0x0], $0xffff  }
0x455: {  	v3 =	vld.idx.msk [tilespmem:v40+s15+$0x0], $0xffff;
	[tilespmem:s6+$0xFFFFF600] =	vst v4  }
0x456: {  	v4 =	vld.idx.msk [tilespmem:v53+s14+$0x0], $0xffff;
	[tilespmem:s0+$0x480] =	vst v1  }
0x457: {  	v5 =	vadd.s32 s11, v11;
	v1 =	vld.idx.msk [tilespmem:v29+s18+$0x0], $0xffff;
	[tilespmem:s7+$0xFFFFF180] =	vst v6  }
0x458: {  	v6 =	vld.idx.msk [tilespmem:v60+s10+$0x0], $0xffff;
	[tilespmem:s1+$0x880] =	vst v0;
	v0 =	vand.u32 $0x3FF8, v5  }
0x459: {  	[tilespmem:s8+$0x0] =	vst v2;
	v2 =	vld.idx.msk [tilespmem:v21+s19+$0x0], $0xffff;
	v61 =	vor.u32 v12, v0  }
0x45a: {  	[tilespmem:s3+$0xFFFFFB80] =	vst v3;
	v0 =	vld.idx.msk [tilespmem:v38+s17+$0x0], $0xffff  }
0x45b: {  	v3 =	vld.idx.msk [tilespmem:v47+s16+$0x0], $0xffff;
	[tilespmem:s6+$0xFFFFF680] =	vst v4  }
0x45c: {  	v4 =	vld.idx.msk [tilespmem:v54+s14+$0x0], $0xffff;
	[tilespmem:s0+$0x500] =	vst v1  }
0x45d: {  	v1 =	vld.idx.msk [tilespmem:v28+s18+$0x0], $0xffff;
	[tilespmem:s7+$0xFFFFF200] =	vst v6  }
0x45e: {  	v5 =	vadd.s32 s11, v15;
	v6 =	vld.idx.msk [tilespmem:v61+s10+$0x0], $0xffff;
	[tilespmem:s1+$0x900] =	vst v2  }
0x45f: {  	v2 =	vand.u32 $0x3FF8, v5;
	[tilespmem:s8+$0x80] =	vst v0;
	v0 =	vld.idx.msk [tilespmem:v20+s19+$0x0], $0xffff  }
0x460: {  	[tilespmem:s3+$0xFFFFFC00] =	vst v3;
	v62 =	vor.u32 v13, v2;
	v2 =	vld.idx.msk [tilespmem:v37+s17+$0x0], $0xffff  }
0x461: {  	[tilespmem:s6+$0xFFFFF700] =	vst v4  }
0x462: {  	[tilespmem:s0+$0x580] =	vst v1  }
0x463: {  	v4 =	vld.idx.msk [tilespmem:v55+s14+$0x0], $0xffff;
	[tilespmem:s7+$0xFFFFF280] =	vst v6  }
0x464: {  	[tilespmem:s1+$0x980] =	vst v0  }
0x465: {  	v5 =	vadd.s32 s11, v14;
	[tilespmem:s8+$0x100] =	vst v2  }
0x466: {  	v0 =	vand.u32 $0x3FF8, v5;
	v5 =	vld [tilespmem:$0x1FFE0]  }
0x467: {  	v3 =	vld.idx.msk [tilespmem:v45+s16+$0x0], $0xffff  }
0x468: {  	v1 =	vld.idx.msk [tilespmem:v27+s18+$0x0], $0xffff;
	[tilespmem:s6+$0xFFFFF780] =	vst v4  }
0x469: {  	v4 =	vld.idx.msk [tilespmem:v48+s15+$0x0], $0xffff  }
0x46a: {  	v6 =	vld.idx.msk [tilespmem:v62+s10+$0x0], $0xffff  }
0x46b: {  	v2 =	vld.idx.msk [tilespmem:v19+s19+$0x0], $0xffff;
	v63 =	vor.u32 v5, v0  }
0x46c: {  	[tilespmem:s3+$0xFFFFFC80] =	vst v3;
	v0 =	vld.idx.msk [tilespmem:v36+s17+$0x0], $0xffff  }
0x46d: {  	[tilespmem:s0+$0x600] =	vst v1;
	v3 =	vld.idx.msk [tilespmem:v46+s16+$0x0], $0xffff  }
0x46e: {  	v1 =	vld.idx.msk [tilespmem:v26+s18+$0x0], $0xffff;
	[tilespmem:s6+$0xFFFFF800] =	vst v4  }
0x46f: {  	[tilespmem:s7+$0xFFFFF300] =	vst v6;
	v4 =	vld.idx.msk [tilespmem:v49+s15+$0x0], $0xffff  }
0x470: {  	v11 =	vmovc v12;
	v12 =	vmovc v15;
	v15 =	vmov v13;
	v13 =	vmov v14;
	v14 =	vmov v5;
	[tilespmem:s1+$0xA00] =	vst v2;
	v5 =	vld.idx.msk [tilespmem:v63+s10+$0x0], $0xffff  }
0x471: {  	[tilespmem:s8+$0x180] =	vst v0;
	v0 =	vld.idx.msk [tilespmem:v18+s19+$0x0], $0xffff  }
0x472: {  	[tilespmem:s3+$0xFFFFFD00] =	vst v3;
	v2 =	vld.idx.msk [tilespmem:v35+s17+$0x0], $0xffff  }
0x473: {  	[tilespmem:s0+$0x680] =	vst v1;
	v3 =	vld.idx.msk [tilespmem:v44+s16+$0x0], $0xffff  }
0x474: {  	v1 =	vld.idx.msk [tilespmem:v25+s18+$0x0], $0xffff;
	[tilespmem:s6+$0xFFFFF880] =	vst v4  }
0x475: {  	v4 =	vld.idx.msk [tilespmem:v50+s15+$0x0], $0xffff;
	[tilespmem:s7+$0xFFFFF380] =	vst v5  }
0x476: {  	[tilespmem:s1+$0xA80] =	vst v0;
	v5 =	vld.idx.msk [tilespmem:v56+s14+$0x0], $0xffff  }
0x477: {  	[tilespmem:s8+$0x200] =	vst v2;
	v0 =	vld.idx.msk [tilespmem:v17+s19+$0x0], $0xffff  }
0x478: {  	s11 =	simm.s32 $0x1860;
	v2 =	vld.idx.msk [tilespmem:v34+s17+$0x0], $0xffff  }
.LBB2_9:
0x479: {  	[tilespmem:s3+$0xFFFFFD80] =	vst v3;
	v3 =	vld [tilespmem:$0x1FF70];
	_ =	sdelay $0x2  }
0x47a: {  	v6 =	vadd.s32 s11, v9;
	[tilespmem:s7+$0xFFFFF400] =	vst v5  }
0x47b: {  	v6 =	vand.u32 $0x3FF8, v6;
	v5 =	vld.idx.msk [tilespmem:v43+s16+$0x0], $0xffff  }
0x47c: {  	v3 =	vor.u32 v3, v6;
	v6 =	vld.idx.msk [tilespmem:v57+s14+$0x0], $0xffff;
	[tilespmem:s1+$0xB00] =	vst v0  }
0x47d: {  	s26 =	smov.u32 s3;
	v7 =	vld [tilespmem:$0x1FFF0];
	s3 =	smov.u32 s6;
	[tilespmem:s8+$0x280] =	vst v2  }
0x47e: {  	v0 =	vld.idx.msk [tilespmem:v16+s19+$0x0], $0xffff;
	[tilespmem:s3+$0xFFFFF900] =	vst v4  }
0x47f: {  	v2 =	vld.idx.msk [tilespmem:v33+s17+$0x0], $0xffff  }
0x480: {  	v4 =	vld.idx.msk [tilespmem:v51+s15+$0x0], $0xffff  }
0x481: {  	v8 =	vld.idx.msk [tilespmem:v3+s10+$0x0], $0xffff  }
0x482: {  	[tilespmem:s26+$0xFFFFFE00] =	vst v5;
	v5 =	vld [tilespmem:$0x1FF80];
	_ =	sdelay $0x1  }
0x483: {  	s28 =	smov.u32 s11  }
0x484: {  	v7 =	vadd.s32 s28, v7;
	[tilespmem:s7+$0xFFFFF480] =	vst v6  }
0x485: {  	v7 =	vand.u32 $0x3FF8, v7;
	v6 =	vld.idx.msk [tilespmem:v42+s16+$0x0], $0xffff  }
0x486: {  	v5 =	vor.u32 v5, v7;
	v7 =	vld.idx.msk [tilespmem:v58+s14+$0x0], $0xffff;
	[tilespmem:s1+$0xB80] =	vst v0  }
0x487: {  	[tilespmem:s8+$0x300] =	vst v2  }
0x488: {  	v0 =	vld.idx.msk [tilespmem:v23+s20+$0x0], $0xffff  }
0x489: {  	s6 =	smov.u32 s7;
	s7 =	sadd.s32 $0x10, s7;
	[tilespmem:s3+$0xFFFFF980] =	vst v4;
	v4 =	vld [tilespmem:$0x1FF10]  }
0x48a: {  	v23 =	vmov v31;
	v2 =	vld.idx.msk [tilespmem:v32+s17+$0x0], $0xffff;
	[tilespmem:s7+$0xFFFFF000] =	vst v8  }
0x48b: {  	v31 =	vmovc v39;
	v39 =	vmovc v47;
	v47 =	vmov v48;
	v48 =	vmov v56;
	v56 =	vmov v3;
	v3 =	vld.idx.msk [tilespmem:v52+s15+$0x0], $0xffff  }
0x48c: {  	v8 =	vld.idx.msk [tilespmem:v5+s10+$0x0], $0xffff  }
0x48d: {  	[tilespmem:s26+$0xFFFFFE80] =	vst v6;
	v6 =	vld [tilespmem:$0x1FF90];
	_ =	sdelay $0x1  }
0x48e: {  	[tilespmem:s0+$0x700] =	vst v1;
	v4 =	vadd.s32 s28, v4  }
0x48f: {  	v1 =	vand.u32 $0x3FF8, v4;
	v4 =	vld.idx.msk [tilespmem:v24+s18+$0x0], $0xffff;
	[tilespmem:s6+$0xFFFFF500] =	vst v7  }
0x490: {  	v7 =	vld.idx.msk [tilespmem:v59+s14+$0x0], $0xffff  }
0x491: {  	v1 =	vor.u32 v6, v1;
	v6 =	vld.idx.msk [tilespmem:v41+s16+$0x0], $0xffff;
	[tilespmem:s1+$0xC00] =	vst v0  }
0x492: {  	[tilespmem:s8+$0x380] =	vst v2  }
0x493: {  	v0 =	vld.idx.msk [tilespmem:v22+s20+$0x0], $0xffff;
	v22 =	vmov v30  }
0x494: {  	v30 =	vmovc v38;
	v38 =	vmovc v45;
	v45 =	vmov v49;
	v49 =	vmov v57;
	[tilespmem:s3+$0xFFFFFA00] =	vst v3;
	v57 =	vmov v5;
	v5 =	vld [tilespmem:$0x1FF20]  }
0x495: {  	v2 =	vld.idx.msk [tilespmem:v31+s18+$0x0], $0xffff;
	[tilespmem:s7+$0xFFFFF080] =	vst v8  }
0x496: {  	v3 =	vld.idx.msk [tilespmem:v53+s15+$0x0], $0xffff  }
0x497: {  	v8 =	vld.idx.msk [tilespmem:v1+s10+$0x0], $0xffff  }
0x498: {  	[tilespmem:s26+$0xFFFFFF00] =	vst v6;
	v6 =	vld [tilespmem:$0x1FFA0];
	_ =	sdelay $0x1  }
0x499: {  	[tilespmem:s0+$0x780] =	vst v4;
	v5 =	vadd.s32 s28, v5  }
0x49a: {  	v4 =	vand.u32 $0x3FF8, v5;
	v5 =	vld.idx.msk [tilespmem:v23+s19+$0x0], $0xffff;
	[tilespmem:s6+$0xFFFFF580] =	vst v7  }
0x49b: {  	v7 =	vld.idx.msk [tilespmem:v60+s14+$0x0], $0xffff  }
0x49c: {  	v4 =	vor.u32 v6, v4;
	v6 =	vld.idx.msk [tilespmem:v40+s16+$0x0], $0xffff;
	[tilespmem:s1+$0xC80] =	vst v0  }
0x49d: {  	[tilespmem:s8+$0x400] =	vst v2  }
0x49e: {  	v0 =	vld.idx.msk [tilespmem:v21+s20+$0x0], $0xffff  }
0x49f: {  	[tilespmem:s3+$0xFFFFFA80] =	vst v3;
	v3 =	vld [tilespmem:$0x1FF30]  }
0x4a0: {  	v21 =	vmov v29;
	v2 =	vld.idx.msk [tilespmem:v30+s18+$0x0], $0xffff;
	[tilespmem:s7+$0xFFFFF100] =	vst v8  }
0x4a1: {  	v29 =	vmovc v37;
	v37 =	vmovc v46;
	v46 =	vmov v50;
	v50 =	vmov v58;
	v58 =	vmov v1;
	v1 =	vld.idx.msk [tilespmem:v54+s15+$0x0], $0xffff  }
0x4a2: {  	v8 =	vld.idx.msk [tilespmem:v4+s10+$0x0], $0xffff  }
0x4a3: {  	[tilespmem:s26+$0xFFFFFF80] =	vst v6;
	v6 =	vld [tilespmem:$0x1FFB0];
	_ =	sdelay $0x1  }
0x4a4: {  	[tilespmem:s0+$0x800] =	vst v5  }
0x4a5: {  	v3 =	vadd.s32 s28, v3;
	v5 =	vld.idx.msk [tilespmem:v22+s19+$0x0], $0xffff;
	[tilespmem:s6+$0xFFFFF600] =	vst v7  }
0x4a6: {  	v3 =	vand.u32 $0x3FF8, v3;
	v7 =	vld.idx.msk [tilespmem:v61+s14+$0x0], $0xffff  }
0x4a7: {  	v3 =	vor.u32 v6, v3;
	v6 =	vld.idx.msk [tilespmem:v39+s17+$0x0], $0xffff;
	[tilespmem:s1+$0xD00] =	vst v0  }
0x4a8: {  	[tilespmem:s8+$0x480] =	vst v2  }
0x4a9: {  	v0 =	vld.idx.msk [tilespmem:v20+s20+$0x0], $0xffff;
	v20 =	vmov v28  }
0x4aa: {  	v28 =	vmovc v36;
	v36 =	vmovc v44;
	v44 =	vmov v51;
	v51 =	vmov v59;
	[tilespmem:s3+$0xFFFFFB00] =	vst v1;
	v59 =	vmov v4;
	v4 =	vld [tilespmem:$0x1FF40]  }
0x4ab: {  	v1 =	vld.idx.msk [tilespmem:v29+s18+$0x0], $0xffff;
	[tilespmem:s7+$0xFFFFF180] =	vst v8  }
0x4ac: {  	v2 =	vld.idx.msk [tilespmem:v55+s15+$0x0], $0xffff  }
0x4ad: {  	v8 =	vld.idx.msk [tilespmem:v3+s10+$0x0], $0xffff;
	[tilespmem:s0+$0x880] =	vst v5  }
0x4ae: {  	[tilespmem:s26+$0x0] =	vst v6  }
0x4af: {  	v4 =	vadd.s32 s28, v4;
	v5 =	vld.idx.msk [tilespmem:v21+s19+$0x0], $0xffff;
	[tilespmem:s6+$0xFFFFF680] =	vst v7  }
0x4b0: {  	v4 =	vand.u32 $0x3FF8, v4;
	v6 =	vld.idx.msk [tilespmem:v38+s17+$0x0], $0xffff  }
0x4b1: {  	v7 =	vld.idx.msk [tilespmem:v62+s14+$0x0], $0xffff;
	[tilespmem:s1+$0xD80] =	vst v0;
	v4 =	vor.u32 v11, v4  }
0x4b2: {  	[tilespmem:s8+$0x500] =	vst v1  }
0x4b3: {  	v0 =	vld.idx.msk [tilespmem:v19+s20+$0x0], $0xffff;
	[tilespmem:s3+$0xFFFFFB80] =	vst v2  }
0x4b4: {  	v1 =	vld.idx.msk [tilespmem:v28+s18+$0x0], $0xffff;
	[tilespmem:s7+$0xFFFFF200] =	vst v8  }
0x4b5: {  	v2 =	vld.idx.msk [tilespmem:v47+s16+$0x0], $0xffff  }
0x4b6: {  	v8 =	vld.idx.msk [tilespmem:v4+s10+$0x0], $0xffff;
	[tilespmem:s0+$0x900] =	vst v5  }
0x4b7: {  	v19 =	vmov v27;
	v27 =	vmov v35;
	[tilespmem:s26+$0x80] =	vst v6  }
0x4b8: {  	v35 =	vmovc v43;
	v43 =	vmovc v52;
	v52 =	vmov v60;
	v60 =	vmov v3;
	v3 =	vadd.s32 s28, v12;
	v5 =	vld.idx.msk [tilespmem:v20+s19+$0x0], $0xffff;
	[tilespmem:s6+$0xFFFFF700] =	vst v7  }
0x4b9: {  	v3 =	vand.u32 $0x3FF8, v3;
	v6 =	vld.idx.msk [tilespmem:v37+s17+$0x0], $0xffff  }
0x4ba: {  	v3 =	vor.u32 v15, v3;
	v7 =	vld.idx.msk [tilespmem:v63+s14+$0x0], $0xffff;
	[tilespmem:s1+$0xE00] =	vst v0  }
0x4bb: {  	[tilespmem:s8+$0x580] =	vst v1  }
0x4bc: {  	v0 =	vld.idx.msk [tilespmem:v18+s20+$0x0], $0xffff;
	[tilespmem:s3+$0xFFFFFC00] =	vst v2  }
0x4bd: {  	v1 =	vld.idx.msk [tilespmem:v27+s18+$0x0], $0xffff;
	[tilespmem:s7+$0xFFFFF280] =	vst v8  }
0x4be: {  	v2 =	vld.idx.msk [tilespmem:v45+s16+$0x0], $0xffff  }
0x4bf: {  	v8 =	vld.idx.msk [tilespmem:v3+s10+$0x0], $0xffff;
	[tilespmem:s0+$0x980] =	vst v5  }
0x4c0: {  	v18 =	vmov v26;
	v26 =	vmov v34;
	[tilespmem:s26+$0x100] =	vst v6  }
0x4c1: {  	v34 =	vmovc v42;
	v42 =	vmovc v53;
	v53 =	vmov v61;
	v61 =	vmov v4;
	v4 =	vadd.s32 s28, v13;
	v5 =	vld.idx.msk [tilespmem:v19+s19+$0x0], $0xffff;
	[tilespmem:s6+$0xFFFFF780] =	vst v7  }
0x4c2: {  	v4 =	vand.u32 $0x3FF8, v4;
	v6 =	vld.idx.msk [tilespmem:v36+s17+$0x0], $0xffff  }
0x4c3: {  	v4 =	vor.u32 v14, v4;
	v7 =	vld.idx.msk [tilespmem:v48+s15+$0x0], $0xffff;
	[tilespmem:s1+$0xE80] =	vst v0  }
0x4c4: {  	[tilespmem:s8+$0x600] =	vst v1  }
0x4c5: {  	v0 =	vld.idx.msk [tilespmem:v17+s20+$0x0], $0xffff;
	[tilespmem:s3+$0xFFFFFC80] =	vst v2  }
0x4c6: {  	v1 =	vld.idx.msk [tilespmem:v26+s18+$0x0], $0xffff;
	[tilespmem:s7+$0xFFFFF300] =	vst v8  }
0x4c7: {  	v17 =	vmov v25;
	v2 =	vld.idx.msk [tilespmem:v46+s16+$0x0], $0xffff  }
0x4c8: {  	v25 =	vmovc v33;
	v33 =	vmovc v41;
	v41 =	vmov v54;
	v54 =	vmov v62;
	v62 =	vmov v3;
	v3 =	vld.idx.msk [tilespmem:v4+s10+$0x0], $0xffff;
	[tilespmem:s0+$0xA00] =	vst v5  }
0x4c9: {  	[tilespmem:s26+$0x180] =	vst v6  }
0x4ca: {  	v6 =	vld.idx.msk [tilespmem:v18+s19+$0x0], $0xffff;
	[tilespmem:s6+$0xFFFFF800] =	vst v7  }
0x4cb: {  	v7 =	vld.idx.msk [tilespmem:v35+s17+$0x0], $0xffff  }
0x4cc: {  	v8 =	vld.idx.msk [tilespmem:v49+s15+$0x0], $0xffff;
	[tilespmem:s1+$0xF00] =	vst v0  }
0x4cd: {  	[tilespmem:s8+$0x680] =	vst v1  }
0x4ce: {  	v9 =	vld.idx.msk [tilespmem:v16+s20+$0x0], $0xffff;
	[tilespmem:s3+$0xFFFFFD00] =	vst v2  }
0x4cf: {  	v1 =	vld.idx.msk [tilespmem:v25+s18+$0x0], $0xffff;
	[tilespmem:s7+$0xFFFFF380] =	vst v3  }
0x4d0: {  	p0 =	sne.s32 s11, $0x1C70;
	v3 =	vld.idx.msk [tilespmem:v44+s16+$0x0], $0xffff  }
.Ltmp5:
0x4d1: {  	v5 =	vld.idx.msk [tilespmem:v56+s14+$0x0], $0xffff;
	[tilespmem:s0+$0xA80] =	vst v6;
	(pc) =	sbr.rel @p0 .LBB2_9-.Ltmp5, $4  }
0x4d2: {  	v6 =	vld [tilespmem:$0x1FFF0];
	[tilespmem:s26+$0x200] =	vst v7  }
0x4d3: {  	v0 =	vld.idx.msk [tilespmem:v17+s19+$0x0], $0xffff;
	[tilespmem:s6+$0xFFFFF880] =	vst v8  }
0x4d4: {  	s11 =	sadd.s32 $0x410, s11;
	v16 =	vmov v24;
	v24 =	vmov v32;
	v2 =	vld.idx.msk [tilespmem:v34+s17+$0x0], $0xffff  }
0x4d5: {  	v32 =	vmovc v40;
	v40 =	vmovc v55;
	v55 =	vmov v63;
	v63 =	vmov v4;
	v4 =	vld.idx.msk [tilespmem:v50+s15+$0x0], $0xffff;
	[tilespmem:s1+$0xF80] =	vst v9;
	v9 =	vmov v10;
	s1 =	smov.u32 s0;
	s0 =	smov.u32 s8;
	s8 =	smov.u32 s26  }
0x4d6: {  	_ =	sdelay $0x2  }
0x4d7: {  	[tilespmem:s7+$0xFFFFF400] =	vst v5  }
0x4d8: {  	v5 =	vld.idx.msk [tilespmem:v57+s14+$0x0], $0xffff;
	_ =	sdelay $0x4  }
0x4d9: {  	[tilespmem:s7+$0xFFFFF480] =	vst v5  }
0x4da: {  	v5 =	vld.idx.msk [tilespmem:v58+s14+$0x0], $0xffff;
	_ =	sdelay $0x4  }
0x4db: {  	[tilespmem:s7+$0xFFFFF500] =	vst v5  }
0x4dc: {  	v5 =	vld.idx.msk [tilespmem:v59+s14+$0x0], $0xffff;
	_ =	sdelay $0x4  }
0x4dd: {  	[tilespmem:s7+$0xFFFFF580] =	vst v5  }
0x4de: {  	v5 =	vld.idx.msk [tilespmem:v60+s14+$0x0], $0xffff;
	_ =	sdelay $0x4  }
0x4df: {  	[tilespmem:s7+$0xFFFFF600] =	vst v5  }
0x4e0: {  	v5 =	vld.idx.msk [tilespmem:v61+s14+$0x0], $0xffff;
	_ =	sdelay $0x4  }
0x4e1: {  	[tilespmem:s7+$0xFFFFF680] =	vst v5  }
0x4e2: {  	v5 =	vld.idx.msk [tilespmem:v62+s14+$0x0], $0xffff;
	_ =	sdelay $0x4  }
0x4e3: {  	[tilespmem:s7+$0xFFFFF700] =	vst v5  }
0x4e4: {  	v5 =	vld.idx.msk [tilespmem:v63+s14+$0x0], $0xffff;
	_ =	sdelay $0x4  }
0x4e5: {  	[tilespmem:s7+$0xFFFFF780] =	vst v5  }
0x4e6: {  	v5 =	vld.idx.msk [tilespmem:v56+s15+$0x0], $0xffff;
	_ =	sdelay $0x4  }
0x4e7: {  	[tilespmem:s7+$0xFFFFF800] =	vst v5  }
0x4e8: {  	v5 =	vld.idx.msk [tilespmem:v57+s15+$0x0], $0xffff;
	_ =	sdelay $0x4  }
0x4e9: {  	[tilespmem:s7+$0xFFFFF880] =	vst v5  }
0x4ea: {  	v5 =	vld.idx.msk [tilespmem:v58+s15+$0x0], $0xffff;
	_ =	sdelay $0x3  }
0x4eb: {  	[tilespmem:s6+$0xFFFFF900] =	vst v4  }
0x4ec: {  	v4 =	vld.idx.msk [tilespmem:v51+s15+$0x0], $0xffff;
	[tilespmem:s7+$0xFFFFF900] =	vst v5  }
0x4ed: {  	v5 =	vld.idx.msk [tilespmem:v59+s15+$0x0], $0xffff;
	_ =	sdelay $0x3  }
0x4ee: {  	[tilespmem:s6+$0xFFFFF980] =	vst v4  }
0x4ef: {  	v4 =	vld.idx.msk [tilespmem:v52+s15+$0x0], $0xffff;
	[tilespmem:s7+$0xFFFFF980] =	vst v5  }
0x4f0: {  	v5 =	vld.idx.msk [tilespmem:v60+s15+$0x0], $0xffff;
	_ =	sdelay $0x3  }
0x4f1: {  	[tilespmem:s6+$0xFFFFFA00] =	vst v4  }
0x4f2: {  	v4 =	vld.idx.msk [tilespmem:v53+s15+$0x0], $0xffff;
	[tilespmem:s7+$0xFFFFFA00] =	vst v5  }
0x4f3: {  	v5 =	vld.idx.msk [tilespmem:v61+s15+$0x0], $0xffff;
	_ =	sdelay $0x3  }
0x4f4: {  	[tilespmem:s6+$0xFFFFFA80] =	vst v4  }
0x4f5: {  	v4 =	vld.idx.msk [tilespmem:v54+s15+$0x0], $0xffff;
	[tilespmem:s7+$0xFFFFFA80] =	vst v5  }
0x4f6: {  	v5 =	vld.idx.msk [tilespmem:v62+s15+$0x0], $0xffff;
	_ =	sdelay $0x3  }
0x4f7: {  	[tilespmem:s6+$0xFFFFFB00] =	vst v4  }
0x4f8: {  	v4 =	vld.idx.msk [tilespmem:v55+s15+$0x0], $0xffff;
	[tilespmem:s7+$0xFFFFFB00] =	vst v5  }
0x4f9: {  	v5 =	vld.idx.msk [tilespmem:v63+s15+$0x0], $0xffff;
	_ =	sdelay $0x3  }
0x4fa: {  	[tilespmem:s6+$0xFFFFFB80] =	vst v4  }
0x4fb: {  	v4 =	vld.idx.msk [tilespmem:v48+s16+$0x0], $0xffff;
	[tilespmem:s7+$0xFFFFFB80] =	vst v5  }
0x4fc: {  	v5 =	vld.idx.msk [tilespmem:v56+s16+$0x0], $0xffff;
	_ =	sdelay $0x3  }
0x4fd: {  	[tilespmem:s6+$0xFFFFFC00] =	vst v4  }
0x4fe: {  	v4 =	vld.idx.msk [tilespmem:v49+s16+$0x0], $0xffff;
	[tilespmem:s7+$0xFFFFFC00] =	vst v5  }
0x4ff: {  	v5 =	vld.idx.msk [tilespmem:v57+s16+$0x0], $0xffff;
	_ =	sdelay $0x3  }
0x500: {  	[tilespmem:s6+$0xFFFFFC80] =	vst v4  }
0x501: {  	v4 =	vld.idx.msk [tilespmem:v50+s16+$0x0], $0xffff;
	[tilespmem:s7+$0xFFFFFC80] =	vst v5  }
0x502: {  	v5 =	vld.idx.msk [tilespmem:v58+s16+$0x0], $0xffff;
	_ =	sdelay $0x3  }
0x503: {  	[tilespmem:s6+$0xFFFFFD00] =	vst v4  }
0x504: {  	v4 =	vld.idx.msk [tilespmem:v51+s16+$0x0], $0xffff;
	[tilespmem:s7+$0xFFFFFD00] =	vst v5  }
0x505: {  	v5 =	vld.idx.msk [tilespmem:v59+s16+$0x0], $0xffff;
	_ =	sdelay $0x1  }
0x506: {  	[tilespmem:s3+$0xFFFFFD80] =	vst v3  }
0x507: {  	v3 =	vld.idx.msk [tilespmem:v43+s16+$0x0], $0xffff  }
0x508: {  	[tilespmem:s6+$0xFFFFFD80] =	vst v4  }
0x509: {  	v4 =	vld.idx.msk [tilespmem:v52+s16+$0x0], $0xffff;
	[tilespmem:s7+$0xFFFFFD80] =	vst v5  }
0x50a: {  	v5 =	vld.idx.msk [tilespmem:v60+s16+$0x0], $0xffff;
	_ =	sdelay $0x1  }
0x50b: {  	[tilespmem:s3+$0xFFFFFE00] =	vst v3  }
0x50c: {  	v3 =	vld.idx.msk [tilespmem:v42+s16+$0x0], $0xffff  }
0x50d: {  	[tilespmem:s6+$0xFFFFFE00] =	vst v4  }
0x50e: {  	v4 =	vld.idx.msk [tilespmem:v53+s16+$0x0], $0xffff;
	[tilespmem:s7+$0xFFFFFE00] =	vst v5  }
0x50f: {  	v5 =	vld.idx.msk [tilespmem:v61+s16+$0x0], $0xffff;
	_ =	sdelay $0x1  }
0x510: {  	[tilespmem:s3+$0xFFFFFE80] =	vst v3  }
0x511: {  	v3 =	vld.idx.msk [tilespmem:v41+s16+$0x0], $0xffff  }
0x512: {  	[tilespmem:s6+$0xFFFFFE80] =	vst v4  }
0x513: {  	v4 =	vld.idx.msk [tilespmem:v54+s16+$0x0], $0xffff;
	[tilespmem:s7+$0xFFFFFE80] =	vst v5  }
0x514: {  	v5 =	vld.idx.msk [tilespmem:v62+s16+$0x0], $0xffff;
	_ =	sdelay $0x1  }
0x515: {  	[tilespmem:s3+$0xFFFFFF00] =	vst v3  }
0x516: {  	v3 =	vld.idx.msk [tilespmem:v40+s16+$0x0], $0xffff  }
0x517: {  	[tilespmem:s6+$0xFFFFFF00] =	vst v4  }
0x518: {  	v4 =	vld.idx.msk [tilespmem:v55+s16+$0x0], $0xffff;
	[tilespmem:s7+$0xFFFFFF00] =	vst v5  }
0x519: {  	v5 =	vld.idx.msk [tilespmem:v63+s16+$0x0], $0xffff;
	_ =	sdelay $0x1  }
0x51a: {  	[tilespmem:s3+$0xFFFFFF80] =	vst v3  }
0x51b: {  	v3 =	vld.idx.msk [tilespmem:v47+s17+$0x0], $0xffff  }
0x51c: {  	[tilespmem:s6+$0xFFFFFF80] =	vst v4  }
0x51d: {  	v4 =	vld.idx.msk [tilespmem:v48+s17+$0x0], $0xffff;
	[tilespmem:s7+$0xFFFFFF80] =	vst v5  }
0x51e: {  	v5 =	vld.idx.msk [tilespmem:v56+s17+$0x0], $0xffff;
	_ =	sdelay $0x1  }
0x51f: {  	[tilespmem:s3+$0x0] =	vst v3  }
0x520: {  	v3 =	vld.idx.msk [tilespmem:v45+s17+$0x0], $0xffff  }
0x521: {  	[tilespmem:s6+$0x0] =	vst v4  }
0x522: {  	v4 =	vld.idx.msk [tilespmem:v49+s17+$0x0], $0xffff;
	[tilespmem:s7+$0x0] =	vst v5  }
0x523: {  	v5 =	vld.idx.msk [tilespmem:v57+s17+$0x0], $0xffff;
	_ =	sdelay $0x1  }
0x524: {  	[tilespmem:s3+$0x80] =	vst v3  }
0x525: {  	v3 =	vld.idx.msk [tilespmem:v46+s17+$0x0], $0xffff  }
0x526: {  	[tilespmem:s6+$0x80] =	vst v4  }
0x527: {  	v4 =	vld.idx.msk [tilespmem:v50+s17+$0x0], $0xffff;
	[tilespmem:s7+$0x80] =	vst v5  }
0x528: {  	v5 =	vld.idx.msk [tilespmem:v58+s17+$0x0], $0xffff;
	_ =	sdelay $0x1  }
0x529: {  	[tilespmem:s3+$0x100] =	vst v3  }
0x52a: {  	v3 =	vld.idx.msk [tilespmem:v44+s17+$0x0], $0xffff  }
0x52b: {  	[tilespmem:s6+$0x100] =	vst v4  }
0x52c: {  	v4 =	vld.idx.msk [tilespmem:v51+s17+$0x0], $0xffff;
	[tilespmem:s7+$0x100] =	vst v5  }
0x52d: {  	v5 =	vld.idx.msk [tilespmem:v59+s17+$0x0], $0xffff;
	_ =	sdelay $0x1  }
0x52e: {  	[tilespmem:s3+$0x180] =	vst v3  }
0x52f: {  	v3 =	vld.idx.msk [tilespmem:v43+s17+$0x0], $0xffff  }
0x530: {  	[tilespmem:s6+$0x180] =	vst v4  }
0x531: {  	v4 =	vld.idx.msk [tilespmem:v52+s17+$0x0], $0xffff;
	[tilespmem:s7+$0x180] =	vst v5  }
0x532: {  	v5 =	vld.idx.msk [tilespmem:v60+s17+$0x0], $0xffff;
	_ =	sdelay $0x1  }
0x533: {  	[tilespmem:s3+$0x200] =	vst v3  }
0x534: {  	v3 =	vld.idx.msk [tilespmem:v42+s17+$0x0], $0xffff  }
0x535: {  	[tilespmem:s6+$0x200] =	vst v4  }
0x536: {  	v4 =	vld.idx.msk [tilespmem:v53+s17+$0x0], $0xffff;
	[tilespmem:s7+$0x200] =	vst v5  }
0x537: {  	v5 =	vld.idx.msk [tilespmem:v61+s17+$0x0], $0xffff  }
0x538: {  	[tilespmem:s8+$0x280] =	vst v2  }
0x539: {  	v2 =	vld.idx.msk [tilespmem:v33+s17+$0x0], $0xffff;
	[tilespmem:s3+$0x280] =	vst v3  }
0x53a: {  	v3 =	vld.idx.msk [tilespmem:v41+s17+$0x0], $0xffff  }
0x53b: {  	[tilespmem:s6+$0x280] =	vst v4  }
0x53c: {  	v4 =	vld.idx.msk [tilespmem:v54+s17+$0x0], $0xffff;
	[tilespmem:s7+$0x280] =	vst v5  }
0x53d: {  	v5 =	vld.idx.msk [tilespmem:v62+s17+$0x0], $0xffff  }
0x53e: {  	[tilespmem:s8+$0x300] =	vst v2  }
0x53f: {  	v2 =	vld.idx.msk [tilespmem:v32+s17+$0x0], $0xffff;
	[tilespmem:s3+$0x300] =	vst v3  }
0x540: {  	v3 =	vld.idx.msk [tilespmem:v40+s17+$0x0], $0xffff  }
0x541: {  	[tilespmem:s6+$0x300] =	vst v4  }
0x542: {  	v4 =	vld.idx.msk [tilespmem:v55+s17+$0x0], $0xffff;
	[tilespmem:s7+$0x300] =	vst v5  }
0x543: {  	v5 =	vld.idx.msk [tilespmem:v63+s17+$0x0], $0xffff  }
0x544: {  	[tilespmem:s8+$0x380] =	vst v2  }
0x545: {  	v2 =	vld.idx.msk [tilespmem:v39+s18+$0x0], $0xffff;
	[tilespmem:s3+$0x380] =	vst v3  }
0x546: {  	v3 =	vld.idx.msk [tilespmem:v47+s18+$0x0], $0xffff  }
0x547: {  	[tilespmem:s6+$0x380] =	vst v4  }
0x548: {  	v4 =	vld.idx.msk [tilespmem:v48+s18+$0x0], $0xffff;
	[tilespmem:s7+$0x380] =	vst v5  }
0x549: {  	v5 =	vld.idx.msk [tilespmem:v56+s18+$0x0], $0xffff  }
0x54a: {  	[tilespmem:s8+$0x400] =	vst v2  }
0x54b: {  	v2 =	vld.idx.msk [tilespmem:v38+s18+$0x0], $0xffff;
	[tilespmem:s3+$0x400] =	vst v3  }
0x54c: {  	v3 =	vld.idx.msk [tilespmem:v45+s18+$0x0], $0xffff  }
0x54d: {  	[tilespmem:s6+$0x400] =	vst v4  }
0x54e: {  	v4 =	vld.idx.msk [tilespmem:v49+s18+$0x0], $0xffff;
	[tilespmem:s7+$0x400] =	vst v5  }
0x54f: {  	v5 =	vld.idx.msk [tilespmem:v57+s18+$0x0], $0xffff  }
0x550: {  	[tilespmem:s8+$0x480] =	vst v2  }
0x551: {  	v2 =	vld.idx.msk [tilespmem:v37+s18+$0x0], $0xffff;
	[tilespmem:s3+$0x480] =	vst v3  }
0x552: {  	v3 =	vld.idx.msk [tilespmem:v46+s18+$0x0], $0xffff  }
0x553: {  	[tilespmem:s6+$0x480] =	vst v4  }
0x554: {  	v4 =	vld.idx.msk [tilespmem:v50+s18+$0x0], $0xffff;
	[tilespmem:s7+$0x480] =	vst v5  }
0x555: {  	v5 =	vld.idx.msk [tilespmem:v58+s18+$0x0], $0xffff  }
0x556: {  	[tilespmem:s8+$0x500] =	vst v2  }
0x557: {  	v2 =	vld.idx.msk [tilespmem:v36+s18+$0x0], $0xffff;
	[tilespmem:s3+$0x500] =	vst v3  }
0x558: {  	v3 =	vld.idx.msk [tilespmem:v44+s18+$0x0], $0xffff  }
0x559: {  	[tilespmem:s6+$0x500] =	vst v4  }
0x55a: {  	v4 =	vld.idx.msk [tilespmem:v51+s18+$0x0], $0xffff;
	[tilespmem:s7+$0x500] =	vst v5  }
0x55b: {  	v5 =	vld.idx.msk [tilespmem:v59+s18+$0x0], $0xffff  }
0x55c: {  	[tilespmem:s8+$0x580] =	vst v2  }
0x55d: {  	v2 =	vld.idx.msk [tilespmem:v35+s18+$0x0], $0xffff;
	[tilespmem:s3+$0x580] =	vst v3  }
0x55e: {  	v3 =	vld.idx.msk [tilespmem:v43+s18+$0x0], $0xffff  }
0x55f: {  	[tilespmem:s6+$0x580] =	vst v4  }
0x560: {  	v4 =	vld.idx.msk [tilespmem:v52+s18+$0x0], $0xffff;
	[tilespmem:s7+$0x580] =	vst v5  }
0x561: {  	v5 =	vld.idx.msk [tilespmem:v60+s18+$0x0], $0xffff  }
0x562: {  	[tilespmem:s8+$0x600] =	vst v2  }
0x563: {  	v2 =	vld.idx.msk [tilespmem:v34+s18+$0x0], $0xffff;
	[tilespmem:s3+$0x600] =	vst v3  }
0x564: {  	v3 =	vld.idx.msk [tilespmem:v42+s18+$0x0], $0xffff  }
0x565: {  	[tilespmem:s6+$0x600] =	vst v4  }
0x566: {  	v4 =	vld.idx.msk [tilespmem:v53+s18+$0x0], $0xffff;
	[tilespmem:s7+$0x600] =	vst v5  }
0x567: {  	v5 =	vld.idx.msk [tilespmem:v61+s18+$0x0], $0xffff  }
0x568: {  	[tilespmem:s8+$0x680] =	vst v2  }
0x569: {  	v2 =	vld.idx.msk [tilespmem:v33+s18+$0x0], $0xffff;
	[tilespmem:s3+$0x680] =	vst v3  }
0x56a: {  	v3 =	vld.idx.msk [tilespmem:v41+s18+$0x0], $0xffff  }
0x56b: {  	[tilespmem:s6+$0x680] =	vst v4  }
0x56c: {  	v4 =	vld.idx.msk [tilespmem:v54+s18+$0x0], $0xffff;
	[tilespmem:s7+$0x680] =	vst v5  }
0x56d: {  	[tilespmem:s0+$0x700] =	vst v1;
	v5 =	vld.idx.msk [tilespmem:v62+s18+$0x0], $0xffff  }
0x56e: {  	v1 =	vld.idx.msk [tilespmem:v24+s18+$0x0], $0xffff;
	[tilespmem:s8+$0x700] =	vst v2  }
0x56f: {  	v2 =	vld.idx.msk [tilespmem:v32+s18+$0x0], $0xffff;
	[tilespmem:s3+$0x700] =	vst v3  }
0x570: {  	v3 =	vld.idx.msk [tilespmem:v40+s18+$0x0], $0xffff  }
0x571: {  	[tilespmem:s6+$0x700] =	vst v4  }
0x572: {  	v4 =	vld.idx.msk [tilespmem:v55+s18+$0x0], $0xffff;
	[tilespmem:s7+$0x700] =	vst v5  }
0x573: {  	[tilespmem:s0+$0x780] =	vst v1;
	v5 =	vld.idx.msk [tilespmem:v63+s18+$0x0], $0xffff  }
0x574: {  	v1 =	vld.idx.msk [tilespmem:v31+s19+$0x0], $0xffff;
	[tilespmem:s8+$0x780] =	vst v2  }
0x575: {  	v2 =	vld.idx.msk [tilespmem:v39+s19+$0x0], $0xffff;
	[tilespmem:s3+$0x780] =	vst v3  }
0x576: {  	v3 =	vld.idx.msk [tilespmem:v47+s19+$0x0], $0xffff  }
0x577: {  	[tilespmem:s6+$0x780] =	vst v4  }
0x578: {  	v4 =	vld.idx.msk [tilespmem:v48+s19+$0x0], $0xffff;
	[tilespmem:s7+$0x780] =	vst v5  }
0x579: {  	[tilespmem:s0+$0x800] =	vst v1;
	v5 =	vld.idx.msk [tilespmem:v56+s19+$0x0], $0xffff  }
0x57a: {  	v1 =	vld.idx.msk [tilespmem:v30+s19+$0x0], $0xffff;
	[tilespmem:s8+$0x800] =	vst v2  }
0x57b: {  	v2 =	vld.idx.msk [tilespmem:v38+s19+$0x0], $0xffff;
	[tilespmem:s3+$0x800] =	vst v3  }
0x57c: {  	v3 =	vld.idx.msk [tilespmem:v45+s19+$0x0], $0xffff  }
0x57d: {  	[tilespmem:s6+$0x800] =	vst v4  }
0x57e: {  	v4 =	vld.idx.msk [tilespmem:v49+s19+$0x0], $0xffff;
	[tilespmem:s7+$0x800] =	vst v5  }
0x57f: {  	[tilespmem:s0+$0x880] =	vst v1;
	v5 =	vld.idx.msk [tilespmem:v57+s19+$0x0], $0xffff  }
0x580: {  	v1 =	vld.idx.msk [tilespmem:v29+s19+$0x0], $0xffff;
	[tilespmem:s8+$0x880] =	vst v2  }
0x581: {  	v2 =	vld.idx.msk [tilespmem:v37+s19+$0x0], $0xffff;
	[tilespmem:s3+$0x880] =	vst v3  }
0x582: {  	v3 =	vld.idx.msk [tilespmem:v46+s19+$0x0], $0xffff  }
0x583: {  	[tilespmem:s6+$0x880] =	vst v4  }
0x584: {  	v4 =	vld.idx.msk [tilespmem:v50+s19+$0x0], $0xffff;
	[tilespmem:s7+$0x880] =	vst v5  }
0x585: {  	[tilespmem:s0+$0x900] =	vst v1;
	v5 =	vld.idx.msk [tilespmem:v58+s19+$0x0], $0xffff  }
0x586: {  	v1 =	vld.idx.msk [tilespmem:v28+s19+$0x0], $0xffff;
	[tilespmem:s8+$0x900] =	vst v2  }
0x587: {  	v2 =	vld.idx.msk [tilespmem:v36+s19+$0x0], $0xffff;
	[tilespmem:s3+$0x900] =	vst v3  }
0x588: {  	v3 =	vld.idx.msk [tilespmem:v44+s19+$0x0], $0xffff  }
0x589: {  	[tilespmem:s6+$0x900] =	vst v4  }
0x58a: {  	v4 =	vld.idx.msk [tilespmem:v51+s19+$0x0], $0xffff;
	[tilespmem:s7+$0x900] =	vst v5  }
0x58b: {  	[tilespmem:s0+$0x980] =	vst v1;
	v5 =	vld.idx.msk [tilespmem:v59+s19+$0x0], $0xffff  }
0x58c: {  	v1 =	vld.idx.msk [tilespmem:v27+s19+$0x0], $0xffff;
	[tilespmem:s8+$0x980] =	vst v2  }
0x58d: {  	v2 =	vld.idx.msk [tilespmem:v35+s19+$0x0], $0xffff;
	[tilespmem:s3+$0x980] =	vst v3  }
0x58e: {  	v3 =	vld.idx.msk [tilespmem:v43+s19+$0x0], $0xffff  }
0x58f: {  	[tilespmem:s6+$0x980] =	vst v4  }
0x590: {  	v4 =	vld.idx.msk [tilespmem:v52+s19+$0x0], $0xffff;
	[tilespmem:s7+$0x980] =	vst v5  }
0x591: {  	[tilespmem:s0+$0xA00] =	vst v1;
	v5 =	vld.idx.msk [tilespmem:v60+s19+$0x0], $0xffff  }
0x592: {  	v1 =	vld.idx.msk [tilespmem:v26+s19+$0x0], $0xffff;
	[tilespmem:s8+$0xA00] =	vst v2  }
0x593: {  	v2 =	vld.idx.msk [tilespmem:v34+s19+$0x0], $0xffff;
	[tilespmem:s3+$0xA00] =	vst v3  }
0x594: {  	v3 =	vld.idx.msk [tilespmem:v42+s19+$0x0], $0xffff  }
0x595: {  	[tilespmem:s6+$0xA00] =	vst v4  }
0x596: {  	v4 =	vld.idx.msk [tilespmem:v53+s19+$0x0], $0xffff;
	[tilespmem:s7+$0xA00] =	vst v5  }
0x597: {  	[tilespmem:s0+$0xA80] =	vst v1;
	v5 =	vld.idx.msk [tilespmem:v61+s19+$0x0], $0xffff  }
0x598: {  	v1 =	vld.idx.msk [tilespmem:v25+s19+$0x0], $0xffff;
	[tilespmem:s8+$0xA80] =	vst v2  }
0x599: {  	v2 =	vld.idx.msk [tilespmem:v33+s19+$0x0], $0xffff;
	[tilespmem:s3+$0xA80] =	vst v3  }
0x59a: {  	v3 =	vld.idx.msk [tilespmem:v41+s19+$0x0], $0xffff  }
0x59b: {  	[tilespmem:s6+$0xA80] =	vst v4  }
0x59c: {  	v4 =	vld.idx.msk [tilespmem:v54+s19+$0x0], $0xffff;
	[tilespmem:s7+$0xA80] =	vst v5  }
0x59d: {  	[tilespmem:s0+$0xB00] =	vst v1;
	v15 =	vld.idx.msk [tilespmem:v62+s19+$0x0], $0xffff  }
0x59e: {  	v1 =	vld.idx.msk [tilespmem:v24+s19+$0x0], $0xffff;
	[tilespmem:s8+$0xB00] =	vst v2  }
0x59f: {  	v2 =	vld.idx.msk [tilespmem:v32+s19+$0x0], $0xffff;
	[tilespmem:s3+$0xB00] =	vst v3  }
0x5a0: {  	[tilespmem:s1+$0xB00] =	vst v0;
	v3 =	vld.idx.msk [tilespmem:v40+s19+$0x0], $0xffff  }
0x5a1: {  	[tilespmem:s6+$0xB00] =	vst v4;
	v5 =	vld.idx.msk [tilespmem:v16+s19+$0x0], $0xffff  }
0x5a2: {  	v4 =	vld.idx.msk [tilespmem:v55+s19+$0x0], $0xffff;
	[tilespmem:s7+$0xB00] =	vst v15  }
0x5a3: {  	[tilespmem:s0+$0xB80] =	vst v1;
	v0 =	vld.idx.msk [tilespmem:v63+s19+$0x0], $0xffff  }
0x5a4: {  	v1 =	vld.idx.msk [tilespmem:v31+s20+$0x0], $0xffff;
	[tilespmem:s8+$0xB80] =	vst v2  }
0x5a5: {  	v2 =	vld.idx.msk [tilespmem:v39+s20+$0x0], $0xffff;
	[tilespmem:s3+$0xB80] =	vst v3  }
0x5a6: {  	v3 =	vld.idx.msk [tilespmem:v47+s20+$0x0], $0xffff;
	[tilespmem:s1+$0xB80] =	vst v5  }
0x5a7: {  	[tilespmem:s6+$0xB80] =	vst v4;
	v5 =	vld.idx.msk [tilespmem:v23+s20+$0x0], $0xffff  }
0x5a8: {  	v4 =	vld.idx.msk [tilespmem:v48+s20+$0x0], $0xffff;
	[tilespmem:s7+$0xB80] =	vst v0  }
0x5a9: {  	[tilespmem:s0+$0xC00] =	vst v1;
	v0 =	vld.idx.msk [tilespmem:v56+s20+$0x0], $0xffff  }
0x5aa: {  	v1 =	vld.idx.msk [tilespmem:v30+s20+$0x0], $0xffff;
	[tilespmem:s8+$0xC00] =	vst v2  }
0x5ab: {  	v2 =	vld.idx.msk [tilespmem:v38+s20+$0x0], $0xffff;
	[tilespmem:s3+$0xC00] =	vst v3  }
0x5ac: {  	v3 =	vld.idx.msk [tilespmem:v45+s20+$0x0], $0xffff;
	[tilespmem:s1+$0xC00] =	vst v5  }
0x5ad: {  	[tilespmem:s6+$0xC00] =	vst v4;
	v5 =	vld.idx.msk [tilespmem:v22+s20+$0x0], $0xffff  }
0x5ae: {  	v4 =	vld.idx.msk [tilespmem:v49+s20+$0x0], $0xffff;
	[tilespmem:s7+$0xC00] =	vst v0  }
0x5af: {  	[tilespmem:s0+$0xC80] =	vst v1;
	v0 =	vld.idx.msk [tilespmem:v57+s20+$0x0], $0xffff  }
0x5b0: {  	v1 =	vld.idx.msk [tilespmem:v29+s20+$0x0], $0xffff;
	[tilespmem:s8+$0xC80] =	vst v2  }
0x5b1: {  	v2 =	vld.idx.msk [tilespmem:v37+s20+$0x0], $0xffff;
	[tilespmem:s3+$0xC80] =	vst v3  }
0x5b2: {  	v3 =	vld.idx.msk [tilespmem:v46+s20+$0x0], $0xffff;
	[tilespmem:s1+$0xC80] =	vst v5  }
0x5b3: {  	[tilespmem:s6+$0xC80] =	vst v4;
	v5 =	vld.idx.msk [tilespmem:v21+s20+$0x0], $0xffff  }
0x5b4: {  	v4 =	vld.idx.msk [tilespmem:v50+s20+$0x0], $0xffff;
	[tilespmem:s7+$0xC80] =	vst v0  }
0x5b5: {  	[tilespmem:s0+$0xD00] =	vst v1;
	v0 =	vld.idx.msk [tilespmem:v58+s20+$0x0], $0xffff  }
0x5b6: {  	v1 =	vld.idx.msk [tilespmem:v28+s20+$0x0], $0xffff;
	[tilespmem:s8+$0xD00] =	vst v2  }
0x5b7: {  	v2 =	vld.idx.msk [tilespmem:v36+s20+$0x0], $0xffff;
	[tilespmem:s3+$0xD00] =	vst v3  }
0x5b8: {  	v3 =	vld.idx.msk [tilespmem:v44+s20+$0x0], $0xffff;
	[tilespmem:s1+$0xD00] =	vst v5  }
0x5b9: {  	[tilespmem:s6+$0xD00] =	vst v4;
	v5 =	vld.idx.msk [tilespmem:v20+s20+$0x0], $0xffff  }
0x5ba: {  	v4 =	vld.idx.msk [tilespmem:v51+s20+$0x0], $0xffff;
	[tilespmem:s7+$0xD00] =	vst v0  }
0x5bb: {  	[tilespmem:s0+$0xD80] =	vst v1;
	v0 =	vld.idx.msk [tilespmem:v59+s20+$0x0], $0xffff  }
0x5bc: {  	v1 =	vld.idx.msk [tilespmem:v27+s20+$0x0], $0xffff;
	[tilespmem:s8+$0xD80] =	vst v2  }
0x5bd: {  	v2 =	vld.idx.msk [tilespmem:v35+s20+$0x0], $0xffff;
	[tilespmem:s3+$0xD80] =	vst v3  }
0x5be: {  	v3 =	vld.idx.msk [tilespmem:v43+s20+$0x0], $0xffff;
	[tilespmem:s1+$0xD80] =	vst v5  }
0x5bf: {  	[tilespmem:s6+$0xD80] =	vst v4;
	v5 =	vld.idx.msk [tilespmem:v19+s20+$0x0], $0xffff  }
0x5c0: {  	v4 =	vld.idx.msk [tilespmem:v52+s20+$0x0], $0xffff;
	[tilespmem:s7+$0xD80] =	vst v0  }
0x5c1: {  	[tilespmem:s0+$0xE00] =	vst v1;
	v0 =	vld.idx.msk [tilespmem:v60+s20+$0x0], $0xffff  }
0x5c2: {  	v1 =	vld.idx.msk [tilespmem:v26+s20+$0x0], $0xffff;
	[tilespmem:s8+$0xE00] =	vst v2  }
0x5c3: {  	v2 =	vld.idx.msk [tilespmem:v34+s20+$0x0], $0xffff;
	[tilespmem:s3+$0xE00] =	vst v3  }
0x5c4: {  	v3 =	vld.idx.msk [tilespmem:v42+s20+$0x0], $0xffff;
	[tilespmem:s1+$0xE00] =	vst v5  }
0x5c5: {  	[tilespmem:s6+$0xE00] =	vst v4;
	v5 =	vld.idx.msk [tilespmem:v18+s20+$0x0], $0xffff  }
0x5c6: {  	v4 =	vld.idx.msk [tilespmem:v53+s20+$0x0], $0xffff;
	[tilespmem:s7+$0xE00] =	vst v0  }
0x5c7: {  	[tilespmem:s0+$0xE80] =	vst v1;
	v0 =	vld.idx.msk [tilespmem:v61+s20+$0x0], $0xffff  }
0x5c8: {  	v1 =	vld.idx.msk [tilespmem:v25+s20+$0x0], $0xffff;
	[tilespmem:s8+$0xE80] =	vst v2  }
0x5c9: {  	v2 =	vld.idx.msk [tilespmem:v33+s20+$0x0], $0xffff;
	[tilespmem:s3+$0xE80] =	vst v3  }
0x5ca: {  	v3 =	vld.idx.msk [tilespmem:v41+s20+$0x0], $0xffff;
	[tilespmem:s1+$0xE80] =	vst v5  }
0x5cb: {  	[tilespmem:s6+$0xE80] =	vst v4;
	v5 =	vld.idx.msk [tilespmem:v17+s20+$0x0], $0xffff  }
0x5cc: {  	v4 =	vld.idx.msk [tilespmem:v54+s20+$0x0], $0xffff;
	[tilespmem:s7+$0xE80] =	vst v0  }
0x5cd: {  	[tilespmem:s0+$0xF00] =	vst v1;
	v0 =	vld.idx.msk [tilespmem:v62+s20+$0x0], $0xffff  }
0x5ce: {  	v1 =	vld.idx.msk [tilespmem:v24+s20+$0x0], $0xffff;
	[tilespmem:s8+$0xF00] =	vst v2  }
0x5cf: {  	v2 =	vld.idx.msk [tilespmem:v32+s20+$0x0], $0xffff;
	[tilespmem:s3+$0xF00] =	vst v3  }
0x5d0: {  	v3 =	vld.idx.msk [tilespmem:v40+s20+$0x0], $0xffff;
	[tilespmem:s1+$0xF00] =	vst v5  }
0x5d1: {  	[tilespmem:s6+$0xF00] =	vst v4;
	v5 =	vld.idx.msk [tilespmem:v16+s20+$0x0], $0xffff  }
0x5d2: {  	v4 =	vld.idx.msk [tilespmem:v55+s20+$0x0], $0xffff;
	[tilespmem:s7+$0xF00] =	vst v0  }
0x5d3: {  	[tilespmem:s0+$0xF80] =	vst v1;
	v0 =	vld.idx.msk [tilespmem:v63+s20+$0x0], $0xffff  }
0x5d4: {  	s28 =	sadd.s32 s5, s31;
	[tilespmem:s8+$0xF80] =	vst v2  }
.Ltmp6:
0x5d5: {  	s31 =	sshll.u32 s28, $0x7;
	[tilespmem:s3+$0xF80] =	vst v3;
	(pc) =	sbr.rel @p1 .LBB2_12-.Ltmp6, $4  }
0x5d6: {  	s0 =	sshll.u32 s28, $0xA;
	[tilespmem:s1+$0xF80] =	vst v5;
	s1 =	sand.u32 $0xF80, s31  }
0x5d7: {  	s0 =	sand.u32 $0xFFF8000, s0;
	[tilespmem:s6+$0xF80] =	vst v4;
	s1 =	sadd.s32 s2, s1  }
0x5d8: {  	s0 =	sadd.s32 s0, s1;
	[tilespmem:s7+$0xF80] =	vst v0  }
0x5d9: {  	[hbm4b:s0+s21] =	stream.strided.scatter [tilespmem:s25], [sflag:$0x4], $0x2000, s22, s21, $0x38;
	[tilespmem:$0x10480] =	vst v63  }
0x5da: {  	v11 =	vld [tilespmem:$0x1FF10]  }
0x5db: {  	v15 =	vld [tilespmem:$0x1FF20]  }
0x5dc: {  	v14 =	vld [tilespmem:$0x1FF30]  }
0x5dd: {  	v8 =	vld [tilespmem:$0x1FF40]  }
0x5de: {  	v12 =	vld [tilespmem:$0x1FF50]  }
0x5df: {  	v13 =	vld [tilespmem:$0x1FF60]  }
0x5e0: {  	v56 =	vld [tilespmem:$0x1FF70]  }
.Ltmp7:
0x5e1: {  	v57 =	vld [tilespmem:$0x1FF80];
	(pc) =	sbr.rel .LBB2_2-.Ltmp7, $4  }
0x5e2: {  	s0 =	sshll.u32 s30, $0x8;
	v59 =	vld [tilespmem:$0x1FF90]  }
0x5e3: {  	v61 =	vld [tilespmem:$0x1FFA0];
	s0 =	sand.u32 $0x3FFFFF00, s0  }
0x5e4: {  	s30 =	sadd.s32 $0x1, s30;
	v62 =	vld [tilespmem:$0x1FFB0];
	s0 =	sadd.s32 $0x180, s0  }
0x5e5: {  	v63 =	vld [tilespmem:$0x1FFC0];
	[tilespmem:s9], [sflag:$0x2] =	stream.indirect.gather [hbm4b:s4+s12], $0x40, s0, s12, $0xb8  }
.LBB2_13:
0x5e6: {  	_ =	sfence.sel $0x180000  }
0x5e7: {  	[bflag:$0x0] =	sbarrier.arrive $0xFFFF  }
0x5e8: {  	_ =	strace $0x90000047  }
0x5e9: {  	s0 =	stileid.u32;
	[bflag:$0x2] =	sbarrier.arrive $0xFFFF  }
0x5ea: {  	p0 =	sne.s32 s0, $0x0;
	s0 =	rddreg [dreg:$0x2]  }
0x5eb: {  	s0 =	sadd.s32 @!p0 $0x100000, s0  }
0x5ec: {  	[sflag:s0] =	ssyncadd.tile.s32 @!p0 $0x1;
	_ =	shalt  }
.Lfunc_end2:
_tile_overlayer_lowered:
.L_overlay_start_2:
0x5ed: {  	(tag) =	ssettag $0x2  }
0x5ee: {  	s0 =	rddreg [dreg:$0x0];
	s2 =	stileid.u32  }
0x5ef: {  	s1 =	rddreg [dreg:$0x1];
	p0 =	sne.s32 s2, $0x0  }
0x5f0: {  	s3 =	rddreg [dreg:$0x2];
	[bflag:$0x3] =	sbarrier.arrive $0xFFFF;
	s2 =	simm.s32 @!p0 $0x1C05  }
0x5f1: {  	[timem:s3], [sflag:s2] =	dma.local @!p0 [hbm:s0], s1  }
0x5f2: {  	s0 =	simm.s32 @!p0 $0x5  }
0x5f3: {  	_ =	swait.ge @!p0 [sflag:s0], s1  }
0x5f4: {  	s1 =	ssub.s32 @!p0 $0x0, s1;
	[sflag:s0] =	ssyncset.done @!p0 $0x0  }
0x5f5: {  	[sflag:s0] =	ssyncadd.s32 @!p0 s1  }
0x5f6: {  	[bflag:$0x3] =	sbarrier.arrive $0xFFFF  }
0x5f7: {  	_ =	shalt  }

</sc_bundles>
